<compile_context>
chip_gen: v7x
topology: tpu7x:2x2x1
jax: 0.10.2.dev20260603
libtpu: 0.0.44.dev20260713+nightly
codegen_flags: <defaults>
</compile_context>

<pallas_src>
import functools

import jax
import jax.numpy as jnp
from jax import lax
from jax.experimental import pallas as pl
from jax.experimental.pallas import tpu as pltpu
from jax.experimental.pallas import tpu_sc as plsc

N = 10000
D = 128
NC = 2
NS = 16
NW = NC * NS
K = 128
ROWS_PER_TILE = 640
N_PAD = NS * ROWS_PER_TILE
IB = 8


def _sc_agg_kernel(ch):
    mesh = plsc.VectorSubcoreMesh(core_axis_name="c", subcore_axis_name="s")

    def body(y_hbm, srcs_hbm, dsts_hbm, agg_hbm, idx_s, idx_d, rows0, rows1,
             agg_sh, sem0, sem1):
        c = lax.axis_index("c")
        s = lax.axis_index("s")
        wid = c * NS + s
        base = s * ROWS_PER_TILE

        @pl.loop(0, K)
        def _zfill(i):
            for cc in range(D // 16):
                rows0[i, pl.ds(cc * 16, 16)] = jnp.zeros((16,), jnp.float32)
        for k in range(ROWS_PER_TILE // K):
            pltpu.sync_copy(rows0, agg_sh.at[pl.ds(base + k * K, K)])
        plsc.subcore_barrier()

        @pl.loop(0, ch // IB)
        def _outer(o):
            pltpu.sync_copy(srcs_hbm.at[wid, pl.ds(o * IB, IB)], idx_s)
            pltpu.sync_copy(dsts_hbm.at[wid, pl.ds(o * IB, IB)], idx_d)
            pltpu.async_copy(y_hbm.at[idx_s.at[0]], rows0, sem0)
            for j in range(IB):
                cur, csem = (rows0, sem0) if j % 2 == 0 else (rows1, sem1)
                if j + 1 < IB:
                    nbuf, nsem = (rows1, sem1) if j % 2 == 0 else (rows0,
                                                                   sem0)
                    pltpu.async_copy(y_hbm.at[idx_s.at[j + 1]], nbuf, nsem)
                pltpu.make_async_copy(y_hbm.at[idx_s.at[j]], cur, csem).wait()
                pltpu.sync_copy(cur, agg_sh.at[idx_d.at[j]], add=True)
        plsc.subcore_barrier()

        for k in range(ROWS_PER_TILE // K):
            pltpu.sync_copy(agg_sh.at[pl.ds(base + k * K, K)], rows0)
            pltpu.sync_copy(
                rows0, agg_hbm.at[pl.ds(c * N_PAD + base + k * K, K)])

    return pl.kernel(
        body,
        out_type=jax.ShapeDtypeStruct((NC * N_PAD, D), jnp.float32),
        mesh=mesh,
        scratch_types=[
            pltpu.VMEM((IB, K), jnp.int32),
            pltpu.VMEM((IB, K), jnp.int32),
            pltpu.VMEM((K, D), jnp.float32),
            pltpu.VMEM((K, D), jnp.float32),
            pltpu.VMEM_SHARED((N_PAD, D), jnp.float32),
            pltpu.SemaphoreType.DMA,
            pltpu.SemaphoreType.DMA,
        ],
        name="sc_segment_sum",
    )


def _sc_deg_kernel(ch):
    mesh = plsc.VectorSubcoreMesh(core_axis_name="c", subcore_axis_name="s")

    def body(dsts_hbm, degw_hbm, idx_d, rows, degw_sh):
        c = lax.axis_index("c")
        s = lax.axis_index("s")
        wid = c * NS + s
        base = s * ROWS_PER_TILE

        @pl.loop(0, K)
        def _zfill(i):
            for cc in range(D // 16):
                rows[i, pl.ds(cc * 16, 16)] = jnp.zeros((16,), jnp.float32)
        for k in range(ROWS_PER_TILE // K):
            pltpu.sync_copy(rows, degw_sh.at[pl.ds(base + k * K, K)])

        @pl.loop(0, K)
        def _ofill(i):
            for cc in range(D // 16):
                rows[i, pl.ds(cc * 16, 16)] = jnp.ones((16,), jnp.float32)
        plsc.subcore_barrier()

        @pl.loop(0, ch // IB)
        def _outer(o):
            pltpu.sync_copy(dsts_hbm.at[wid, pl.ds(o * IB, IB)], idx_d)
            for j in range(IB):
                pltpu.sync_copy(rows, degw_sh.at[idx_d.at[j]], add=True)
        plsc.subcore_barrier()

        for k in range(ROWS_PER_TILE // K):
            pltpu.sync_copy(degw_sh.at[pl.ds(base + k * K, K)], rows)
            pltpu.sync_copy(
                rows, degw_hbm.at[pl.ds(c * N_PAD + base + k * K, K)])

    return pl.kernel(
        body,
        out_type=jax.ShapeDtypeStruct((NC * N_PAD, D), jnp.float32),
        mesh=mesh,
        scratch_types=[
            pltpu.VMEM((IB, K), jnp.int32),
            pltpu.VMEM((K, D), jnp.float32),
            pltpu.VMEM_SHARED((N_PAD, D), jnp.float32),
        ],
        name="sc_degree_count",
    )


def _transform_body(h_ref, wl_ref, wr_ref, b_ref, y_ref, z_ref):
    hb = h_ref[...]
    y_ref[...] = jnp.dot(hb, wl_ref[...], preferred_element_type=jnp.float32)
    z_ref[...] = (
        jnp.dot(hb, wr_ref[...], preferred_element_type=jnp.float32)
        + b_ref[...]
    )


def _transform(h, wl, wr, b):
    r = 2000
    return pl.pallas_call(
        _transform_body,
        grid=(N // r,),
        in_specs=[
            pl.BlockSpec((r, D), lambda i: (i, 0)),
            pl.BlockSpec((D, D), lambda i: (0, 0)),
            pl.BlockSpec((D, D), lambda i: (0, 0)),
            pl.BlockSpec((1, D), lambda i: (0, 0)),
        ],
        out_specs=[
            pl.BlockSpec((r, D), lambda i: (i, 0)),
            pl.BlockSpec((r, D), lambda i: (i, 0)),
        ],
        out_shape=[jax.ShapeDtypeStruct((N, D), jnp.float32)] * 2,
    )(h, wl, wr, b.reshape(1, D))


def _combine_body(a_ref, dw_ref, z_ref, o_ref, *, relu):
    deg = dw_ref[0, :, 0:1] + dw_ref[1, :, 0:1]
    recip = 1.0 / jnp.maximum(deg, 1.0)
    o = (a_ref[0] + a_ref[1]) * recip + z_ref[...]
    o_ref[...] = jnp.maximum(o, 0.0) if relu else o


def _combine(agg, degw, z, relu):
    r = 1000
    a3 = agg.reshape(NC, N_PAD, D)
    d3 = degw.reshape(NC, N_PAD, D)
    return pl.pallas_call(
        functools.partial(_combine_body, relu=relu),
        grid=(N // r,),
        in_specs=[
            pl.BlockSpec((NC, r, D), lambda i: (0, i, 0)),
            pl.BlockSpec((NC, r, D), lambda i: (0, i, 0)),
            pl.BlockSpec((r, D), lambda i: (i, 0)),
        ],
        out_specs=pl.BlockSpec((r, D), lambda i: (i, 0)),
        out_shape=jax.ShapeDtypeStruct((N, D), jnp.float32),
    )(a3, d3, z)


def kernel(x, edge_index, W1l, b1, W1r, W2l, b2, W2r, W3l, b3, W3r):
    e = edge_index.shape[1]
    ch = -(-e // (NW * K))
    ch = -(-ch // IB) * IB
    e_pad = NW * ch * K
    src = edge_index[0].astype(jnp.int32)
    dst = edge_index[1].astype(jnp.int32)
    pad = e_pad - e
    pad_src = jnp.arange(pad, dtype=jnp.int32) % N
    pad_dst = N + jnp.arange(pad, dtype=jnp.int32) % (N_PAD - N)
    srcs = jnp.concatenate([src, pad_src])
    dsts = jnp.concatenate([dst, pad_dst])
    srcs = srcs.reshape(NW, ch, K)
    dsts = dsts.reshape(NW, ch, K)

    agg_k = _sc_agg_kernel(ch)
    degw = _sc_deg_kernel(ch)(dsts)

    y1, z1 = _transform(x, W1l, W1r, b1)
    a1 = agg_k(y1, srcs, dsts)
    h1 = _combine(a1, degw, z1, True)

    y2, z2 = _transform(h1, W2l, W2r, b2)
    a2 = agg_k(y2, srcs, dsts)
    h2 = _combine(a2, degw, z2, True)

    y3, z3 = _transform(h2, W3l, W3r, b3)
    a3 = agg_k(y3, srcs, dsts)
    return _combine(a3, degw, z3, False)

# --- scband reference (transcript-rebuilt; emitter-appended) ---
"""Pipeline reference for scband-graph-sage-86225763434551 (READ-ONLY COPY).

The authoritative reference and input builder live on the scoring server;
editing this copy changes nothing except your own understanding.
"""

import jax, jax.numpy as jnp
import numpy as np

N_NODES = 10000
N_EDGES = 320000
D_IN = 128
D_HID = 128
D_OUT = 128


def setup_inputs(seed: int = 0) -> dict:
    key = jax.random.key(seed)
    ks = jax.random.split(key, 12)
    x = jax.random.normal(ks[0], (N_NODES, D_IN), dtype=jnp.float32)
    edge_index = jax.random.randint(ks[1], (2, N_EDGES), 0, N_NODES, dtype=jnp.int64 if jax.config.jax_enable_x64 else jnp.int32)
    s = 1.0 / np.sqrt(D_IN)
    W1l = jax.random.normal(ks[2], (D_IN, D_HID), dtype=jnp.float32) * s
    b1 = jnp.zeros((D_HID,), dtype=jnp.float32)
    W1r = jax.random.normal(ks[3], (D_IN, D_HID), dtype=jnp.float32) * s
    W2l = jax.random.normal(ks[4], (D_HID, D_HID), dtype=jnp.float32) * s
    b2 = jnp.zeros((D_HID,), dtype=jnp.float32)
    W2r = jax.random.normal(ks[5], (D_HID, D_HID), dtype=jnp.float32) * s
    W3l = jax.random.normal(ks[6], (D_HID, D_OUT), dtype=jnp.float32) * s
    b3 = jnp.zeros((D_OUT,), dtype=jnp.float32)
    W3r = jax.random.normal(ks[7], (D_HID, D_OUT), dtype=jnp.float32) * s
    return {"x": x, "edge_index": edge_index, "W1l": W1l, "b1": b1, "W1r": W1r,
            "W2l": W2l, "b2": b2, "W2r": W2r, "W3l": W3l, "b3": b3, "W3r": W3r}


def _sage_conv(x, edge_index, Wl, b, Wr):
    # PyG SAGEConv (mean aggregation): out = lin_l(mean_j x_j) + lin_r(x_i)
    src = edge_index[0]
    dst = edge_index[1]
    n = x.shape[0]
    msg = jnp.take(x, src, axis=0)                       # gather [E, d]
    agg = jax.ops.segment_sum(msg, dst, num_segments=n)  # scatter-add [N, d]
    deg = jax.ops.segment_sum(jnp.ones((edge_index.shape[1],), dtype=x.dtype), dst, num_segments=n)
    deg = jnp.clip(deg, 1.0, None)
    mean = agg / deg[:, None]
    return mean @ Wl + b + x @ Wr


def reference(x, edge_index, W1l, b1, W1r, W2l, b2, W2r, W3l, b3, W3r):
    h = jax.nn.relu(_sage_conv(x, edge_index, W1l, b1, W1r))
    h = jax.nn.relu(_sage_conv(h, edge_index, W2l, b2, W2r))
    h = _sage_conv(h, edge_index, W3l, b3, W3r)
    return h

if __name__ == "__main__":
    import jax
    _d = setup_inputs()
    print(jax.jit(kernel)(*tuple(_d.values())))

</pallas_src>

<mosaic_0001>
#map = affine_map<(d0, d1) -> (0, 0)>
#map1 = affine_map<(d0, d1) -> (0, 0, 0)>
module attributes {stable_mosaic.version = 14 : i64} {
  func.func @sc_segment_sum(%arg0: i32, %arg1: i32, %arg2: memref<10000x128xf32, #tpu.memory_space<hbm>>, %arg3: memref<32x80x128xi32, #tpu.memory_space<hbm>>, %arg4: memref<32x80x128xi32, #tpu.memory_space<hbm>>, %arg5: memref<20480x128xf32, #tpu.memory_space<hbm>>, %arg6: memref<8x128xi32, #tpu.memory_space<vmem>>, %arg7: memref<8x128xi32, #tpu.memory_space<vmem>>, %arg8: memref<128x128xf32, #tpu.memory_space<vmem>>, %arg9: memref<128x128xf32, #tpu.memory_space<vmem>>, %arg10: memref<10240x128xf32, #tpu.memory_space<vmem_shared>>, %arg11: memref<!tpu.dma_semaphore, #tpu.memory_space<semaphore_mem>>, %arg12: memref<!tpu.dma_semaphore, #tpu.memory_space<semaphore_mem>>) attributes {dimension_semantics = [#tpu.dimension_semantics<core_parallel>, #tpu.dimension_semantics<subcore_parallel>], iteration_bounds = array<i64: 2, 16>, scalar_prefetch = 0 : i64, scratch_operands = 7 : i64, tpu.core_type = #tpu.core_type<sc_vector_subcore>, window_params = [{transform_indices = #map}, {transform_indices = #map1}, {transform_indices = #map1}, {transform_indices = #map}]} {
    %mul3A = arith.constant 16 : i32
    %mul3A_0 = arith.muli %arg0, %mul3A : i32
    %add3A = arith.addi %mul3A_0, %arg1 : i32
    %mul3A_1 = arith.constant 640 : i32
    %mul3A_2 = arith.muli %arg1, %mul3A_1 : i32
    %scan3A = arith.constant 0 : i32
    %scan3A_3 = arith.constant 128 : i32
    %scan3A_4 = arith.addi %scan3A, %scan3A_3 : i32
    %scan3A_5 = arith.constant 1 : i32
    scf.for %scan3A_58 = %scan3A to %scan3A_4 step %scan3A_5  : i32 {
      %mul3A_59 = arith.constant 1 : i32
      %mul3A_60 = arith.muli %scan3A_58, %mul3A_59 : i32
      %add3A_61 = arith.constant 0 : i32
      %add3A_62 = arith.addi %add3A_61, %mul3A_60 : i32
      %broadcast_in_dim3A = arith.constant 0.000000e+00 : f32
      %broadcast_in_dim3A_63 = vector.broadcast %broadcast_in_dim3A : f32 to vector<16xf32>
      %swap3A = arith.index_cast %add3A_62 : i32 to index
      %swap3A_64 = arith.constant 0 : index
      %swap3A_65 = tpu.vector_load %arg8[%swap3A, %swap3A_64] {strides = array<i32>} : memref<128x128xf32, #tpu.memory_space<vmem>>, vector<1x16xf32>,
      %swap3A_66 = vector.shape_cast %swap3A_65 : vector<1x16xf32> to vector<16xf32>
      %swap3A_67 = vector.shape_cast %broadcast_in_dim3A_63 : vector<16xf32> to vector<1x16xf32>
      tpu.vector_store %arg8[%swap3A, %swap3A_64], %swap3A_67 {strides = array<i32>} : memref<128x128xf32, #tpu.memory_space<vmem>>, vector<1x16xf32>,
      %broadcast_in_dim3A_68 = arith.constant 0.000000e+00 : f32
      %broadcast_in_dim3A_69 = vector.broadcast %broadcast_in_dim3A_68 : f32 to vector<16xf32>
      %swap3A_70 = arith.index_cast %add3A_62 : i32 to index
      %swap3A_71 = arith.constant 16 : index
      %swap3A_72 = tpu.vector_load %arg8[%swap3A_70, %swap3A_71] {strides = array<i32>} : memref<128x128xf32, #tpu.memory_space<vmem>>, vector<1x16xf32>,
      %swap3A_73 = vector.shape_cast %swap3A_72 : vector<1x16xf32> to vector<16xf32>
      %swap3A_74 = vector.shape_cast %broadcast_in_dim3A_69 : vector<16xf32> to vector<1x16xf32>
      tpu.vector_store %arg8[%swap3A_70, %swap3A_71], %swap3A_74 {strides = array<i32>} : memref<128x128xf32, #tpu.memory_space<vmem>>, vector<1x16xf32>,
      %broadcast_in_dim3A_75 = arith.constant 0.000000e+00 : f32
      %broadcast_in_dim3A_76 = vector.broadcast %broadcast_in_dim3A_75 : f32 to vector<16xf32>
      %swap3A_77 = arith.index_cast %add3A_62 : i32 to index
      %swap3A_78 = arith.constant 32 : index
      %swap3A_79 = tpu.vector_load %arg8[%swap3A_77, %swap3A_78] {strides = array<i32>} : memref<128x128xf32, #tpu.memory_space<vmem>>, vector<1x16xf32>,
      %swap3A_80 = vector.shape_cast %swap3A_79 : vector<1x16xf32> to vector<16xf32>
      %swap3A_81 = vector.shape_cast %broadcast_in_dim3A_76 : vector<16xf32> to vector<1x16xf32>
      tpu.vector_store %arg8[%swap3A_77, %swap3A_78], %swap3A_81 {strides = array<i32>} : memref<128x128xf32, #tpu.memory_space<vmem>>, vector<1x16xf32>,
      %broadcast_in_dim3A_82 = arith.constant 0.000000e+00 : f32
      %broadcast_in_dim3A_83 = vector.broadcast %broadcast_in_dim3A_82 : f32 to vector<16xf32>
      %swap3A_84 = arith.index_cast %add3A_62 : i32 to index
      %swap3A_85 = arith.constant 48 : index
      %swap3A_86 = tpu.vector_load %arg8[%swap3A_84, %swap3A_85] {strides = array<i32>} : memref<128x128xf32, #tpu.memory_space<vmem>>, vector<1x16xf32>,
      %swap3A_87 = vector.shape_cast %swap3A_86 : vector<1x16xf32> to vector<16xf32>
      %swap3A_88 = vector.shape_cast %broadcast_in_dim3A_83 : vector<16xf32> to vector<1x16xf32>
      tpu.vector_store %arg8[%swap3A_84, %swap3A_85], %swap3A_88 {strides = array<i32>} : memref<128x128xf32, #tpu.memory_space<vmem>>, vector<1x16xf32>,
      %broadcast_in_dim3A_89 = arith.constant 0.000000e+00 : f32
      %broadcast_in_dim3A_90 = vector.broadcast %broadcast_in_dim3A_89 : f32 to vector<16xf32>
      %swap3A_91 = arith.index_cast %add3A_62 : i32 to index
      %swap3A_92 = arith.constant 64 : index
      %swap3A_93 = tpu.vector_load %arg8[%swap3A_91, %swap3A_92] {strides = array<i32>} : memref<128x128xf32, #tpu.memory_space<vmem>>, vector<1x16xf32>,
      %swap3A_94 = vector.shape_cast %swap3A_93 : vector<1x16xf32> to vector<16xf32>
      %swap3A_95 = vector.shape_cast %broadcast_in_dim3A_90 : vector<16xf32> to vector<1x16xf32>
      tpu.vector_store %arg8[%swap3A_91, %swap3A_92], %swap3A_95 {strides = array<i32>} : memref<128x128xf32, #tpu.memory_space<vmem>>, vector<1x16xf32>,
      %broadcast_in_dim3A_96 = arith.constant 0.000000e+00 : f32
      %broadcast_in_dim3A_97 = vector.broadcast %broadcast_in_dim3A_96 : f32 to vector<16xf32>
      %swap3A_98 = arith.index_cast %add3A_62 : i32 to index
      %swap3A_99 = arith.constant 80 : index
      %swap3A_100 = tpu.vector_load %arg8[%swap3A_98, %swap3A_99] {strides = array<i32>} : memref<128x128xf32, #tpu.memory_space<vmem>>, vector<1x16xf32>,
      %swap3A_101 = vector.shape_cast %swap3A_100 : vector<1x16xf32> to vector<16xf32>
      %swap3A_102 = vector.shape_cast %broadcast_in_dim3A_97 : vector<16xf32> to vector<1x16xf32>
      tpu.vector_store %arg8[%swap3A_98, %swap3A_99], %swap3A_102 {strides = array<i32>} : memref<128x128xf32, #tpu.memory_space<vmem>>, vector<1x16xf32>,
      %broadcast_in_dim3A_103 = arith.constant 0.000000e+00 : f32
      %broadcast_in_dim3A_104 = vector.broadcast %broadcast_in_dim3A_103 : f32 to vector<16xf32>
      %swap3A_105 = arith.index_cast %add3A_62 : i32 to index
      %swap3A_106 = arith.constant 96 : index
      %swap3A_107 = tpu.vector_load %arg8[%swap3A_105, %swap3A_106] {strides = array<i32>} : memref<128x128xf32, #tpu.memory_space<vmem>>, vector<1x16xf32>,
      %swap3A_108 = vector.shape_cast %swap3A_107 : vector<1x16xf32> to vector<16xf32>
      %swap3A_109 = vector.shape_cast %broadcast_in_dim3A_104 : vector<16xf32> to vector<1x16xf32>
      tpu.vector_store %arg8[%swap3A_105, %swap3A_106], %swap3A_109 {strides = array<i32>} : memref<128x128xf32, #tpu.memory_space<vmem>>, vector<1x16xf32>,
      %broadcast_in_dim3A_110 = arith.constant 0.000000e+00 : f32
      %broadcast_in_dim3A_111 = vector.broadcast %broadcast_in_dim3A_110 : f32 to vector<16xf32>
      %swap3A_112 = arith.index_cast %add3A_62 : i32 to index
      %swap3A_113 = arith.constant 112 : index
      %swap3A_114 = tpu.vector_load %arg8[%swap3A_112, %swap3A_113] {strides = array<i32>} : memref<128x128xf32, #tpu.memory_space<vmem>>, vector<1x16xf32>,
      %swap3A_115 = vector.shape_cast %swap3A_114 : vector<1x16xf32> to vector<16xf32>
      %swap3A_116 = vector.shape_cast %broadcast_in_dim3A_111 : vector<16xf32> to vector<1x16xf32>
      tpu.vector_store %arg8[%swap3A_112, %swap3A_113], %swap3A_116 {strides = array<i32>} : memref<128x128xf32, #tpu.memory_space<vmem>>, vector<1x16xf32>,
    }
    %scan3A_6 = arith.constant 128 : i32
    %add3A_7 = arith.constant 0 : i32
    %add3A_8 = arith.addi %mul3A_2, %add3A_7 : i32
    "tpu.region"() ({
      %run_scoped3A = tpu.sem_alloc : memref<!tpu.dma_semaphore, #tpu.memory_space<semaphore_mem>>
      %dma_start3A = arith.constant 0 : i32
      %dma_start3A_58 = tpu.memref_slice %arg10[%add3A_8, %dma_start3A] : memref<10240x128xf32, #tpu.memory_space<vmem_shared>> -> memref<128x128xf32, #tpu.memory_space<vmem_shared>>
      %dma_start3A_59 = arith.constant 0 : i32
      %dma_start3A_60 = tpu.memref_slice %arg10[%add3A_8, %dma_start3A_59] : memref<10240x128xf32, #tpu.memory_space<vmem_shared>> -> memref<128x128xf32, #tpu.memory_space<vmem_shared>>
      tpu.enqueue_dma source(%arg8 : memref<128x128xf32, #tpu.memory_space<vmem>>) target(%dma_start3A_60 : memref<128x128xf32, #tpu.memory_space<vmem_shared>>) target_semaphore(%run_scoped3A : memref<!tpu.dma_semaphore, #tpu.memory_space<semaphore_mem>>)
      %dma_wait3A = arith.constant 0 : i32
      %dma_wait3A_61 = tpu.memref_slice %arg10[%add3A_8, %dma_wait3A] : memref<10240x128xf32, #tpu.memory_space<vmem_shared>> -> memref<128x128xf32, #tpu.memory_space<vmem_shared>>
      %dma_wait3A_62 = arith.constant 0 : i32
      %dma_wait3A_63 = tpu.memref_slice %arg10[%add3A_8, %dma_wait3A_62] : memref<10240x128xf32, #tpu.memory_space<vmem_shared>> -> memref<128x128xf32, #tpu.memory_space<vmem_shared>>
      tpu.wait_dma2 semaphore(%run_scoped3A : memref<!tpu.dma_semaphore, #tpu.memory_space<semaphore_mem>>) src(%arg8 : memref<128x128xf32, #tpu.memory_space<vmem>>) dst(%dma_wait3A_63 : memref<128x128xf32, #tpu.memory_space<vmem_shared>>)
      tpu.yield
    }) : () -> ()
    %add3A_9 = arith.constant 128 : i32
    %add3A_10 = arith.addi %mul3A_2, %add3A_9 : i32
    "tpu.region"() ({
      %run_scoped3A = tpu.sem_alloc : memref<!tpu.dma_semaphore, #tpu.memory_space<semaphore_mem>>
      %dma_start3A = arith.constant 0 : i32
      %dma_start3A_58 = tpu.memref_slice %arg10[%add3A_10, %dma_start3A] : memref<10240x128xf32, #tpu.memory_space<vmem_shared>> -> memref<128x128xf32, #tpu.memory_space<vmem_shared>>
      %dma_start3A_59 = arith.constant 0 : i32
      %dma_start3A_60 = tpu.memref_slice %arg10[%add3A_10, %dma_start3A_59] : memref<10240x128xf32, #tpu.memory_space<vmem_shared>> -> memref<128x128xf32, #tpu.memory_space<vmem_shared>>
      tpu.enqueue_dma source(%arg8 : memref<128x128xf32, #tpu.memory_space<vmem>>) target(%dma_start3A_60 : memref<128x128xf32, #tpu.memory_space<vmem_shared>>) target_semaphore(%run_scoped3A : memref<!tpu.dma_semaphore, #tpu.memory_space<semaphore_mem>>)
      %dma_wait3A = arith.constant 0 : i32
      %dma_wait3A_61 = tpu.memref_slice %arg10[%add3A_10, %dma_wait3A] : memref<10240x128xf32, #tpu.memory_space<vmem_shared>> -> memref<128x128xf32, #tpu.memory_space<vmem_shared>>
      %dma_wait3A_62 = arith.constant 0 : i32
      %dma_wait3A_63 = tpu.memref_slice %arg10[%add3A_10, %dma_wait3A_62] : memref<10240x128xf32, #tpu.memory_space<vmem_shared>> -> memref<128x128xf32, #tpu.memory_space<vmem_shared>>
      tpu.wait_dma2 semaphore(%run_scoped3A : memref<!tpu.dma_semaphore, #tpu.memory_space<semaphore_mem>>) src(%arg8 : memref<128x128xf32, #tpu.memory_space<vmem>>) dst(%dma_wait3A_63 : memref<128x128xf32, #tpu.memory_space<vmem_shared>>)
      tpu.yield
    }) : () -> ()
    %add3A_11 = arith.constant 256 : i32
    %add3A_12 = arith.addi %mul3A_2, %add3A_11 : i32
    "tpu.region"() ({
      %run_scoped3A = tpu.sem_alloc : memref<!tpu.dma_semaphore, #tpu.memory_space<semaphore_mem>>
      %dma_start3A = arith.constant 0 : i32
      %dma_start3A_58 = tpu.memref_slice %arg10[%add3A_12, %dma_start3A] : memref<10240x128xf32, #tpu.memory_space<vmem_shared>> -> memref<128x128xf32, #tpu.memory_space<vmem_shared>>
      %dma_start3A_59 = arith.constant 0 : i32
      %dma_start3A_60 = tpu.memref_slice %arg10[%add3A_12, %dma_start3A_59] : memref<10240x128xf32, #tpu.memory_space<vmem_shared>> -> memref<128x128xf32, #tpu.memory_space<vmem_shared>>
      tpu.enqueue_dma source(%arg8 : memref<128x128xf32, #tpu.memory_space<vmem>>) target(%dma_start3A_60 : memref<128x128xf32, #tpu.memory_space<vmem_shared>>) target_semaphore(%run_scoped3A : memref<!tpu.dma_semaphore, #tpu.memory_space<semaphore_mem>>)
      %dma_wait3A = arith.constant 0 : i32
      %dma_wait3A_61 = tpu.memref_slice %arg10[%add3A_12, %dma_wait3A] : memref<10240x128xf32, #tpu.memory_space<vmem_shared>> -> memref<128x128xf32, #tpu.memory_space<vmem_shared>>
      %dma_wait3A_62 = arith.constant 0 : i32
      %dma_wait3A_63 = tpu.memref_slice %arg10[%add3A_12, %dma_wait3A_62] : memref<10240x128xf32, #tpu.memory_space<vmem_shared>> -> memref<128x128xf32, #tpu.memory_space<vmem_shared>>
      tpu.wait_dma2 semaphore(%run_scoped3A : memref<!tpu.dma_semaphore, #tpu.memory_space<semaphore_mem>>) src(%arg8 : memref<128x128xf32, #tpu.memory_space<vmem>>) dst(%dma_wait3A_63 : memref<128x128xf32, #tpu.memory_space<vmem_shared>>)
      tpu.yield
    }) : () -> ()
    %add3A_13 = arith.constant 384 : i32
    %add3A_14 = arith.addi %mul3A_2, %add3A_13 : i32
    "tpu.region"() ({
      %run_scoped3A = tpu.sem_alloc : memref<!tpu.dma_semaphore, #tpu.memory_space<semaphore_mem>>
      %dma_start3A = arith.constant 0 : i32
      %dma_start3A_58 = tpu.memref_slice %arg10[%add3A_14, %dma_start3A] : memref<10240x128xf32, #tpu.memory_space<vmem_shared>> -> memref<128x128xf32, #tpu.memory_space<vmem_shared>>
      %dma_start3A_59 = arith.constant 0 : i32
      %dma_start3A_60 = tpu.memref_slice %arg10[%add3A_14, %dma_start3A_59] : memref<10240x128xf32, #tpu.memory_space<vmem_shared>> -> memref<128x128xf32, #tpu.memory_space<vmem_shared>>
      tpu.enqueue_dma source(%arg8 : memref<128x128xf32, #tpu.memory_space<vmem>>) target(%dma_start3A_60 : memref<128x128xf32, #tpu.memory_space<vmem_shared>>) target_semaphore(%run_scoped3A : memref<!tpu.dma_semaphore, #tpu.memory_space<semaphore_mem>>)
      %dma_wait3A = arith.constant 0 : i32
      %dma_wait3A_61 = tpu.memref_slice %arg10[%add3A_14, %dma_wait3A] : memref<10240x128xf32, #tpu.memory_space<vmem_shared>> -> memref<128x128xf32, #tpu.memory_space<vmem_shared>>
      %dma_wait3A_62 = arith.constant 0 : i32
      %dma_wait3A_63 = tpu.memref_slice %arg10[%add3A_14, %dma_wait3A_62] : memref<10240x128xf32, #tpu.memory_space<vmem_shared>> -> memref<128x128xf32, #tpu.memory_space<vmem_shared>>
      tpu.wait_dma2 semaphore(%run_scoped3A : memref<!tpu.dma_semaphore, #tpu.memory_space<semaphore_mem>>) src(%arg8 : memref<128x128xf32, #tpu.memory_space<vmem>>) dst(%dma_wait3A_63 : memref<128x128xf32, #tpu.memory_space<vmem_shared>>)
      tpu.yield
    }) : () -> ()
    %add3A_15 = arith.constant 512 : i32
    %add3A_16 = arith.addi %mul3A_2, %add3A_15 : i32
    "tpu.region"() ({
      %run_scoped3A = tpu.sem_alloc : memref<!tpu.dma_semaphore, #tpu.memory_space<semaphore_mem>>
      %dma_start3A = arith.constant 0 : i32
      %dma_start3A_58 = tpu.memref_slice %arg10[%add3A_16, %dma_start3A] : memref<10240x128xf32, #tpu.memory_space<vmem_shared>> -> memref<128x128xf32, #tpu.memory_space<vmem_shared>>
      %dma_start3A_59 = arith.constant 0 : i32
      %dma_start3A_60 = tpu.memref_slice %arg10[%add3A_16, %dma_start3A_59] : memref<10240x128xf32, #tpu.memory_space<vmem_shared>> -> memref<128x128xf32, #tpu.memory_space<vmem_shared>>
      tpu.enqueue_dma source(%arg8 : memref<128x128xf32, #tpu.memory_space<vmem>>) target(%dma_start3A_60 : memref<128x128xf32, #tpu.memory_space<vmem_shared>>) target_semaphore(%run_scoped3A : memref<!tpu.dma_semaphore, #tpu.memory_space<semaphore_mem>>)
      %dma_wait3A = arith.constant 0 : i32
      %dma_wait3A_61 = tpu.memref_slice %arg10[%add3A_16, %dma_wait3A] : memref<10240x128xf32, #tpu.memory_space<vmem_shared>> -> memref<128x128xf32, #tpu.memory_space<vmem_shared>>
      %dma_wait3A_62 = arith.constant 0 : i32
      %dma_wait3A_63 = tpu.memref_slice %arg10[%add3A_16, %dma_wait3A_62] : memref<10240x128xf32, #tpu.memory_space<vmem_shared>> -> memref<128x128xf32, #tpu.memory_space<vmem_shared>>
      tpu.wait_dma2 semaphore(%run_scoped3A : memref<!tpu.dma_semaphore, #tpu.memory_space<semaphore_mem>>) src(%arg8 : memref<128x128xf32, #tpu.memory_space<vmem>>) dst(%dma_wait3A_63 : memref<128x128xf32, #tpu.memory_space<vmem_shared>>)
      tpu.yield
    }) : () -> ()
    %barrier3A = arith.constant 0 : index
    tpu.barrier barrier_id(%barrier3A)
    %scan3A_17 = arith.constant 0 : i32
    %scan3A_18 = arith.constant 10 : i32
    %scan3A_19 = arith.addi %scan3A_17, %scan3A_18 : i32
    %scan3A_20 = arith.constant 1 : i32
    scf.for %scan3A_58 = %scan3A_17 to %scan3A_19 step %scan3A_20  : i32 {
      %mul3A_59 = arith.constant 1 : i32
      %mul3A_60 = arith.muli %scan3A_58, %mul3A_59 : i32
      %add3A_61 = arith.constant 0 : i32
      %add3A_62 = arith.addi %add3A_61, %mul3A_60 : i32
      %mul3A_63 = arith.constant 8 : i32
      %mul3A_64 = arith.muli %add3A_62, %mul3A_63 : i32
      "tpu.region"() ({
        %run_scoped3A_184 = tpu.sem_alloc : memref<!tpu.dma_semaphore, #tpu.memory_space<semaphore_mem>>
        %dma_start3A_185 = arith.constant 0 : i32
        %dma_start3A_186 = tpu.memref_slice %arg3[%add3A, %mul3A_64, %dma_start3A_185] : memref<32x80x128xi32, #tpu.memory_space<hbm>> -> memref<1x8x128xi32, #tpu.memory_space<hbm>>
        %dma_start3A_187 = tpu.memref_squeeze %dma_start3A_186 : memref<1x8x128xi32, #tpu.memory_space<hbm>> -> memref<8x128xi32, #tpu.memory_space<hbm>>
        %dma_start3A_188 = arith.constant 0 : i32
        %dma_start3A_189 = tpu.memref_slice %arg3[%add3A, %mul3A_64, %dma_start3A_188] : memref<32x80x128xi32, #tpu.memory_space<hbm>> -> memref<1x8x128xi32, #tpu.memory_space<hbm>>
        %dma_start3A_190 = tpu.memref_squeeze %dma_start3A_189 : memref<1x8x128xi32, #tpu.memory_space<hbm>> -> memref<8x128xi32, #tpu.memory_space<hbm>>
        tpu.enqueue_dma source(%dma_start3A_190 : memref<8x128xi32, #tpu.memory_space<hbm>>) target(%arg6 : memref<8x128xi32, #tpu.memory_space<vmem>>) target_semaphore(%run_scoped3A_184 : memref<!tpu.dma_semaphore, #tpu.memory_space<semaphore_mem>>)
        %dma_wait3A_191 = arith.constant 0 : i32
        %dma_wait3A_192 = tpu.memref_slice %arg3[%add3A, %mul3A_64, %dma_wait3A_191] : memref<32x80x128xi32, #tpu.memory_space<hbm>> -> memref<1x8x128xi32, #tpu.memory_space<hbm>>
        %dma_wait3A_193 = tpu.memref_squeeze %dma_wait3A_192 : memref<1x8x128xi32, #tpu.memory_space<hbm>> -> memref<8x128xi32, #tpu.memory_space<hbm>>
        %dma_wait3A_194 = arith.constant 0 : i32
        %dma_wait3A_195 = tpu.memref_slice %arg3[%add3A, %mul3A_64, %dma_wait3A_194] : memref<32x80x128xi32, #tpu.memory_space<hbm>> -> memref<1x8x128xi32, #tpu.memory_space<hbm>>
        %dma_wait3A_196 = tpu.memref_squeeze %dma_wait3A_195 : memref<1x8x128xi32, #tpu.memory_space<hbm>> -> memref<8x128xi32, #tpu.memory_space<hbm>>
        tpu.wait_dma2 semaphore(%run_scoped3A_184 : memref<!tpu.dma_semaphore, #tpu.memory_space<semaphore_mem>>) src(%dma_wait3A_196 : memref<8x128xi32, #tpu.memory_space<hbm>>) dst(%arg6 : memref<8x128xi32, #tpu.memory_space<vmem>>)
        tpu.yield
      }) : () -> ()
      %mul3A_65 = arith.constant 8 : i32
      %mul3A_66 = arith.muli %add3A_62, %mul3A_65 : i32
      "tpu.region"() ({
        %run_scoped3A_184 = tpu.sem_alloc : memref<!tpu.dma_semaphore, #tpu.memory_space<semaphore_mem>>
        %dma_start3A_185 = arith.constant 0 : i32
        %dma_start3A_186 = tpu.memref_slice %arg4[%add3A, %mul3A_66, %dma_start3A_185] : memref<32x80x128xi32, #tpu.memory_space<hbm>> -> memref<1x8x128xi32, #tpu.memory_space<hbm>>
        %dma_start3A_187 = tpu.memref_squeeze %dma_start3A_186 : memref<1x8x128xi32, #tpu.memory_space<hbm>> -> memref<8x128xi32, #tpu.memory_space<hbm>>
        %dma_start3A_188 = arith.constant 0 : i32
        %dma_start3A_189 = tpu.memref_slice %arg4[%add3A, %mul3A_66, %dma_start3A_188] : memref<32x80x128xi32, #tpu.memory_space<hbm>> -> memref<1x8x128xi32, #tpu.memory_space<hbm>>
        %dma_start3A_190 = tpu.memref_squeeze %dma_start3A_189 : memref<1x8x128xi32, #tpu.memory_space<hbm>> -> memref<8x128xi32, #tpu.memory_space<hbm>>
        tpu.enqueue_dma source(%dma_start3A_190 : memref<8x128xi32, #tpu.memory_space<hbm>>) target(%arg7 : memref<8x128xi32, #tpu.memory_space<vmem>>) target_semaphore(%run_scoped3A_184 : memref<!tpu.dma_semaphore, #tpu.memory_space<semaphore_mem>>)
        %dma_wait3A_191 = arith.constant 0 : i32
        %dma_wait3A_192 = tpu.memref_slice %arg4[%add3A, %mul3A_66, %dma_wait3A_191] : memref<32x80x128xi32, #tpu.memory_space<hbm>> -> memref<1x8x128xi32, #tpu.memory_space<hbm>>
        %dma_wait3A_193 = tpu.memref_squeeze %dma_wait3A_192 : memref<1x8x128xi32, #tpu.memory_space<hbm>> -> memref<8x128xi32, #tpu.memory_space<hbm>>
        %dma_wait3A_194 = arith.constant 0 : i32
        %dma_wait3A_195 = tpu.memref_slice %arg4[%add3A, %mul3A_66, %dma_wait3A_194] : memref<32x80x128xi32, #tpu.memory_space<hbm>> -> memref<1x8x128xi32, #tpu.memory_space<hbm>>
        %dma_wait3A_196 = tpu.memref_squeeze %dma_wait3A_195 : memref<1x8x128xi32, #tpu.memory_space<hbm>> -> memref<8x128xi32, #tpu.memory_space<hbm>>
        tpu.wait_dma2 semaphore(%run_scoped3A_184 : memref<!tpu.dma_semaphore, #tpu.memory_space<semaphore_mem>>) src(%dma_wait3A_196 : memref<8x128xi32, #tpu.memory_space<hbm>>) dst(%arg7 : memref<8x128xi32, #tpu.memory_space<vmem>>)
        tpu.yield
      }) : () -> ()
      %dma_start3A = arith.constant 0 : i32
      %dma_start3A_67 = arith.constant 0 : i32
      %dma_start3A_68 = tpu.memref_slice %arg6[%dma_start3A, %dma_start3A_67] : memref<8x128xi32, #tpu.memory_space<vmem>> -> memref<1x128xi32, #tpu.memory_space<vmem>>
      %dma_start3A_69 = tpu.memref_squeeze %dma_start3A_68 : memref<1x128xi32, #tpu.memory_space<vmem>> -> memref<128xi32, #tpu.memory_space<vmem>>
      %dma_start3A_70 = arith.constant 0 : i32
      %dma_start3A_71 = arith.constant 0 : i32
      %dma_start3A_72 = tpu.memref_slice %arg2[%dma_start3A_70, %dma_start3A_71] : memref<10000x128xf32, #tpu.memory_space<hbm>> -> memref<10000x128xf32, #tpu.memory_space<hbm>>
      tpu.enqueue_indirect_dma source(%dma_start3A_72 : memref<10000x128xf32, #tpu.memory_space<hbm>>) target(%arg8 : memref<128x128xf32, #tpu.memory_space<vmem>>) offsets(%dma_start3A_69 : memref<128xi32, #tpu.memory_space<vmem>>) semaphore(%arg11 : memref<!tpu.dma_semaphore, #tpu.memory_space<semaphore_mem>>)
      %dma_start3A_73 = arith.constant 1 : i32
      %dma_start3A_74 = arith.constant 0 : i32
      %dma_start3A_75 = tpu.memref_slice %arg6[%dma_start3A_73, %dma_start3A_74] : memref<8x128xi32, #tpu.memory_space<vmem>> -> memref<1x128xi32, #tpu.memory_space<vmem>>
      %dma_start3A_76 = tpu.memref_squeeze %dma_start3A_75 : memref<1x128xi32, #tpu.memory_space<vmem>> -> memref<128xi32, #tpu.memory_space<vmem>>
      %dma_start3A_77 = arith.constant 0 : i32
      %dma_start3A_78 = arith.constant 0 : i32
      %dma_start3A_79 = tpu.memref_slice %arg2[%dma_start3A_77, %dma_start3A_78] : memref<10000x128xf32, #tpu.memory_space<hbm>> -> memref<10000x128xf32, #tpu.memory_space<hbm>>
      tpu.enqueue_indirect_dma source(%dma_start3A_79 : memref<10000x128xf32, #tpu.memory_space<hbm>>) target(%arg9 : memref<128x128xf32, #tpu.memory_space<vmem>>) offsets(%dma_start3A_76 : memref<128xi32, #tpu.memory_space<vmem>>) semaphore(%arg12 : memref<!tpu.dma_semaphore, #tpu.memory_space<semaphore_mem>>)
      %dma_wait3A = arith.constant 0 : i32
      %dma_wait3A_80 = arith.constant 0 : i32
      %dma_wait3A_81 = tpu.memref_slice %arg6[%dma_wait3A, %dma_wait3A_80] : memref<8x128xi32, #tpu.memory_space<vmem>> -> memref<1x128xi32, #tpu.memory_space<vmem>>
      %dma_wait3A_82 = tpu.memref_squeeze %dma_wait3A_81 : memref<1x128xi32, #tpu.memory_space<vmem>> -> memref<128xi32, #tpu.memory_space<vmem>>
      %dma_wait3A_83 = arith.constant 0 : i32
      %dma_wait3A_84 = arith.constant 0 : i32
      %dma_wait3A_85 = tpu.memref_slice %arg2[%dma_wait3A_83, %dma_wait3A_84] : memref<10000x128xf32, #tpu.memory_space<hbm>> -> memref<10000x128xf32, #tpu.memory_space<hbm>>
      tpu.wait_indirect_dma semaphore(%arg11 : memref<!tpu.dma_semaphore, #tpu.memory_space<semaphore_mem>>) src(%dma_wait3A_85 : memref<10000x128xf32, #tpu.memory_space<hbm>>) dst(%arg8 : memref<128x128xf32, #tpu.memory_space<vmem>>)
      %run_scoped3A = arith.constant 0 : i32
      "tpu.region"() ({
        %run_scoped3A_184 = tpu.sem_alloc : memref<!tpu.dma_semaphore, #tpu.memory_space<semaphore_mem>>
        %dma_start3A_185 = arith.constant 0 : i32
        %dma_start3A_186 = tpu.memref_slice %arg7[%run_scoped3A, %dma_start3A_185] : memref<8x128xi32, #tpu.memory_space<vmem>> -> memref<1x128xi32, #tpu.memory_space<vmem>>
        %dma_start3A_187 = tpu.memref_squeeze %dma_start3A_186 : memref<1x128xi32, #tpu.memory_space<vmem>> -> memref<128xi32, #tpu.memory_space<vmem>>
        %dma_start3A_188 = arith.constant 0 : i32
        %dma_start3A_189 = arith.constant 0 : i32
        %dma_start3A_190 = tpu.memref_slice %arg10[%dma_start3A_188, %dma_start3A_189] : memref<10240x128xf32, #tpu.memory_space<vmem_shared>> -> memref<10240x128xf32, #tpu.memory_space<vmem_shared>>
        tpu.enqueue_indirect_dma source(%arg8 : memref<128x128xf32, #tpu.memory_space<vmem>>) target(%dma_start3A_190 : memref<10240x128xf32, #tpu.memory_space<vmem_shared>>) offsets(%dma_start3A_187 : memref<128xi32, #tpu.memory_space<vmem>>) semaphore(%run_scoped3A_184 : memref<!tpu.dma_semaphore, #tpu.memory_space<semaphore_mem>>) {add = true}
        %dma_wait3A_191 = arith.constant 0 : i32
        %dma_wait3A_192 = tpu.memref_slice %arg7[%run_scoped3A, %dma_wait3A_191] : memref<8x128xi32, #tpu.memory_space<vmem>> -> memref<1x128xi32, #tpu.memory_space<vmem>>
        %dma_wait3A_193 = tpu.memref_squeeze %dma_wait3A_192 : memref<1x128xi32, #tpu.memory_space<vmem>> -> memref<128xi32, #tpu.memory_space<vmem>>
        %dma_wait3A_194 = arith.constant 0 : i32
        %dma_wait3A_195 = arith.constant 0 : i32
        %dma_wait3A_196 = tpu.memref_slice %arg10[%dma_wait3A_194, %dma_wait3A_195] : memref<10240x128xf32, #tpu.memory_space<vmem_shared>> -> memref<10240x128xf32, #tpu.memory_space<vmem_shared>>
        tpu.wait_indirect_dma semaphore(%run_scoped3A_184 : memref<!tpu.dma_semaphore, #tpu.memory_space<semaphore_mem>>) src(%arg8 : memref<128x128xf32, #tpu.memory_space<vmem>>) dst(%dma_wait3A_196 : memref<10240x128xf32, #tpu.memory_space<vmem_shared>>)
        tpu.yield
      }) : () -> ()
      %dma_start3A_86 = arith.constant 2 : i32
      %dma_start3A_87 = arith.constant 0 : i32
      %dma_start3A_88 = tpu.memref_slice %arg6[%dma_start3A_86, %dma_start3A_87] : memref<8x128xi32, #tpu.memory_space<vmem>> -> memref<1x128xi32, #tpu.memory_space<vmem>>
      %dma_start3A_89 = tpu.memref_squeeze %dma_start3A_88 : memref<1x128xi32, #tpu.memory_space<vmem>> -> memref<128xi32, #tpu.memory_space<vmem>>
      %dma_start3A_90 = arith.constant 0 : i32
      %dma_start3A_91 = arith.constant 0 : i32
      %dma_start3A_92 = tpu.memref_slice %arg2[%dma_start3A_90, %dma_start3A_91] : memref<10000x128xf32, #tpu.memory_space<hbm>> -> memref<10000x128xf32, #tpu.memory_space<hbm>>
      tpu.enqueue_indirect_dma source(%dma_start3A_92 : memref<10000x128xf32, #tpu.memory_space<hbm>>) target(%arg8 : memref<128x128xf32, #tpu.memory_space<vmem>>) offsets(%dma_start3A_89 : memref<128xi32, #tpu.memory_space<vmem>>) semaphore(%arg11 : memref<!tpu.dma_semaphore, #tpu.memory_space<semaphore_mem>>)
      %dma_wait3A_93 = arith.constant 1 : i32
      %dma_wait3A_94 = arith.constant 0 : i32
      %dma_wait3A_95 = tpu.memref_slice %arg6[%dma_wait3A_93, %dma_wait3A_94] : memref<8x128xi32, #tpu.memory_space<vmem>> -> memref<1x128xi32, #tpu.memory_space<vmem>>
      %dma_wait3A_96 = tpu.memref_squeeze %dma_wait3A_95 : memref<1x128xi32, #tpu.memory_space<vmem>> -> memref<128xi32, #tpu.memory_space<vmem>>
      %dma_wait3A_97 = arith.constant 0 : i32
      %dma_wait3A_98 = arith.constant 0 : i32
      %dma_wait3A_99 = tpu.memref_slice %arg2[%dma_wait3A_97, %dma_wait3A_98] : memref<10000x128xf32, #tpu.memory_space<hbm>> -> memref<10000x128xf32, #tpu.memory_space<hbm>>
      tpu.wait_indirect_dma semaphore(%arg12 : memref<!tpu.dma_semaphore, #tpu.memory_space<semaphore_mem>>) src(%dma_wait3A_99 : memref<10000x128xf32, #tpu.memory_space<hbm>>) dst(%arg9 : memref<128x128xf32, #tpu.memory_space<vmem>>)
      %run_scoped3A_100 = arith.constant 1 : i32
      "tpu.region"() ({
        %run_scoped3A_184 = tpu.sem_alloc : memref<!tpu.dma_semaphore, #tpu.memory_space<semaphore_mem>>
        %dma_start3A_185 = arith.constant 0 : i32
        %dma_start3A_186 = tpu.memref_slice %arg7[%run_scoped3A_100, %dma_start3A_185] : memref<8x128xi32, #tpu.memory_space<vmem>> -> memref<1x128xi32, #tpu.memory_space<vmem>>
        %dma_start3A_187 = tpu.memref_squeeze %dma_start3A_186 : memref<1x128xi32, #tpu.memory_space<vmem>> -> memref<128xi32, #tpu.memory_space<vmem>>
        %dma_start3A_188 = arith.constant 0 : i32
        %dma_start3A_189 = arith.constant 0 : i32
        %dma_start3A_190 = tpu.memref_slice %arg10[%dma_start3A_188, %dma_start3A_189] : memref<10240x128xf32, #tpu.memory_space<vmem_shared>> -> memref<10240x128xf32, #tpu.memory_space<vmem_shared>>
        tpu.enqueue_indirect_dma source(%arg9 : memref<128x128xf32, #tpu.memory_space<vmem>>) target(%dma_start3A_190 : memref<10240x128xf32, #tpu.memory_space<vmem_shared>>) offsets(%dma_start3A_187 : memref<128xi32, #tpu.memory_space<vmem>>) semaphore(%run_scoped3A_184 : memref<!tpu.dma_semaphore, #tpu.memory_space<semaphore_mem>>) {add = true}
        %dma_wait3A_191 = arith.constant 0 : i32
        %dma_wait3A_192 = tpu.memref_slice %arg7[%run_scoped3A_100, %dma_wait3A_191] : memref<8x128xi32, #tpu.memory_space<vmem>> -> memref<1x128xi32, #tpu.memory_space<vmem>>
        %dma_wait3A_193 = tpu.memref_squeeze %dma_wait3A_192 : memref<1x128xi32, #tpu.memory_space<vmem>> -> memref<128xi32, #tpu.memory_space<vmem>>
        %dma_wait3A_194 = arith.constant 0 : i32
        %dma_wait3A_195 = arith.constant 0 : i32
        %dma_wait3A_196 = tpu.memref_slice %arg10[%dma_wait3A_194, %dma_wait3A_195] : memref<10240x128xf32, #tpu.memory_space<vmem_shared>> -> memref<10240x128xf32, #tpu.memory_space<vmem_shared>>
        tpu.wait_indirect_dma semaphore(%run_scoped3A_184 : memref<!tpu.dma_semaphore, #tpu.memory_space<semaphore_mem>>) src(%arg9 : memref<128x128xf32, #tpu.memory_space<vmem>>) dst(%dma_wait3A_196 : memref<10240x128xf32, #tpu.memory_space<vmem_shared>>)
        tpu.yield
      }) : () -> ()
      %dma_start3A_101 = arith.constant 3 : i32
      %dma_start3A_102 = arith.constant 0 : i32
      %dma_start3A_103 = tpu.memref_slice %arg6[%dma_start3A_101, %dma_start3A_102] : memref<8x128xi32, #tpu.memory_space<vmem>> -> memref<1x128xi32, #tpu.memory_space<vmem>>
      %dma_start3A_104 = tpu.memref_squeeze %dma_start3A_103 : memref<1x128xi32, #tpu.memory_space<vmem>> -> memref<128xi32, #tpu.memory_space<vmem>>
      %dma_start3A_105 = arith.constant 0 : i32
      %dma_start3A_106 = arith.constant 0 : i32
      %dma_start3A_107 = tpu.memref_slice %arg2[%dma_start3A_105, %dma_start3A_106] : memref<10000x128xf32, #tpu.memory_space<hbm>> -> memref<10000x128xf32, #tpu.memory_space<hbm>>
      tpu.enqueue_indirect_dma source(%dma_start3A_107 : memref<10000x128xf32, #tpu.memory_space<hbm>>) target(%arg9 : memref<128x128xf32, #tpu.memory_space<vmem>>) offsets(%dma_start3A_104 : memref<128xi32, #tpu.memory_space<vmem>>) semaphore(%arg12 : memref<!tpu.dma_semaphore, #tpu.memory_space<semaphore_mem>>)
      %dma_wait3A_108 = arith.constant 2 : i32
      %dma_wait3A_109 = arith.constant 0 : i32
      %dma_wait3A_110 = tpu.memref_slice %arg6[%dma_wait3A_108, %dma_wait3A_109] : memref<8x128xi32, #tpu.memory_space<vmem>> -> memref<1x128xi32, #tpu.memory_space<vmem>>
      %dma_wait3A_111 = tpu.memref_squeeze %dma_wait3A_110 : memref<1x128xi32, #tpu.memory_space<vmem>> -> memref<128xi32, #tpu.memory_space<vmem>>
      %dma_wait3A_112 = arith.constant 0 : i32
      %dma_wait3A_113 = arith.constant 0 : i32
      %dma_wait3A_114 = tpu.memref_slice %arg2[%dma_wait3A_112, %dma_wait3A_113] : memref<10000x128xf32, #tpu.memory_space<hbm>> -> memref<10000x128xf32, #tpu.memory_space<hbm>>
      tpu.wait_indirect_dma semaphore(%arg11 : memref<!tpu.dma_semaphore, #tpu.memory_space<semaphore_mem>>) src(%dma_wait3A_114 : memref<10000x128xf32, #tpu.memory_space<hbm>>) dst(%arg8 : memref<128x128xf32, #tpu.memory_space<vmem>>)
      %run_scoped3A_115 = arith.constant 2 : i32
      "tpu.region"() ({
        %run_scoped3A_184 = tpu.sem_alloc : memref<!tpu.dma_semaphore, #tpu.memory_space<semaphore_mem>>
        %dma_start3A_185 = arith.constant 0 : i32
        %dma_start3A_186 = tpu.memref_slice %arg7[%run_scoped3A_115, %dma_start3A_185] : memref<8x128xi32, #tpu.memory_space<vmem>> -> memref<1x128xi32, #tpu.memory_space<vmem>>
        %dma_start3A_187 = tpu.memref_squeeze %dma_start3A_186 : memref<1x128xi32, #tpu.memory_space<vmem>> -> memref<128xi32, #tpu.memory_space<vmem>>
        %dma_start3A_188 = arith.constant 0 : i32
        %dma_start3A_189 = arith.constant 0 : i32
        %dma_start3A_190 = tpu.memref_slice %arg10[%dma_start3A_188, %dma_start3A_189] : memref<10240x128xf32, #tpu.memory_space<vmem_shared>> -> memref<10240x128xf32, #tpu.memory_space<vmem_shared>>
        tpu.enqueue_indirect_dma source(%arg8 : memref<128x128xf32, #tpu.memory_space<vmem>>) target(%dma_start3A_190 : memref<10240x128xf32, #tpu.memory_space<vmem_shared>>) offsets(%dma_start3A_187 : memref<128xi32, #tpu.memory_space<vmem>>) semaphore(%run_scoped3A_184 : memref<!tpu.dma_semaphore, #tpu.memory_space<semaphore_mem>>) {add = true}
        %dma_wait3A_191 = arith.constant 0 : i32
        %dma_wait3A_192 = tpu.memref_slice %arg7[%run_scoped3A_115, %dma_wait3A_191] : memref<8x128xi32, #tpu.memory_space<vmem>> -> memref<1x128xi32, #tpu.memory_space<vmem>>
        %dma_wait3A_193 = tpu.memref_squeeze %dma_wait3A_192 : memref<1x128xi32, #tpu.memory_space<vmem>> -> memref<128xi32, #tpu.memory_space<vmem>>
        %dma_wait3A_194 = arith.constant 0 : i32
        %dma_wait3A_195 = arith.constant 0 : i32
        %dma_wait3A_196 = tpu.memref_slice %arg10[%dma_wait3A_194, %dma_wait3A_195] : memref<10240x128xf32, #tpu.memory_space<vmem_shared>> -> memref<10240x128xf32, #tpu.memory_space<vmem_shared>>
        tpu.wait_indirect_dma semaphore(%run_scoped3A_184 : memref<!tpu.dma_semaphore, #tpu.memory_space<semaphore_mem>>) src(%arg8 : memref<128x128xf32, #tpu.memory_space<vmem>>) dst(%dma_wait3A_196 : memref<10240x128xf32, #tpu.memory_space<vmem_shared>>)
        tpu.yield
      }) : () -> ()
      %dma_start3A_116 = arith.constant 4 : i32
      %dma_start3A_117 = arith.constant 0 : i32
      %dma_start3A_118 = tpu.memref_slice %arg6[%dma_start3A_116, %dma_start3A_117] : memref<8x128xi32, #tpu.memory_space<vmem>> -> memref<1x128xi32, #tpu.memory_space<vmem>>
      %dma_start3A_119 = tpu.memref_squeeze %dma_start3A_118 : memref<1x128xi32, #tpu.memory_space<vmem>> -> memref<128xi32, #tpu.memory_space<vmem>>
      %dma_start3A_120 = arith.constant 0 : i32
      %dma_start3A_121 = arith.constant 0 : i32
      %dma_start3A_122 = tpu.memref_slice %arg2[%dma_start3A_120, %dma_start3A_121] : memref<10000x128xf32, #tpu.memory_space<hbm>> -> memref<10000x128xf32, #tpu.memory_space<hbm>>
      tpu.enqueue_indirect_dma source(%dma_start3A_122 : memref<10000x128xf32, #tpu.memory_space<hbm>>) target(%arg8 : memref<128x128xf32, #tpu.memory_space<vmem>>) offsets(%dma_start3A_119 : memref<128xi32, #tpu.memory_space<vmem>>) semaphore(%arg11 : memref<!tpu.dma_semaphore, #tpu.memory_space<semaphore_mem>>)
      %dma_wait3A_123 = arith.constant 3 : i32
      %dma_wait3A_124 = arith.constant 0 : i32
      %dma_wait3A_125 = tpu.memref_slice %arg6[%dma_wait3A_123, %dma_wait3A_124] : memref<8x128xi32, #tpu.memory_space<vmem>> -> memref<1x128xi32, #tpu.memory_space<vmem>>
      %dma_wait3A_126 = tpu.memref_squeeze %dma_wait3A_125 : memref<1x128xi32, #tpu.memory_space<vmem>> -> memref<128xi32, #tpu.memory_space<vmem>>
      %dma_wait3A_127 = arith.constant 0 : i32
      %dma_wait3A_128 = arith.constant 0 : i32
      %dma_wait3A_129 = tpu.memref_slice %arg2[%dma_wait3A_127, %dma_wait3A_128] : memref<10000x128xf32, #tpu.memory_space<hbm>> -> memref<10000x128xf32, #tpu.memory_space<hbm>>
      tpu.wait_indirect_dma semaphore(%arg12 : memref<!tpu.dma_semaphore, #tpu.memory_space<semaphore_mem>>) src(%dma_wait3A_129 : memref<10000x128xf32, #tpu.memory_space<hbm>>) dst(%arg9 : memref<128x128xf32, #tpu.memory_space<vmem>>)
      %run_scoped3A_130 = arith.constant 3 : i32
      "tpu.region"() ({
        %run_scoped3A_184 = tpu.sem_alloc : memref<!tpu.dma_semaphore, #tpu.memory_space<semaphore_mem>>
        %dma_start3A_185 = arith.constant 0 : i32
        %dma_start3A_186 = tpu.memref_slice %arg7[%run_scoped3A_130, %dma_start3A_185] : memref<8x128xi32, #tpu.memory_space<vmem>> -> memref<1x128xi32, #tpu.memory_space<vmem>>
        %dma_start3A_187 = tpu.memref_squeeze %dma_start3A_186 : memref<1x128xi32, #tpu.memory_space<vmem>> -> memref<128xi32, #tpu.memory_space<vmem>>
        %dma_start3A_188 = arith.constant 0 : i32
        %dma_start3A_189 = arith.constant 0 : i32
        %dma_start3A_190 = tpu.memref_slice %arg10[%dma_start3A_188, %dma_start3A_189] : memref<10240x128xf32, #tpu.memory_space<vmem_shared>> -> memref<10240x128xf32, #tpu.memory_space<vmem_shared>>
        tpu.enqueue_indirect_dma source(%arg9 : memref<128x128xf32, #tpu.memory_space<vmem>>) target(%dma_start3A_190 : memref<10240x128xf32, #tpu.memory_space<vmem_shared>>) offsets(%dma_start3A_187 : memref<128xi32, #tpu.memory_space<vmem>>) semaphore(%run_scoped3A_184 : memref<!tpu.dma_semaphore, #tpu.memory_space<semaphore_mem>>) {add = true}
        %dma_wait3A_191 = arith.constant 0 : i32
        %dma_wait3A_192 = tpu.memref_slice %arg7[%run_scoped3A_130, %dma_wait3A_191] : memref<8x128xi32, #tpu.memory_space<vmem>> -> memref<1x128xi32, #tpu.memory_space<vmem>>
        %dma_wait3A_193 = tpu.memref_squeeze %dma_wait3A_192 : memref<1x128xi32, #tpu.memory_space<vmem>> -> memref<128xi32, #tpu.memory_space<vmem>>
        %dma_wait3A_194 = arith.constant 0 : i32
        %dma_wait3A_195 = arith.constant 0 : i32
        %dma_wait3A_196 = tpu.memref_slice %arg10[%dma_wait3A_194, %dma_wait3A_195] : memref<10240x128xf32, #tpu.memory_space<vmem_shared>> -> memref<10240x128xf32, #tpu.memory_space<vmem_shared>>
        tpu.wait_indirect_dma semaphore(%run_scoped3A_184 : memref<!tpu.dma_semaphore, #tpu.memory_space<semaphore_mem>>) src(%arg9 : memref<128x128xf32, #tpu.memory_space<vmem>>) dst(%dma_wait3A_196 : memref<10240x128xf32, #tpu.memory_space<vmem_shared>>)
        tpu.yield
      }) : () -> ()
      %dma_start3A_131 = arith.constant 5 : i32
      %dma_start3A_132 = arith.constant 0 : i32
      %dma_start3A_133 = tpu.memref_slice %arg6[%dma_start3A_131, %dma_start3A_132] : memref<8x128xi32, #tpu.memory_space<vmem>> -> memref<1x128xi32, #tpu.memory_space<vmem>>
      %dma_start3A_134 = tpu.memref_squeeze %dma_start3A_133 : memref<1x128xi32, #tpu.memory_space<vmem>> -> memref<128xi32, #tpu.memory_space<vmem>>
      %dma_start3A_135 = arith.constant 0 : i32
      %dma_start3A_136 = arith.constant 0 : i32
      %dma_start3A_137 = tpu.memref_slice %arg2[%dma_start3A_135, %dma_start3A_136] : memref<10000x128xf32, #tpu.memory_space<hbm>> -> memref<10000x128xf32, #tpu.memory_space<hbm>>
      tpu.enqueue_indirect_dma source(%dma_start3A_137 : memref<10000x128xf32, #tpu.memory_space<hbm>>) target(%arg9 : memref<128x128xf32, #tpu.memory_space<vmem>>) offsets(%dma_start3A_134 : memref<128xi32, #tpu.memory_space<vmem>>) semaphore(%arg12 : memref<!tpu.dma_semaphore, #tpu.memory_space<semaphore_mem>>)
      %dma_wait3A_138 = arith.constant 4 : i32
      %dma_wait3A_139 = arith.constant 0 : i32
      %dma_wait3A_140 = tpu.memref_slice %arg6[%dma_wait3A_138, %dma_wait3A_139] : memref<8x128xi32, #tpu.memory_space<vmem>> -> memref<1x128xi32, #tpu.memory_space<vmem>>
      %dma_wait3A_141 = tpu.memref_squeeze %dma_wait3A_140 : memref<1x128xi32, #tpu.memory_space<vmem>> -> memref<128xi32, #tpu.memory_space<vmem>>
      %dma_wait3A_142 = arith.constant 0 : i32
      %dma_wait3A_143 = arith.constant 0 : i32
      %dma_wait3A_144 = tpu.memref_slice %arg2[%dma_wait3A_142, %dma_wait3A_143] : memref<10000x128xf32, #tpu.memory_space<hbm>> -> memref<10000x128xf32, #tpu.memory_space<hbm>>
      tpu.wait_indirect_dma semaphore(%arg11 : memref<!tpu.dma_semaphore, #tpu.memory_space<semaphore_mem>>) src(%dma_wait3A_144 : memref<10000x128xf32, #tpu.memory_space<hbm>>) dst(%arg8 : memref<128x128xf32, #tpu.memory_space<vmem>>)
      %run_scoped3A_145 = arith.constant 4 : i32
      "tpu.region"() ({
        %run_scoped3A_184 = tpu.sem_alloc : memref<!tpu.dma_semaphore, #tpu.memory_space<semaphore_mem>>
        %dma_start3A_185 = arith.constant 0 : i32
        %dma_start3A_186 = tpu.memref_slice %arg7[%run_scoped3A_145, %dma_start3A_185] : memref<8x128xi32, #tpu.memory_space<vmem>> -> memref<1x128xi32, #tpu.memory_space<vmem>>
        %dma_start3A_187 = tpu.memref_squeeze %dma_start3A_186 : memref<1x128xi32, #tpu.memory_space<vmem>> -> memref<128xi32, #tpu.memory_space<vmem>>
        %dma_start3A_188 = arith.constant 0 : i32
        %dma_start3A_189 = arith.constant 0 : i32
        %dma_start3A_190 = tpu.memref_slice %arg10[%dma_start3A_188, %dma_start3A_189] : memref<10240x128xf32, #tpu.memory_space<vmem_shared>> -> memref<10240x128xf32, #tpu.memory_space<vmem_shared>>
        tpu.enqueue_indirect_dma source(%arg8 : memref<128x128xf32, #tpu.memory_space<vmem>>) target(%dma_start3A_190 : memref<10240x128xf32, #tpu.memory_space<vmem_shared>>) offsets(%dma_start3A_187 : memref<128xi32, #tpu.memory_space<vmem>>) semaphore(%run_scoped3A_184 : memref<!tpu.dma_semaphore, #tpu.memory_space<semaphore_mem>>) {add = true}
        %dma_wait3A_191 = arith.constant 0 : i32
        %dma_wait3A_192 = tpu.memref_slice %arg7[%run_scoped3A_145, %dma_wait3A_191] : memref<8x128xi32, #tpu.memory_space<vmem>> -> memref<1x128xi32, #tpu.memory_space<vmem>>
        %dma_wait3A_193 = tpu.memref_squeeze %dma_wait3A_192 : memref<1x128xi32, #tpu.memory_space<vmem>> -> memref<128xi32, #tpu.memory_space<vmem>>
        %dma_wait3A_194 = arith.constant 0 : i32
        %dma_wait3A_195 = arith.constant 0 : i32
        %dma_wait3A_196 = tpu.memref_slice %arg10[%dma_wait3A_194, %dma_wait3A_195] : memref<10240x128xf32, #tpu.memory_space<vmem_shared>> -> memref<10240x128xf32, #tpu.memory_space<vmem_shared>>
        tpu.wait_indirect_dma semaphore(%run_scoped3A_184 : memref<!tpu.dma_semaphore, #tpu.memory_space<semaphore_mem>>) src(%arg8 : memref<128x128xf32, #tpu.memory_space<vmem>>) dst(%dma_wait3A_196 : memref<10240x128xf32, #tpu.memory_space<vmem_shared>>)
        tpu.yield
      }) : () -> ()
      %dma_start3A_146 = arith.constant 6 : i32
      %dma_start3A_147 = arith.constant 0 : i32
      %dma_start3A_148 = tpu.memref_slice %arg6[%dma_start3A_146, %dma_start3A_147] : memref<8x128xi32, #tpu.memory_space<vmem>> -> memref<1x128xi32, #tpu.memory_space<vmem>>
      %dma_start3A_149 = tpu.memref_squeeze %dma_start3A_148 : memref<1x128xi32, #tpu.memory_space<vmem>> -> memref<128xi32, #tpu.memory_space<vmem>>
      %dma_start3A_150 = arith.constant 0 : i32
      %dma_start3A_151 = arith.constant 0 : i32
      %dma_start3A_152 = tpu.memref_slice %arg2[%dma_start3A_150, %dma_start3A_151] : memref<10000x128xf32, #tpu.memory_space<hbm>> -> memref<10000x128xf32, #tpu.memory_space<hbm>>
      tpu.enqueue_indirect_dma source(%dma_start3A_152 : memref<10000x128xf32, #tpu.memory_space<hbm>>) target(%arg8 : memref<128x128xf32, #tpu.memory_space<vmem>>) offsets(%dma_start3A_149 : memref<128xi32, #tpu.memory_space<vmem>>) semaphore(%arg11 : memref<!tpu.dma_semaphore, #tpu.memory_space<semaphore_mem>>)
      %dma_wait3A_153 = arith.constant 5 : i32
      %dma_wait3A_154 = arith.constant 0 : i32
      %dma_wait3A_155 = tpu.memref_slice %arg6[%dma_wait3A_153, %dma_wait3A_154] : memref<8x128xi32, #tpu.memory_space<vmem>> -> memref<1x128xi32, #tpu.memory_space<vmem>>
      %dma_wait3A_156 = tpu.memref_squeeze %dma_wait3A_155 : memref<1x128xi32, #tpu.memory_space<vmem>> -> memref<128xi32, #tpu.memory_space<vmem>>
      %dma_wait3A_157 = arith.constant 0 : i32
      %dma_wait3A_158 = arith.constant 0 : i32
      %dma_wait3A_159 = tpu.memref_slice %arg2[%dma_wait3A_157, %dma_wait3A_158] : memref<10000x128xf32, #tpu.memory_space<hbm>> -> memref<10000x128xf32, #tpu.memory_space<hbm>>
      tpu.wait_indirect_dma semaphore(%arg12 : memref<!tpu.dma_semaphore, #tpu.memory_space<semaphore_mem>>) src(%dma_wait3A_159 : memref<10000x128xf32, #tpu.memory_space<hbm>>) dst(%arg9 : memref<128x128xf32, #tpu.memory_space<vmem>>)
      %run_scoped3A_160 = arith.constant 5 : i32
      "tpu.region"() ({
        %run_scoped3A_184 = tpu.sem_alloc : memref<!tpu.dma_semaphore, #tpu.memory_space<semaphore_mem>>
        %dma_start3A_185 = arith.constant 0 : i32
        %dma_start3A_186 = tpu.memref_slice %arg7[%run_scoped3A_160, %dma_start3A_185] : memref<8x128xi32, #tpu.memory_space<vmem>> -> memref<1x128xi32, #tpu.memory_space<vmem>>
        %dma_start3A_187 = tpu.memref_squeeze %dma_start3A_186 : memref<1x128xi32, #tpu.memory_space<vmem>> -> memref<128xi32, #tpu.memory_space<vmem>>
        %dma_start3A_188 = arith.constant 0 : i32
        %dma_start3A_189 = arith.constant 0 : i32
        %dma_start3A_190 = tpu.memref_slice %arg10[%dma_start3A_188, %dma_start3A_189] : memref<10240x128xf32, #tpu.memory_space<vmem_shared>> -> memref<10240x128xf32, #tpu.memory_space<vmem_shared>>
        tpu.enqueue_indirect_dma source(%arg9 : memref<128x128xf32, #tpu.memory_space<vmem>>) target(%dma_start3A_190 : memref<10240x128xf32, #tpu.memory_space<vmem_shared>>) offsets(%dma_start3A_187 : memref<128xi32, #tpu.memory_space<vmem>>) semaphore(%run_scoped3A_184 : memref<!tpu.dma_semaphore, #tpu.memory_space<semaphore_mem>>) {add = true}
        %dma_wait3A_191 = arith.constant 0 : i32
        %dma_wait3A_192 = tpu.memref_slice %arg7[%run_scoped3A_160, %dma_wait3A_191] : memref<8x128xi32, #tpu.memory_space<vmem>> -> memref<1x128xi32, #tpu.memory_space<vmem>>
        %dma_wait3A_193 = tpu.memref_squeeze %dma_wait3A_192 : memref<1x128xi32, #tpu.memory_space<vmem>> -> memref<128xi32, #tpu.memory_space<vmem>>
        %dma_wait3A_194 = arith.constant 0 : i32
        %dma_wait3A_195 = arith.constant 0 : i32
        %dma_wait3A_196 = tpu.memref_slice %arg10[%dma_wait3A_194, %dma_wait3A_195] : memref<10240x128xf32, #tpu.memory_space<vmem_shared>> -> memref<10240x128xf32, #tpu.memory_space<vmem_shared>>
        tpu.wait_indirect_dma semaphore(%run_scoped3A_184 : memref<!tpu.dma_semaphore, #tpu.memory_space<semaphore_mem>>) src(%arg9 : memref<128x128xf32, #tpu.memory_space<vmem>>) dst(%dma_wait3A_196 : memref<10240x128xf32, #tpu.memory_space<vmem_shared>>)
        tpu.yield
      }) : () -> ()
      %dma_start3A_161 = arith.constant 7 : i32
      %dma_start3A_162 = arith.constant 0 : i32
      %dma_start3A_163 = tpu.memref_slice %arg6[%dma_start3A_161, %dma_start3A_162] : memref<8x128xi32, #tpu.memory_space<vmem>> -> memref<1x128xi32, #tpu.memory_space<vmem>>
      %dma_start3A_164 = tpu.memref_squeeze %dma_start3A_163 : memref<1x128xi32, #tpu.memory_space<vmem>> -> memref<128xi32, #tpu.memory_space<vmem>>
      %dma_start3A_165 = arith.constant 0 : i32
      %dma_start3A_166 = arith.constant 0 : i32
      %dma_start3A_167 = tpu.memref_slice %arg2[%dma_start3A_165, %dma_start3A_166] : memref<10000x128xf32, #tpu.memory_space<hbm>> -> memref<10000x128xf32, #tpu.memory_space<hbm>>
      tpu.enqueue_indirect_dma source(%dma_start3A_167 : memref<10000x128xf32, #tpu.memory_space<hbm>>) target(%arg9 : memref<128x128xf32, #tpu.memory_space<vmem>>) offsets(%dma_start3A_164 : memref<128xi32, #tpu.memory_space<vmem>>) semaphore(%arg12 : memref<!tpu.dma_semaphore, #tpu.memory_space<semaphore_mem>>)
      %dma_wait3A_168 = arith.constant 6 : i32
      %dma_wait3A_169 = arith.constant 0 : i32
      %dma_wait3A_170 = tpu.memref_slice %arg6[%dma_wait3A_168, %dma_wait3A_169] : memref<8x128xi32, #tpu.memory_space<vmem>> -> memref<1x128xi32, #tpu.memory_space<vmem>>
      %dma_wait3A_171 = tpu.memref_squeeze %dma_wait3A_170 : memref<1x128xi32, #tpu.memory_space<vmem>> -> memref<128xi32, #tpu.memory_space<vmem>>
      %dma_wait3A_172 = arith.constant 0 : i32
      %dma_wait3A_173 = arith.constant 0 : i32
      %dma_wait3A_174 = tpu.memref_slice %arg2[%dma_wait3A_172, %dma_wait3A_173] : memref<10000x128xf32, #tpu.memory_space<hbm>> -> memref<10000x128xf32, #tpu.memory_space<hbm>>
      tpu.wait_indirect_dma semaphore(%arg11 : memref<!tpu.dma_semaphore, #tpu.memory_space<semaphore_mem>>) src(%dma_wait3A_174 : memref<10000x128xf32, #tpu.memory_space<hbm>>) dst(%arg8 : memref<128x128xf32, #tpu.memory_space<vmem>>)
      %run_scoped3A_175 = arith.constant 6 : i32
      "tpu.region"() ({
        %run_scoped3A_184 = tpu.sem_alloc : memref<!tpu.dma_semaphore, #tpu.memory_space<semaphore_mem>>
        %dma_start3A_185 = arith.constant 0 : i32
        %dma_start3A_186 = tpu.memref_slice %arg7[%run_scoped3A_175, %dma_start3A_185] : memref<8x128xi32, #tpu.memory_space<vmem>> -> memref<1x128xi32, #tpu.memory_space<vmem>>
        %dma_start3A_187 = tpu.memref_squeeze %dma_start3A_186 : memref<1x128xi32, #tpu.memory_space<vmem>> -> memref<128xi32, #tpu.memory_space<vmem>>
        %dma_start3A_188 = arith.constant 0 : i32
        %dma_start3A_189 = arith.constant 0 : i32
        %dma_start3A_190 = tpu.memref_slice %arg10[%dma_start3A_188, %dma_start3A_189] : memref<10240x128xf32, #tpu.memory_space<vmem_shared>> -> memref<10240x128xf32, #tpu.memory_space<vmem_shared>>
        tpu.enqueue_indirect_dma source(%arg8 : memref<128x128xf32, #tpu.memory_space<vmem>>) target(%dma_start3A_190 : memref<10240x128xf32, #tpu.memory_space<vmem_shared>>) offsets(%dma_start3A_187 : memref<128xi32, #tpu.memory_space<vmem>>) semaphore(%run_scoped3A_184 : memref<!tpu.dma_semaphore, #tpu.memory_space<semaphore_mem>>) {add = true}
        %dma_wait3A_191 = arith.constant 0 : i32
        %dma_wait3A_192 = tpu.memref_slice %arg7[%run_scoped3A_175, %dma_wait3A_191] : memref<8x128xi32, #tpu.memory_space<vmem>> -> memref<1x128xi32, #tpu.memory_space<vmem>>
        %dma_wait3A_193 = tpu.memref_squeeze %dma_wait3A_192 : memref<1x128xi32, #tpu.memory_space<vmem>> -> memref<128xi32, #tpu.memory_space<vmem>>
        %dma_wait3A_194 = arith.constant 0 : i32
        %dma_wait3A_195 = arith.constant 0 : i32
        %dma_wait3A_196 = tpu.memref_slice %arg10[%dma_wait3A_194, %dma_wait3A_195] : memref<10240x128xf32, #tpu.memory_space<vmem_shared>> -> memref<10240x128xf32, #tpu.memory_space<vmem_shared>>
        tpu.wait_indirect_dma semaphore(%run_scoped3A_184 : memref<!tpu.dma_semaphore, #tpu.memory_space<semaphore_mem>>) src(%arg8 : memref<128x128xf32, #tpu.memory_space<vmem>>) dst(%dma_wait3A_196 : memref<10240x128xf32, #tpu.memory_space<vmem_shared>>)
        tpu.yield
      }) : () -> ()
      %dma_wait3A_176 = arith.constant 7 : i32
      %dma_wait3A_177 = arith.constant 0 : i32
      %dma_wait3A_178 = tpu.memref_slice %arg6[%dma_wait3A_176, %dma_wait3A_177] : memref<8x128xi32, #tpu.memory_space<vmem>> -> memref<1x128xi32, #tpu.memory_space<vmem>>
      %dma_wait3A_179 = tpu.memref_squeeze %dma_wait3A_178 : memref<1x128xi32, #tpu.memory_space<vmem>> -> memref<128xi32, #tpu.memory_space<vmem>>
      %dma_wait3A_180 = arith.constant 0 : i32
      %dma_wait3A_181 = arith.constant 0 : i32
      %dma_wait3A_182 = tpu.memref_slice %arg2[%dma_wait3A_180, %dma_wait3A_181] : memref<10000x128xf32, #tpu.memory_space<hbm>> -> memref<10000x128xf32, #tpu.memory_space<hbm>>
      tpu.wait_indirect_dma semaphore(%arg12 : memref<!tpu.dma_semaphore, #tpu.memory_space<semaphore_mem>>) src(%dma_wait3A_182 : memref<10000x128xf32, #tpu.memory_space<hbm>>) dst(%arg9 : memref<128x128xf32, #tpu.memory_space<vmem>>)
      %run_scoped3A_183 = arith.constant 7 : i32
      "tpu.region"() ({
        %run_scoped3A_184 = tpu.sem_alloc : memref<!tpu.dma_semaphore, #tpu.memory_space<semaphore_mem>>
        %dma_start3A_185 = arith.constant 0 : i32
        %dma_start3A_186 = tpu.memref_slice %arg7[%run_scoped3A_183, %dma_start3A_185] : memref<8x128xi32, #tpu.memory_space<vmem>> -> memref<1x128xi32, #tpu.memory_space<vmem>>
        %dma_start3A_187 = tpu.memref_squeeze %dma_start3A_186 : memref<1x128xi32, #tpu.memory_space<vmem>> -> memref<128xi32, #tpu.memory_space<vmem>>
        %dma_start3A_188 = arith.constant 0 : i32
        %dma_start3A_189 = arith.constant 0 : i32
        %dma_start3A_190 = tpu.memref_slice %arg10[%dma_start3A_188, %dma_start3A_189] : memref<10240x128xf32, #tpu.memory_space<vmem_shared>> -> memref<10240x128xf32, #tpu.memory_space<vmem_shared>>
        tpu.enqueue_indirect_dma source(%arg9 : memref<128x128xf32, #tpu.memory_space<vmem>>) target(%dma_start3A_190 : memref<10240x128xf32, #tpu.memory_space<vmem_shared>>) offsets(%dma_start3A_187 : memref<128xi32, #tpu.memory_space<vmem>>) semaphore(%run_scoped3A_184 : memref<!tpu.dma_semaphore, #tpu.memory_space<semaphore_mem>>) {add = true}
        %dma_wait3A_191 = arith.constant 0 : i32
        %dma_wait3A_192 = tpu.memref_slice %arg7[%run_scoped3A_183, %dma_wait3A_191] : memref<8x128xi32, #tpu.memory_space<vmem>> -> memref<1x128xi32, #tpu.memory_space<vmem>>
        %dma_wait3A_193 = tpu.memref_squeeze %dma_wait3A_192 : memref<1x128xi32, #tpu.memory_space<vmem>> -> memref<128xi32, #tpu.memory_space<vmem>>
        %dma_wait3A_194 = arith.constant 0 : i32
        %dma_wait3A_195 = arith.constant 0 : i32
        %dma_wait3A_196 = tpu.memref_slice %arg10[%dma_wait3A_194, %dma_wait3A_195] : memref<10240x128xf32, #tpu.memory_space<vmem_shared>> -> memref<10240x128xf32, #tpu.memory_space<vmem_shared>>
        tpu.wait_indirect_dma semaphore(%run_scoped3A_184 : memref<!tpu.dma_semaphore, #tpu.memory_space<semaphore_mem>>) src(%arg9 : memref<128x128xf32, #tpu.memory_space<vmem>>) dst(%dma_wait3A_196 : memref<10240x128xf32, #tpu.memory_space<vmem_shared>>)
        tpu.yield
      }) : () -> ()
    }
    %scan3A_21 = arith.constant 10 : i32
    %barrier3A_22 = arith.constant 0 : index
    tpu.barrier barrier_id(%barrier3A_22)
    %add3A_23 = arith.constant 0 : i32
    %add3A_24 = arith.addi %mul3A_2, %add3A_23 : i32
    "tpu.region"() ({
      %run_scoped3A = tpu.sem_alloc : memref<!tpu.dma_semaphore, #tpu.memory_space<semaphore_mem>>
      %dma_start3A = arith.constant 0 : i32
      %dma_start3A_58 = tpu.memref_slice %arg10[%add3A_24, %dma_start3A] : memref<10240x128xf32, #tpu.memory_space<vmem_shared>> -> memref<128x128xf32, #tpu.memory_space<vmem_shared>>
      %dma_start3A_59 = arith.constant 0 : i32
      %dma_start3A_60 = tpu.memref_slice %arg10[%add3A_24, %dma_start3A_59] : memref<10240x128xf32, #tpu.memory_space<vmem_shared>> -> memref<128x128xf32, #tpu.memory_space<vmem_shared>>
      tpu.enqueue_dma source(%dma_start3A_60 : memref<128x128xf32, #tpu.memory_space<vmem_shared>>) target(%arg8 : memref<128x128xf32, #tpu.memory_space<vmem>>) target_semaphore(%run_scoped3A : memref<!tpu.dma_semaphore, #tpu.memory_space<semaphore_mem>>)
      %dma_wait3A = arith.constant 0 : i32
      %dma_wait3A_61 = tpu.memref_slice %arg10[%add3A_24, %dma_wait3A] : memref<10240x128xf32, #tpu.memory_space<vmem_shared>> -> memref<128x128xf32, #tpu.memory_space<vmem_shared>>
      %dma_wait3A_62 = arith.constant 0 : i32
      %dma_wait3A_63 = tpu.memref_slice %arg10[%add3A_24, %dma_wait3A_62] : memref<10240x128xf32, #tpu.memory_space<vmem_shared>> -> memref<128x128xf32, #tpu.memory_space<vmem_shared>>
      tpu.wait_dma2 semaphore(%run_scoped3A : memref<!tpu.dma_semaphore, #tpu.memory_space<semaphore_mem>>) src(%dma_wait3A_63 : memref<128x128xf32, #tpu.memory_space<vmem_shared>>) dst(%arg8 : memref<128x128xf32, #tpu.memory_space<vmem>>)
      tpu.yield
    }) : () -> ()
    %mul3A_25 = arith.constant 10240 : i32
    %mul3A_26 = arith.muli %arg0, %mul3A_25 : i32
    %add3A_27 = arith.addi %mul3A_26, %mul3A_2 : i32
    %add3A_28 = arith.constant 0 : i32
    %add3A_29 = arith.addi %add3A_27, %add3A_28 : i32
    "tpu.region"() ({
      %run_scoped3A = tpu.sem_alloc : memref<!tpu.dma_semaphore, #tpu.memory_space<semaphore_mem>>
      %dma_start3A = arith.constant 0 : i32
      %dma_start3A_58 = tpu.memref_slice %arg5[%add3A_29, %dma_start3A] : memref<20480x128xf32, #tpu.memory_space<hbm>> -> memref<128x128xf32, #tpu.memory_space<hbm>>
      %dma_start3A_59 = arith.constant 0 : i32
      %dma_start3A_60 = tpu.memref_slice %arg5[%add3A_29, %dma_start3A_59] : memref<20480x128xf32, #tpu.memory_space<hbm>> -> memref<128x128xf32, #tpu.memory_space<hbm>>
      tpu.enqueue_dma source(%arg8 : memref<128x128xf32, #tpu.memory_space<vmem>>) target(%dma_start3A_60 : memref<128x128xf32, #tpu.memory_space<hbm>>) target_semaphore(%run_scoped3A : memref<!tpu.dma_semaphore, #tpu.memory_space<semaphore_mem>>)
      %dma_wait3A = arith.constant 0 : i32
      %dma_wait3A_61 = tpu.memref_slice %arg5[%add3A_29, %dma_wait3A] : memref<20480x128xf32, #tpu.memory_space<hbm>> -> memref<128x128xf32, #tpu.memory_space<hbm>>
      %dma_wait3A_62 = arith.constant 0 : i32
      %dma_wait3A_63 = tpu.memref_slice %arg5[%add3A_29, %dma_wait3A_62] : memref<20480x128xf32, #tpu.memory_space<hbm>> -> memref<128x128xf32, #tpu.memory_space<hbm>>
      tpu.wait_dma2 semaphore(%run_scoped3A : memref<!tpu.dma_semaphore, #tpu.memory_space<semaphore_mem>>) src(%arg8 : memref<128x128xf32, #tpu.memory_space<vmem>>) dst(%dma_wait3A_63 : memref<128x128xf32, #tpu.memory_space<hbm>>)
      tpu.yield
    }) : () -> ()
    %add3A_30 = arith.constant 128 : i32
    %add3A_31 = arith.addi %mul3A_2, %add3A_30 : i32
    "tpu.region"() ({
      %run_scoped3A = tpu.sem_alloc : memref<!tpu.dma_semaphore, #tpu.memory_space<semaphore_mem>>
      %dma_start3A = arith.constant 0 : i32
      %dma_start3A_58 = tpu.memref_slice %arg10[%add3A_31, %dma_start3A] : memref<10240x128xf32, #tpu.memory_space<vmem_shared>> -> memref<128x128xf32, #tpu.memory_space<vmem_shared>>
      %dma_start3A_59 = arith.constant 0 : i32
      %dma_start3A_60 = tpu.memref_slice %arg10[%add3A_31, %dma_start3A_59] : memref<10240x128xf32, #tpu.memory_space<vmem_shared>> -> memref<128x128xf32, #tpu.memory_space<vmem_shared>>
      tpu.enqueue_dma source(%dma_start3A_60 : memref<128x128xf32, #tpu.memory_space<vmem_shared>>) target(%arg8 : memref<128x128xf32, #tpu.memory_space<vmem>>) target_semaphore(%run_scoped3A : memref<!tpu.dma_semaphore, #tpu.memory_space<semaphore_mem>>)
      %dma_wait3A = arith.constant 0 : i32
      %dma_wait3A_61 = tpu.memref_slice %arg10[%add3A_31, %dma_wait3A] : memref<10240x128xf32, #tpu.memory_space<vmem_shared>> -> memref<128x128xf32, #tpu.memory_space<vmem_shared>>
      %dma_wait3A_62 = arith.constant 0 : i32
      %dma_wait3A_63 = tpu.memref_slice %arg10[%add3A_31, %dma_wait3A_62] : memref<10240x128xf32, #tpu.memory_space<vmem_shared>> -> memref<128x128xf32, #tpu.memory_space<vmem_shared>>
      tpu.wait_dma2 semaphore(%run_scoped3A : memref<!tpu.dma_semaphore, #tpu.memory_space<semaphore_mem>>) src(%dma_wait3A_63 : memref<128x128xf32, #tpu.memory_space<vmem_shared>>) dst(%arg8 : memref<128x128xf32, #tpu.memory_space<vmem>>)
      tpu.yield
    }) : () -> ()
    %mul3A_32 = arith.constant 10240 : i32
    %mul3A_33 = arith.muli %arg0, %mul3A_32 : i32
    %add3A_34 = arith.addi %mul3A_33, %mul3A_2 : i32
    %add3A_35 = arith.constant 128 : i32
    %add3A_36 = arith.addi %add3A_34, %add3A_35 : i32
    "tpu.region"() ({
      %run_scoped3A = tpu.sem_alloc : memref<!tpu.dma_semaphore, #tpu.memory_space<semaphore_mem>>
      %dma_start3A = arith.constant 0 : i32
      %dma_start3A_58 = tpu.memref_slice %arg5[%add3A_36, %dma_start3A] : memref<20480x128xf32, #tpu.memory_space<hbm>> -> memref<128x128xf32, #tpu.memory_space<hbm>>
      %dma_start3A_59 = arith.constant 0 : i32
      %dma_start3A_60 = tpu.memref_slice %arg5[%add3A_36, %dma_start3A_59] : memref<20480x128xf32, #tpu.memory_space<hbm>> -> memref<128x128xf32, #tpu.memory_space<hbm>>
      tpu.enqueue_dma source(%arg8 : memref<128x128xf32, #tpu.memory_space<vmem>>) target(%dma_start3A_60 : memref<128x128xf32, #tpu.memory_space<hbm>>) target_semaphore(%run_scoped3A : memref<!tpu.dma_semaphore, #tpu.memory_space<semaphore_mem>>)
      %dma_wait3A = arith.constant 0 : i32
      %dma_wait3A_61 = tpu.memref_slice %arg5[%add3A_36, %dma_wait3A] : memref<20480x128xf32, #tpu.memory_space<hbm>> -> memref<128x128xf32, #tpu.memory_space<hbm>>
      %dma_wait3A_62 = arith.constant 0 : i32
      %dma_wait3A_63 = tpu.memref_slice %arg5[%add3A_36, %dma_wait3A_62] : memref<20480x128xf32, #tpu.memory_space<hbm>> -> memref<128x128xf32, #tpu.memory_space<hbm>>
      tpu.wait_dma2 semaphore(%run_scoped3A : memref<!tpu.dma_semaphore, #tpu.memory_space<semaphore_mem>>) src(%arg8 : memref<128x128xf32, #tpu.memory_space<vmem>>) dst(%dma_wait3A_63 : memref<128x128xf32, #tpu.memory_space<hbm>>)
      tpu.yield
    }) : () -> ()
    %add3A_37 = arith.constant 256 : i32
    %add3A_38 = arith.addi %mul3A_2, %add3A_37 : i32
    "tpu.region"() ({
      %run_scoped3A = tpu.sem_alloc : memref<!tpu.dma_semaphore, #tpu.memory_space<semaphore_mem>>
      %dma_start3A = arith.constant 0 : i32
      %dma_start3A_58 = tpu.memref_slice %arg10[%add3A_38, %dma_start3A] : memref<10240x128xf32, #tpu.memory_space<vmem_shared>> -> memref<128x128xf32, #tpu.memory_space<vmem_shared>>
      %dma_start3A_59 = arith.constant 0 : i32
      %dma_start3A_60 = tpu.memref_slice %arg10[%add3A_38, %dma_start3A_59] : memref<10240x128xf32, #tpu.memory_space<vmem_shared>> -> memref<128x128xf32, #tpu.memory_space<vmem_shared>>
      tpu.enqueue_dma source(%dma_start3A_60 : memref<128x128xf32, #tpu.memory_space<vmem_shared>>) target(%arg8 : memref<128x128xf32, #tpu.memory_space<vmem>>) target_semaphore(%run_scoped3A : memref<!tpu.dma_semaphore, #tpu.memory_space<semaphore_mem>>)
      %dma_wait3A = arith.constant 0 : i32
      %dma_wait3A_61 = tpu.memref_slice %arg10[%add3A_38, %dma_wait3A] : memref<10240x128xf32, #tpu.memory_space<vmem_shared>> -> memref<128x128xf32, #tpu.memory_space<vmem_shared>>
      %dma_wait3A_62 = arith.constant 0 : i32
      %dma_wait3A_63 = tpu.memref_slice %arg10[%add3A_38, %dma_wait3A_62] : memref<10240x128xf32, #tpu.memory_space<vmem_shared>> -> memref<128x128xf32, #tpu.memory_space<vmem_shared>>
      tpu.wait_dma2 semaphore(%run_scoped3A : memref<!tpu.dma_semaphore, #tpu.memory_space<semaphore_mem>>) src(%dma_wait3A_63 : memref<128x128xf32, #tpu.memory_space<vmem_shared>>) dst(%arg8 : memref<128x128xf32, #tpu.memory_space<vmem>>)
      tpu.yield
    }) : () -> ()
    %mul3A_39 = arith.constant 10240 : i32
    %mul3A_40 = arith.muli %arg0, %mul3A_39 : i32
    %add3A_41 = arith.addi %mul3A_40, %mul3A_2 : i32
    %add3A_42 = arith.constant 256 : i32
    %add3A_43 = arith.addi %add3A_41, %add3A_42 : i32
    "tpu.region"() ({
      %run_scoped3A = tpu.sem_alloc : memref<!tpu.dma_semaphore, #tpu.memory_space<semaphore_mem>>
      %dma_start3A = arith.constant 0 : i32
      %dma_start3A_58 = tpu.memref_slice %arg5[%add3A_43, %dma_start3A] : memref<20480x128xf32, #tpu.memory_space<hbm>> -> memref<128x128xf32, #tpu.memory_space<hbm>>
      %dma_start3A_59 = arith.constant 0 : i32
      %dma_start3A_60 = tpu.memref_slice %arg5[%add3A_43, %dma_start3A_59] : memref<20480x128xf32, #tpu.memory_space<hbm>> -> memref<128x128xf32, #tpu.memory_space<hbm>>
      tpu.enqueue_dma source(%arg8 : memref<128x128xf32, #tpu.memory_space<vmem>>) target(%dma_start3A_60 : memref<128x128xf32, #tpu.memory_space<hbm>>) target_semaphore(%run_scoped3A : memref<!tpu.dma_semaphore, #tpu.memory_space<semaphore_mem>>)
      %dma_wait3A = arith.constant 0 : i32
      %dma_wait3A_61 = tpu.memref_slice %arg5[%add3A_43, %dma_wait3A] : memref<20480x128xf32, #tpu.memory_space<hbm>> -> memref<128x128xf32, #tpu.memory_space<hbm>>
      %dma_wait3A_62 = arith.constant 0 : i32
      %dma_wait3A_63 = tpu.memref_slice %arg5[%add3A_43, %dma_wait3A_62] : memref<20480x128xf32, #tpu.memory_space<hbm>> -> memref<128x128xf32, #tpu.memory_space<hbm>>
      tpu.wait_dma2 semaphore(%run_scoped3A : memref<!tpu.dma_semaphore, #tpu.memory_space<semaphore_mem>>) src(%arg8 : memref<128x128xf32, #tpu.memory_space<vmem>>) dst(%dma_wait3A_63 : memref<128x128xf32, #tpu.memory_space<hbm>>)
      tpu.yield
    }) : () -> ()
    %add3A_44 = arith.constant 384 : i32
    %add3A_45 = arith.addi %mul3A_2, %add3A_44 : i32
    "tpu.region"() ({
      %run_scoped3A = tpu.sem_alloc : memref<!tpu.dma_semaphore, #tpu.memory_space<semaphore_mem>>
      %dma_start3A = arith.constant 0 : i32
      %dma_start3A_58 = tpu.memref_slice %arg10[%add3A_45, %dma_start3A] : memref<10240x128xf32, #tpu.memory_space<vmem_shared>> -> memref<128x128xf32, #tpu.memory_space<vmem_shared>>
      %dma_start3A_59 = arith.constant 0 : i32
      %dma_start3A_60 = tpu.memref_slice %arg10[%add3A_45, %dma_start3A_59] : memref<10240x128xf32, #tpu.memory_space<vmem_shared>> -> memref<128x128xf32, #tpu.memory_space<vmem_shared>>
      tpu.enqueue_dma source(%dma_start3A_60 : memref<128x128xf32, #tpu.memory_space<vmem_shared>>) target(%arg8 : memref<128x128xf32, #tpu.memory_space<vmem>>) target_semaphore(%run_scoped3A : memref<!tpu.dma_semaphore, #tpu.memory_space<semaphore_mem>>)
      %dma_wait3A = arith.constant 0 : i32
      %dma_wait3A_61 = tpu.memref_slice %arg10[%add3A_45, %dma_wait3A] : memref<10240x128xf32, #tpu.memory_space<vmem_shared>> -> memref<128x128xf32, #tpu.memory_space<vmem_shared>>
      %dma_wait3A_62 = arith.constant 0 : i32
      %dma_wait3A_63 = tpu.memref_slice %arg10[%add3A_45, %dma_wait3A_62] : memref<10240x128xf32, #tpu.memory_space<vmem_shared>> -> memref<128x128xf32, #tpu.memory_space<vmem_shared>>
      tpu.wait_dma2 semaphore(%run_scoped3A : memref<!tpu.dma_semaphore, #tpu.memory_space<semaphore_mem>>) src(%dma_wait3A_63 : memref<128x128xf32, #tpu.memory_space<vmem_shared>>) dst(%arg8 : memref<128x128xf32, #tpu.memory_space<vmem>>)
      tpu.yield
    }) : () -> ()
    %mul3A_46 = arith.constant 10240 : i32
    %mul3A_47 = arith.muli %arg0, %mul3A_46 : i32
    %add3A_48 = arith.addi %mul3A_47, %mul3A_2 : i32
    %add3A_49 = arith.constant 384 : i32
    %add3A_50 = arith.addi %add3A_48, %add3A_49 : i32
    "tpu.region"() ({
      %run_scoped3A = tpu.sem_alloc : memref<!tpu.dma_semaphore, #tpu.memory_space<semaphore_mem>>
      %dma_start3A = arith.constant 0 : i32
      %dma_start3A_58 = tpu.memref_slice %arg5[%add3A_50, %dma_start3A] : memref<20480x128xf32, #tpu.memory_space<hbm>> -> memref<128x128xf32, #tpu.memory_space<hbm>>
      %dma_start3A_59 = arith.constant 0 : i32
      %dma_start3A_60 = tpu.memref_slice %arg5[%add3A_50, %dma_start3A_59] : memref<20480x128xf32, #tpu.memory_space<hbm>> -> memref<128x128xf32, #tpu.memory_space<hbm>>
      tpu.enqueue_dma source(%arg8 : memref<128x128xf32, #tpu.memory_space<vmem>>) target(%dma_start3A_60 : memref<128x128xf32, #tpu.memory_space<hbm>>) target_semaphore(%run_scoped3A : memref<!tpu.dma_semaphore, #tpu.memory_space<semaphore_mem>>)
      %dma_wait3A = arith.constant 0 : i32
      %dma_wait3A_61 = tpu.memref_slice %arg5[%add3A_50, %dma_wait3A] : memref<20480x128xf32, #tpu.memory_space<hbm>> -> memref<128x128xf32, #tpu.memory_space<hbm>>
      %dma_wait3A_62 = arith.constant 0 : i32
      %dma_wait3A_63 = tpu.memref_slice %arg5[%add3A_50, %dma_wait3A_62] : memref<20480x128xf32, #tpu.memory_space<hbm>> -> memref<128x128xf32, #tpu.memory_space<hbm>>
      tpu.wait_dma2 semaphore(%run_scoped3A : memref<!tpu.dma_semaphore, #tpu.memory_space<semaphore_mem>>) src(%arg8 : memref<128x128xf32, #tpu.memory_space<vmem>>) dst(%dma_wait3A_63 : memref<128x128xf32, #tpu.memory_space<hbm>>)
      tpu.yield
    }) : () -> ()
    %add3A_51 = arith.constant 512 : i32
    %add3A_52 = arith.addi %mul3A_2, %add3A_51 : i32
    "tpu.region"() ({
      %run_scoped3A = tpu.sem_alloc : memref<!tpu.dma_semaphore, #tpu.memory_space<semaphore_mem>>
      %dma_start3A = arith.constant 0 : i32
      %dma_start3A_58 = tpu.memref_slice %arg10[%add3A_52, %dma_start3A] : memref<10240x128xf32, #tpu.memory_space<vmem_shared>> -> memref<128x128xf32, #tpu.memory_space<vmem_shared>>
      %dma_start3A_59 = arith.constant 0 : i32
      %dma_start3A_60 = tpu.memref_slice %arg10[%add3A_52, %dma_start3A_59] : memref<10240x128xf32, #tpu.memory_space<vmem_shared>> -> memref<128x128xf32, #tpu.memory_space<vmem_shared>>
      tpu.enqueue_dma source(%dma_start3A_60 : memref<128x128xf32, #tpu.memory_space<vmem_shared>>) target(%arg8 : memref<128x128xf32, #tpu.memory_space<vmem>>) target_semaphore(%run_scoped3A : memref<!tpu.dma_semaphore, #tpu.memory_space<semaphore_mem>>)
      %dma_wait3A = arith.constant 0 : i32
      %dma_wait3A_61 = tpu.memref_slice %arg10[%add3A_52, %dma_wait3A] : memref<10240x128xf32, #tpu.memory_space<vmem_shared>> -> memref<128x128xf32, #tpu.memory_space<vmem_shared>>
      %dma_wait3A_62 = arith.constant 0 : i32
      %dma_wait3A_63 = tpu.memref_slice %arg10[%add3A_52, %dma_wait3A_62] : memref<10240x128xf32, #tpu.memory_space<vmem_shared>> -> memref<128x128xf32, #tpu.memory_space<vmem_shared>>
      tpu.wait_dma2 semaphore(%run_scoped3A : memref<!tpu.dma_semaphore, #tpu.memory_space<semaphore_mem>>) src(%dma_wait3A_63 : memref<128x128xf32, #tpu.memory_space<vmem_shared>>) dst(%arg8 : memref<128x128xf32, #tpu.memory_space<vmem>>)
      tpu.yield
    }) : () -> ()
    %mul3A_53 = arith.constant 10240 : i32
    %mul3A_54 = arith.muli %arg0, %mul3A_53 : i32
    %add3A_55 = arith.addi %mul3A_54, %mul3A_2 : i32
    %add3A_56 = arith.constant 512 : i32
    %add3A_57 = arith.addi %add3A_55, %add3A_56 : i32
    "tpu.region"() ({
      %run_scoped3A = tpu.sem_alloc : memref<!tpu.dma_semaphore, #tpu.memory_space<semaphore_mem>>
      %dma_start3A = arith.constant 0 : i32
      %dma_start3A_58 = tpu.memref_slice %arg5[%add3A_57, %dma_start3A] : memref<20480x128xf32, #tpu.memory_space<hbm>> -> memref<128x128xf32, #tpu.memory_space<hbm>>
      %dma_start3A_59 = arith.constant 0 : i32
      %dma_start3A_60 = tpu.memref_slice %arg5[%add3A_57, %dma_start3A_59] : memref<20480x128xf32, #tpu.memory_space<hbm>> -> memref<128x128xf32, #tpu.memory_space<hbm>>
      tpu.enqueue_dma source(%arg8 : memref<128x128xf32, #tpu.memory_space<vmem>>) target(%dma_start3A_60 : memref<128x128xf32, #tpu.memory_space<hbm>>) target_semaphore(%run_scoped3A : memref<!tpu.dma_semaphore, #tpu.memory_space<semaphore_mem>>)
      %dma_wait3A = arith.constant 0 : i32
      %dma_wait3A_61 = tpu.memref_slice %arg5[%add3A_57, %dma_wait3A] : memref<20480x128xf32, #tpu.memory_space<hbm>> -> memref<128x128xf32, #tpu.memory_space<hbm>>
      %dma_wait3A_62 = arith.constant 0 : i32
      %dma_wait3A_63 = tpu.memref_slice %arg5[%add3A_57, %dma_wait3A_62] : memref<20480x128xf32, #tpu.memory_space<hbm>> -> memref<128x128xf32, #tpu.memory_space<hbm>>
      tpu.wait_dma2 semaphore(%run_scoped3A : memref<!tpu.dma_semaphore, #tpu.memory_space<semaphore_mem>>) src(%arg8 : memref<128x128xf32, #tpu.memory_space<vmem>>) dst(%dma_wait3A_63 : memref<128x128xf32, #tpu.memory_space<hbm>>)
      tpu.yield
    }) : () -> ()
    return
  }
}

#map = affine_map<(d0, d1) -> (0, 0)>
#map1 = affine_map<(d0, d1) -> (0, 0, 0)>
module attributes {stable_mosaic.version = 14 : i64} {
  func.func @sc_segment_sum(%arg0: i32, %arg1: i32, %arg2: memref<10000x128xf32, #tpu.memory_space<hbm>>, %arg3: memref<32x80x128xi32, #tpu.memory_space<hbm>>, %arg4: memref<32x80x128xi32, #tpu.memory_space<hbm>>, %arg5: memref<20480x128xf32, #tpu.memory_space<hbm>>, %arg6: memref<8x128xi32, #tpu.memory_space<vmem>>, %arg7: memref<8x128xi32, #tpu.memory_space<vmem>>, %arg8: memref<128x128xf32, #tpu.memory_space<vmem>>, %arg9: memref<128x128xf32, #tpu.memory_space<vmem>>, %arg10: memref<10240x128xf32, #tpu.memory_space<vmem_shared>>, %arg11: memref<!tpu.dma_semaphore, #tpu.memory_space<semaphore_mem>>, %arg12: memref<!tpu.dma_semaphore, #tpu.memory_space<semaphore_mem>>) attributes {dimension_semantics = [#tpu.dimension_semantics<core_parallel>, #tpu.dimension_semantics<subcore_parallel>], iteration_bounds = array<i64: 2, 16>, scalar_prefetch = 0 : i64, scratch_operands = 7 : i64, tpu.core_type = #tpu.core_type<sc_vector_subcore>, window_params = [{transform_indices = #map}, {transform_indices = #map1}, {transform_indices = #map1}, {transform_indices = #map}]} {
    %mul3A = arith.constant 16 : i32
    %mul3A_0 = arith.muli %arg0, %mul3A : i32
    %add3A = arith.addi %mul3A_0, %arg1 : i32
    %mul3A_1 = arith.constant 640 : i32
    %mul3A_2 = arith.muli %arg1, %mul3A_1 : i32
    %scan3A = arith.constant 0 : i32
    %scan3A_3 = arith.constant 128 : i32
    %scan3A_4 = arith.addi %scan3A, %scan3A_3 : i32
    %scan3A_5 = arith.constant 1 : i32
    scf.for %scan3A_58 = %scan3A to %scan3A_4 step %scan3A_5  : i32 {
      %mul3A_59 = arith.constant 1 : i32
      %mul3A_60 = arith.muli %scan3A_58, %mul3A_59 : i32
      %add3A_61 = arith.constant 0 : i32
      %add3A_62 = arith.addi %add3A_61, %mul3A_60 : i32
      %broadcast_in_dim3A = arith.constant 0.000000e+00 : f32
      %broadcast_in_dim3A_63 = vector.broadcast %broadcast_in_dim3A : f32 to vector<16xf32>
      %swap3A = arith.index_cast %add3A_62 : i32 to index
      %swap3A_64 = arith.constant 0 : index
      %swap3A_65 = tpu.vector_load %arg8[%swap3A, %swap3A_64] {strides = array<i32>} : memref<128x128xf32, #tpu.memory_space<vmem>>, vector<1x16xf32>,
      %swap3A_66 = vector.shape_cast %swap3A_65 : vector<1x16xf32> to vector<16xf32>
      %swap3A_67 = vector.shape_cast %broadcast_in_dim3A_63 : vector<16xf32> to vector<1x16xf32>
      tpu.vector_store %arg8[%swap3A, %swap3A_64], %swap3A_67 {strides = array<i32>} : memref<128x128xf32, #tpu.memory_space<vmem>>, vector<1x16xf32>,
      %broadcast_in_dim3A_68 = arith.constant 0.000000e+00 : f32
      %broadcast_in_dim3A_69 = vector.broadcast %broadcast_in_dim3A_68 : f32 to vector<16xf32>
      %swap3A_70 = arith.index_cast %add3A_62 : i32 to index
      %swap3A_71 = arith.constant 16 : index
      %swap3A_72 = tpu.vector_load %arg8[%swap3A_70, %swap3A_71] {strides = array<i32>} : memref<128x128xf32, #tpu.memory_space<vmem>>, vector<1x16xf32>,
      %swap3A_73 = vector.shape_cast %swap3A_72 : vector<1x16xf32> to vector<16xf32>
      %swap3A_74 = vector.shape_cast %broadcast_in_dim3A_69 : vector<16xf32> to vector<1x16xf32>
      tpu.vector_store %arg8[%swap3A_70, %swap3A_71], %swap3A_74 {strides = array<i32>} : memref<128x128xf32, #tpu.memory_space<vmem>>, vector<1x16xf32>,
      %broadcast_in_dim3A_75 = arith.constant 0.000000e+00 : f32
      %broadcast_in_dim3A_76 = vector.broadcast %broadcast_in_dim3A_75 : f32 to vector<16xf32>
      %swap3A_77 = arith.index_cast %add3A_62 : i32 to index
      %swap3A_78 = arith.constant 32 : index
      %swap3A_79 = tpu.vector_load %arg8[%swap3A_77, %swap3A_78] {strides = array<i32>} : memref<128x128xf32, #tpu.memory_space<vmem>>, vector<1x16xf32>,
      %swap3A_80 = vector.shape_cast %swap3A_79 : vector<1x16xf32> to vector<16xf32>
      %swap3A_81 = vector.shape_cast %broadcast_in_dim3A_76 : vector<16xf32> to vector<1x16xf32>
      tpu.vector_store %arg8[%swap3A_77, %swap3A_78], %swap3A_81 {strides = array<i32>} : memref<128x128xf32, #tpu.memory_space<vmem>>, vector<1x16xf32>,
      %broadcast_in_dim3A_82 = arith.constant 0.000000e+00 : f32
      %broadcast_in_dim3A_83 = vector.broadcast %broadcast_in_dim3A_82 : f32 to vector<16xf32>
      %swap3A_84 = arith.index_cast %add3A_62 : i32 to index
      %swap3A_85 = arith.constant 48 : index
      %swap3A_86 = tpu.vector_load %arg8[%swap3A_84, %swap3A_85] {strides = array<i32>} : memref<128x128xf32, #tpu.memory_space<vmem>>, vector<1x16xf32>,
      %swap3A_87 = vector.shape_cast %swap3A_86 : vector<1x16xf32> to vector<16xf32>
      %swap3A_88 = vector.shape_cast %broadcast_in_dim3A_83 : vector<16xf32> to vector<1x16xf32>
      tpu.vector_store %arg8[%swap3A_84, %swap3A_85], %swap3A_88 {strides = array<i32>} : memref<128x128xf32, #tpu.memory_space<vmem>>, vector<1x16xf32>,
      %broadcast_in_dim3A_89 = arith.constant 0.000000e+00 : f32
      %broadcast_in_dim3A_90 = vector.broadcast %broadcast_in_dim3A_89 : f32 to vector<16xf32>
      %swap3A_91 = arith.index_cast %add3A_62 : i32 to index
      %swap3A_92 = arith.constant 64 : index
      %swap3A_93 = tpu.vector_load %arg8[%swap3A_91, %swap3A_92] {strides = array<i32>} : memref<128x128xf32, #tpu.memory_space<vmem>>, vector<1x16xf32>,
      %swap3A_94 = vector.shape_cast %swap3A_93 : vector<1x16xf32> to vector<16xf32>
      %swap3A_95 = vector.shape_cast %broadcast_in_dim3A_90 : vector<16xf32> to vector<1x16xf32>
      tpu.vector_store %arg8[%swap3A_91, %swap3A_92], %swap3A_95 {strides = array<i32>} : memref<128x128xf32, #tpu.memory_space<vmem>>, vector<1x16xf32>,
      %broadcast_in_dim3A_96 = arith.constant 0.000000e+00 : f32
      %broadcast_in_dim3A_97 = vector.broadcast %broadcast_in_dim3A_96 : f32 to vector<16xf32>
      %swap3A_98 = arith.index_cast %add3A_62 : i32 to index
      %swap3A_99 = arith.constant 80 : index
      %swap3A_100 = tpu.vector_load %arg8[%swap3A_98, %swap3A_99] {strides = array<i32>} : memref<128x128xf32, #tpu.memory_space<vmem>>, vector<1x16xf32>,
      %swap3A_101 = vector.shape_cast %swap3A_100 : vector<1x16xf32> to vector<16xf32>
      %swap3A_102 = vector.shape_cast %broadcast_in_dim3A_97 : vector<16xf32> to vector<1x16xf32>
      tpu.vector_store %arg8[%swap3A_98, %swap3A_99], %swap3A_102 {strides = array<i32>} : memref<128x128xf32, #tpu.memory_space<vmem>>, vector<1x16xf32>,
      %broadcast_in_dim3A_103 = arith.constant 0.000000e+00 : f32
      %broadcast_in_dim3A_104 = vector.broadcast %broadcast_in_dim3A_103 : f32 to vector<16xf32>
      %swap3A_105 = arith.index_cast %add3A_62 : i32 to index
      %swap3A_106 = arith.constant 96 : index
      %swap3A_107 = tpu.vector_load %arg8[%swap3A_105, %swap3A_106] {strides = array<i32>} : memref<128x128xf32, #tpu.memory_space<vmem>>, vector<1x16xf32>,
      %swap3A_108 = vector.shape_cast %swap3A_107 : vector<1x16xf32> to vector<16xf32>
      %swap3A_109 = vector.shape_cast %broadcast_in_dim3A_104 : vector<16xf32> to vector<1x16xf32>
      tpu.vector_store %arg8[%swap3A_105, %swap3A_106], %swap3A_109 {strides = array<i32>} : memref<128x128xf32, #tpu.memory_space<vmem>>, vector<1x16xf32>,
      %broadcast_in_dim3A_110 = arith.constant 0.000000e+00 : f32
      %broadcast_in_dim3A_111 = vector.broadcast %broadcast_in_dim3A_110 : f32 to vector<16xf32>
      %swap3A_112 = arith.index_cast %add3A_62 : i32 to index
      %swap3A_113 = arith.constant 112 : index
      %swap3A_114 = tpu.vector_load %arg8[%swap3A_112, %swap3A_113] {strides = array<i32>} : memref<128x128xf32, #tpu.memory_space<vmem>>, vector<1x16xf32>,
      %swap3A_115 = vector.shape_cast %swap3A_114 : vector<1x16xf32> to vector<16xf32>
      %swap3A_116 = vector.shape_cast %broadcast_in_dim3A_111 : vector<16xf32> to vector<1x16xf32>
      tpu.vector_store %arg8[%swap3A_112, %swap3A_113], %swap3A_116 {strides = array<i32>} : memref<128x128xf32, #tpu.memory_space<vmem>>, vector<1x16xf32>,
    }
    %scan3A_6 = arith.constant 128 : i32
    %add3A_7 = arith.constant 0 : i32
    %add3A_8 = arith.addi %mul3A_2, %add3A_7 : i32
    "tpu.region"() ({
      %run_scoped3A = tpu.sem_alloc : memref<!tpu.dma_semaphore, #tpu.memory_space<semaphore_mem>>
      %dma_start3A = arith.constant 0 : i32
      %dma_start3A_58 = tpu.memref_slice %arg10[%add3A_8, %dma_start3A] : memref<10240x128xf32, #tpu.memory_space<vmem_shared>> -> memref<128x128xf32, #tpu.memory_space<vmem_shared>>
      %dma_start3A_59 = arith.constant 0 : i32
      %dma_start3A_60 = tpu.memref_slice %arg10[%add3A_8, %dma_start3A_59] : memref<10240x128xf32, #tpu.memory_space<vmem_shared>> -> memref<128x128xf32, #tpu.memory_space<vmem_shared>>
      tpu.enqueue_dma source(%arg8 : memref<128x128xf32, #tpu.memory_space<vmem>>) target(%dma_start3A_60 : memref<128x128xf32, #tpu.memory_space<vmem_shared>>) target_semaphore(%run_scoped3A : memref<!tpu.dma_semaphore, #tpu.memory_space<semaphore_mem>>)
      %dma_wait3A = arith.constant 0 : i32
      %dma_wait3A_61 = tpu.memref_slice %arg10[%add3A_8, %dma_wait3A] : memref<10240x128xf32, #tpu.memory_space<vmem_shared>> -> memref<128x128xf32, #tpu.memory_space<vmem_shared>>
      %dma_wait3A_62 = arith.constant 0 : i32
      %dma_wait3A_63 = tpu.memref_slice %arg10[%add3A_8, %dma_wait3A_62] : memref<10240x128xf32, #tpu.memory_space<vmem_shared>> -> memref<128x128xf32, #tpu.memory_space<vmem_shared>>
      tpu.wait_dma2 semaphore(%run_scoped3A : memref<!tpu.dma_semaphore, #tpu.memory_space<semaphore_mem>>) src(%arg8 : memref<128x128xf32, #tpu.memory_space<vmem>>) dst(%dma_wait3A_63 : memref<128x128xf32, #tpu.memory_space<vmem_shared>>)
      tpu.yield
    }) : () -> ()
    %add3A_9 = arith.constant 128 : i32
    %add3A_10 = arith.addi %mul3A_2, %add3A_9 : i32
    "tpu.region"() ({
      %run_scoped3A = tpu.sem_alloc : memref<!tpu.dma_semaphore, #tpu.memory_space<semaphore_mem>>
      %dma_start3A = arith.constant 0 : i32
      %dma_start3A_58 = tpu.memref_slice %arg10[%add3A_10, %dma_start3A] : memref<10240x128xf32, #tpu.memory_space<vmem_shared>> -> memref<128x128xf32, #tpu.memory_space<vmem_shared>>
      %dma_start3A_59 = arith.constant 0 : i32
      %dma_start3A_60 = tpu.memref_slice %arg10[%add3A_10, %dma_start3A_59] : memref<10240x128xf32, #tpu.memory_space<vmem_shared>> -> memref<128x128xf32, #tpu.memory_space<vmem_shared>>
      tpu.enqueue_dma source(%arg8 : memref<128x128xf32, #tpu.memory_space<vmem>>) target(%dma_start3A_60 : memref<128x128xf32, #tpu.memory_space<vmem_shared>>) target_semaphore(%run_scoped3A : memref<!tpu.dma_semaphore, #tpu.memory_space<semaphore_mem>>)
      %dma_wait3A = arith.constant 0 : i32
      %dma_wait3A_61 = tpu.memref_slice %arg10[%add3A_10, %dma_wait3A] : memref<10240x128xf32, #tpu.memory_space<vmem_shared>> -> memref<128x128xf32, #tpu.memory_space<vmem_shared>>
      %dma_wait3A_62 = arith.constant 0 : i32
      %dma_wait3A_63 = tpu.memref_slice %arg10[%add3A_10, %dma_wait3A_62] : memref<10240x128xf32, #tpu.memory_space<vmem_shared>> -> memref<128x128xf32, #tpu.memory_space<vmem_shared>>
      tpu.wait_dma2 semaphore(%run_scoped3A : memref<!tpu.dma_semaphore, #tpu.memory_space<semaphore_mem>>) src(%arg8 : memref<128x128xf32, #tpu.memory_space<vmem>>) dst(%dma_wait3A_63 : memref<128x128xf32, #tpu.memory_space<vmem_shared>>)
      tpu.yield
    }) : () -> ()
    %add3A_11 = arith.constant 256 : i32
    %add3A_12 = arith.addi %mul3A_2, %add3A_11 : i32
    "tpu.region"() ({
      %run_scoped3A = tpu.sem_alloc : memref<!tpu.dma_semaphore, #tpu.memory_space<semaphore_mem>>
      %dma_start3A = arith.constant 0 : i32
      %dma_start3A_58 = tpu.memref_slice %arg10[%add3A_12, %dma_start3A] : memref<10240x128xf32, #tpu.memory_space<vmem_shared>> -> memref<128x128xf32, #tpu.memory_space<vmem_shared>>
      %dma_start3A_59 = arith.constant 0 : i32
      %dma_start3A_60 = tpu.memref_slice %arg10[%add3A_12, %dma_start3A_59] : memref<10240x128xf32, #tpu.memory_space<vmem_shared>> -> memref<128x128xf32, #tpu.memory_space<vmem_shared>>
      tpu.enqueue_dma source(%arg8 : memref<128x128xf32, #tpu.memory_space<vmem>>) target(%dma_start3A_60 : memref<128x128xf32, #tpu.memory_space<vmem_shared>>) target_semaphore(%run_scoped3A : memref<!tpu.dma_semaphore, #tpu.memory_space<semaphore_mem>>)
      %dma_wait3A = arith.constant 0 : i32
      %dma_wait3A_61 = tpu.memref_slice %arg10[%add3A_12, %dma_wait3A] : memref<10240x128xf32, #tpu.memory_space<vmem_shared>> -> memref<128x128xf32, #tpu.memory_space<vmem_shared>>
      %dma_wait3A_62 = arith.constant 0 : i32
      %dma_wait3A_63 = tpu.memref_slice %arg10[%add3A_12, %dma_wait3A_62] : memref<10240x128xf32, #tpu.memory_space<vmem_shared>> -> memref<128x128xf32, #tpu.memory_space<vmem_shared>>
      tpu.wait_dma2 semaphore(%run_scoped3A : memref<!tpu.dma_semaphore, #tpu.memory_space<semaphore_mem>>) src(%arg8 : memref<128x128xf32, #tpu.memory_space<vmem>>) dst(%dma_wait3A_63 : memref<128x128xf32, #tpu.memory_space<vmem_shared>>)
      tpu.yield
    }) : () -> ()
    %add3A_13 = arith.constant 384 : i32
    %add3A_14 = arith.addi %mul3A_2, %add3A_13 : i32
    "tpu.region"() ({
      %run_scoped3A = tpu.sem_alloc : memref<!tpu.dma_semaphore, #tpu.memory_space<semaphore_mem>>
      %dma_start3A = arith.constant 0 : i32
      %dma_start3A_58 = tpu.memref_slice %arg10[%add3A_14, %dma_start3A] : memref<10240x128xf32, #tpu.memory_space<vmem_shared>> -> memref<128x128xf32, #tpu.memory_space<vmem_shared>>
      %dma_start3A_59 = arith.constant 0 : i32
      %dma_start3A_60 = tpu.memref_slice %arg10[%add3A_14, %dma_start3A_59] : memref<10240x128xf32, #tpu.memory_space<vmem_shared>> -> memref<128x128xf32, #tpu.memory_space<vmem_shared>>
      tpu.enqueue_dma source(%arg8 : memref<128x128xf32, #tpu.memory_space<vmem>>) target(%dma_start3A_60 : memref<128x128xf32, #tpu.memory_space<vmem_shared>>) target_semaphore(%run_scoped3A : memref<!tpu.dma_semaphore, #tpu.memory_space<semaphore_mem>>)
      %dma_wait3A = arith.constant 0 : i32
      %dma_wait3A_61 = tpu.memref_slice %arg10[%add3A_14, %dma_wait3A] : memref<10240x128xf32, #tpu.memory_space<vmem_shared>> -> memref<128x128xf32, #tpu.memory_space<vmem_shared>>
      %dma_wait3A_62 = arith.constant 0 : i32
      %dma_wait3A_63 = tpu.memref_slice %arg10[%add3A_14, %dma_wait3A_62] : memref<10240x128xf32, #tpu.memory_space<vmem_shared>> -> memref<128x128xf32, #tpu.memory_space<vmem_shared>>
      tpu.wait_dma2 semaphore(%run_scoped3A : memref<!tpu.dma_semaphore, #tpu.memory_space<semaphore_mem>>) src(%arg8 : memref<128x128xf32, #tpu.memory_space<vmem>>) dst(%dma_wait3A_63 : memref<128x128xf32, #tpu.memory_space<vmem_shared>>)
      tpu.yield
    }) : () -> ()
    %add3A_15 = arith.constant 512 : i32
    %add3A_16 = arith.addi %mul3A_2, %add3A_15 : i32
    "tpu.region"() ({
      %run_scoped3A = tpu.sem_alloc : memref<!tpu.dma_semaphore, #tpu.memory_space<semaphore_mem>>
      %dma_start3A = arith.constant 0 : i32
      %dma_start3A_58 = tpu.memref_slice %arg10[%add3A_16, %dma_start3A] : memref<10240x128xf32, #tpu.memory_space<vmem_shared>> -> memref<128x128xf32, #tpu.memory_space<vmem_shared>>
      %dma_start3A_59 = arith.constant 0 : i32
      %dma_start3A_60 = tpu.memref_slice %arg10[%add3A_16, %dma_start3A_59] : memref<10240x128xf32, #tpu.memory_space<vmem_shared>> -> memref<128x128xf32, #tpu.memory_space<vmem_shared>>
      tpu.enqueue_dma source(%arg8 : memref<128x128xf32, #tpu.memory_space<vmem>>) target(%dma_start3A_60 : memref<128x128xf32, #tpu.memory_space<vmem_shared>>) target_semaphore(%run_scoped3A : memref<!tpu.dma_semaphore, #tpu.memory_space<semaphore_mem>>)
      %dma_wait3A = arith.constant 0 : i32
      %dma_wait3A_61 = tpu.memref_slice %arg10[%add3A_16, %dma_wait3A] : memref<10240x128xf32, #tpu.memory_space<vmem_shared>> -> memref<128x128xf32, #tpu.memory_space<vmem_shared>>
      %dma_wait3A_62 = arith.constant 0 : i32
      %dma_wait3A_63 = tpu.memref_slice %arg10[%add3A_16, %dma_wait3A_62] : memref<10240x128xf32, #tpu.memory_space<vmem_shared>> -> memref<128x128xf32, #tpu.memory_space<vmem_shared>>
      tpu.wait_dma2 semaphore(%run_scoped3A : memref<!tpu.dma_semaphore, #tpu.memory_space<semaphore_mem>>) src(%arg8 : memref<128x128xf32, #tpu.memory_space<vmem>>) dst(%dma_wait3A_63 : memref<128x128xf32, #tpu.memory_space<vmem_shared>>)
      tpu.yield
    }) : () -> ()
    %barrier3A = arith.constant 0 : index
    tpu.barrier barrier_id(%barrier3A)
    %scan3A_17 = arith.constant 0 : i32
    %scan3A_18 = arith.constant 10 : i32
    %scan3A_19 = arith.addi %scan3A_17, %scan3A_18 : i32
    %scan3A_20 = arith.constant 1 : i32
    scf.for %scan3A_58 = %scan3A_17 to %scan3A_19 step %scan3A_20  : i32 {
      %mul3A_59 = arith.constant 1 : i32
      %mul3A_60 = arith.muli %scan3A_58, %mul3A_59 : i32
      %add3A_61 = arith.constant 0 : i32
      %add3A_62 = arith.addi %add3A_61, %mul3A_60 : i32
      %mul3A_63 = arith.constant 8 : i32
      %mul3A_64 = arith.muli %add3A_62, %mul3A_63 : i32
      "tpu.region"() ({
        %run_scoped3A_184 = tpu.sem_alloc : memref<!tpu.dma_semaphore, #tpu.memory_space<semaphore_mem>>
        %dma_start3A_185 = arith.constant 0 : i32
        %dma_start3A_186 = tpu.memref_slice %arg3[%add3A, %mul3A_64, %dma_start3A_185] : memref<32x80x128xi32, #tpu.memory_space<hbm>> -> memref<1x8x128xi32, #tpu.memory_space<hbm>>
        %dma_start3A_187 = tpu.memref_squeeze %dma_start3A_186 : memref<1x8x128xi32, #tpu.memory_space<hbm>> -> memref<8x128xi32, #tpu.memory_space<hbm>>
        %dma_start3A_188 = arith.constant 0 : i32
        %dma_start3A_189 = tpu.memref_slice %arg3[%add3A, %mul3A_64, %dma_start3A_188] : memref<32x80x128xi32, #tpu.memory_space<hbm>> -> memref<1x8x128xi32, #tpu.memory_space<hbm>>
        %dma_start3A_190 = tpu.memref_squeeze %dma_start3A_189 : memref<1x8x128xi32, #tpu.memory_space<hbm>> -> memref<8x128xi32, #tpu.memory_space<hbm>>
        tpu.enqueue_dma source(%dma_start3A_190 : memref<8x128xi32, #tpu.memory_space<hbm>>) target(%arg6 : memref<8x128xi32, #tpu.memory_space<vmem>>) target_semaphore(%run_scoped3A_184 : memref<!tpu.dma_semaphore, #tpu.memory_space<semaphore_mem>>)
        %dma_wait3A_191 = arith.constant 0 : i32
        %dma_wait3A_192 = tpu.memref_slice %arg3[%add3A, %mul3A_64, %dma_wait3A_191] : memref<32x80x128xi32, #tpu.memory_space<hbm>> -> memref<1x8x128xi32, #tpu.memory_space<hbm>>
        %dma_wait3A_193 = tpu.memref_squeeze %dma_wait3A_192 : memref<1x8x128xi32, #tpu.memory_space<hbm>> -> memref<8x128xi32, #tpu.memory_space<hbm>>
        %dma_wait3A_194 = arith.constant 0 : i32
        %dma_wait3A_195 = tpu.memref_slice %arg3[%add3A, %mul3A_64, %dma_wait3A_194] : memref<32x80x128xi32, #tpu.memory_space<hbm>> -> memref<1x8x128xi32, #tpu.memory_space<hbm>>
        %dma_wait3A_196 = tpu.memref_squeeze %dma_wait3A_195 : memref<1x8x128xi32, #tpu.memory_space<hbm>> -> memref<8x128xi32, #tpu.memory_space<hbm>>
        tpu.wait_dma2 semaphore(%run_scoped3A_184 : memref<!tpu.dma_semaphore, #tpu.memory_space<semaphore_mem>>) src(%dma_wait3A_196 : memref<8x128xi32, #tpu.memory_space<hbm>>) dst(%arg6 : memref<8x128xi32, #tpu.memory_space<vmem>>)
        tpu.yield
      }) : () -> ()
      %mul3A_65 = arith.constant 8 : i32
      %mul3A_66 = arith.muli %add3A_62, %mul3A_65 : i32
      "tpu.region"() ({
        %run_scoped3A_184 = tpu.sem_alloc : memref<!tpu.dma_semaphore, #tpu.memory_space<semaphore_mem>>
        %dma_start3A_185 = arith.constant 0 : i32
        %dma_start3A_186 = tpu.memref_slice %arg4[%add3A, %mul3A_66, %dma_start3A_185] : memref<32x80x128xi32, #tpu.memory_space<hbm>> -> memref<1x8x128xi32, #tpu.memory_space<hbm>>
        %dma_start3A_187 = tpu.memref_squeeze %dma_start3A_186 : memref<1x8x128xi32, #tpu.memory_space<hbm>> -> memref<8x128xi32, #tpu.memory_space<hbm>>
        %dma_start3A_188 = arith.constant 0 : i32
        %dma_start3A_189 = tpu.memref_slice %arg4[%add3A, %mul3A_66, %dma_start3A_188] : memref<32x80x128xi32, #tpu.memory_space<hbm>> -> memref<1x8x128xi32, #tpu.memory_space<hbm>>
        %dma_start3A_190 = tpu.memref_squeeze %dma_start3A_189 : memref<1x8x128xi32, #tpu.memory_space<hbm>> -> memref<8x128xi32, #tpu.memory_space<hbm>>
        tpu.enqueue_dma source(%dma_start3A_190 : memref<8x128xi32, #tpu.memory_space<hbm>>) target(%arg7 : memref<8x128xi32, #tpu.memory_space<vmem>>) target_semaphore(%run_scoped3A_184 : memref<!tpu.dma_semaphore, #tpu.memory_space<semaphore_mem>>)
        %dma_wait3A_191 = arith.constant 0 : i32
        %dma_wait3A_192 = tpu.memref_slice %arg4[%add3A, %mul3A_66, %dma_wait3A_191] : memref<32x80x128xi32, #tpu.memory_space<hbm>> -> memref<1x8x128xi32, #tpu.memory_space<hbm>>
        %dma_wait3A_193 = tpu.memref_squeeze %dma_wait3A_192 : memref<1x8x128xi32, #tpu.memory_space<hbm>> -> memref<8x128xi32, #tpu.memory_space<hbm>>
        %dma_wait3A_194 = arith.constant 0 : i32
        %dma_wait3A_195 = tpu.memref_slice %arg4[%add3A, %mul3A_66, %dma_wait3A_194] : memref<32x80x128xi32, #tpu.memory_space<hbm>> -> memref<1x8x128xi32, #tpu.memory_space<hbm>>
        %dma_wait3A_196 = tpu.memref_squeeze %dma_wait3A_195 : memref<1x8x128xi32, #tpu.memory_space<hbm>> -> memref<8x128xi32, #tpu.memory_space<hbm>>
        tpu.wait_dma2 semaphore(%run_scoped3A_184 : memref<!tpu.dma_semaphore, #tpu.memory_space<semaphore_mem>>) src(%dma_wait3A_196 : memref<8x128xi32, #tpu.memory_space<hbm>>) dst(%arg7 : memref<8x128xi32, #tpu.memory_space<vmem>>)
        tpu.yield
      }) : () -> ()
      %dma_start3A = arith.constant 0 : i32
      %dma_start3A_67 = arith.constant 0 : i32
      %dma_start3A_68 = tpu.memref_slice %arg6[%dma_start3A, %dma_start3A_67] : memref<8x128xi32, #tpu.memory_space<vmem>> -> memref<1x128xi32, #tpu.memory_space<vmem>>
      %dma_start3A_69 = tpu.memref_squeeze %dma_start3A_68 : memref<1x128xi32, #tpu.memory_space<vmem>> -> memref<128xi32, #tpu.memory_space<vmem>>
      %dma_start3A_70 = arith.constant 0 : i32
      %dma_start3A_71 = arith.constant 0 : i32
      %dma_start3A_72 = tpu.memref_slice %arg2[%dma_start3A_70, %dma_start3A_71] : memref<10000x128xf32, #tpu.memory_space<hbm>> -> memref<10000x128xf32, #tpu.memory_space<hbm>>
      tpu.enqueue_indirect_dma source(%dma_start3A_72 : memref<10000x128xf32, #tpu.memory_space<hbm>>) target(%arg8 : memref<128x128xf32, #tpu.memory_space<vmem>>) offsets(%dma_start3A_69 : memref<128xi32, #tpu.memory_space<vmem>>) semaphore(%arg11 : memref<!tpu.dma_semaphore, #tpu.memory_space<semaphore_mem>>)
      %dma_start3A_73 = arith.constant 1 : i32
      %dma_start3A_74 = arith.constant 0 : i32
      %dma_start3A_75 = tpu.memref_slice %arg6[%dma_start3A_73, %dma_start3A_74] : memref<8x128xi32, #tpu.memory_space<vmem>> -> memref<1x128xi32, #tpu.memory_space<vmem>>
      %dma_start3A_76 = tpu.memref_squeeze %dma_start3A_75 : memref<1x128xi32, #tpu.memory_space<vmem>> -> memref<128xi32, #tpu.memory_space<vmem>>
      %dma_start3A_77 = arith.constant 0 : i32
      %dma_start3A_78 = arith.constant 0 : i32
      %dma_start3A_79 = tpu.memref_slice %arg2[%dma_start3A_77, %dma_start3A_78] : memref<10000x128xf32, #tpu.memory_space<hbm>> -> memref<10000x128xf32, #tpu.memory_space<hbm>>
      tpu.enqueue_indirect_dma source(%dma_start3A_79 : memref<10000x128xf32, #tpu.memory_space<hbm>>) target(%arg9 : memref<128x128xf32, #tpu.memory_space<vmem>>) offsets(%dma_start3A_76 : memref<128xi32, #tpu.memory_space<vmem>>) semaphore(%arg12 : memref<!tpu.dma_semaphore, #tpu.memory_space<semaphore_mem>>)
      %dma_wait3A = arith.constant 0 : i32
      %dma_wait3A_80 = arith.constant 0 : i32
      %dma_wait3A_81 = tpu.memref_slice %arg6[%dma_wait3A, %dma_wait3A_80] : memref<8x128xi32, #tpu.memory_space<vmem>> -> memref<1x128xi32, #tpu.memory_space<vmem>>
      %dma_wait3A_82 = tpu.memref_squeeze %dma_wait3A_81 : memref<1x128xi32, #tpu.memory_space<vmem>> -> memref<128xi32, #tpu.memory_space<vmem>>
      %dma_wait3A_83 = arith.constant 0 : i32
      %dma_wait3A_84 = arith.constant 0 : i32
      %dma_wait3A_85 = tpu.memref_slice %arg2[%dma_wait3A_83, %dma_wait3A_84] : memref<10000x128xf32, #tpu.memory_space<hbm>> -> memref<10000x128xf32, #tpu.memory_space<hbm>>
      tpu.wait_indirect_dma semaphore(%arg11 : memref<!tpu.dma_semaphore, #tpu.memory_space<semaphore_mem>>) src(%dma_wait3A_85 : memref<10000x128xf32, #tpu.memory_space<hbm>>) dst(%arg8 : memref<128x128xf32, #tpu.memory_space<vmem>>)
      %run_scoped3A = arith.constant 0 : i32
      "tpu.region"() ({
        %run_scoped3A_184 = tpu.sem_alloc : memref<!tpu.dma_semaphore, #tpu.memory_space<semaphore_mem>>
        %dma_start3A_185 = arith.constant 0 : i32
        %dma_start3A_186 = tpu.memref_slice %arg7[%run_scoped3A, %dma_start3A_185] : memref<8x128xi32, #tpu.memory_space<vmem>> -> memref<1x128xi32, #tpu.memory_space<vmem>>
        %dma_start3A_187 = tpu.memref_squeeze %dma_start3A_186 : memref<1x128xi32, #tpu.memory_space<vmem>> -> memref<128xi32, #tpu.memory_space<vmem>>
        %dma_start3A_188 = arith.constant 0 : i32
        %dma_start3A_189 = arith.constant 0 : i32
        %dma_start3A_190 = tpu.memref_slice %arg10[%dma_start3A_188, %dma_start3A_189] : memref<10240x128xf32, #tpu.memory_space<vmem_shared>> -> memref<10240x128xf32, #tpu.memory_space<vmem_shared>>
        tpu.enqueue_indirect_dma source(%arg8 : memref<128x128xf32, #tpu.memory_space<vmem>>) target(%dma_start3A_190 : memref<10240x128xf32, #tpu.memory_space<vmem_shared>>) offsets(%dma_start3A_187 : memref<128xi32, #tpu.memory_space<vmem>>) semaphore(%run_scoped3A_184 : memref<!tpu.dma_semaphore, #tpu.memory_space<semaphore_mem>>) {add = true}
        %dma_wait3A_191 = arith.constant 0 : i32
        %dma_wait3A_192 = tpu.memref_slice %arg7[%run_scoped3A, %dma_wait3A_191] : memref<8x128xi32, #tpu.memory_space<vmem>> -> memref<1x128xi32, #tpu.memory_space<vmem>>
        %dma_wait3A_193 = tpu.memref_squeeze %dma_wait3A_192 : memref<1x128xi32, #tpu.memory_space<vmem>> -> memref<128xi32, #tpu.memory_space<vmem>>
        %dma_wait3A_194 = arith.constant 0 : i32
        %dma_wait3A_195 = arith.constant 0 : i32
        %dma_wait3A_196 = tpu.memref_slice %arg10[%dma_wait3A_194, %dma_wait3A_195] : memref<10240x128xf32, #tpu.memory_space<vmem_shared>> -> memref<10240x128xf32, #tpu.memory_space<vmem_shared>>
        tpu.wait_indirect_dma semaphore(%run_scoped3A_184 : memref<!tpu.dma_semaphore, #tpu.memory_space<semaphore_mem>>) src(%arg8 : memref<128x128xf32, #tpu.memory_space<vmem>>) dst(%dma_wait3A_196 : memref<10240x128xf32, #tpu.memory_space<vmem_shared>>)
        tpu.yield
      }) : () -> ()
      %dma_start3A_86 = arith.constant 2 : i32
      %dma_start3A_87 = arith.constant 0 : i32
      %dma_start3A_88 = tpu.memref_slice %arg6[%dma_start3A_86, %dma_start3A_87] : memref<8x128xi32, #tpu.memory_space<vmem>> -> memref<1x128xi32, #tpu.memory_space<vmem>>
      %dma_start3A_89 = tpu.memref_squeeze %dma_start3A_88 : memref<1x128xi32, #tpu.memory_space<vmem>> -> memref<128xi32, #tpu.memory_space<vmem>>
      %dma_start3A_90 = arith.constant 0 : i32
      %dma_start3A_91 = arith.constant 0 : i32
      %dma_start3A_92 = tpu.memref_slice %arg2[%dma_start3A_90, %dma_start3A_91] : memref<10000x128xf32, #tpu.memory_space<hbm>> -> memref<10000x128xf32, #tpu.memory_space<hbm>>
      tpu.enqueue_indirect_dma source(%dma_start3A_92 : memref<10000x128xf32, #tpu.memory_space<hbm>>) target(%arg8 : memref<128x128xf32, #tpu.memory_space<vmem>>) offsets(%dma_start3A_89 : memref<128xi32, #tpu.memory_space<vmem>>) semaphore(%arg11 : memref<!tpu.dma_semaphore, #tpu.memory_space<semaphore_mem>>)
      %dma_wait3A_93 = arith.constant 1 : i32
      %dma_wait3A_94 = arith.constant 0 : i32
      %dma_wait3A_95 = tpu.memref_slice %arg6[%dma_wait3A_93, %dma_wait3A_94] : memref<8x128xi32, #tpu.memory_space<vmem>> -> memref<1x128xi32, #tpu.memory_space<vmem>>
      %dma_wait3A_96 = tpu.memref_squeeze %dma_wait3A_95 : memref<1x128xi32, #tpu.memory_space<vmem>> -> memref<128xi32, #tpu.memory_space<vmem>>
      %dma_wait3A_97 = arith.constant 0 : i32
      %dma_wait3A_98 = arith.constant 0 : i32
      %dma_wait3A_99 = tpu.memref_slice %arg2[%dma_wait3A_97, %dma_wait3A_98] : memref<10000x128xf32, #tpu.memory_space<hbm>> -> memref<10000x128xf32, #tpu.memory_space<hbm>>
      tpu.wait_indirect_dma semaphore(%arg12 : memref<!tpu.dma_semaphore, #tpu.memory_space<semaphore_mem>>) src(%dma_wait3A_99 : memref<10000x128xf32, #tpu.memory_space<hbm>>) dst(%arg9 : memref<128x128xf32, #tpu.memory_space<vmem>>)
      %run_scoped3A_100 = arith.constant 1 : i32
      "tpu.region"() ({
        %run_scoped3A_184 = tpu.sem_alloc : memref<!tpu.dma_semaphore, #tpu.memory_space<semaphore_mem>>
        %dma_start3A_185 = arith.constant 0 : i32
        %dma_start3A_186 = tpu.memref_slice %arg7[%run_scoped3A_100, %dma_start3A_185] : memref<8x128xi32, #tpu.memory_space<vmem>> -> memref<1x128xi32, #tpu.memory_space<vmem>>
        %dma_start3A_187 = tpu.memref_squeeze %dma_start3A_186 : memref<1x128xi32, #tpu.memory_space<vmem>> -> memref<128xi32, #tpu.memory_space<vmem>>
        %dma_start3A_188 = arith.constant 0 : i32
        %dma_start3A_189 = arith.constant 0 : i32
        %dma_start3A_190 = tpu.memref_slice %arg10[%dma_start3A_188, %dma_start3A_189] : memref<10240x128xf32, #tpu.memory_space<vmem_shared>> -> memref<10240x128xf32, #tpu.memory_space<vmem_shared>>
        tpu.enqueue_indirect_dma source(%arg9 : memref<128x128xf32, #tpu.memory_space<vmem>>) target(%dma_start3A_190 : memref<10240x128xf32, #tpu.memory_space<vmem_shared>>) offsets(%dma_start3A_187 : memref<128xi32, #tpu.memory_space<vmem>>) semaphore(%run_scoped3A_184 : memref<!tpu.dma_semaphore, #tpu.memory_space<semaphore_mem>>) {add = true}
        %dma_wait3A_191 = arith.constant 0 : i32
        %dma_wait3A_192 = tpu.memref_slice %arg7[%run_scoped3A_100, %dma_wait3A_191] : memref<8x128xi32, #tpu.memory_space<vmem>> -> memref<1x128xi32, #tpu.memory_space<vmem>>
        %dma_wait3A_193 = tpu.memref_squeeze %dma_wait3A_192 : memref<1x128xi32, #tpu.memory_space<vmem>> -> memref<128xi32, #tpu.memory_space<vmem>>
        %dma_wait3A_194 = arith.constant 0 : i32
        %dma_wait3A_195 = arith.constant 0 : i32
        %dma_wait3A_196 = tpu.memref_slice %arg10[%dma_wait3A_194, %dma_wait3A_195] : memref<10240x128xf32, #tpu.memory_space<vmem_shared>> -> memref<10240x128xf32, #tpu.memory_space<vmem_shared>>
        tpu.wait_indirect_dma semaphore(%run_scoped3A_184 : memref<!tpu.dma_semaphore, #tpu.memory_space<semaphore_mem>>) src(%arg9 : memref<128x128xf32, #tpu.memory_space<vmem>>) dst(%dma_wait3A_196 : memref<10240x128xf32, #tpu.memory_space<vmem_shared>>)
        tpu.yield
      }) : () -> ()
      %dma_start3A_101 = arith.constant 3 : i32
      %dma_start3A_102 = arith.constant 0 : i32
      %dma_start3A_103 = tpu.memref_slice %arg6[%dma_start3A_101, %dma_start3A_102] : memref<8x128xi32, #tpu.memory_space<vmem>> -> memref<1x128xi32, #tpu.memory_space<vmem>>
      %dma_start3A_104 = tpu.memref_squeeze %dma_start3A_103 : memref<1x128xi32, #tpu.memory_space<vmem>> -> memref<128xi32, #tpu.memory_space<vmem>>
      %dma_start3A_105 = arith.constant 0 : i32
      %dma_start3A_106 = arith.constant 0 : i32
      %dma_start3A_107 = tpu.memref_slice %arg2[%dma_start3A_105, %dma_start3A_106] : memref<10000x128xf32, #tpu.memory_space<hbm>> -> memref<10000x128xf32, #tpu.memory_space<hbm>>
      tpu.enqueue_indirect_dma source(%dma_start3A_107 : memref<10000x128xf32, #tpu.memory_space<hbm>>) target(%arg9 : memref<128x128xf32, #tpu.memory_space<vmem>>) offsets(%dma_start3A_104 : memref<128xi32, #tpu.memory_space<vmem>>) semaphore(%arg12 : memref<!tpu.dma_semaphore, #tpu.memory_space<semaphore_mem>>)
      %dma_wait3A_108 = arith.constant 2 : i32
      %dma_wait3A_109 = arith.constant 0 : i32
      %dma_wait3A_110 = tpu.memref_slice %arg6[%dma_wait3A_108, %dma_wait3A_109] : memref<8x128xi32, #tpu.memory_space<vmem>> -> memref<1x128xi32, #tpu.memory_space<vmem>>
      %dma_wait3A_111 = tpu.memref_squeeze %dma_wait3A_110 : memref<1x128xi32, #tpu.memory_space<vmem>> -> memref<128xi32, #tpu.memory_space<vmem>>
      %dma_wait3A_112 = arith.constant 0 : i32
      %dma_wait3A_113 = arith.constant 0 : i32
      %dma_wait3A_114 = tpu.memref_slice %arg2[%dma_wait3A_112, %dma_wait3A_113] : memref<10000x128xf32, #tpu.memory_space<hbm>> -> memref<10000x128xf32, #tpu.memory_space<hbm>>
      tpu.wait_indirect_dma semaphore(%arg11 : memref<!tpu.dma_semaphore, #tpu.memory_space<semaphore_mem>>) src(%dma_wait3A_114 : memref<10000x128xf32, #tpu.memory_space<hbm>>) dst(%arg8 : memref<128x128xf32, #tpu.memory_space<vmem>>)
      %run_scoped3A_115 = arith.constant 2 : i32
      "tpu.region"() ({
        %run_scoped3A_184 = tpu.sem_alloc : memref<!tpu.dma_semaphore, #tpu.memory_space<semaphore_mem>>
        %dma_start3A_185 = arith.constant 0 : i32
        %dma_start3A_186 = tpu.memref_slice %arg7[%run_scoped3A_115, %dma_start3A_185] : memref<8x128xi32, #tpu.memory_space<vmem>> -> memref<1x128xi32, #tpu.memory_space<vmem>>
        %dma_start3A_187 = tpu.memref_squeeze %dma_start3A_186 : memref<1x128xi32, #tpu.memory_space<vmem>> -> memref<128xi32, #tpu.memory_space<vmem>>
        %dma_start3A_188 = arith.constant 0 : i32
        %dma_start3A_189 = arith.constant 0 : i32
        %dma_start3A_190 = tpu.memref_slice %arg10[%dma_start3A_188, %dma_start3A_189] : memref<10240x128xf32, #tpu.memory_space<vmem_shared>> -> memref<10240x128xf32, #tpu.memory_space<vmem_shared>>
        tpu.enqueue_indirect_dma source(%arg8 : memref<128x128xf32, #tpu.memory_space<vmem>>) target(%dma_start3A_190 : memref<10240x128xf32, #tpu.memory_space<vmem_shared>>) offsets(%dma_start3A_187 : memref<128xi32, #tpu.memory_space<vmem>>) semaphore(%run_scoped3A_184 : memref<!tpu.dma_semaphore, #tpu.memory_space<semaphore_mem>>) {add = true}
        %dma_wait3A_191 = arith.constant 0 : i32
        %dma_wait3A_192 = tpu.memref_slice %arg7[%run_scoped3A_115, %dma_wait3A_191] : memref<8x128xi32, #tpu.memory_space<vmem>> -> memref<1x128xi32, #tpu.memory_space<vmem>>
        %dma_wait3A_193 = tpu.memref_squeeze %dma_wait3A_192 : memref<1x128xi32, #tpu.memory_space<vmem>> -> memref<128xi32, #tpu.memory_space<vmem>>
        %dma_wait3A_194 = arith.constant 0 : i32
        %dma_wait3A_195 = arith.constant 0 : i32
        %dma_wait3A_196 = tpu.memref_slice %arg10[%dma_wait3A_194, %dma_wait3A_195] : memref<10240x128xf32, #tpu.memory_space<vmem_shared>> -> memref<10240x128xf32, #tpu.memory_space<vmem_shared>>
        tpu.wait_indirect_dma semaphore(%run_scoped3A_184 : memref<!tpu.dma_semaphore, #tpu.memory_space<semaphore_mem>>) src(%arg8 : memref<128x128xf32, #tpu.memory_space<vmem>>) dst(%dma_wait3A_196 : memref<10240x128xf32, #tpu.memory_space<vmem_shared>>)
        tpu.yield
      }) : () -> ()
      %dma_start3A_116 = arith.constant 4 : i32
      %dma_start3A_117 = arith.constant 0 : i32
      %dma_start3A_118 = tpu.memref_slice %arg6[%dma_start3A_116, %dma_start3A_117] : memref<8x128xi32, #tpu.memory_space<vmem>> -> memref<1x128xi32, #tpu.memory_space<vmem>>
      %dma_start3A_119 = tpu.memref_squeeze %dma_start3A_118 : memref<1x128xi32, #tpu.memory_space<vmem>> -> memref<128xi32, #tpu.memory_space<vmem>>
      %dma_start3A_120 = arith.constant 0 : i32
      %dma_start3A_121 = arith.constant 0 : i32
      %dma_start3A_122 = tpu.memref_slice %arg2[%dma_start3A_120, %dma_start3A_121] : memref<10000x128xf32, #tpu.memory_space<hbm>> -> memref<10000x128xf32, #tpu.memory_space<hbm>>
      tpu.enqueue_indirect_dma source(%dma_start3A_122 : memref<10000x128xf32, #tpu.memory_space<hbm>>) target(%arg8 : memref<128x128xf32, #tpu.memory_space<vmem>>) offsets(%dma_start3A_119 : memref<128xi32, #tpu.memory_space<vmem>>) semaphore(%arg11 : memref<!tpu.dma_semaphore, #tpu.memory_space<semaphore_mem>>)
      %dma_wait3A_123 = arith.constant 3 : i32
      %dma_wait3A_124 = arith.constant 0 : i32
      %dma_wait3A_125 = tpu.memref_slice %arg6[%dma_wait3A_123, %dma_wait3A_124] : memref<8x128xi32, #tpu.memory_space<vmem>> -> memref<1x128xi32, #tpu.memory_space<vmem>>
      %dma_wait3A_126 = tpu.memref_squeeze %dma_wait3A_125 : memref<1x128xi32, #tpu.memory_space<vmem>> -> memref<128xi32, #tpu.memory_space<vmem>>
      %dma_wait3A_127 = arith.constant 0 : i32
      %dma_wait3A_128 = arith.constant 0 : i32
      %dma_wait3A_129 = tpu.memref_slice %arg2[%dma_wait3A_127, %dma_wait3A_128] : memref<10000x128xf32, #tpu.memory_space<hbm>> -> memref<10000x128xf32, #tpu.memory_space<hbm>>
      tpu.wait_indirect_dma semaphore(%arg12 : memref<!tpu.dma_semaphore, #tpu.memory_space<semaphore_mem>>) src(%dma_wait3A_129 : memref<10000x128xf32, #tpu.memory_space<hbm>>) dst(%arg9 : memref<128x128xf32, #tpu.memory_space<vmem>>)
      %run_scoped3A_130 = arith.constant 3 : i32
      "tpu.region"() ({
        %run_scoped3A_184 = tpu.sem_alloc : memref<!tpu.dma_semaphore, #tpu.memory_space<semaphore_mem>>
        %dma_start3A_185 = arith.constant 0 : i32
        %dma_start3A_186 = tpu.memref_slice %arg7[%run_scoped3A_130, %dma_start3A_185] : memref<8x128xi32, #tpu.memory_space<vmem>> -> memref<1x128xi32, #tpu.memory_space<vmem>>
        %dma_start3A_187 = tpu.memref_squeeze %dma_start3A_186 : memref<1x128xi32, #tpu.memory_space<vmem>> -> memref<128xi32, #tpu.memory_space<vmem>>
        %dma_start3A_188 = arith.constant 0 : i32
        %dma_start3A_189 = arith.constant 0 : i32
        %dma_start3A_190 = tpu.memref_slice %arg10[%dma_start3A_188, %dma_start3A_189] : memref<10240x128xf32, #tpu.memory_space<vmem_shared>> -> memref<10240x128xf32, #tpu.memory_space<vmem_shared>>
        tpu.enqueue_indirect_dma source(%arg9 : memref<128x128xf32, #tpu.memory_space<vmem>>) target(%dma_start3A_190 : memref<10240x128xf32, #tpu.memory_space<vmem_shared>>) offsets(%dma_start3A_187 : memref<128xi32, #tpu.memory_space<vmem>>) semaphore(%run_scoped3A_184 : memref<!tpu.dma_semaphore, #tpu.memory_space<semaphore_mem>>) {add = true}
        %dma_wait3A_191 = arith.constant 0 : i32
        %dma_wait3A_192 = tpu.memref_slice %arg7[%run_scoped3A_130, %dma_wait3A_191] : memref<8x128xi32, #tpu.memory_space<vmem>> -> memref<1x128xi32, #tpu.memory_space<vmem>>
        %dma_wait3A_193 = tpu.memref_squeeze %dma_wait3A_192 : memref<1x128xi32, #tpu.memory_space<vmem>> -> memref<128xi32, #tpu.memory_space<vmem>>
        %dma_wait3A_194 = arith.constant 0 : i32
        %dma_wait3A_195 = arith.constant 0 : i32
        %dma_wait3A_196 = tpu.memref_slice %arg10[%dma_wait3A_194, %dma_wait3A_195] : memref<10240x128xf32, #tpu.memory_space<vmem_shared>> -> memref<10240x128xf32, #tpu.memory_space<vmem_shared>>
        tpu.wait_indirect_dma semaphore(%run_scoped3A_184 : memref<!tpu.dma_semaphore, #tpu.memory_space<semaphore_mem>>) src(%arg9 : memref<128x128xf32, #tpu.memory_space<vmem>>) dst(%dma_wait3A_196 : memref<10240x128xf32, #tpu.memory_space<vmem_shared>>)
        tpu.yield
      }) : () -> ()
      %dma_start3A_131 = arith.constant 5 : i32
      %dma_start3A_132 = arith.constant 0 : i32
      %dma_start3A_133 = tpu.memref_slice %arg6[%dma_start3A_131, %dma_start3A_132] : memref<8x128xi32, #tpu.memory_space<vmem>> -> memref<1x128xi32, #tpu.memory_space<vmem>>
      %dma_start3A_134 = tpu.memref_squeeze %dma_start3A_133 : memref<1x128xi32, #tpu.memory_space<vmem>> -> memref<128xi32, #tpu.memory_space<vmem>>
      %dma_start3A_135 = arith.constant 0 : i32
      %dma_start3A_136 = arith.constant 0 : i32
      %dma_start3A_137 = tpu.memref_slice %arg2[%dma_start3A_135, %dma_start3A_136] : memref<10000x128xf32, #tpu.memory_space<hbm>> -> memref<10000x128xf32, #tpu.memory_space<hbm>>
      tpu.enqueue_indirect_dma source(%dma_start3A_137 : memref<10000x128xf32, #tpu.memory_space<hbm>>) target(%arg9 : memref<128x128xf32, #tpu.memory_space<vmem>>) offsets(%dma_start3A_134 : memref<128xi32, #tpu.memory_space<vmem>>) semaphore(%arg12 : memref<!tpu.dma_semaphore, #tpu.memory_space<semaphore_mem>>)
      %dma_wait3A_138 = arith.constant 4 : i32
      %dma_wait3A_139 = arith.constant 0 : i32
      %dma_wait3A_140 = tpu.memref_slice %arg6[%dma_wait3A_138, %dma_wait3A_139] : memref<8x128xi32, #tpu.memory_space<vmem>> -> memref<1x128xi32, #tpu.memory_space<vmem>>
      %dma_wait3A_141 = tpu.memref_squeeze %dma_wait3A_140 : memref<1x128xi32, #tpu.memory_space<vmem>> -> memref<128xi32, #tpu.memory_space<vmem>>
      %dma_wait3A_142 = arith.constant 0 : i32
      %dma_wait3A_143 = arith.constant 0 : i32
      %dma_wait3A_144 = tpu.memref_slice %arg2[%dma_wait3A_142, %dma_wait3A_143] : memref<10000x128xf32, #tpu.memory_space<hbm>> -> memref<10000x128xf32, #tpu.memory_space<hbm>>
      tpu.wait_indirect_dma semaphore(%arg11 : memref<!tpu.dma_semaphore, #tpu.memory_space<semaphore_mem>>) src(%dma_wait3A_144 : memref<10000x128xf32, #tpu.memory_space<hbm>>) dst(%arg8 : memref<128x128xf32, #tpu.memory_space<vmem>>)
      %run_scoped3A_145 = arith.constant 4 : i32
      "tpu.region"() ({
        %run_scoped3A_184 = tpu.sem_alloc : memref<!tpu.dma_semaphore, #tpu.memory_space<semaphore_mem>>
        %dma_start3A_185 = arith.constant 0 : i32
        %dma_start3A_186 = tpu.memref_slice %arg7[%run_scoped3A_145, %dma_start3A_185] : memref<8x128xi32, #tpu.memory_space<vmem>> -> memref<1x128xi32, #tpu.memory_space<vmem>>
        %dma_start3A_187 = tpu.memref_squeeze %dma_start3A_186 : memref<1x128xi32, #tpu.memory_space<vmem>> -> memref<128xi32, #tpu.memory_space<vmem>>
        %dma_start3A_188 = arith.constant 0 : i32
        %dma_start3A_189 = arith.constant 0 : i32
        %dma_start3A_190 = tpu.memref_slice %arg10[%dma_start3A_188, %dma_start3A_189] : memref<10240x128xf32, #tpu.memory_space<vmem_shared>> -> memref<10240x128xf32, #tpu.memory_space<vmem_shared>>
        tpu.enqueue_indirect_dma source(%arg8 : memref<128x128xf32, #tpu.memory_space<vmem>>) target(%dma_start3A_190 : memref<10240x128xf32, #tpu.memory_space<vmem_shared>>) offsets(%dma_start3A_187 : memref<128xi32, #tpu.memory_space<vmem>>) semaphore(%run_scoped3A_184 : memref<!tpu.dma_semaphore, #tpu.memory_space<semaphore_mem>>) {add = true}
        %dma_wait3A_191 = arith.constant 0 : i32
        %dma_wait3A_192 = tpu.memref_slice %arg7[%run_scoped3A_145, %dma_wait3A_191] : memref<8x128xi32, #tpu.memory_space<vmem>> -> memref<1x128xi32, #tpu.memory_space<vmem>>
        %dma_wait3A_193 = tpu.memref_squeeze %dma_wait3A_192 : memref<1x128xi32, #tpu.memory_space<vmem>> -> memref<128xi32, #tpu.memory_space<vmem>>
        %dma_wait3A_194 = arith.constant 0 : i32
        %dma_wait3A_195 = arith.constant 0 : i32
        %dma_wait3A_196 = tpu.memref_slice %arg10[%dma_wait3A_194, %dma_wait3A_195] : memref<10240x128xf32, #tpu.memory_space<vmem_shared>> -> memref<10240x128xf32, #tpu.memory_space<vmem_shared>>
        tpu.wait_indirect_dma semaphore(%run_scoped3A_184 : memref<!tpu.dma_semaphore, #tpu.memory_space<semaphore_mem>>) src(%arg8 : memref<128x128xf32, #tpu.memory_space<vmem>>) dst(%dma_wait3A_196 : memref<10240x128xf32, #tpu.memory_space<vmem_shared>>)
        tpu.yield
      }) : () -> ()
      %dma_start3A_146 = arith.constant 6 : i32
      %dma_start3A_147 = arith.constant 0 : i32
      %dma_start3A_148 = tpu.memref_slice %arg6[%dma_start3A_146, %dma_start3A_147] : memref<8x128xi32, #tpu.memory_space<vmem>> -> memref<1x128xi32, #tpu.memory_space<vmem>>
      %dma_start3A_149 = tpu.memref_squeeze %dma_start3A_148 : memref<1x128xi32, #tpu.memory_space<vmem>> -> memref<128xi32, #tpu.memory_space<vmem>>
      %dma_start3A_150 = arith.constant 0 : i32
      %dma_start3A_151 = arith.constant 0 : i32
      %dma_start3A_152 = tpu.memref_slice %arg2[%dma_start3A_150, %dma_start3A_151] : memref<10000x128xf32, #tpu.memory_space<hbm>> -> memref<10000x128xf32, #tpu.memory_space<hbm>>
      tpu.enqueue_indirect_dma source(%dma_start3A_152 : memref<10000x128xf32, #tpu.memory_space<hbm>>) target(%arg8 : memref<128x128xf32, #tpu.memory_space<vmem>>) offsets(%dma_start3A_149 : memref<128xi32, #tpu.memory_space<vmem>>) semaphore(%arg11 : memref<!tpu.dma_semaphore, #tpu.memory_space<semaphore_mem>>)
      %dma_wait3A_153 = arith.constant 5 : i32
      %dma_wait3A_154 = arith.constant 0 : i32
      %dma_wait3A_155 = tpu.memref_slice %arg6[%dma_wait3A_153, %dma_wait3A_154] : memref<8x128xi32, #tpu.memory_space<vmem>> -> memref<1x128xi32, #tpu.memory_space<vmem>>
      %dma_wait3A_156 = tpu.memref_squeeze %dma_wait3A_155 : memref<1x128xi32, #tpu.memory_space<vmem>> -> memref<128xi32, #tpu.memory_space<vmem>>
      %dma_wait3A_157 = arith.constant 0 : i32
      %dma_wait3A_158 = arith.constant 0 : i32
      %dma_wait3A_159 = tpu.memref_slice %arg2[%dma_wait3A_157, %dma_wait3A_158] : memref<10000x128xf32, #tpu.memory_space<hbm>> -> memref<10000x128xf32, #tpu.memory_space<hbm>>
      tpu.wait_indirect_dma semaphore(%arg12 : memref<!tpu.dma_semaphore, #tpu.memory_space<semaphore_mem>>) src(%dma_wait3A_159 : memref<10000x128xf32, #tpu.memory_space<hbm>>) dst(%arg9 : memref<128x128xf32, #tpu.memory_space<vmem>>)
      %run_scoped3A_160 = arith.constant 5 : i32
      "tpu.region"() ({
        %run_scoped3A_184 = tpu.sem_alloc : memref<!tpu.dma_semaphore, #tpu.memory_space<semaphore_mem>>
        %dma_start3A_185 = arith.constant 0 : i32
        %dma_start3A_186 = tpu.memref_slice %arg7[%run_scoped3A_160, %dma_start3A_185] : memref<8x128xi32, #tpu.memory_space<vmem>> -> memref<1x128xi32, #tpu.memory_space<vmem>>
        %dma_start3A_187 = tpu.memref_squeeze %dma_start3A_186 : memref<1x128xi32, #tpu.memory_space<vmem>> -> memref<128xi32, #tpu.memory_space<vmem>>
        %dma_start3A_188 = arith.constant 0 : i32
        %dma_start3A_189 = arith.constant 0 : i32
        %dma_start3A_190 = tpu.memref_slice %arg10[%dma_start3A_188, %dma_start3A_189] : memref<10240x128xf32, #tpu.memory_space<vmem_shared>> -> memref<10240x128xf32, #tpu.memory_space<vmem_shared>>
        tpu.enqueue_indirect_dma source(%arg9 : memref<128x128xf32, #tpu.memory_space<vmem>>) target(%dma_start3A_190 : memref<10240x128xf32, #tpu.memory_space<vmem_shared>>) offsets(%dma_start3A_187 : memref<128xi32, #tpu.memory_space<vmem>>) semaphore(%run_scoped3A_184 : memref<!tpu.dma_semaphore, #tpu.memory_space<semaphore_mem>>) {add = true}
        %dma_wait3A_191 = arith.constant 0 : i32
        %dma_wait3A_192 = tpu.memref_slice %arg7[%run_scoped3A_160, %dma_wait3A_191] : memref<8x128xi32, #tpu.memory_space<vmem>> -> memref<1x128xi32, #tpu.memory_space<vmem>>
        %dma_wait3A_193 = tpu.memref_squeeze %dma_wait3A_192 : memref<1x128xi32, #tpu.memory_space<vmem>> -> memref<128xi32, #tpu.memory_space<vmem>>
        %dma_wait3A_194 = arith.constant 0 : i32
        %dma_wait3A_195 = arith.constant 0 : i32
        %dma_wait3A_196 = tpu.memref_slice %arg10[%dma_wait3A_194, %dma_wait3A_195] : memref<10240x128xf32, #tpu.memory_space<vmem_shared>> -> memref<10240x128xf32, #tpu.memory_space<vmem_shared>>
        tpu.wait_indirect_dma semaphore(%run_scoped3A_184 : memref<!tpu.dma_semaphore, #tpu.memory_space<semaphore_mem>>) src(%arg9 : memref<128x128xf32, #tpu.memory_space<vmem>>) dst(%dma_wait3A_196 : memref<10240x128xf32, #tpu.memory_space<vmem_shared>>)
        tpu.yield
      }) : () -> ()
      %dma_start3A_161 = arith.constant 7 : i32
      %dma_start3A_162 = arith.constant 0 : i32
      %dma_start3A_163 = tpu.memref_slice %arg6[%dma_start3A_161, %dma_start3A_162] : memref<8x128xi32, #tpu.memory_space<vmem>> -> memref<1x128xi32, #tpu.memory_space<vmem>>
      %dma_start3A_164 = tpu.memref_squeeze %dma_start3A_163 : memref<1x128xi32, #tpu.memory_space<vmem>> -> memref<128xi32, #tpu.memory_space<vmem>>
      %dma_start3A_165 = arith.constant 0 : i32
      %dma_start3A_166 = arith.constant 0 : i32
      %dma_start3A_167 = tpu.memref_slice %arg2[%dma_start3A_165, %dma_start3A_166] : memref<10000x128xf32, #tpu.memory_space<hbm>> -> memref<10000x128xf32, #tpu.memory_space<hbm>>
      tpu.enqueue_indirect_dma source(%dma_start3A_167 : memref<10000x128xf32, #tpu.memory_space<hbm>>) target(%arg9 : memref<128x128xf32, #tpu.memory_space<vmem>>) offsets(%dma_start3A_164 : memref<128xi32, #tpu.memory_space<vmem>>) semaphore(%arg12 : memref<!tpu.dma_semaphore, #tpu.memory_space<semaphore_mem>>)
      %dma_wait3A_168 = arith.constant 6 : i32
      %dma_wait3A_169 = arith.constant 0 : i32
      %dma_wait3A_170 = tpu.memref_slice %arg6[%dma_wait3A_168, %dma_wait3A_169] : memref<8x128xi32, #tpu.memory_space<vmem>> -> memref<1x128xi32, #tpu.memory_space<vmem>>
      %dma_wait3A_171 = tpu.memref_squeeze %dma_wait3A_170 : memref<1x128xi32, #tpu.memory_space<vmem>> -> memref<128xi32, #tpu.memory_space<vmem>>
      %dma_wait3A_172 = arith.constant 0 : i32
      %dma_wait3A_173 = arith.constant 0 : i32
      %dma_wait3A_174 = tpu.memref_slice %arg2[%dma_wait3A_172, %dma_wait3A_173] : memref<10000x128xf32, #tpu.memory_space<hbm>> -> memref<10000x128xf32, #tpu.memory_space<hbm>>
      tpu.wait_indirect_dma semaphore(%arg11 : memref<!tpu.dma_semaphore, #tpu.memory_space<semaphore_mem>>) src(%dma_wait3A_174 : memref<10000x128xf32, #tpu.memory_space<hbm>>) dst(%arg8 : memref<128x128xf32, #tpu.memory_space<vmem>>)
      %run_scoped3A_175 = arith.constant 6 : i32
      "tpu.region"() ({
        %run_scoped3A_184 = tpu.sem_alloc : memref<!tpu.dma_semaphore, #tpu.memory_space<semaphore_mem>>
        %dma_start3A_185 = arith.constant 0 : i32
        %dma_start3A_186 = tpu.memref_slice %arg7[%run_scoped3A_175, %dma_start3A_185] : memref<8x128xi32, #tpu.memory_space<vmem>> -> memref<1x128xi32, #tpu.memory_space<vmem>>
        %dma_start3A_187 = tpu.memref_squeeze %dma_start3A_186 : memref<1x128xi32, #tpu.memory_space<vmem>> -> memref<128xi32, #tpu.memory_space<vmem>>
        %dma_start3A_188 = arith.constant 0 : i32
        %dma_start3A_189 = arith.constant 0 : i32
        %dma_start3A_190 = tpu.memref_slice %arg10[%dma_start3A_188, %dma_start3A_189] : memref<10240x128xf32, #tpu.memory_space<vmem_shared>> -> memref<10240x128xf32, #tpu.memory_space<vmem_shared>>
        tpu.enqueue_indirect_dma source(%arg8 : memref<128x128xf32, #tpu.memory_space<vmem>>) target(%dma_start3A_190 : memref<10240x128xf32, #tpu.memory_space<vmem_shared>>) offsets(%dma_start3A_187 : memref<128xi32, #tpu.memory_space<vmem>>) semaphore(%run_scoped3A_184 : memref<!tpu.dma_semaphore, #tpu.memory_space<semaphore_mem>>) {add = true}
        %dma_wait3A_191 = arith.constant 0 : i32
        %dma_wait3A_192 = tpu.memref_slice %arg7[%run_scoped3A_175, %dma_wait3A_191] : memref<8x128xi32, #tpu.memory_space<vmem>> -> memref<1x128xi32, #tpu.memory_space<vmem>>
        %dma_wait3A_193 = tpu.memref_squeeze %dma_wait3A_192 : memref<1x128xi32, #tpu.memory_space<vmem>> -> memref<128xi32, #tpu.memory_space<vmem>>
        %dma_wait3A_194 = arith.constant 0 : i32
        %dma_wait3A_195 = arith.constant 0 : i32
        %dma_wait3A_196 = tpu.memref_slice %arg10[%dma_wait3A_194, %dma_wait3A_195] : memref<10240x128xf32, #tpu.memory_space<vmem_shared>> -> memref<10240x128xf32, #tpu.memory_space<vmem_shared>>
        tpu.wait_indirect_dma semaphore(%run_scoped3A_184 : memref<!tpu.dma_semaphore, #tpu.memory_space<semaphore_mem>>) src(%arg8 : memref<128x128xf32, #tpu.memory_space<vmem>>) dst(%dma_wait3A_196 : memref<10240x128xf32, #tpu.memory_space<vmem_shared>>)
        tpu.yield
      }) : () -> ()
      %dma_wait3A_176 = arith.constant 7 : i32
      %dma_wait3A_177 = arith.constant 0 : i32
      %dma_wait3A_178 = tpu.memref_slice %arg6[%dma_wait3A_176, %dma_wait3A_177] : memref<8x128xi32, #tpu.memory_space<vmem>> -> memref<1x128xi32, #tpu.memory_space<vmem>>
      %dma_wait3A_179 = tpu.memref_squeeze %dma_wait3A_178 : memref<1x128xi32, #tpu.memory_space<vmem>> -> memref<128xi32, #tpu.memory_space<vmem>>
      %dma_wait3A_180 = arith.constant 0 : i32
      %dma_wait3A_181 = arith.constant 0 : i32
      %dma_wait3A_182 = tpu.memref_slice %arg2[%dma_wait3A_180, %dma_wait3A_181] : memref<10000x128xf32, #tpu.memory_space<hbm>> -> memref<10000x128xf32, #tpu.memory_space<hbm>>
      tpu.wait_indirect_dma semaphore(%arg12 : memref<!tpu.dma_semaphore, #tpu.memory_space<semaphore_mem>>) src(%dma_wait3A_182 : memref<10000x128xf32, #tpu.memory_space<hbm>>) dst(%arg9 : memref<128x128xf32, #tpu.memory_space<vmem>>)
      %run_scoped3A_183 = arith.constant 7 : i32
      "tpu.region"() ({
        %run_scoped3A_184 = tpu.sem_alloc : memref<!tpu.dma_semaphore, #tpu.memory_space<semaphore_mem>>
        %dma_start3A_185 = arith.constant 0 : i32
        %dma_start3A_186 = tpu.memref_slice %arg7[%run_scoped3A_183, %dma_start3A_185] : memref<8x128xi32, #tpu.memory_space<vmem>> -> memref<1x128xi32, #tpu.memory_space<vmem>>
        %dma_start3A_187 = tpu.memref_squeeze %dma_start3A_186 : memref<1x128xi32, #tpu.memory_space<vmem>> -> memref<128xi32, #tpu.memory_space<vmem>>
        %dma_start3A_188 = arith.constant 0 : i32
        %dma_start3A_189 = arith.constant 0 : i32
        %dma_start3A_190 = tpu.memref_slice %arg10[%dma_start3A_188, %dma_start3A_189] : memref<10240x128xf32, #tpu.memory_space<vmem_shared>> -> memref<10240x128xf32, #tpu.memory_space<vmem_shared>>
        tpu.enqueue_indirect_dma source(%arg9 : memref<128x128xf32, #tpu.memory_space<vmem>>) target(%dma_start3A_190 : memref<10240x128xf32, #tpu.memory_space<vmem_shared>>) offsets(%dma_start3A_187 : memref<128xi32, #tpu.memory_space<vmem>>) semaphore(%run_scoped3A_184 : memref<!tpu.dma_semaphore, #tpu.memory_space<semaphore_mem>>) {add = true}
        %dma_wait3A_191 = arith.constant 0 : i32
        %dma_wait3A_192 = tpu.memref_slice %arg7[%run_scoped3A_183, %dma_wait3A_191] : memref<8x128xi32, #tpu.memory_space<vmem>> -> memref<1x128xi32, #tpu.memory_space<vmem>>
        %dma_wait3A_193 = tpu.memref_squeeze %dma_wait3A_192 : memref<1x128xi32, #tpu.memory_space<vmem>> -> memref<128xi32, #tpu.memory_space<vmem>>
        %dma_wait3A_194 = arith.constant 0 : i32
        %dma_wait3A_195 = arith.constant 0 : i32
        %dma_wait3A_196 = tpu.memref_slice %arg10[%dma_wait3A_194, %dma_wait3A_195] : memref<10240x128xf32, #tpu.memory_space<vmem_shared>> -> memref<10240x128xf32, #tpu.memory_space<vmem_shared>>
        tpu.wait_indirect_dma semaphore(%run_scoped3A_184 : memref<!tpu.dma_semaphore, #tpu.memory_space<semaphore_mem>>) src(%arg9 : memref<128x128xf32, #tpu.memory_space<vmem>>) dst(%dma_wait3A_196 : memref<10240x128xf32, #tpu.memory_space<vmem_shared>>)
        tpu.yield
      }) : () -> ()
    }
    %scan3A_21 = arith.constant 10 : i32
    %barrier3A_22 = arith.constant 0 : index
    tpu.barrier barrier_id(%barrier3A_22)
    %add3A_23 = arith.constant 0 : i32
    %add3A_24 = arith.addi %mul3A_2, %add3A_23 : i32
    "tpu.region"() ({
      %run_scoped3A = tpu.sem_alloc : memref<!tpu.dma_semaphore, #tpu.memory_space<semaphore_mem>>
      %dma_start3A = arith.constant 0 : i32
      %dma_start3A_58 = tpu.memref_slice %arg10[%add3A_24, %dma_start3A] : memref<10240x128xf32, #tpu.memory_space<vmem_shared>> -> memref<128x128xf32, #tpu.memory_space<vmem_shared>>
      %dma_start3A_59 = arith.constant 0 : i32
      %dma_start3A_60 = tpu.memref_slice %arg10[%add3A_24, %dma_start3A_59] : memref<10240x128xf32, #tpu.memory_space<vmem_shared>> -> memref<128x128xf32, #tpu.memory_space<vmem_shared>>
      tpu.enqueue_dma source(%dma_start3A_60 : memref<128x128xf32, #tpu.memory_space<vmem_shared>>) target(%arg8 : memref<128x128xf32, #tpu.memory_space<vmem>>) target_semaphore(%run_scoped3A : memref<!tpu.dma_semaphore, #tpu.memory_space<semaphore_mem>>)
      %dma_wait3A = arith.constant 0 : i32
      %dma_wait3A_61 = tpu.memref_slice %arg10[%add3A_24, %dma_wait3A] : memref<10240x128xf32, #tpu.memory_space<vmem_shared>> -> memref<128x128xf32, #tpu.memory_space<vmem_shared>>
      %dma_wait3A_62 = arith.constant 0 : i32
      %dma_wait3A_63 = tpu.memref_slice %arg10[%add3A_24, %dma_wait3A_62] : memref<10240x128xf32, #tpu.memory_space<vmem_shared>> -> memref<128x128xf32, #tpu.memory_space<vmem_shared>>
      tpu.wait_dma2 semaphore(%run_scoped3A : memref<!tpu.dma_semaphore, #tpu.memory_space<semaphore_mem>>) src(%dma_wait3A_63 : memref<128x128xf32, #tpu.memory_space<vmem_shared>>) dst(%arg8 : memref<128x128xf32, #tpu.memory_space<vmem>>)
      tpu.yield
    }) : () -> ()
    %mul3A_25 = arith.constant 10240 : i32
    %mul3A_26 = arith.muli %arg0, %mul3A_25 : i32
    %add3A_27 = arith.addi %mul3A_26, %mul3A_2 : i32
    %add3A_28 = arith.constant 0 : i32
    %add3A_29 = arith.addi %add3A_27, %add3A_28 : i32
    "tpu.region"() ({
      %run_scoped3A = tpu.sem_alloc : memref<!tpu.dma_semaphore, #tpu.memory_space<semaphore_mem>>
      %dma_start3A = arith.constant 0 : i32
      %dma_start3A_58 = tpu.memref_slice %arg5[%add3A_29, %dma_start3A] : memref<20480x128xf32, #tpu.memory_space<hbm>> -> memref<128x128xf32, #tpu.memory_space<hbm>>
      %dma_start3A_59 = arith.constant 0 : i32
      %dma_start3A_60 = tpu.memref_slice %arg5[%add3A_29, %dma_start3A_59] : memref<20480x128xf32, #tpu.memory_space<hbm>> -> memref<128x128xf32, #tpu.memory_space<hbm>>
      tpu.enqueue_dma source(%arg8 : memref<128x128xf32, #tpu.memory_space<vmem>>) target(%dma_start3A_60 : memref<128x128xf32, #tpu.memory_space<hbm>>) target_semaphore(%run_scoped3A : memref<!tpu.dma_semaphore, #tpu.memory_space<semaphore_mem>>)
      %dma_wait3A = arith.constant 0 : i32
      %dma_wait3A_61 = tpu.memref_slice %arg5[%add3A_29, %dma_wait3A] : memref<20480x128xf32, #tpu.memory_space<hbm>> -> memref<128x128xf32, #tpu.memory_space<hbm>>
      %dma_wait3A_62 = arith.constant 0 : i32
      %dma_wait3A_63 = tpu.memref_slice %arg5[%add3A_29, %dma_wait3A_62] : memref<20480x128xf32, #tpu.memory_space<hbm>> -> memref<128x128xf32, #tpu.memory_space<hbm>>
      tpu.wait_dma2 semaphore(%run_scoped3A : memref<!tpu.dma_semaphore, #tpu.memory_space<semaphore_mem>>) src(%arg8 : memref<128x128xf32, #tpu.memory_space<vmem>>) dst(%dma_wait3A_63 : memref<128x128xf32, #tpu.memory_space<hbm>>)
      tpu.yield
    }) : () -> ()
    %add3A_30 = arith.constant 128 : i32
    %add3A_31 = arith.addi %mul3A_2, %add3A_30 : i32
    "tpu.region"() ({
      %run_scoped3A = tpu.sem_alloc : memref<!tpu.dma_semaphore, #tpu.memory_space<semaphore_mem>>
      %dma_start3A = arith.constant 0 : i32
      %dma_start3A_58 = tpu.memref_slice %arg10[%add3A_31, %dma_start3A] : memref<10240x128xf32, #tpu.memory_space<vmem_shared>> -> memref<128x128xf32, #tpu.memory_space<vmem_shared>>
      %dma_start3A_59 = arith.constant 0 : i32
      %dma_start3A_60 = tpu.memref_slice %arg10[%add3A_31, %dma_start3A_59] : memref<10240x128xf32, #tpu.memory_space<vmem_shared>> -> memref<128x128xf32, #tpu.memory_space<vmem_shared>>
      tpu.enqueue_dma source(%dma_start3A_60 : memref<128x128xf32, #tpu.memory_space<vmem_shared>>) target(%arg8 : memref<128x128xf32, #tpu.memory_space<vmem>>) target_semaphore(%run_scoped3A : memref<!tpu.dma_semaphore, #tpu.memory_space<semaphore_mem>>)
      %dma_wait3A = arith.constant 0 : i32
      %dma_wait3A_61 = tpu.memref_slice %arg10[%add3A_31, %dma_wait3A] : memref<10240x128xf32, #tpu.memory_space<vmem_shared>> -> memref<128x128xf32, #tpu.memory_space<vmem_shared>>
      %dma_wait3A_62 = arith.constant 0 : i32
      %dma_wait3A_63 = tpu.memref_slice %arg10[%add3A_31, %dma_wait3A_62] : memref<10240x128xf32, #tpu.memory_space<vmem_shared>> -> memref<128x128xf32, #tpu.memory_space<vmem_shared>>
      tpu.wait_dma2 semaphore(%run_scoped3A : memref<!tpu.dma_semaphore, #tpu.memory_space<semaphore_mem>>) src(%dma_wait3A_63 : memref<128x128xf32, #tpu.memory_space<vmem_shared>>) dst(%arg8 : memref<128x128xf32, #tpu.memory_space<vmem>>)
      tpu.yield
    }) : () -> ()
    %mul3A_32 = arith.constant 10240 : i32
    %mul3A_33 = arith.muli %arg0, %mul3A_32 : i32
    %add3A_34 = arith.addi %mul3A_33, %mul3A_2 : i32
    %add3A_35 = arith.constant 128 : i32
    %add3A_36 = arith.addi %add3A_34, %add3A_35 : i32
    "tpu.region"() ({
      %run_scoped3A = tpu.sem_alloc : memref<!tpu.dma_semaphore, #tpu.memory_space<semaphore_mem>>
      %dma_start3A = arith.constant 0 : i32
      %dma_start3A_58 = tpu.memref_slice %arg5[%add3A_36, %dma_start3A] : memref<20480x128xf32, #tpu.memory_space<hbm>> -> memref<128x128xf32, #tpu.memory_space<hbm>>
      %dma_start3A_59 = arith.constant 0 : i32
      %dma_start3A_60 = tpu.memref_slice %arg5[%add3A_36, %dma_start3A_59] : memref<20480x128xf32, #tpu.memory_space<hbm>> -> memref<128x128xf32, #tpu.memory_space<hbm>>
      tpu.enqueue_dma source(%arg8 : memref<128x128xf32, #tpu.memory_space<vmem>>) target(%dma_start3A_60 : memref<128x128xf32, #tpu.memory_space<hbm>>) target_semaphore(%run_scoped3A : memref<!tpu.dma_semaphore, #tpu.memory_space<semaphore_mem>>)
      %dma_wait3A = arith.constant 0 : i32
      %dma_wait3A_61 = tpu.memref_slice %arg5[%add3A_36, %dma_wait3A] : memref<20480x128xf32, #tpu.memory_space<hbm>> -> memref<128x128xf32, #tpu.memory_space<hbm>>
      %dma_wait3A_62 = arith.constant 0 : i32
      %dma_wait3A_63 = tpu.memref_slice %arg5[%add3A_36, %dma_wait3A_62] : memref<20480x128xf32, #tpu.memory_space<hbm>> -> memref<128x128xf32, #tpu.memory_space<hbm>>
      tpu.wait_dma2 semaphore(%run_scoped3A : memref<!tpu.dma_semaphore, #tpu.memory_space<semaphore_mem>>) src(%arg8 : memref<128x128xf32, #tpu.memory_space<vmem>>) dst(%dma_wait3A_63 : memref<128x128xf32, #tpu.memory_space<hbm>>)
      tpu.yield
    }) : () -> ()
    %add3A_37 = arith.constant 256 : i32
    %add3A_38 = arith.addi %mul3A_2, %add3A_37 : i32
    "tpu.region"() ({
      %run_scoped3A = tpu.sem_alloc : memref<!tpu.dma_semaphore, #tpu.memory_space<semaphore_mem>>
      %dma_start3A = arith.constant 0 : i32
      %dma_start3A_58 = tpu.memref_slice %arg10[%add3A_38, %dma_start3A] : memref<10240x128xf32, #tpu.memory_space<vmem_shared>> -> memref<128x128xf32, #tpu.memory_space<vmem_shared>>
      %dma_start3A_59 = arith.constant 0 : i32
      %dma_start3A_60 = tpu.memref_slice %arg10[%add3A_38, %dma_start3A_59] : memref<10240x128xf32, #tpu.memory_space<vmem_shared>> -> memref<128x128xf32, #tpu.memory_space<vmem_shared>>
      tpu.enqueue_dma source(%dma_start3A_60 : memref<128x128xf32, #tpu.memory_space<vmem_shared>>) target(%arg8 : memref<128x128xf32, #tpu.memory_space<vmem>>) target_semaphore(%run_scoped3A : memref<!tpu.dma_semaphore, #tpu.memory_space<semaphore_mem>>)
      %dma_wait3A = arith.constant 0 : i32
      %dma_wait3A_61 = tpu.memref_slice %arg10[%add3A_38, %dma_wait3A] : memref<10240x128xf32, #tpu.memory_space<vmem_shared>> -> memref<128x128xf32, #tpu.memory_space<vmem_shared>>
      %dma_wait3A_62 = arith.constant 0 : i32
      %dma_wait3A_63 = tpu.memref_slice %arg10[%add3A_38, %dma_wait3A_62] : memref<10240x128xf32, #tpu.memory_space<vmem_shared>> -> memref<128x128xf32, #tpu.memory_space<vmem_shared>>
      tpu.wait_dma2 semaphore(%run_scoped3A : memref<!tpu.dma_semaphore, #tpu.memory_space<semaphore_mem>>) src(%dma_wait3A_63 : memref<128x128xf32, #tpu.memory_space<vmem_shared>>) dst(%arg8 : memref<128x128xf32, #tpu.memory_space<vmem>>)
      tpu.yield
    }) : () -> ()
    %mul3A_39 = arith.constant 10240 : i32
    %mul3A_40 = arith.muli %arg0, %mul3A_39 : i32
    %add3A_41 = arith.addi %mul3A_40, %mul3A_2 : i32
    %add3A_42 = arith.constant 256 : i32
    %add3A_43 = arith.addi %add3A_41, %add3A_42 : i32
    "tpu.region"() ({
      %run_scoped3A = tpu.sem_alloc : memref<!tpu.dma_semaphore, #tpu.memory_space<semaphore_mem>>
      %dma_start3A = arith.constant 0 : i32
      %dma_start3A_58 = tpu.memref_slice %arg5[%add3A_43, %dma_start3A] : memref<20480x128xf32, #tpu.memory_space<hbm>> -> memref<128x128xf32, #tpu.memory_space<hbm>>
      %dma_start3A_59 = arith.constant 0 : i32
      %dma_start3A_60 = tpu.memref_slice %arg5[%add3A_43, %dma_start3A_59] : memref<20480x128xf32, #tpu.memory_space<hbm>> -> memref<128x128xf32, #tpu.memory_space<hbm>>
      tpu.enqueue_dma source(%arg8 : memref<128x128xf32, #tpu.memory_space<vmem>>) target(%dma_start3A_60 : memref<128x128xf32, #tpu.memory_space<hbm>>) target_semaphore(%run_scoped3A : memref<!tpu.dma_semaphore, #tpu.memory_space<semaphore_mem>>)
      %dma_wait3A = arith.constant 0 : i32
      %dma_wait3A_61 = tpu.memref_slice %arg5[%add3A_43, %dma_wait3A] : memref<20480x128xf32, #tpu.memory_space<hbm>> -> memref<128x128xf32, #tpu.memory_space<hbm>>
      %dma_wait3A_62 = arith.constant 0 : i32
      %dma_wait3A_63 = tpu.memref_slice %arg5[%add3A_43, %dma_wait3A_62] : memref<20480x128xf32, #tpu.memory_space<hbm>> -> memref<128x128xf32, #tpu.memory_space<hbm>>
      tpu.wait_dma2 semaphore(%run_scoped3A : memref<!tpu.dma_semaphore, #tpu.memory_space<semaphore_mem>>) src(%arg8 : memref<128x128xf32, #tpu.memory_space<vmem>>) dst(%dma_wait3A_63 : memref<128x128xf32, #tpu.memory_space<hbm>>)
      tpu.yield
    }) : () -> ()
    %add3A_44 = arith.constant 384 : i32
    %add3A_45 = arith.addi %mul3A_2, %add3A_44 : i32
    "tpu.region"() ({
      %run_scoped3A = tpu.sem_alloc : memref<!tpu.dma_semaphore, #tpu.memory_space<semaphore_mem>>
      %dma_start3A = arith.constant 0 : i32
      %dma_start3A_58 = tpu.memref_slice %arg10[%add3A_45, %dma_start3A] : memref<10240x128xf32, #tpu.memory_space<vmem_shared>> -> memref<128x128xf32, #tpu.memory_space<vmem_shared>>
      %dma_start3A_59 = arith.constant 0 : i32
      %dma_start3A_60 = tpu.memref_slice %arg10[%add3A_45, %dma_start3A_59] : memref<10240x128xf32, #tpu.memory_space<vmem_shared>> -> memref<128x128xf32, #tpu.memory_space<vmem_shared>>
      tpu.enqueue_dma source(%dma_start3A_60 : memref<128x128xf32, #tpu.memory_space<vmem_shared>>) target(%arg8 : memref<128x128xf32, #tpu.memory_space<vmem>>) target_semaphore(%run_scoped3A : memref<!tpu.dma_semaphore, #tpu.memory_space<semaphore_mem>>)
      %dma_wait3A = arith.constant 0 : i32
      %dma_wait3A_61 = tpu.memref_slice %arg10[%add3A_45, %dma_wait3A] : memref<10240x128xf32, #tpu.memory_space<vmem_shared>> -> memref<128x128xf32, #tpu.memory_space<vmem_shared>>
      %dma_wait3A_62 = arith.constant 0 : i32
      %dma_wait3A_63 = tpu.memref_slice %arg10[%add3A_45, %dma_wait3A_62] : memref<10240x128xf32, #tpu.memory_space<vmem_shared>> -> memref<128x128xf32, #tpu.memory_space<vmem_shared>>
      tpu.wait_dma2 semaphore(%run_scoped3A : memref<!tpu.dma_semaphore, #tpu.memory_space<semaphore_mem>>) src(%dma_wait3A_63 : memref<128x128xf32, #tpu.memory_space<vmem_shared>>) dst(%arg8 : memref<128x128xf32, #tpu.memory_space<vmem>>)
      tpu.yield
    }) : () -> ()
    %mul3A_46 = arith.constant 10240 : i32
    %mul3A_47 = arith.muli %arg0, %mul3A_46 : i32
    %add3A_48 = arith.addi %mul3A_47, %mul3A_2 : i32
    %add3A_49 = arith.constant 384 : i32
    %add3A_50 = arith.addi %add3A_48, %add3A_49 : i32
    "tpu.region"() ({
      %run_scoped3A = tpu.sem_alloc : memref<!tpu.dma_semaphore, #tpu.memory_space<semaphore_mem>>
      %dma_start3A = arith.constant 0 : i32
      %dma_start3A_58 = tpu.memref_slice %arg5[%add3A_50, %dma_start3A] : memref<20480x128xf32, #tpu.memory_space<hbm>> -> memref<128x128xf32, #tpu.memory_space<hbm>>
      %dma_start3A_59 = arith.constant 0 : i32
      %dma_start3A_60 = tpu.memref_slice %arg5[%add3A_50, %dma_start3A_59] : memref<20480x128xf32, #tpu.memory_space<hbm>> -> memref<128x128xf32, #tpu.memory_space<hbm>>
      tpu.enqueue_dma source(%arg8 : memref<128x128xf32, #tpu.memory_space<vmem>>) target(%dma_start3A_60 : memref<128x128xf32, #tpu.memory_space<hbm>>) target_semaphore(%run_scoped3A : memref<!tpu.dma_semaphore, #tpu.memory_space<semaphore_mem>>)
      %dma_wait3A = arith.constant 0 : i32
      %dma_wait3A_61 = tpu.memref_slice %arg5[%add3A_50, %dma_wait3A] : memref<20480x128xf32, #tpu.memory_space<hbm>> -> memref<128x128xf32, #tpu.memory_space<hbm>>
      %dma_wait3A_62 = arith.constant 0 : i32
      %dma_wait3A_63 = tpu.memref_slice %arg5[%add3A_50, %dma_wait3A_62] : memref<20480x128xf32, #tpu.memory_space<hbm>> -> memref<128x128xf32, #tpu.memory_space<hbm>>
      tpu.wait_dma2 semaphore(%run_scoped3A : memref<!tpu.dma_semaphore, #tpu.memory_space<semaphore_mem>>) src(%arg8 : memref<128x128xf32, #tpu.memory_space<vmem>>) dst(%dma_wait3A_63 : memref<128x128xf32, #tpu.memory_space<hbm>>)
      tpu.yield
    }) : () -> ()
    %add3A_51 = arith.constant 512 : i32
    %add3A_52 = arith.addi %mul3A_2, %add3A_51 : i32
    "tpu.region"() ({
      %run_scoped3A = tpu.sem_alloc : memref<!tpu.dma_semaphore, #tpu.memory_space<semaphore_mem>>
      %dma_start3A = arith.constant 0 : i32
      %dma_start3A_58 = tpu.memref_slice %arg10[%add3A_52, %dma_start3A] : memref<10240x128xf32, #tpu.memory_space<vmem_shared>> -> memref<128x128xf32, #tpu.memory_space<vmem_shared>>
      %dma_start3A_59 = arith.constant 0 : i32
      %dma_start3A_60 = tpu.memref_slice %arg10[%add3A_52, %dma_start3A_59] : memref<10240x128xf32, #tpu.memory_space<vmem_shared>> -> memref<128x128xf32, #tpu.memory_space<vmem_shared>>
      tpu.enqueue_dma source(%dma_start3A_60 : memref<128x128xf32, #tpu.memory_space<vmem_shared>>) target(%arg8 : memref<128x128xf32, #tpu.memory_space<vmem>>) target_semaphore(%run_scoped3A : memref<!tpu.dma_semaphore, #tpu.memory_space<semaphore_mem>>)
      %dma_wait3A = arith.constant 0 : i32
      %dma_wait3A_61 = tpu.memref_slice %arg10[%add3A_52, %dma_wait3A] : memref<10240x128xf32, #tpu.memory_space<vmem_shared>> -> memref<128x128xf32, #tpu.memory_space<vmem_shared>>
      %dma_wait3A_62 = arith.constant 0 : i32
      %dma_wait3A_63 = tpu.memref_slice %arg10[%add3A_52, %dma_wait3A_62] : memref<10240x128xf32, #tpu.memory_space<vmem_shared>> -> memref<128x128xf32, #tpu.memory_space<vmem_shared>>
      tpu.wait_dma2 semaphore(%run_scoped3A : memref<!tpu.dma_semaphore, #tpu.memory_space<semaphore_mem>>) src(%dma_wait3A_63 : memref<128x128xf32, #tpu.memory_space<vmem_shared>>) dst(%arg8 : memref<128x128xf32, #tpu.memory_space<vmem>>)
      tpu.yield
    }) : () -> ()
    %mul3A_53 = arith.constant 10240 : i32
    %mul3A_54 = arith.muli %arg0, %mul3A_53 : i32
    %add3A_55 = arith.addi %mul3A_54, %mul3A_2 : i32
    %add3A_56 = arith.constant 512 : i32
    %add3A_57 = arith.addi %add3A_55, %add3A_56 : i32
    "tpu.region"() ({
      %run_scoped3A = tpu.sem_alloc : memref<!tpu.dma_semaphore, #tpu.memory_space<semaphore_mem>>
      %dma_start3A = arith.constant 0 : i32
      %dma_start3A_58 = tpu.memref_slice %arg5[%add3A_57, %dma_start3A] : memref<20480x128xf32, #tpu.memory_space<hbm>> -> memref<128x128xf32, #tpu.memory_space<hbm>>
      %dma_start3A_59 = arith.constant 0 : i32
      %dma_start3A_60 = tpu.memref_slice %arg5[%add3A_57, %dma_start3A_59] : memref<20480x128xf32, #tpu.memory_space<hbm>> -> memref<128x128xf32, #tpu.memory_space<hbm>>
      tpu.enqueue_dma source(%arg8 : memref<128x128xf32, #tpu.memory_space<vmem>>) target(%dma_start3A_60 : memref<128x128xf32, #tpu.memory_space<hbm>>) target_semaphore(%run_scoped3A : memref<!tpu.dma_semaphore, #tpu.memory_space<semaphore_mem>>)
      %dma_wait3A = arith.constant 0 : i32
      %dma_wait3A_61 = tpu.memref_slice %arg5[%add3A_57, %dma_wait3A] : memref<20480x128xf32, #tpu.memory_space<hbm>> -> memref<128x128xf32, #tpu.memory_space<hbm>>
      %dma_wait3A_62 = arith.constant 0 : i32
      %dma_wait3A_63 = tpu.memref_slice %arg5[%add3A_57, %dma_wait3A_62] : memref<20480x128xf32, #tpu.memory_space<hbm>> -> memref<128x128xf32, #tpu.memory_space<hbm>>
      tpu.wait_dma2 semaphore(%run_scoped3A : memref<!tpu.dma_semaphore, #tpu.memory_space<semaphore_mem>>) src(%arg8 : memref<128x128xf32, #tpu.memory_space<vmem>>) dst(%dma_wait3A_63 : memref<128x128xf32, #tpu.memory_space<hbm>>)
      tpu.yield
    }) : () -> ()
    return
  }
}

#map = affine_map<(d0, d1) -> (0, 0)>
#map1 = affine_map<(d0, d1) -> (0, 0, 0)>
module attributes {stable_mosaic.version = 14 : i64} {
  func.func @sc_segment_sum(%arg0: i32, %arg1: i32, %arg2: memref<10000x128xf32, #tpu.memory_space<hbm>>, %arg3: memref<32x80x128xi32, #tpu.memory_space<hbm>>, %arg4: memref<32x80x128xi32, #tpu.memory_space<hbm>>, %arg5: memref<20480x128xf32, #tpu.memory_space<hbm>>, %arg6: memref<8x128xi32, #tpu.memory_space<vmem>>, %arg7: memref<8x128xi32, #tpu.memory_space<vmem>>, %arg8: memref<128x128xf32, #tpu.memory_space<vmem>>, %arg9: memref<128x128xf32, #tpu.memory_space<vmem>>, %arg10: memref<10240x128xf32, #tpu.memory_space<vmem_shared>>, %arg11: memref<!tpu.dma_semaphore, #tpu.memory_space<semaphore_mem>>, %arg12: memref<!tpu.dma_semaphore, #tpu.memory_space<semaphore_mem>>) attributes {dimension_semantics = [#tpu.dimension_semantics<core_parallel>, #tpu.dimension_semantics<subcore_parallel>], iteration_bounds = array<i64: 2, 16>, scalar_prefetch = 0 : i64, scratch_operands = 7 : i64, tpu.core_type = #tpu.core_type<sc_vector_subcore>, window_params = [{transform_indices = #map}, {transform_indices = #map1}, {transform_indices = #map1}, {transform_indices = #map}]} {
    %mul3A = arith.constant 16 : i32
    %mul3A_0 = arith.muli %arg0, %mul3A : i32
    %add3A = arith.addi %mul3A_0, %arg1 : i32
    %mul3A_1 = arith.constant 640 : i32
    %mul3A_2 = arith.muli %arg1, %mul3A_1 : i32
    %scan3A = arith.constant 0 : i32
    %scan3A_3 = arith.constant 128 : i32
    %scan3A_4 = arith.addi %scan3A, %scan3A_3 : i32
    %scan3A_5 = arith.constant 1 : i32
    scf.for %scan3A_58 = %scan3A to %scan3A_4 step %scan3A_5  : i32 {
      %mul3A_59 = arith.constant 1 : i32
      %mul3A_60 = arith.muli %scan3A_58, %mul3A_59 : i32
      %add3A_61 = arith.constant 0 : i32
      %add3A_62 = arith.addi %add3A_61, %mul3A_60 : i32
      %broadcast_in_dim3A = arith.constant 0.000000e+00 : f32
      %broadcast_in_dim3A_63 = vector.broadcast %broadcast_in_dim3A : f32 to vector<16xf32>
      %swap3A = arith.index_cast %add3A_62 : i32 to index
      %swap3A_64 = arith.constant 0 : index
      %swap3A_65 = tpu.vector_load %arg8[%swap3A, %swap3A_64] {strides = array<i32>} : memref<128x128xf32, #tpu.memory_space<vmem>>, vector<1x16xf32>,
      %swap3A_66 = vector.shape_cast %swap3A_65 : vector<1x16xf32> to vector<16xf32>
      %swap3A_67 = vector.shape_cast %broadcast_in_dim3A_63 : vector<16xf32> to vector<1x16xf32>
      tpu.vector_store %arg8[%swap3A, %swap3A_64], %swap3A_67 {strides = array<i32>} : memref<128x128xf32, #tpu.memory_space<vmem>>, vector<1x16xf32>,
      %broadcast_in_dim3A_68 = arith.constant 0.000000e+00 : f32
      %broadcast_in_dim3A_69 = vector.broadcast %broadcast_in_dim3A_68 : f32 to vector<16xf32>
      %swap3A_70 = arith.index_cast %add3A_62 : i32 to index
      %swap3A_71 = arith.constant 16 : index
      %swap3A_72 = tpu.vector_load %arg8[%swap3A_70, %swap3A_71] {strides = array<i32>} : memref<128x128xf32, #tpu.memory_space<vmem>>, vector<1x16xf32>,
      %swap3A_73 = vector.shape_cast %swap3A_72 : vector<1x16xf32> to vector<16xf32>
      %swap3A_74 = vector.shape_cast %broadcast_in_dim3A_69 : vector<16xf32> to vector<1x16xf32>
      tpu.vector_store %arg8[%swap3A_70, %swap3A_71], %swap3A_74 {strides = array<i32>} : memref<128x128xf32, #tpu.memory_space<vmem>>, vector<1x16xf32>,
      %broadcast_in_dim3A_75 = arith.constant 0.000000e+00 : f32
      %broadcast_in_dim3A_76 = vector.broadcast %broadcast_in_dim3A_75 : f32 to vector<16xf32>
      %swap3A_77 = arith.index_cast %add3A_62 : i32 to index
      %swap3A_78 = arith.constant 32 : index
      %swap3A_79 = tpu.vector_load %arg8[%swap3A_77, %swap3A_78] {strides = array<i32>} : memref<128x128xf32, #tpu.memory_space<vmem>>, vector<1x16xf32>,
      %swap3A_80 = vector.shape_cast %swap3A_79 : vector<1x16xf32> to vector<16xf32>
      %swap3A_81 = vector.shape_cast %broadcast_in_dim3A_76 : vector<16xf32> to vector<1x16xf32>
      tpu.vector_store %arg8[%swap3A_77, %swap3A_78], %swap3A_81 {strides = array<i32>} : memref<128x128xf32, #tpu.memory_space<vmem>>, vector<1x16xf32>,
      %broadcast_in_dim3A_82 = arith.constant 0.000000e+00 : f32
      %broadcast_in_dim3A_83 = vector.broadcast %broadcast_in_dim3A_82 : f32 to vector<16xf32>
      %swap3A_84 = arith.index_cast %add3A_62 : i32 to index
      %swap3A_85 = arith.constant 48 : index
      %swap3A_86 = tpu.vector_load %arg8[%swap3A_84, %swap3A_85] {strides = array<i32>} : memref<128x128xf32, #tpu.memory_space<vmem>>, vector<1x16xf32>,
      %swap3A_87 = vector.shape_cast %swap3A_86 : vector<1x16xf32> to vector<16xf32>
      %swap3A_88 = vector.shape_cast %broadcast_in_dim3A_83 : vector<16xf32> to vector<1x16xf32>
      tpu.vector_store %arg8[%swap3A_84, %swap3A_85], %swap3A_88 {strides = array<i32>} : memref<128x128xf32, #tpu.memory_space<vmem>>, vector<1x16xf32>,
      %broadcast_in_dim3A_89 = arith.constant 0.000000e+00 : f32
      %broadcast_in_dim3A_90 = vector.broadcast %broadcast_in_dim3A_89 : f32 to vector<16xf32>
      %swap3A_91 = arith.index_cast %add3A_62 : i32 to index
      %swap3A_92 = arith.constant 64 : index
      %swap3A_93 = tpu.vector_load %arg8[%swap3A_91, %swap3A_92] {strides = array<i32>} : memref<128x128xf32, #tpu.memory_space<vmem>>, vector<1x16xf32>,
      %swap3A_94 = vector.shape_cast %swap3A_93 : vector<1x16xf32> to vector<16xf32>
      %swap3A_95 = vector.shape_cast %broadcast_in_dim3A_90 : vector<16xf32> to vector<1x16xf32>
      tpu.vector_store %arg8[%swap3A_91, %swap3A_92], %swap3A_95 {strides = array<i32>} : memref<128x128xf32, #tpu.memory_space<vmem>>, vector<1x16xf32>,
      %broadcast_in_dim3A_96 = arith.constant 0.000000e+00 : f32
      %broadcast_in_dim3A_97 = vector.broadcast %broadcast_in_dim3A_96 : f32 to vector<16xf32>
      %swap3A_98 = arith.index_cast %add3A_62 : i32 to index
      %swap3A_99 = arith.constant 80 : index
      %swap3A_100 = tpu.vector_load %arg8[%swap3A_98, %swap3A_99] {strides = array<i32>} : memref<128x128xf32, #tpu.memory_space<vmem>>, vector<1x16xf32>,
      %swap3A_101 = vector.shape_cast %swap3A_100 : vector<1x16xf32> to vector<16xf32>
      %swap3A_102 = vector.shape_cast %broadcast_in_dim3A_97 : vector<16xf32> to vector<1x16xf32>
      tpu.vector_store %arg8[%swap3A_98, %swap3A_99], %swap3A_102 {strides = array<i32>} : memref<128x128xf32, #tpu.memory_space<vmem>>, vector<1x16xf32>,
      %broadcast_in_dim3A_103 = arith.constant 0.000000e+00 : f32
      %broadcast_in_dim3A_104 = vector.broadcast %broadcast_in_dim3A_103 : f32 to vector<16xf32>
      %swap3A_105 = arith.index_cast %add3A_62 : i32 to index
      %swap3A_106 = arith.constant 96 : index
      %swap3A_107 = tpu.vector_load %arg8[%swap3A_105, %swap3A_106] {strides = array<i32>} : memref<128x128xf32, #tpu.memory_space<vmem>>, vector<1x16xf32>,
      %swap3A_108 = vector.shape_cast %swap3A_107 : vector<1x16xf32> to vector<16xf32>
      %swap3A_109 = vector.shape_cast %broadcast_in_dim3A_104 : vector<16xf32> to vector<1x16xf32>
      tpu.vector_store %arg8[%swap3A_105, %swap3A_106], %swap3A_109 {strides = array<i32>} : memref<128x128xf32, #tpu.memory_space<vmem>>, vector<1x16xf32>,
      %broadcast_in_dim3A_110 = arith.constant 0.000000e+00 : f32
      %broadcast_in_dim3A_111 = vector.broadcast %broadcast_in_dim3A_110 : f32 to vector<16xf32>
      %swap3A_112 = arith.index_cast %add3A_62 : i32 to index
      %swap3A_113 = arith.constant 112 : index
      %swap3A_114 = tpu.vector_load %arg8[%swap3A_112, %swap3A_113] {strides = array<i32>} : memref<128x128xf32, #tpu.memory_space<vmem>>, vector<1x16xf32>,
      %swap3A_115 = vector.shape_cast %swap3A_114 : vector<1x16xf32> to vector<16xf32>
      %swap3A_116 = vector.shape_cast %broadcast_in_dim3A_111 : vector<16xf32> to vector<1x16xf32>
      tpu.vector_store %arg8[%swap3A_112, %swap3A_113], %swap3A_116 {strides = array<i32>} : memref<128x128xf32, #tpu.memory_space<vmem>>, vector<1x16xf32>,
    }
    %scan3A_6 = arith.constant 128 : i32
    %add3A_7 = arith.constant 0 : i32
    %add3A_8 = arith.addi %mul3A_2, %add3A_7 : i32
    "tpu.region"() ({
      %run_scoped3A = tpu.sem_alloc : memref<!tpu.dma_semaphore, #tpu.memory_space<semaphore_mem>>
      %dma_start3A = arith.constant 0 : i32
      %dma_start3A_58 = tpu.memref_slice %arg10[%add3A_8, %dma_start3A] : memref<10240x128xf32, #tpu.memory_space<vmem_shared>> -> memref<128x128xf32, #tpu.memory_space<vmem_shared>>
      %dma_start3A_59 = arith.constant 0 : i32
      %dma_start3A_60 = tpu.memref_slice %arg10[%add3A_8, %dma_start3A_59] : memref<10240x128xf32, #tpu.memory_space<vmem_shared>> -> memref<128x128xf32, #tpu.memory_space<vmem_shared>>
      tpu.enqueue_dma source(%arg8 : memref<128x128xf32, #tpu.memory_space<vmem>>) target(%dma_start3A_60 : memref<128x128xf32, #tpu.memory_space<vmem_shared>>) target_semaphore(%run_scoped3A : memref<!tpu.dma_semaphore, #tpu.memory_space<semaphore_mem>>)
      %dma_wait3A = arith.constant 0 : i32
      %dma_wait3A_61 = tpu.memref_slice %arg10[%add3A_8, %dma_wait3A] : memref<10240x128xf32, #tpu.memory_space<vmem_shared>> -> memref<128x128xf32, #tpu.memory_space<vmem_shared>>
      %dma_wait3A_62 = arith.constant 0 : i32
      %dma_wait3A_63 = tpu.memref_slice %arg10[%add3A_8, %dma_wait3A_62] : memref<10240x128xf32, #tpu.memory_space<vmem_shared>> -> memref<128x128xf32, #tpu.memory_space<vmem_shared>>
      tpu.wait_dma2 semaphore(%run_scoped3A : memref<!tpu.dma_semaphore, #tpu.memory_space<semaphore_mem>>) src(%arg8 : memref<128x128xf32, #tpu.memory_space<vmem>>) dst(%dma_wait3A_63 : memref<128x128xf32, #tpu.memory_space<vmem_shared>>)
      tpu.yield
    }) : () -> ()
    %add3A_9 = arith.constant 128 : i32
    %add3A_10 = arith.addi %mul3A_2, %add3A_9 : i32
    "tpu.region"() ({
      %run_scoped3A = tpu.sem_alloc : memref<!tpu.dma_semaphore, #tpu.memory_space<semaphore_mem>>
      %dma_start3A = arith.constant 0 : i32
      %dma_start3A_58 = tpu.memref_slice %arg10[%add3A_10, %dma_start3A] : memref<10240x128xf32, #tpu.memory_space<vmem_shared>> -> memref<128x128xf32, #tpu.memory_space<vmem_shared>>
      %dma_start3A_59 = arith.constant 0 : i32
      %dma_start3A_60 = tpu.memref_slice %arg10[%add3A_10, %dma_start3A_59] : memref<10240x128xf32, #tpu.memory_space<vmem_shared>> -> memref<128x128xf32, #tpu.memory_space<vmem_shared>>
      tpu.enqueue_dma source(%arg8 : memref<128x128xf32, #tpu.memory_space<vmem>>) target(%dma_start3A_60 : memref<128x128xf32, #tpu.memory_space<vmem_shared>>) target_semaphore(%run_scoped3A : memref<!tpu.dma_semaphore, #tpu.memory_space<semaphore_mem>>)
      %dma_wait3A = arith.constant 0 : i32
      %dma_wait3A_61 = tpu.memref_slice %arg10[%add3A_10, %dma_wait3A] : memref<10240x128xf32, #tpu.memory_space<vmem_shared>> -> memref<128x128xf32, #tpu.memory_space<vmem_shared>>
      %dma_wait3A_62 = arith.constant 0 : i32
      %dma_wait3A_63 = tpu.memref_slice %arg10[%add3A_10, %dma_wait3A_62] : memref<10240x128xf32, #tpu.memory_space<vmem_shared>> -> memref<128x128xf32, #tpu.memory_space<vmem_shared>>
      tpu.wait_dma2 semaphore(%run_scoped3A : memref<!tpu.dma_semaphore, #tpu.memory_space<semaphore_mem>>) src(%arg8 : memref<128x128xf32, #tpu.memory_space<vmem>>) dst(%dma_wait3A_63 : memref<128x128xf32, #tpu.memory_space<vmem_shared>>)
      tpu.yield
    }) : () -> ()
    %add3A_11 = arith.constant 256 : i32
    %add3A_12 = arith.addi %mul3A_2, %add3A_11 : i32
    "tpu.region"() ({
      %run_scoped3A = tpu.sem_alloc : memref<!tpu.dma_semaphore, #tpu.memory_space<semaphore_mem>>
      %dma_start3A = arith.constant 0 : i32
      %dma_start3A_58 = tpu.memref_slice %arg10[%add3A_12, %dma_start3A] : memref<10240x128xf32, #tpu.memory_space<vmem_shared>> -> memref<128x128xf32, #tpu.memory_space<vmem_shared>>
      %dma_start3A_59 = arith.constant 0 : i32
      %dma_start3A_60 = tpu.memref_slice %arg10[%add3A_12, %dma_start3A_59] : memref<10240x128xf32, #tpu.memory_space<vmem_shared>> -> memref<128x128xf32, #tpu.memory_space<vmem_shared>>
      tpu.enqueue_dma source(%arg8 : memref<128x128xf32, #tpu.memory_space<vmem>>) target(%dma_start3A_60 : memref<128x128xf32, #tpu.memory_space<vmem_shared>>) target_semaphore(%run_scoped3A : memref<!tpu.dma_semaphore, #tpu.memory_space<semaphore_mem>>)
      %dma_wait3A = arith.constant 0 : i32
      %dma_wait3A_61 = tpu.memref_slice %arg10[%add3A_12, %dma_wait3A] : memref<10240x128xf32, #tpu.memory_space<vmem_shared>> -> memref<128x128xf32, #tpu.memory_space<vmem_shared>>
      %dma_wait3A_62 = arith.constant 0 : i32
      %dma_wait3A_63 = tpu.memref_slice %arg10[%add3A_12, %dma_wait3A_62] : memref<10240x128xf32, #tpu.memory_space<vmem_shared>> -> memref<128x128xf32, #tpu.memory_space<vmem_shared>>
      tpu.wait_dma2 semaphore(%run_scoped3A : memref<!tpu.dma_semaphore, #tpu.memory_space<semaphore_mem>>) src(%arg8 : memref<128x128xf32, #tpu.memory_space<vmem>>) dst(%dma_wait3A_63 : memref<128x128xf32, #tpu.memory_space<vmem_shared>>)
      tpu.yield
    }) : () -> ()
    %add3A_13 = arith.constant 384 : i32
    %add3A_14 = arith.addi %mul3A_2, %add3A_13 : i32
    "tpu.region"() ({
      %run_scoped3A = tpu.sem_alloc : memref<!tpu.dma_semaphore, #tpu.memory_space<semaphore_mem>>
      %dma_start3A = arith.constant 0 : i32
      %dma_start3A_58 = tpu.memref_slice %arg10[%add3A_14, %dma_start3A] : memref<10240x128xf32, #tpu.memory_space<vmem_shared>> -> memref<128x128xf32, #tpu.memory_space<vmem_shared>>
      %dma_start3A_59 = arith.constant 0 : i32
      %dma_start3A_60 = tpu.memref_slice %arg10[%add3A_14, %dma_start3A_59] : memref<10240x128xf32, #tpu.memory_space<vmem_shared>> -> memref<128x128xf32, #tpu.memory_space<vmem_shared>>
      tpu.enqueue_dma source(%arg8 : memref<128x128xf32, #tpu.memory_space<vmem>>) target(%dma_start3A_60 : memref<128x128xf32, #tpu.memory_space<vmem_shared>>) target_semaphore(%run_scoped3A : memref<!tpu.dma_semaphore, #tpu.memory_space<semaphore_mem>>)
      %dma_wait3A = arith.constant 0 : i32
      %dma_wait3A_61 = tpu.memref_slice %arg10[%add3A_14, %dma_wait3A] : memref<10240x128xf32, #tpu.memory_space<vmem_shared>> -> memref<128x128xf32, #tpu.memory_space<vmem_shared>>
      %dma_wait3A_62 = arith.constant 0 : i32
      %dma_wait3A_63 = tpu.memref_slice %arg10[%add3A_14, %dma_wait3A_62] : memref<10240x128xf32, #tpu.memory_space<vmem_shared>> -> memref<128x128xf32, #tpu.memory_space<vmem_shared>>
      tpu.wait_dma2 semaphore(%run_scoped3A : memref<!tpu.dma_semaphore, #tpu.memory_space<semaphore_mem>>) src(%arg8 : memref<128x128xf32, #tpu.memory_space<vmem>>) dst(%dma_wait3A_63 : memref<128x128xf32, #tpu.memory_space<vmem_shared>>)
      tpu.yield
    }) : () -> ()
    %add3A_15 = arith.constant 512 : i32
    %add3A_16 = arith.addi %mul3A_2, %add3A_15 : i32
    "tpu.region"() ({
      %run_scoped3A = tpu.sem_alloc : memref<!tpu.dma_semaphore, #tpu.memory_space<semaphore_mem>>
      %dma_start3A = arith.constant 0 : i32
      %dma_start3A_58 = tpu.memref_slice %arg10[%add3A_16, %dma_start3A] : memref<10240x128xf32, #tpu.memory_space<vmem_shared>> -> memref<128x128xf32, #tpu.memory_space<vmem_shared>>
      %dma_start3A_59 = arith.constant 0 : i32
      %dma_start3A_60 = tpu.memref_slice %arg10[%add3A_16, %dma_start3A_59] : memref<10240x128xf32, #tpu.memory_space<vmem_shared>> -> memref<128x128xf32, #tpu.memory_space<vmem_shared>>
      tpu.enqueue_dma source(%arg8 : memref<128x128xf32, #tpu.memory_space<vmem>>) target(%dma_start3A_60 : memref<128x128xf32, #tpu.memory_space<vmem_shared>>) target_semaphore(%run_scoped3A : memref<!tpu.dma_semaphore, #tpu.memory_space<semaphore_mem>>)
      %dma_wait3A = arith.constant 0 : i32
      %dma_wait3A_61 = tpu.memref_slice %arg10[%add3A_16, %dma_wait3A] : memref<10240x128xf32, #tpu.memory_space<vmem_shared>> -> memref<128x128xf32, #tpu.memory_space<vmem_shared>>
      %dma_wait3A_62 = arith.constant 0 : i32
      %dma_wait3A_63 = tpu.memref_slice %arg10[%add3A_16, %dma_wait3A_62] : memref<10240x128xf32, #tpu.memory_space<vmem_shared>> -> memref<128x128xf32, #tpu.memory_space<vmem_shared>>
      tpu.wait_dma2 semaphore(%run_scoped3A : memref<!tpu.dma_semaphore, #tpu.memory_space<semaphore_mem>>) src(%arg8 : memref<128x128xf32, #tpu.memory_space<vmem>>) dst(%dma_wait3A_63 : memref<128x128xf32, #tpu.memory_space<vmem_shared>>)
      tpu.yield
    }) : () -> ()
    %barrier3A = arith.constant 0 : index
    tpu.barrier barrier_id(%barrier3A)
    %scan3A_17 = arith.constant 0 : i32
    %scan3A_18 = arith.constant 10 : i32
    %scan3A_19 = arith.addi %scan3A_17, %scan3A_18 : i32
    %scan3A_20 = arith.constant 1 : i32
    scf.for %scan3A_58 = %scan3A_17 to %scan3A_19 step %scan3A_20  : i32 {
      %mul3A_59 = arith.constant 1 : i32
      %mul3A_60 = arith.muli %scan3A_58, %mul3A_59 : i32
      %add3A_61 = arith.constant 0 : i32
      %add3A_62 = arith.addi %add3A_61, %mul3A_60 : i32
      %mul3A_63 = arith.constant 8 : i32
      %mul3A_64 = arith.muli %add3A_62, %mul3A_63 : i32
      "tpu.region"() ({
        %run_scoped3A_184 = tpu.sem_alloc : memref<!tpu.dma_semaphore, #tpu.memory_space<semaphore_mem>>
        %dma_start3A_185 = arith.constant 0 : i32
        %dma_start3A_186 = tpu.memref_slice %arg3[%add3A, %mul3A_64, %dma_start3A_185] : memref<32x80x128xi32, #tpu.memory_space<hbm>> -> memref<1x8x128xi32, #tpu.memory_space<hbm>>
        %dma_start3A_187 = tpu.memref_squeeze %dma_start3A_186 : memref<1x8x128xi32, #tpu.memory_space<hbm>> -> memref<8x128xi32, #tpu.memory_space<hbm>>
        %dma_start3A_188 = arith.constant 0 : i32
        %dma_start3A_189 = tpu.memref_slice %arg3[%add3A, %mul3A_64, %dma_start3A_188] : memref<32x80x128xi32, #tpu.memory_space<hbm>> -> memref<1x8x128xi32, #tpu.memory_space<hbm>>
        %dma_start3A_190 = tpu.memref_squeeze %dma_start3A_189 : memref<1x8x128xi32, #tpu.memory_space<hbm>> -> memref<8x128xi32, #tpu.memory_space<hbm>>
        tpu.enqueue_dma source(%dma_start3A_190 : memref<8x128xi32, #tpu.memory_space<hbm>>) target(%arg6 : memref<8x128xi32, #tpu.memory_space<vmem>>) target_semaphore(%run_scoped3A_184 : memref<!tpu.dma_semaphore, #tpu.memory_space<semaphore_mem>>)
        %dma_wait3A_191 = arith.constant 0 : i32
        %dma_wait3A_192 = tpu.memref_slice %arg3[%add3A, %mul3A_64, %dma_wait3A_191] : memref<32x80x128xi32, #tpu.memory_space<hbm>> -> memref<1x8x128xi32, #tpu.memory_space<hbm>>
        %dma_wait3A_193 = tpu.memref_squeeze %dma_wait3A_192 : memref<1x8x128xi32, #tpu.memory_space<hbm>> -> memref<8x128xi32, #tpu.memory_space<hbm>>
        %dma_wait3A_194 = arith.constant 0 : i32
        %dma_wait3A_195 = tpu.memref_slice %arg3[%add3A, %mul3A_64, %dma_wait3A_194] : memref<32x80x128xi32, #tpu.memory_space<hbm>> -> memref<1x8x128xi32, #tpu.memory_space<hbm>>
        %dma_wait3A_196 = tpu.memref_squeeze %dma_wait3A_195 : memref<1x8x128xi32, #tpu.memory_space<hbm>> -> memref<8x128xi32, #tpu.memory_space<hbm>>
        tpu.wait_dma2 semaphore(%run_scoped3A_184 : memref<!tpu.dma_semaphore, #tpu.memory_space<semaphore_mem>>) src(%dma_wait3A_196 : memref<8x128xi32, #tpu.memory_space<hbm>>) dst(%arg6 : memref<8x128xi32, #tpu.memory_space<vmem>>)
        tpu.yield
      }) : () -> ()
      %mul3A_65 = arith.constant 8 : i32
      %mul3A_66 = arith.muli %add3A_62, %mul3A_65 : i32
      "tpu.region"() ({
        %run_scoped3A_184 = tpu.sem_alloc : memref<!tpu.dma_semaphore, #tpu.memory_space<semaphore_mem>>
        %dma_start3A_185 = arith.constant 0 : i32
        %dma_start3A_186 = tpu.memref_slice %arg4[%add3A, %mul3A_66, %dma_start3A_185] : memref<32x80x128xi32, #tpu.memory_space<hbm>> -> memref<1x8x128xi32, #tpu.memory_space<hbm>>
        %dma_start3A_187 = tpu.memref_squeeze %dma_start3A_186 : memref<1x8x128xi32, #tpu.memory_space<hbm>> -> memref<8x128xi32, #tpu.memory_space<hbm>>
        %dma_start3A_188 = arith.constant 0 : i32
        %dma_start3A_189 = tpu.memref_slice %arg4[%add3A, %mul3A_66, %dma_start3A_188] : memref<32x80x128xi32, #tpu.memory_space<hbm>> -> memref<1x8x128xi32, #tpu.memory_space<hbm>>
        %dma_start3A_190 = tpu.memref_squeeze %dma_start3A_189 : memref<1x8x128xi32, #tpu.memory_space<hbm>> -> memref<8x128xi32, #tpu.memory_space<hbm>>
        tpu.enqueue_dma source(%dma_start3A_190 : memref<8x128xi32, #tpu.memory_space<hbm>>) target(%arg7 : memref<8x128xi32, #tpu.memory_space<vmem>>) target_semaphore(%run_scoped3A_184 : memref<!tpu.dma_semaphore, #tpu.memory_space<semaphore_mem>>)
        %dma_wait3A_191 = arith.constant 0 : i32
        %dma_wait3A_192 = tpu.memref_slice %arg4[%add3A, %mul3A_66, %dma_wait3A_191] : memref<32x80x128xi32, #tpu.memory_space<hbm>> -> memref<1x8x128xi32, #tpu.memory_space<hbm>>
        %dma_wait3A_193 = tpu.memref_squeeze %dma_wait3A_192 : memref<1x8x128xi32, #tpu.memory_space<hbm>> -> memref<8x128xi32, #tpu.memory_space<hbm>>
        %dma_wait3A_194 = arith.constant 0 : i32
        %dma_wait3A_195 = tpu.memref_slice %arg4[%add3A, %mul3A_66, %dma_wait3A_194] : memref<32x80x128xi32, #tpu.memory_space<hbm>> -> memref<1x8x128xi32, #tpu.memory_space<hbm>>
        %dma_wait3A_196 = tpu.memref_squeeze %dma_wait3A_195 : memref<1x8x128xi32, #tpu.memory_space<hbm>> -> memref<8x128xi32, #tpu.memory_space<hbm>>
        tpu.wait_dma2 semaphore(%run_scoped3A_184 : memref<!tpu.dma_semaphore, #tpu.memory_space<semaphore_mem>>) src(%dma_wait3A_196 : memref<8x128xi32, #tpu.memory_space<hbm>>) dst(%arg7 : memref<8x128xi32, #tpu.memory_space<vmem>>)
        tpu.yield
      }) : () -> ()
      %dma_start3A = arith.constant 0 : i32
      %dma_start3A_67 = arith.constant 0 : i32
      %dma_start3A_68 = tpu.memref_slice %arg6[%dma_start3A, %dma_start3A_67] : memref<8x128xi32, #tpu.memory_space<vmem>> -> memref<1x128xi32, #tpu.memory_space<vmem>>
      %dma_start3A_69 = tpu.memref_squeeze %dma_start3A_68 : memref<1x128xi32, #tpu.memory_space<vmem>> -> memref<128xi32, #tpu.memory_space<vmem>>
      %dma_start3A_70 = arith.constant 0 : i32
      %dma_start3A_71 = arith.constant 0 : i32
      %dma_start3A_72 = tpu.memref_slice %arg2[%dma_start3A_70, %dma_start3A_71] : memref<10000x128xf32, #tpu.memory_space<hbm>> -> memref<10000x128xf32, #tpu.memory_space<hbm>>
      tpu.enqueue_indirect_dma source(%dma_start3A_72 : memref<10000x128xf32, #tpu.memory_space<hbm>>) target(%arg8 : memref<128x128xf32, #tpu.memory_space<vmem>>) offsets(%dma_start3A_69 : memref<128xi32, #tpu.memory_space<vmem>>) semaphore(%arg11 : memref<!tpu.dma_semaphore, #tpu.memory_space<semaphore_mem>>)
      %dma_start3A_73 = arith.constant 1 : i32
      %dma_start3A_74 = arith.constant 0 : i32
      %dma_start3A_75 = tpu.memref_slice %arg6[%dma_start3A_73, %dma_start3A_74] : memref<8x128xi32, #tpu.memory_space<vmem>> -> memref<1x128xi32, #tpu.memory_space<vmem>>
      %dma_start3A_76 = tpu.memref_squeeze %dma_start3A_75 : memref<1x128xi32, #tpu.memory_space<vmem>> -> memref<128xi32, #tpu.memory_space<vmem>>
      %dma_start3A_77 = arith.constant 0 : i32
      %dma_start3A_78 = arith.constant 0 : i32
      %dma_start3A_79 = tpu.memref_slice %arg2[%dma_start3A_77, %dma_start3A_78] : memref<10000x128xf32, #tpu.memory_space<hbm>> -> memref<10000x128xf32, #tpu.memory_space<hbm>>
      tpu.enqueue_indirect_dma source(%dma_start3A_79 : memref<10000x128xf32, #tpu.memory_space<hbm>>) target(%arg9 : memref<128x128xf32, #tpu.memory_space<vmem>>) offsets(%dma_start3A_76 : memref<128xi32, #tpu.memory_space<vmem>>) semaphore(%arg12 : memref<!tpu.dma_semaphore, #tpu.memory_space<semaphore_mem>>)
      %dma_wait3A = arith.constant 0 : i32
      %dma_wait3A_80 = arith.constant 0 : i32
      %dma_wait3A_81 = tpu.memref_slice %arg6[%dma_wait3A, %dma_wait3A_80] : memref<8x128xi32, #tpu.memory_space<vmem>> -> memref<1x128xi32, #tpu.memory_space<vmem>>
      %dma_wait3A_82 = tpu.memref_squeeze %dma_wait3A_81 : memref<1x128xi32, #tpu.memory_space<vmem>> -> memref<128xi32, #tpu.memory_space<vmem>>
      %dma_wait3A_83 = arith.constant 0 : i32
      %dma_wait3A_84 = arith.constant 0 : i32
      %dma_wait3A_85 = tpu.memref_slice %arg2[%dma_wait3A_83, %dma_wait3A_84] : memref<10000x128xf32, #tpu.memory_space<hbm>> -> memref<10000x128xf32, #tpu.memory_space<hbm>>
      tpu.wait_indirect_dma semaphore(%arg11 : memref<!tpu.dma_semaphore, #tpu.memory_space<semaphore_mem>>) src(%dma_wait3A_85 : memref<10000x128xf32, #tpu.memory_space<hbm>>) dst(%arg8 : memref<128x128xf32, #tpu.memory_space<vmem>>)
      %run_scoped3A = arith.constant 0 : i32
      "tpu.region"() ({
        %run_scoped3A_184 = tpu.sem_alloc : memref<!tpu.dma_semaphore, #tpu.memory_space<semaphore_mem>>
        %dma_start3A_185 = arith.constant 0 : i32
        %dma_start3A_186 = tpu.memref_slice %arg7[%run_scoped3A, %dma_start3A_185] : memref<8x128xi32, #tpu.memory_space<vmem>> -> memref<1x128xi32, #tpu.memory_space<vmem>>
        %dma_start3A_187 = tpu.memref_squeeze %dma_start3A_186 : memref<1x128xi32, #tpu.memory_space<vmem>> -> memref<128xi32, #tpu.memory_space<vmem>>
        %dma_start3A_188 = arith.constant 0 : i32
        %dma_start3A_189 = arith.constant 0 : i32
        %dma_start3A_190 = tpu.memref_slice %arg10[%dma_start3A_188, %dma_start3A_189] : memref<10240x128xf32, #tpu.memory_space<vmem_shared>> -> memref<10240x128xf32, #tpu.memory_space<vmem_shared>>
        tpu.enqueue_indirect_dma source(%arg8 : memref<128x128xf32, #tpu.memory_space<vmem>>) target(%dma_start3A_190 : memref<10240x128xf32, #tpu.memory_space<vmem_shared>>) offsets(%dma_start3A_187 : memref<128xi32, #tpu.memory_space<vmem>>) semaphore(%run_scoped3A_184 : memref<!tpu.dma_semaphore, #tpu.memory_space<semaphore_mem>>) {add = true}
        %dma_wait3A_191 = arith.constant 0 : i32
        %dma_wait3A_192 = tpu.memref_slice %arg7[%run_scoped3A, %dma_wait3A_191] : memref<8x128xi32, #tpu.memory_space<vmem>> -> memref<1x128xi32, #tpu.memory_space<vmem>>
        %dma_wait3A_193 = tpu.memref_squeeze %dma_wait3A_192 : memref<1x128xi32, #tpu.memory_space<vmem>> -> memref<128xi32, #tpu.memory_space<vmem>>
        %dma_wait3A_194 = arith.constant 0 : i32
        %dma_wait3A_195 = arith.constant 0 : i32
        %dma_wait3A_196 = tpu.memref_slice %arg10[%dma_wait3A_194, %dma_wait3A_195] : memref<10240x128xf32, #tpu.memory_space<vmem_shared>> -> memref<10240x128xf32, #tpu.memory_space<vmem_shared>>
        tpu.wait_indirect_dma semaphore(%run_scoped3A_184 : memref<!tpu.dma_semaphore, #tpu.memory_space<semaphore_mem>>) src(%arg8 : memref<128x128xf32, #tpu.memory_space<vmem>>) dst(%dma_wait3A_196 : memref<10240x128xf32, #tpu.memory_space<vmem_shared>>)
        tpu.yield
      }) : () -> ()
      %dma_start3A_86 = arith.constant 2 : i32
      %dma_start3A_87 = arith.constant 0 : i32
      %dma_start3A_88 = tpu.memref_slice %arg6[%dma_start3A_86, %dma_start3A_87] : memref<8x128xi32, #tpu.memory_space<vmem>> -> memref<1x128xi32, #tpu.memory_space<vmem>>
      %dma_start3A_89 = tpu.memref_squeeze %dma_start3A_88 : memref<1x128xi32, #tpu.memory_space<vmem>> -> memref<128xi32, #tpu.memory_space<vmem>>
      %dma_start3A_90 = arith.constant 0 : i32
      %dma_start3A_91 = arith.constant 0 : i32
      %dma_start3A_92 = tpu.memref_slice %arg2[%dma_start3A_90, %dma_start3A_91] : memref<10000x128xf32, #tpu.memory_space<hbm>> -> memref<10000x128xf32, #tpu.memory_space<hbm>>
      tpu.enqueue_indirect_dma source(%dma_start3A_92 : memref<10000x128xf32, #tpu.memory_space<hbm>>) target(%arg8 : memref<128x128xf32, #tpu.memory_space<vmem>>) offsets(%dma_start3A_89 : memref<128xi32, #tpu.memory_space<vmem>>) semaphore(%arg11 : memref<!tpu.dma_semaphore, #tpu.memory_space<semaphore_mem>>)
      %dma_wait3A_93 = arith.constant 1 : i32
      %dma_wait3A_94 = arith.constant 0 : i32
      %dma_wait3A_95 = tpu.memref_slice %arg6[%dma_wait3A_93, %dma_wait3A_94] : memref<8x128xi32, #tpu.memory_space<vmem>> -> memref<1x128xi32, #tpu.memory_space<vmem>>
      %dma_wait3A_96 = tpu.memref_squeeze %dma_wait3A_95 : memref<1x128xi32, #tpu.memory_space<vmem>> -> memref<128xi32, #tpu.memory_space<vmem>>
      %dma_wait3A_97 = arith.constant 0 : i32
      %dma_wait3A_98 = arith.constant 0 : i32
      %dma_wait3A_99 = tpu.memref_slice %arg2[%dma_wait3A_97, %dma_wait3A_98] : memref<10000x128xf32, #tpu.memory_space<hbm>> -> memref<10000x128xf32, #tpu.memory_space<hbm>>
      tpu.wait_indirect_dma semaphore(%arg12 : memref<!tpu.dma_semaphore, #tpu.memory_space<semaphore_mem>>) src(%dma_wait3A_99 : memref<10000x128xf32, #tpu.memory_space<hbm>>) dst(%arg9 : memref<128x128xf32, #tpu.memory_space<vmem>>)
      %run_scoped3A_100 = arith.constant 1 : i32
      "tpu.region"() ({
        %run_scoped3A_184 = tpu.sem_alloc : memref<!tpu.dma_semaphore, #tpu.memory_space<semaphore_mem>>
        %dma_start3A_185 = arith.constant 0 : i32
        %dma_start3A_186 = tpu.memref_slice %arg7[%run_scoped3A_100, %dma_start3A_185] : memref<8x128xi32, #tpu.memory_space<vmem>> -> memref<1x128xi32, #tpu.memory_space<vmem>>
        %dma_start3A_187 = tpu.memref_squeeze %dma_start3A_186 : memref<1x128xi32, #tpu.memory_space<vmem>> -> memref<128xi32, #tpu.memory_space<vmem>>
        %dma_start3A_188 = arith.constant 0 : i32
        %dma_start3A_189 = arith.constant 0 : i32
        %dma_start3A_190 = tpu.memref_slice %arg10[%dma_start3A_188, %dma_start3A_189] : memref<10240x128xf32, #tpu.memory_space<vmem_shared>> -> memref<10240x128xf32, #tpu.memory_space<vmem_shared>>
        tpu.enqueue_indirect_dma source(%arg9 : memref<128x128xf32, #tpu.memory_space<vmem>>) target(%dma_start3A_190 : memref<10240x128xf32, #tpu.memory_space<vmem_shared>>) offsets(%dma_start3A_187 : memref<128xi32, #tpu.memory_space<vmem>>) semaphore(%run_scoped3A_184 : memref<!tpu.dma_semaphore, #tpu.memory_space<semaphore_mem>>) {add = true}
        %dma_wait3A_191 = arith.constant 0 : i32
        %dma_wait3A_192 = tpu.memref_slice %arg7[%run_scoped3A_100, %dma_wait3A_191] : memref<8x128xi32, #tpu.memory_space<vmem>> -> memref<1x128xi32, #tpu.memory_space<vmem>>
        %dma_wait3A_193 = tpu.memref_squeeze %dma_wait3A_192 : memref<1x128xi32, #tpu.memory_space<vmem>> -> memref<128xi32, #tpu.memory_space<vmem>>
        %dma_wait3A_194 = arith.constant 0 : i32
        %dma_wait3A_195 = arith.constant 0 : i32
        %dma_wait3A_196 = tpu.memref_slice %arg10[%dma_wait3A_194, %dma_wait3A_195] : memref<10240x128xf32, #tpu.memory_space<vmem_shared>> -> memref<10240x128xf32, #tpu.memory_space<vmem_shared>>
        tpu.wait_indirect_dma semaphore(%run_scoped3A_184 : memref<!tpu.dma_semaphore, #tpu.memory_space<semaphore_mem>>) src(%arg9 : memref<128x128xf32, #tpu.memory_space<vmem>>) dst(%dma_wait3A_196 : memref<10240x128xf32, #tpu.memory_space<vmem_shared>>)
        tpu.yield
      }) : () -> ()
      %dma_start3A_101 = arith.constant 3 : i32
      %dma_start3A_102 = arith.constant 0 : i32
      %dma_start3A_103 = tpu.memref_slice %arg6[%dma_start3A_101, %dma_start3A_102] : memref<8x128xi32, #tpu.memory_space<vmem>> -> memref<1x128xi32, #tpu.memory_space<vmem>>
      %dma_start3A_104 = tpu.memref_squeeze %dma_start3A_103 : memref<1x128xi32, #tpu.memory_space<vmem>> -> memref<128xi32, #tpu.memory_space<vmem>>
      %dma_start3A_105 = arith.constant 0 : i32
      %dma_start3A_106 = arith.constant 0 : i32
      %dma_start3A_107 = tpu.memref_slice %arg2[%dma_start3A_105, %dma_start3A_106] : memref<10000x128xf32, #tpu.memory_space<hbm>> -> memref<10000x128xf32, #tpu.memory_space<hbm>>
      tpu.enqueue_indirect_dma source(%dma_start3A_107 : memref<10000x128xf32, #tpu.memory_space<hbm>>) target(%arg9 : memref<128x128xf32, #tpu.memory_space<vmem>>) offsets(%dma_start3A_104 : memref<128xi32, #tpu.memory_space<vmem>>) semaphore(%arg12 : memref<!tpu.dma_semaphore, #tpu.memory_space<semaphore_mem>>)
      %dma_wait3A_108 = arith.constant 2 : i32
      %dma_wait3A_109 = arith.constant 0 : i32
      %dma_wait3A_110 = tpu.memref_slice %arg6[%dma_wait3A_108, %dma_wait3A_109] : memref<8x128xi32, #tpu.memory_space<vmem>> -> memref<1x128xi32, #tpu.memory_space<vmem>>
      %dma_wait3A_111 = tpu.memref_squeeze %dma_wait3A_110 : memref<1x128xi32, #tpu.memory_space<vmem>> -> memref<128xi32, #tpu.memory_space<vmem>>
      %dma_wait3A_112 = arith.constant 0 : i32
      %dma_wait3A_113 = arith.constant 0 : i32
      %dma_wait3A_114 = tpu.memref_slice %arg2[%dma_wait3A_112, %dma_wait3A_113] : memref<10000x128xf32, #tpu.memory_space<hbm>> -> memref<10000x128xf32, #tpu.memory_space<hbm>>
      tpu.wait_indirect_dma semaphore(%arg11 : memref<!tpu.dma_semaphore, #tpu.memory_space<semaphore_mem>>) src(%dma_wait3A_114 : memref<10000x128xf32, #tpu.memory_space<hbm>>) dst(%arg8 : memref<128x128xf32, #tpu.memory_space<vmem>>)
      %run_scoped3A_115 = arith.constant 2 : i32
      "tpu.region"() ({
        %run_scoped3A_184 = tpu.sem_alloc : memref<!tpu.dma_semaphore, #tpu.memory_space<semaphore_mem>>
        %dma_start3A_185 = arith.constant 0 : i32
        %dma_start3A_186 = tpu.memref_slice %arg7[%run_scoped3A_115, %dma_start3A_185] : memref<8x128xi32, #tpu.memory_space<vmem>> -> memref<1x128xi32, #tpu.memory_space<vmem>>
        %dma_start3A_187 = tpu.memref_squeeze %dma_start3A_186 : memref<1x128xi32, #tpu.memory_space<vmem>> -> memref<128xi32, #tpu.memory_space<vmem>>
        %dma_start3A_188 = arith.constant 0 : i32
        %dma_start3A_189 = arith.constant 0 : i32
        %dma_start3A_190 = tpu.memref_slice %arg10[%dma_start3A_188, %dma_start3A_189] : memref<10240x128xf32, #tpu.memory_space<vmem_shared>> -> memref<10240x128xf32, #tpu.memory_space<vmem_shared>>
        tpu.enqueue_indirect_dma source(%arg8 : memref<128x128xf32, #tpu.memory_space<vmem>>) target(%dma_start3A_190 : memref<10240x128xf32, #tpu.memory_space<vmem_shared>>) offsets(%dma_start3A_187 : memref<128xi32, #tpu.memory_space<vmem>>) semaphore(%run_scoped3A_184 : memref<!tpu.dma_semaphore, #tpu.memory_space<semaphore_mem>>) {add = true}
        %dma_wait3A_191 = arith.constant 0 : i32
        %dma_wait3A_192 = tpu.memref_slice %arg7[%run_scoped3A_115, %dma_wait3A_191] : memref<8x128xi32, #tpu.memory_space<vmem>> -> memref<1x128xi32, #tpu.memory_space<vmem>>
        %dma_wait3A_193 = tpu.memref_squeeze %dma_wait3A_192 : memref<1x128xi32, #tpu.memory_space<vmem>> -> memref<128xi32, #tpu.memory_space<vmem>>
        %dma_wait3A_194 = arith.constant 0 : i32
        %dma_wait3A_195 = arith.constant 0 : i32
        %dma_wait3A_196 = tpu.memref_slice %arg10[%dma_wait3A_194, %dma_wait3A_195] : memref<10240x128xf32, #tpu.memory_space<vmem_shared>> -> memref<10240x128xf32, #tpu.memory_space<vmem_shared>>
        tpu.wait_indirect_dma semaphore(%run_scoped3A_184 : memref<!tpu.dma_semaphore, #tpu.memory_space<semaphore_mem>>) src(%arg8 : memref<128x128xf32, #tpu.memory_space<vmem>>) dst(%dma_wait3A_196 : memref<10240x128xf32, #tpu.memory_space<vmem_shared>>)
        tpu.yield
      }) : () -> ()
      %dma_start3A_116 = arith.constant 4 : i32
      %dma_start3A_117 = arith.constant 0 : i32
      %dma_start3A_118 = tpu.memref_slice %arg6[%dma_start3A_116, %dma_start3A_117] : memref<8x128xi32, #tpu.memory_space<vmem>> -> memref<1x128xi32, #tpu.memory_space<vmem>>
      %dma_start3A_119 = tpu.memref_squeeze %dma_start3A_118 : memref<1x128xi32, #tpu.memory_space<vmem>> -> memref<128xi32, #tpu.memory_space<vmem>>
      %dma_start3A_120 = arith.constant 0 : i32
      %dma_start3A_121 = arith.constant 0 : i32
      %dma_start3A_122 = tpu.memref_slice %arg2[%dma_start3A_120, %dma_start3A_121] : memref<10000x128xf32, #tpu.memory_space<hbm>> -> memref<10000x128xf32, #tpu.memory_space<hbm>>
      tpu.enqueue_indirect_dma source(%dma_start3A_122 : memref<10000x128xf32, #tpu.memory_space<hbm>>) target(%arg8 : memref<128x128xf32, #tpu.memory_space<vmem>>) offsets(%dma_start3A_119 : memref<128xi32, #tpu.memory_space<vmem>>) semaphore(%arg11 : memref<!tpu.dma_semaphore, #tpu.memory_space<semaphore_mem>>)
      %dma_wait3A_123 = arith.constant 3 : i32
      %dma_wait3A_124 = arith.constant 0 : i32
      %dma_wait3A_125 = tpu.memref_slice %arg6[%dma_wait3A_123, %dma_wait3A_124] : memref<8x128xi32, #tpu.memory_space<vmem>> -> memref<1x128xi32, #tpu.memory_space<vmem>>
      %dma_wait3A_126 = tpu.memref_squeeze %dma_wait3A_125 : memref<1x128xi32, #tpu.memory_space<vmem>> -> memref<128xi32, #tpu.memory_space<vmem>>
      %dma_wait3A_127 = arith.constant 0 : i32
      %dma_wait3A_128 = arith.constant 0 : i32
      %dma_wait3A_129 = tpu.memref_slice %arg2[%dma_wait3A_127, %dma_wait3A_128] : memref<10000x128xf32, #tpu.memory_space<hbm>> -> memref<10000x128xf32, #tpu.memory_space<hbm>>
      tpu.wait_indirect_dma semaphore(%arg12 : memref<!tpu.dma_semaphore, #tpu.memory_space<semaphore_mem>>) src(%dma_wait3A_129 : memref<10000x128xf32, #tpu.memory_space<hbm>>) dst(%arg9 : memref<128x128xf32, #tpu.memory_space<vmem>>)
      %run_scoped3A_130 = arith.constant 3 : i32
      "tpu.region"() ({
        %run_scoped3A_184 = tpu.sem_alloc : memref<!tpu.dma_semaphore, #tpu.memory_space<semaphore_mem>>
        %dma_start3A_185 = arith.constant 0 : i32
        %dma_start3A_186 = tpu.memref_slice %arg7[%run_scoped3A_130, %dma_start3A_185] : memref<8x128xi32, #tpu.memory_space<vmem>> -> memref<1x128xi32, #tpu.memory_space<vmem>>
        %dma_start3A_187 = tpu.memref_squeeze %dma_start3A_186 : memref<1x128xi32, #tpu.memory_space<vmem>> -> memref<128xi32, #tpu.memory_space<vmem>>
        %dma_start3A_188 = arith.constant 0 : i32
        %dma_start3A_189 = arith.constant 0 : i32
        %dma_start3A_190 = tpu.memref_slice %arg10[%dma_start3A_188, %dma_start3A_189] : memref<10240x128xf32, #tpu.memory_space<vmem_shared>> -> memref<10240x128xf32, #tpu.memory_space<vmem_shared>>
        tpu.enqueue_indirect_dma source(%arg9 : memref<128x128xf32, #tpu.memory_space<vmem>>) target(%dma_start3A_190 : memref<10240x128xf32, #tpu.memory_space<vmem_shared>>) offsets(%dma_start3A_187 : memref<128xi32, #tpu.memory_space<vmem>>) semaphore(%run_scoped3A_184 : memref<!tpu.dma_semaphore, #tpu.memory_space<semaphore_mem>>) {add = true}
        %dma_wait3A_191 = arith.constant 0 : i32
        %dma_wait3A_192 = tpu.memref_slice %arg7[%run_scoped3A_130, %dma_wait3A_191] : memref<8x128xi32, #tpu.memory_space<vmem>> -> memref<1x128xi32, #tpu.memory_space<vmem>>
        %dma_wait3A_193 = tpu.memref_squeeze %dma_wait3A_192 : memref<1x128xi32, #tpu.memory_space<vmem>> -> memref<128xi32, #tpu.memory_space<vmem>>
        %dma_wait3A_194 = arith.constant 0 : i32
        %dma_wait3A_195 = arith.constant 0 : i32
        %dma_wait3A_196 = tpu.memref_slice %arg10[%dma_wait3A_194, %dma_wait3A_195] : memref<10240x128xf32, #tpu.memory_space<vmem_shared>> -> memref<10240x128xf32, #tpu.memory_space<vmem_shared>>
        tpu.wait_indirect_dma semaphore(%run_scoped3A_184 : memref<!tpu.dma_semaphore, #tpu.memory_space<semaphore_mem>>) src(%arg9 : memref<128x128xf32, #tpu.memory_space<vmem>>) dst(%dma_wait3A_196 : memref<10240x128xf32, #tpu.memory_space<vmem_shared>>)
        tpu.yield
      }) : () -> ()
      %dma_start3A_131 = arith.constant 5 : i32
      %dma_start3A_132 = arith.constant 0 : i32
      %dma_start3A_133 = tpu.memref_slice %arg6[%dma_start3A_131, %dma_start3A_132] : memref<8x128xi32, #tpu.memory_space<vmem>> -> memref<1x128xi32, #tpu.memory_space<vmem>>
      %dma_start3A_134 = tpu.memref_squeeze %dma_start3A_133 : memref<1x128xi32, #tpu.memory_space<vmem>> -> memref<128xi32, #tpu.memory_space<vmem>>
      %dma_start3A_135 = arith.constant 0 : i32
      %dma_start3A_136 = arith.constant 0 : i32
      %dma_start3A_137 = tpu.memref_slice %arg2[%dma_start3A_135, %dma_start3A_136] : memref<10000x128xf32, #tpu.memory_space<hbm>> -> memref<10000x128xf32, #tpu.memory_space<hbm>>
      tpu.enqueue_indirect_dma source(%dma_start3A_137 : memref<10000x128xf32, #tpu.memory_space<hbm>>) target(%arg9 : memref<128x128xf32, #tpu.memory_space<vmem>>) offsets(%dma_start3A_134 : memref<128xi32, #tpu.memory_space<vmem>>) semaphore(%arg12 : memref<!tpu.dma_semaphore, #tpu.memory_space<semaphore_mem>>)
      %dma_wait3A_138 = arith.constant 4 : i32
      %dma_wait3A_139 = arith.constant 0 : i32
      %dma_wait3A_140 = tpu.memref_slice %arg6[%dma_wait3A_138, %dma_wait3A_139] : memref<8x128xi32, #tpu.memory_space<vmem>> -> memref<1x128xi32, #tpu.memory_space<vmem>>
      %dma_wait3A_141 = tpu.memref_squeeze %dma_wait3A_140 : memref<1x128xi32, #tpu.memory_space<vmem>> -> memref<128xi32, #tpu.memory_space<vmem>>
      %dma_wait3A_142 = arith.constant 0 : i32
      %dma_wait3A_143 = arith.constant 0 : i32
      %dma_wait3A_144 = tpu.memref_slice %arg2[%dma_wait3A_142, %dma_wait3A_143] : memref<10000x128xf32, #tpu.memory_space<hbm>> -> memref<10000x128xf32, #tpu.memory_space<hbm>>
      tpu.wait_indirect_dma semaphore(%arg11 : memref<!tpu.dma_semaphore, #tpu.memory_space<semaphore_mem>>) src(%dma_wait3A_144 : memref<10000x128xf32, #tpu.memory_space<hbm>>) dst(%arg8 : memref<128x128xf32, #tpu.memory_space<vmem>>)
      %run_scoped3A_145 = arith.constant 4 : i32
      "tpu.region"() ({
        %run_scoped3A_184 = tpu.sem_alloc : memref<!tpu.dma_semaphore, #tpu.memory_space<semaphore_mem>>
        %dma_start3A_185 = arith.constant 0 : i32
        %dma_start3A_186 = tpu.memref_slice %arg7[%run_scoped3A_145, %dma_start3A_185] : memref<8x128xi32, #tpu.memory_space<vmem>> -> memref<1x128xi32, #tpu.memory_space<vmem>>
        %dma_start3A_187 = tpu.memref_squeeze %dma_start3A_186 : memref<1x128xi32, #tpu.memory_space<vmem>> -> memref<128xi32, #tpu.memory_space<vmem>>
        %dma_start3A_188 = arith.constant 0 : i32
        %dma_start3A_189 = arith.constant 0 : i32
        %dma_start3A_190 = tpu.memref_slice %arg10[%dma_start3A_188, %dma_start3A_189] : memref<10240x128xf32, #tpu.memory_space<vmem_shared>> -> memref<10240x128xf32, #tpu.memory_space<vmem_shared>>
        tpu.enqueue_indirect_dma source(%arg8 : memref<128x128xf32, #tpu.memory_space<vmem>>) target(%dma_start3A_190 : memref<10240x128xf32, #tpu.memory_space<vmem_shared>>) offsets(%dma_start3A_187 : memref<128xi32, #tpu.memory_space<vmem>>) semaphore(%run_scoped3A_184 : memref<!tpu.dma_semaphore, #tpu.memory_space<semaphore_mem>>) {add = true}
        %dma_wait3A_191 = arith.constant 0 : i32
        %dma_wait3A_192 = tpu.memref_slice %arg7[%run_scoped3A_145, %dma_wait3A_191] : memref<8x128xi32, #tpu.memory_space<vmem>> -> memref<1x128xi32, #tpu.memory_space<vmem>>
        %dma_wait3A_193 = tpu.memref_squeeze %dma_wait3A_192 : memref<1x128xi32, #tpu.memory_space<vmem>> -> memref<128xi32, #tpu.memory_space<vmem>>
        %dma_wait3A_194 = arith.constant 0 : i32
        %dma_wait3A_195 = arith.constant 0 : i32
        %dma_wait3A_196 = tpu.memref_slice %arg10[%dma_wait3A_194, %dma_wait3A_195] : memref<10240x128xf32, #tpu.memory_space<vmem_shared>> -> memref<10240x128xf32, #tpu.memory_space<vmem_shared>>
        tpu.wait_indirect_dma semaphore(%run_scoped3A_184 : memref<!tpu.dma_semaphore, #tpu.memory_space<semaphore_mem>>) src(%arg8 : memref<128x128xf32, #tpu.memory_space<vmem>>) dst(%dma_wait3A_196 : memref<10240x128xf32, #tpu.memory_space<vmem_shared>>)
        tpu.yield
      }) : () -> ()
      %dma_start3A_146 = arith.constant 6 : i32
      %dma_start3A_147 = arith.constant 0 : i32
      %dma_start3A_148 = tpu.memref_slice %arg6[%dma_start3A_146, %dma_start3A_147] : memref<8x128xi32, #tpu.memory_space<vmem>> -> memref<1x128xi32, #tpu.memory_space<vmem>>
      %dma_start3A_149 = tpu.memref_squeeze %dma_start3A_148 : memref<1x128xi32, #tpu.memory_space<vmem>> -> memref<128xi32, #tpu.memory_space<vmem>>
      %dma_start3A_150 = arith.constant 0 : i32
      %dma_start3A_151 = arith.constant 0 : i32
      %dma_start3A_152 = tpu.memref_slice %arg2[%dma_start3A_150, %dma_start3A_151] : memref<10000x128xf32, #tpu.memory_space<hbm>> -> memref<10000x128xf32, #tpu.memory_space<hbm>>
      tpu.enqueue_indirect_dma source(%dma_start3A_152 : memref<10000x128xf32, #tpu.memory_space<hbm>>) target(%arg8 : memref<128x128xf32, #tpu.memory_space<vmem>>) offsets(%dma_start3A_149 : memref<128xi32, #tpu.memory_space<vmem>>) semaphore(%arg11 : memref<!tpu.dma_semaphore, #tpu.memory_space<semaphore_mem>>)
      %dma_wait3A_153 = arith.constant 5 : i32
      %dma_wait3A_154 = arith.constant 0 : i32
      %dma_wait3A_155 = tpu.memref_slice %arg6[%dma_wait3A_153, %dma_wait3A_154] : memref<8x128xi32, #tpu.memory_space<vmem>> -> memref<1x128xi32, #tpu.memory_space<vmem>>
      %dma_wait3A_156 = tpu.memref_squeeze %dma_wait3A_155 : memref<1x128xi32, #tpu.memory_space<vmem>> -> memref<128xi32, #tpu.memory_space<vmem>>
      %dma_wait3A_157 = arith.constant 0 : i32
      %dma_wait3A_158 = arith.constant 0 : i32
      %dma_wait3A_159 = tpu.memref_slice %arg2[%dma_wait3A_157, %dma_wait3A_158] : memref<10000x128xf32, #tpu.memory_space<hbm>> -> memref<10000x128xf32, #tpu.memory_space<hbm>>
      tpu.wait_indirect_dma semaphore(%arg12 : memref<!tpu.dma_semaphore, #tpu.memory_space<semaphore_mem>>) src(%dma_wait3A_159 : memref<10000x128xf32, #tpu.memory_space<hbm>>) dst(%arg9 : memref<128x128xf32, #tpu.memory_space<vmem>>)
      %run_scoped3A_160 = arith.constant 5 : i32
      "tpu.region"() ({
        %run_scoped3A_184 = tpu.sem_alloc : memref<!tpu.dma_semaphore, #tpu.memory_space<semaphore_mem>>
        %dma_start3A_185 = arith.constant 0 : i32
        %dma_start3A_186 = tpu.memref_slice %arg7[%run_scoped3A_160, %dma_start3A_185] : memref<8x128xi32, #tpu.memory_space<vmem>> -> memref<1x128xi32, #tpu.memory_space<vmem>>
        %dma_start3A_187 = tpu.memref_squeeze %dma_start3A_186 : memref<1x128xi32, #tpu.memory_space<vmem>> -> memref<128xi32, #tpu.memory_space<vmem>>
        %dma_start3A_188 = arith.constant 0 : i32
        %dma_start3A_189 = arith.constant 0 : i32
        %dma_start3A_190 = tpu.memref_slice %arg10[%dma_start3A_188, %dma_start3A_189] : memref<10240x128xf32, #tpu.memory_space<vmem_shared>> -> memref<10240x128xf32, #tpu.memory_space<vmem_shared>>
        tpu.enqueue_indirect_dma source(%arg9 : memref<128x128xf32, #tpu.memory_space<vmem>>) target(%dma_start3A_190 : memref<10240x128xf32, #tpu.memory_space<vmem_shared>>) offsets(%dma_start3A_187 : memref<128xi32, #tpu.memory_space<vmem>>) semaphore(%run_scoped3A_184 : memref<!tpu.dma_semaphore, #tpu.memory_space<semaphore_mem>>) {add = true}
        %dma_wait3A_191 = arith.constant 0 : i32
        %dma_wait3A_192 = tpu.memref_slice %arg7[%run_scoped3A_160, %dma_wait3A_191] : memref<8x128xi32, #tpu.memory_space<vmem>> -> memref<1x128xi32, #tpu.memory_space<vmem>>
        %dma_wait3A_193 = tpu.memref_squeeze %dma_wait3A_192 : memref<1x128xi32, #tpu.memory_space<vmem>> -> memref<128xi32, #tpu.memory_space<vmem>>
        %dma_wait3A_194 = arith.constant 0 : i32
        %dma_wait3A_195 = arith.constant 0 : i32
        %dma_wait3A_196 = tpu.memref_slice %arg10[%dma_wait3A_194, %dma_wait3A_195] : memref<10240x128xf32, #tpu.memory_space<vmem_shared>> -> memref<10240x128xf32, #tpu.memory_space<vmem_shared>>
        tpu.wait_indirect_dma semaphore(%run_scoped3A_184 : memref<!tpu.dma_semaphore, #tpu.memory_space<semaphore_mem>>) src(%arg9 : memref<128x128xf32, #tpu.memory_space<vmem>>) dst(%dma_wait3A_196 : memref<10240x128xf32, #tpu.memory_space<vmem_shared>>)
        tpu.yield
      }) : () -> ()
      %dma_start3A_161 = arith.constant 7 : i32
      %dma_start3A_162 = arith.constant 0 : i32
      %dma_start3A_163 = tpu.memref_slice %arg6[%dma_start3A_161, %dma_start3A_162] : memref<8x128xi32, #tpu.memory_space<vmem>> -> memref<1x128xi32, #tpu.memory_space<vmem>>
      %dma_start3A_164 = tpu.memref_squeeze %dma_start3A_163 : memref<1x128xi32, #tpu.memory_space<vmem>> -> memref<128xi32, #tpu.memory_space<vmem>>
      %dma_start3A_165 = arith.constant 0 : i32
      %dma_start3A_166 = arith.constant 0 : i32
      %dma_start3A_167 = tpu.memref_slice %arg2[%dma_start3A_165, %dma_start3A_166] : memref<10000x128xf32, #tpu.memory_space<hbm>> -> memref<10000x128xf32, #tpu.memory_space<hbm>>
      tpu.enqueue_indirect_dma source(%dma_start3A_167 : memref<10000x128xf32, #tpu.memory_space<hbm>>) target(%arg9 : memref<128x128xf32, #tpu.memory_space<vmem>>) offsets(%dma_start3A_164 : memref<128xi32, #tpu.memory_space<vmem>>) semaphore(%arg12 : memref<!tpu.dma_semaphore, #tpu.memory_space<semaphore_mem>>)
      %dma_wait3A_168 = arith.constant 6 : i32
      %dma_wait3A_169 = arith.constant 0 : i32
      %dma_wait3A_170 = tpu.memref_slice %arg6[%dma_wait3A_168, %dma_wait3A_169] : memref<8x128xi32, #tpu.memory_space<vmem>> -> memref<1x128xi32, #tpu.memory_space<vmem>>
      %dma_wait3A_171 = tpu.memref_squeeze %dma_wait3A_170 : memref<1x128xi32, #tpu.memory_space<vmem>> -> memref<128xi32, #tpu.memory_space<vmem>>
      %dma_wait3A_172 = arith.constant 0 : i32
      %dma_wait3A_173 = arith.constant 0 : i32
      %dma_wait3A_174 = tpu.memref_slice %arg2[%dma_wait3A_172, %dma_wait3A_173] : memref<10000x128xf32, #tpu.memory_space<hbm>> -> memref<10000x128xf32, #tpu.memory_space<hbm>>
      tpu.wait_indirect_dma semaphore(%arg11 : memref<!tpu.dma_semaphore, #tpu.memory_space<semaphore_mem>>) src(%dma_wait3A_174 : memref<10000x128xf32, #tpu.memory_space<hbm>>) dst(%arg8 : memref<128x128xf32, #tpu.memory_space<vmem>>)
      %run_scoped3A_175 = arith.constant 6 : i32
      "tpu.region"() ({
        %run_scoped3A_184 = tpu.sem_alloc : memref<!tpu.dma_semaphore, #tpu.memory_space<semaphore_mem>>
        %dma_start3A_185 = arith.constant 0 : i32
        %dma_start3A_186 = tpu.memref_slice %arg7[%run_scoped3A_175, %dma_start3A_185] : memref<8x128xi32, #tpu.memory_space<vmem>> -> memref<1x128xi32, #tpu.memory_space<vmem>>
        %dma_start3A_187 = tpu.memref_squeeze %dma_start3A_186 : memref<1x128xi32, #tpu.memory_space<vmem>> -> memref<128xi32, #tpu.memory_space<vmem>>
        %dma_start3A_188 = arith.constant 0 : i32
        %dma_start3A_189 = arith.constant 0 : i32
        %dma_start3A_190 = tpu.memref_slice %arg10[%dma_start3A_188, %dma_start3A_189] : memref<10240x128xf32, #tpu.memory_space<vmem_shared>> -> memref<10240x128xf32, #tpu.memory_space<vmem_shared>>
        tpu.enqueue_indirect_dma source(%arg8 : memref<128x128xf32, #tpu.memory_space<vmem>>) target(%dma_start3A_190 : memref<10240x128xf32, #tpu.memory_space<vmem_shared>>) offsets(%dma_start3A_187 : memref<128xi32, #tpu.memory_space<vmem>>) semaphore(%run_scoped3A_184 : memref<!tpu.dma_semaphore, #tpu.memory_space<semaphore_mem>>) {add = true}
        %dma_wait3A_191 = arith.constant 0 : i32
        %dma_wait3A_192 = tpu.memref_slice %arg7[%run_scoped3A_175, %dma_wait3A_191] : memref<8x128xi32, #tpu.memory_space<vmem>> -> memref<1x128xi32, #tpu.memory_space<vmem>>
        %dma_wait3A_193 = tpu.memref_squeeze %dma_wait3A_192 : memref<1x128xi32, #tpu.memory_space<vmem>> -> memref<128xi32, #tpu.memory_space<vmem>>
        %dma_wait3A_194 = arith.constant 0 : i32
        %dma_wait3A_195 = arith.constant 0 : i32
        %dma_wait3A_196 = tpu.memref_slice %arg10[%dma_wait3A_194, %dma_wait3A_195] : memref<10240x128xf32, #tpu.memory_space<vmem_shared>> -> memref<10240x128xf32, #tpu.memory_space<vmem_shared>>
        tpu.wait_indirect_dma semaphore(%run_scoped3A_184 : memref<!tpu.dma_semaphore, #tpu.memory_space<semaphore_mem>>) src(%arg8 : memref<128x128xf32, #tpu.memory_space<vmem>>) dst(%dma_wait3A_196 : memref<10240x128xf32, #tpu.memory_space<vmem_shared>>)
        tpu.yield
      }) : () -> ()
      %dma_wait3A_176 = arith.constant 7 : i32
      %dma_wait3A_177 = arith.constant 0 : i32
      %dma_wait3A_178 = tpu.memref_slice %arg6[%dma_wait3A_176, %dma_wait3A_177] : memref<8x128xi32, #tpu.memory_space<vmem>> -> memref<1x128xi32, #tpu.memory_space<vmem>>
      %dma_wait3A_179 = tpu.memref_squeeze %dma_wait3A_178 : memref<1x128xi32, #tpu.memory_space<vmem>> -> memref<128xi32, #tpu.memory_space<vmem>>
      %dma_wait3A_180 = arith.constant 0 : i32
      %dma_wait3A_181 = arith.constant 0 : i32
      %dma_wait3A_182 = tpu.memref_slice %arg2[%dma_wait3A_180, %dma_wait3A_181] : memref<10000x128xf32, #tpu.memory_space<hbm>> -> memref<10000x128xf32, #tpu.memory_space<hbm>>
      tpu.wait_indirect_dma semaphore(%arg12 : memref<!tpu.dma_semaphore, #tpu.memory_space<semaphore_mem>>) src(%dma_wait3A_182 : memref<10000x128xf32, #tpu.memory_space<hbm>>) dst(%arg9 : memref<128x128xf32, #tpu.memory_space<vmem>>)
      %run_scoped3A_183 = arith.constant 7 : i32
      "tpu.region"() ({
        %run_scoped3A_184 = tpu.sem_alloc : memref<!tpu.dma_semaphore, #tpu.memory_space<semaphore_mem>>
        %dma_start3A_185 = arith.constant 0 : i32
        %dma_start3A_186 = tpu.memref_slice %arg7[%run_scoped3A_183, %dma_start3A_185] : memref<8x128xi32, #tpu.memory_space<vmem>> -> memref<1x128xi32, #tpu.memory_space<vmem>>
        %dma_start3A_187 = tpu.memref_squeeze %dma_start3A_186 : memref<1x128xi32, #tpu.memory_space<vmem>> -> memref<128xi32, #tpu.memory_space<vmem>>
        %dma_start3A_188 = arith.constant 0 : i32
        %dma_start3A_189 = arith.constant 0 : i32
        %dma_start3A_190 = tpu.memref_slice %arg10[%dma_start3A_188, %dma_start3A_189] : memref<10240x128xf32, #tpu.memory_space<vmem_shared>> -> memref<10240x128xf32, #tpu.memory_space<vmem_shared>>
        tpu.enqueue_indirect_dma source(%arg9 : memref<128x128xf32, #tpu.memory_space<vmem>>) target(%dma_start3A_190 : memref<10240x128xf32, #tpu.memory_space<vmem_shared>>) offsets(%dma_start3A_187 : memref<128xi32, #tpu.memory_space<vmem>>) semaphore(%run_scoped3A_184 : memref<!tpu.dma_semaphore, #tpu.memory_space<semaphore_mem>>) {add = true}
        %dma_wait3A_191 = arith.constant 0 : i32
        %dma_wait3A_192 = tpu.memref_slice %arg7[%run_scoped3A_183, %dma_wait3A_191] : memref<8x128xi32, #tpu.memory_space<vmem>> -> memref<1x128xi32, #tpu.memory_space<vmem>>
        %dma_wait3A_193 = tpu.memref_squeeze %dma_wait3A_192 : memref<1x128xi32, #tpu.memory_space<vmem>> -> memref<128xi32, #tpu.memory_space<vmem>>
        %dma_wait3A_194 = arith.constant 0 : i32
        %dma_wait3A_195 = arith.constant 0 : i32
        %dma_wait3A_196 = tpu.memref_slice %arg10[%dma_wait3A_194, %dma_wait3A_195] : memref<10240x128xf32, #tpu.memory_space<vmem_shared>> -> memref<10240x128xf32, #tpu.memory_space<vmem_shared>>
        tpu.wait_indirect_dma semaphore(%run_scoped3A_184 : memref<!tpu.dma_semaphore, #tpu.memory_space<semaphore_mem>>) src(%arg9 : memref<128x128xf32, #tpu.memory_space<vmem>>) dst(%dma_wait3A_196 : memref<10240x128xf32, #tpu.memory_space<vmem_shared>>)
        tpu.yield
      }) : () -> ()
    }
    %scan3A_21 = arith.constant 10 : i32
    %barrier3A_22 = arith.constant 0 : index
    tpu.barrier barrier_id(%barrier3A_22)
    %add3A_23 = arith.constant 0 : i32
    %add3A_24 = arith.addi %mul3A_2, %add3A_23 : i32
    "tpu.region"() ({
      %run_scoped3A = tpu.sem_alloc : memref<!tpu.dma_semaphore, #tpu.memory_space<semaphore_mem>>
      %dma_start3A = arith.constant 0 : i32
      %dma_start3A_58 = tpu.memref_slice %arg10[%add3A_24, %dma_start3A] : memref<10240x128xf32, #tpu.memory_space<vmem_shared>> -> memref<128x128xf32, #tpu.memory_space<vmem_shared>>
      %dma_start3A_59 = arith.constant 0 : i32
      %dma_start3A_60 = tpu.memref_slice %arg10[%add3A_24, %dma_start3A_59] : memref<10240x128xf32, #tpu.memory_space<vmem_shared>> -> memref<128x128xf32, #tpu.memory_space<vmem_shared>>
      tpu.enqueue_dma source(%dma_start3A_60 : memref<128x128xf32, #tpu.memory_space<vmem_shared>>) target(%arg8 : memref<128x128xf32, #tpu.memory_space<vmem>>) target_semaphore(%run_scoped3A : memref<!tpu.dma_semaphore, #tpu.memory_space<semaphore_mem>>)
      %dma_wait3A = arith.constant 0 : i32
      %dma_wait3A_61 = tpu.memref_slice %arg10[%add3A_24, %dma_wait3A] : memref<10240x128xf32, #tpu.memory_space<vmem_shared>> -> memref<128x128xf32, #tpu.memory_space<vmem_shared>>
      %dma_wait3A_62 = arith.constant 0 : i32
      %dma_wait3A_63 = tpu.memref_slice %arg10[%add3A_24, %dma_wait3A_62] : memref<10240x128xf32, #tpu.memory_space<vmem_shared>> -> memref<128x128xf32, #tpu.memory_space<vmem_shared>>
      tpu.wait_dma2 semaphore(%run_scoped3A : memref<!tpu.dma_semaphore, #tpu.memory_space<semaphore_mem>>) src(%dma_wait3A_63 : memref<128x128xf32, #tpu.memory_space<vmem_shared>>) dst(%arg8 : memref<128x128xf32, #tpu.memory_space<vmem>>)
      tpu.yield
    }) : () -> ()
    %mul3A_25 = arith.constant 10240 : i32
    %mul3A_26 = arith.muli %arg0, %mul3A_25 : i32
    %add3A_27 = arith.addi %mul3A_26, %mul3A_2 : i32
    %add3A_28 = arith.constant 0 : i32
    %add3A_29 = arith.addi %add3A_27, %add3A_28 : i32
    "tpu.region"() ({
      %run_scoped3A = tpu.sem_alloc : memref<!tpu.dma_semaphore, #tpu.memory_space<semaphore_mem>>
      %dma_start3A = arith.constant 0 : i32
      %dma_start3A_58 = tpu.memref_slice %arg5[%add3A_29, %dma_start3A] : memref<20480x128xf32, #tpu.memory_space<hbm>> -> memref<128x128xf32, #tpu.memory_space<hbm>>
      %dma_start3A_59 = arith.constant 0 : i32
      %dma_start3A_60 = tpu.memref_slice %arg5[%add3A_29, %dma_start3A_59] : memref<20480x128xf32, #tpu.memory_space<hbm>> -> memref<128x128xf32, #tpu.memory_space<hbm>>
      tpu.enqueue_dma source(%arg8 : memref<128x128xf32, #tpu.memory_space<vmem>>) target(%dma_start3A_60 : memref<128x128xf32, #tpu.memory_space<hbm>>) target_semaphore(%run_scoped3A : memref<!tpu.dma_semaphore, #tpu.memory_space<semaphore_mem>>)
      %dma_wait3A = arith.constant 0 : i32
      %dma_wait3A_61 = tpu.memref_slice %arg5[%add3A_29, %dma_wait3A] : memref<20480x128xf32, #tpu.memory_space<hbm>> -> memref<128x128xf32, #tpu.memory_space<hbm>>
      %dma_wait3A_62 = arith.constant 0 : i32
      %dma_wait3A_63 = tpu.memref_slice %arg5[%add3A_29, %dma_wait3A_62] : memref<20480x128xf32, #tpu.memory_space<hbm>> -> memref<128x128xf32, #tpu.memory_space<hbm>>
      tpu.wait_dma2 semaphore(%run_scoped3A : memref<!tpu.dma_semaphore, #tpu.memory_space<semaphore_mem>>) src(%arg8 : memref<128x128xf32, #tpu.memory_space<vmem>>) dst(%dma_wait3A_63 : memref<128x128xf32, #tpu.memory_space<hbm>>)
      tpu.yield
    }) : () -> ()
    %add3A_30 = arith.constant 128 : i32
    %add3A_31 = arith.addi %mul3A_2, %add3A_30 : i32
    "tpu.region"() ({
      %run_scoped3A = tpu.sem_alloc : memref<!tpu.dma_semaphore, #tpu.memory_space<semaphore_mem>>
      %dma_start3A = arith.constant 0 : i32
      %dma_start3A_58 = tpu.memref_slice %arg10[%add3A_31, %dma_start3A] : memref<10240x128xf32, #tpu.memory_space<vmem_shared>> -> memref<128x128xf32, #tpu.memory_space<vmem_shared>>
      %dma_start3A_59 = arith.constant 0 : i32
      %dma_start3A_60 = tpu.memref_slice %arg10[%add3A_31, %dma_start3A_59] : memref<10240x128xf32, #tpu.memory_space<vmem_shared>> -> memref<128x128xf32, #tpu.memory_space<vmem_shared>>
      tpu.enqueue_dma source(%dma_start3A_60 : memref<128x128xf32, #tpu.memory_space<vmem_shared>>) target(%arg8 : memref<128x128xf32, #tpu.memory_space<vmem>>) target_semaphore(%run_scoped3A : memref<!tpu.dma_semaphore, #tpu.memory_space<semaphore_mem>>)
      %dma_wait3A = arith.constant 0 : i32
      %dma_wait3A_61 = tpu.memref_slice %arg10[%add3A_31, %dma_wait3A] : memref<10240x128xf32, #tpu.memory_space<vmem_shared>> -> memref<128x128xf32, #tpu.memory_space<vmem_shared>>
      %dma_wait3A_62 = arith.constant 0 : i32
      %dma_wait3A_63 = tpu.memref_slice %arg10[%add3A_31, %dma_wait3A_62] : memref<10240x128xf32, #tpu.memory_space<vmem_shared>> -> memref<128x128xf32, #tpu.memory_space<vmem_shared>>
      tpu.wait_dma2 semaphore(%run_scoped3A : memref<!tpu.dma_semaphore, #tpu.memory_space<semaphore_mem>>) src(%dma_wait3A_63 : memref<128x128xf32, #tpu.memory_space<vmem_shared>>) dst(%arg8 : memref<128x128xf32, #tpu.memory_space<vmem>>)
      tpu.yield
    }) : () -> ()
    %mul3A_32 = arith.constant 10240 : i32
    %mul3A_33 = arith.muli %arg0, %mul3A_32 : i32
    %add3A_34 = arith.addi %mul3A_33, %mul3A_2 : i32
    %add3A_35 = arith.constant 128 : i32
    %add3A_36 = arith.addi %add3A_34, %add3A_35 : i32
    "tpu.region"() ({
      %run_scoped3A = tpu.sem_alloc : memref<!tpu.dma_semaphore, #tpu.memory_space<semaphore_mem>>
      %dma_start3A = arith.constant 0 : i32
      %dma_start3A_58 = tpu.memref_slice %arg5[%add3A_36, %dma_start3A] : memref<20480x128xf32, #tpu.memory_space<hbm>> -> memref<128x128xf32, #tpu.memory_space<hbm>>
      %dma_start3A_59 = arith.constant 0 : i32
      %dma_start3A_60 = tpu.memref_slice %arg5[%add3A_36, %dma_start3A_59] : memref<20480x128xf32, #tpu.memory_space<hbm>> -> memref<128x128xf32, #tpu.memory_space<hbm>>
      tpu.enqueue_dma source(%arg8 : memref<128x128xf32, #tpu.memory_space<vmem>>) target(%dma_start3A_60 : memref<128x128xf32, #tpu.memory_space<hbm>>) target_semaphore(%run_scoped3A : memref<!tpu.dma_semaphore, #tpu.memory_space<semaphore_mem>>)
      %dma_wait3A = arith.constant 0 : i32
      %dma_wait3A_61 = tpu.memref_slice %arg5[%add3A_36, %dma_wait3A] : memref<20480x128xf32, #tpu.memory_space<hbm>> -> memref<128x128xf32, #tpu.memory_space<hbm>>
      %dma_wait3A_62 = arith.constant 0 : i32
      %dma_wait3A_63 = tpu.memref_slice %arg5[%add3A_36, %dma_wait3A_62] : memref<20480x128xf32, #tpu.memory_space<hbm>> -> memref<128x128xf32, #tpu.memory_space<hbm>>
      tpu.wait_dma2 semaphore(%run_scoped3A : memref<!tpu.dma_semaphore, #tpu.memory_space<semaphore_mem>>) src(%arg8 : memref<128x128xf32, #tpu.memory_space<vmem>>) dst(%dma_wait3A_63 : memref<128x128xf32, #tpu.memory_space<hbm>>)
      tpu.yield
    }) : () -> ()
    %add3A_37 = arith.constant 256 : i32
    %add3A_38 = arith.addi %mul3A_2, %add3A_37 : i32
    "tpu.region"() ({
      %run_scoped3A = tpu.sem_alloc : memref<!tpu.dma_semaphore, #tpu.memory_space<semaphore_mem>>
      %dma_start3A = arith.constant 0 : i32
      %dma_start3A_58 = tpu.memref_slice %arg10[%add3A_38, %dma_start3A] : memref<10240x128xf32, #tpu.memory_space<vmem_shared>> -> memref<128x128xf32, #tpu.memory_space<vmem_shared>>
      %dma_start3A_59 = arith.constant 0 : i32
      %dma_start3A_60 = tpu.memref_slice %arg10[%add3A_38, %dma_start3A_59] : memref<10240x128xf32, #tpu.memory_space<vmem_shared>> -> memref<128x128xf32, #tpu.memory_space<vmem_shared>>
      tpu.enqueue_dma source(%dma_start3A_60 : memref<128x128xf32, #tpu.memory_space<vmem_shared>>) target(%arg8 : memref<128x128xf32, #tpu.memory_space<vmem>>) target_semaphore(%run_scoped3A : memref<!tpu.dma_semaphore, #tpu.memory_space<semaphore_mem>>)
      %dma_wait3A = arith.constant 0 : i32
      %dma_wait3A_61 = tpu.memref_slice %arg10[%add3A_38, %dma_wait3A] : memref<10240x128xf32, #tpu.memory_space<vmem_shared>> -> memref<128x128xf32, #tpu.memory_space<vmem_shared>>
      %dma_wait3A_62 = arith.constant 0 : i32
      %dma_wait3A_63 = tpu.memref_slice %arg10[%add3A_38, %dma_wait3A_62] : memref<10240x128xf32, #tpu.memory_space<vmem_shared>> -> memref<128x128xf32, #tpu.memory_space<vmem_shared>>
      tpu.wait_dma2 semaphore(%run_scoped3A : memref<!tpu.dma_semaphore, #tpu.memory_space<semaphore_mem>>) src(%dma_wait3A_63 : memref<128x128xf32, #tpu.memory_space<vmem_shared>>) dst(%arg8 : memref<128x128xf32, #tpu.memory_space<vmem>>)
      tpu.yield
    }) : () -> ()
    %mul3A_39 = arith.constant 10240 : i32
    %mul3A_40 = arith.muli %arg0, %mul3A_39 : i32
    %add3A_41 = arith.addi %mul3A_40, %mul3A_2 : i32
    %add3A_42 = arith.constant 256 : i32
    %add3A_43 = arith.addi %add3A_41, %add3A_42 : i32
    "tpu.region"() ({
      %run_scoped3A = tpu.sem_alloc : memref<!tpu.dma_semaphore, #tpu.memory_space<semaphore_mem>>
      %dma_start3A = arith.constant 0 : i32
      %dma_start3A_58 = tpu.memref_slice %arg5[%add3A_43, %dma_start3A] : memref<20480x128xf32, #tpu.memory_space<hbm>> -> memref<128x128xf32, #tpu.memory_space<hbm>>
      %dma_start3A_59 = arith.constant 0 : i32
      %dma_start3A_60 = tpu.memref_slice %arg5[%add3A_43, %dma_start3A_59] : memref<20480x128xf32, #tpu.memory_space<hbm>> -> memref<128x128xf32, #tpu.memory_space<hbm>>
      tpu.enqueue_dma source(%arg8 : memref<128x128xf32, #tpu.memory_space<vmem>>) target(%dma_start3A_60 : memref<128x128xf32, #tpu.memory_space<hbm>>) target_semaphore(%run_scoped3A : memref<!tpu.dma_semaphore, #tpu.memory_space<semaphore_mem>>)
      %dma_wait3A = arith.constant 0 : i32
      %dma_wait3A_61 = tpu.memref_slice %arg5[%add3A_43, %dma_wait3A] : memref<20480x128xf32, #tpu.memory_space<hbm>> -> memref<128x128xf32, #tpu.memory_space<hbm>>
      %dma_wait3A_62 = arith.constant 0 : i32
      %dma_wait3A_63 = tpu.memref_slice %arg5[%add3A_43, %dma_wait3A_62] : memref<20480x128xf32, #tpu.memory_space<hbm>> -> memref<128x128xf32, #tpu.memory_space<hbm>>
      tpu.wait_dma2 semaphore(%run_scoped3A : memref<!tpu.dma_semaphore, #tpu.memory_space<semaphore_mem>>) src(%arg8 : memref<128x128xf32, #tpu.memory_space<vmem>>) dst(%dma_wait3A_63 : memref<128x128xf32, #tpu.memory_space<hbm>>)
      tpu.yield
    }) : () -> ()
    %add3A_44 = arith.constant 384 : i32
    %add3A_45 = arith.addi %mul3A_2, %add3A_44 : i32
    "tpu.region"() ({
      %run_scoped3A = tpu.sem_alloc : memref<!tpu.dma_semaphore, #tpu.memory_space<semaphore_mem>>
      %dma_start3A = arith.constant 0 : i32
      %dma_start3A_58 = tpu.memref_slice %arg10[%add3A_45, %dma_start3A] : memref<10240x128xf32, #tpu.memory_space<vmem_shared>> -> memref<128x128xf32, #tpu.memory_space<vmem_shared>>
      %dma_start3A_59 = arith.constant 0 : i32
      %dma_start3A_60 = tpu.memref_slice %arg10[%add3A_45, %dma_start3A_59] : memref<10240x128xf32, #tpu.memory_space<vmem_shared>> -> memref<128x128xf32, #tpu.memory_space<vmem_shared>>
      tpu.enqueue_dma source(%dma_start3A_60 : memref<128x128xf32, #tpu.memory_space<vmem_shared>>) target(%arg8 : memref<128x128xf32, #tpu.memory_space<vmem>>) target_semaphore(%run_scoped3A : memref<!tpu.dma_semaphore, #tpu.memory_space<semaphore_mem>>)
      %dma_wait3A = arith.constant 0 : i32
      %dma_wait3A_61 = tpu.memref_slice %arg10[%add3A_45, %dma_wait3A] : memref<10240x128xf32, #tpu.memory_space<vmem_shared>> -> memref<128x128xf32, #tpu.memory_space<vmem_shared>>
      %dma_wait3A_62 = arith.constant 0 : i32
      %dma_wait3A_63 = tpu.memref_slice %arg10[%add3A_45, %dma_wait3A_62] : memref<10240x128xf32, #tpu.memory_space<vmem_shared>> -> memref<128x128xf32, #tpu.memory_space<vmem_shared>>
      tpu.wait_dma2 semaphore(%run_scoped3A : memref<!tpu.dma_semaphore, #tpu.memory_space<semaphore_mem>>) src(%dma_wait3A_63 : memref<128x128xf32, #tpu.memory_space<vmem_shared>>) dst(%arg8 : memref<128x128xf32, #tpu.memory_space<vmem>>)
      tpu.yield
    }) : () -> ()
    %mul3A_46 = arith.constant 10240 : i32
    %mul3A_47 = arith.muli %arg0, %mul3A_46 : i32
    %add3A_48 = arith.addi %mul3A_47, %mul3A_2 : i32
    %add3A_49 = arith.constant 384 : i32
    %add3A_50 = arith.addi %add3A_48, %add3A_49 : i32
    "tpu.region"() ({
      %run_scoped3A = tpu.sem_alloc : memref<!tpu.dma_semaphore, #tpu.memory_space<semaphore_mem>>
      %dma_start3A = arith.constant 0 : i32
      %dma_start3A_58 = tpu.memref_slice %arg5[%add3A_50, %dma_start3A] : memref<20480x128xf32, #tpu.memory_space<hbm>> -> memref<128x128xf32, #tpu.memory_space<hbm>>
      %dma_start3A_59 = arith.constant 0 : i32
      %dma_start3A_60 = tpu.memref_slice %arg5[%add3A_50, %dma_start3A_59] : memref<20480x128xf32, #tpu.memory_space<hbm>> -> memref<128x128xf32, #tpu.memory_space<hbm>>
      tpu.enqueue_dma source(%arg8 : memref<128x128xf32, #tpu.memory_space<vmem>>) target(%dma_start3A_60 : memref<128x128xf32, #tpu.memory_space<hbm>>) target_semaphore(%run_scoped3A : memref<!tpu.dma_semaphore, #tpu.memory_space<semaphore_mem>>)
      %dma_wait3A = arith.constant 0 : i32
      %dma_wait3A_61 = tpu.memref_slice %arg5[%add3A_50, %dma_wait3A] : memref<20480x128xf32, #tpu.memory_space<hbm>> -> memref<128x128xf32, #tpu.memory_space<hbm>>
      %dma_wait3A_62 = arith.constant 0 : i32
      %dma_wait3A_63 = tpu.memref_slice %arg5[%add3A_50, %dma_wait3A_62] : memref<20480x128xf32, #tpu.memory_space<hbm>> -> memref<128x128xf32, #tpu.memory_space<hbm>>
      tpu.wait_dma2 semaphore(%run_scoped3A : memref<!tpu.dma_semaphore, #tpu.memory_space<semaphore_mem>>) src(%arg8 : memref<128x128xf32, #tpu.memory_space<vmem>>) dst(%dma_wait3A_63 : memref<128x128xf32, #tpu.memory_space<hbm>>)
      tpu.yield
    }) : () -> ()
    %add3A_51 = arith.constant 512 : i32
    %add3A_52 = arith.addi %mul3A_2, %add3A_51 : i32
    "tpu.region"() ({
      %run_scoped3A = tpu.sem_alloc : memref<!tpu.dma_semaphore, #tpu.memory_space<semaphore_mem>>
      %dma_start3A = arith.constant 0 : i32
      %dma_start3A_58 = tpu.memref_slice %arg10[%add3A_52, %dma_start3A] : memref<10240x128xf32, #tpu.memory_space<vmem_shared>> -> memref<128x128xf32, #tpu.memory_space<vmem_shared>>
      %dma_start3A_59 = arith.constant 0 : i32
      %dma_start3A_60 = tpu.memref_slice %arg10[%add3A_52, %dma_start3A_59] : memref<10240x128xf32, #tpu.memory_space<vmem_shared>> -> memref<128x128xf32, #tpu.memory_space<vmem_shared>>
      tpu.enqueue_dma source(%dma_start3A_60 : memref<128x128xf32, #tpu.memory_space<vmem_shared>>) target(%arg8 : memref<128x128xf32, #tpu.memory_space<vmem>>) target_semaphore(%run_scoped3A : memref<!tpu.dma_semaphore, #tpu.memory_space<semaphore_mem>>)
      %dma_wait3A = arith.constant 0 : i32
      %dma_wait3A_61 = tpu.memref_slice %arg10[%add3A_52, %dma_wait3A] : memref<10240x128xf32, #tpu.memory_space<vmem_shared>> -> memref<128x128xf32, #tpu.memory_space<vmem_shared>>
      %dma_wait3A_62 = arith.constant 0 : i32
      %dma_wait3A_63 = tpu.memref_slice %arg10[%add3A_52, %dma_wait3A_62] : memref<10240x128xf32, #tpu.memory_space<vmem_shared>> -> memref<128x128xf32, #tpu.memory_space<vmem_shared>>
      tpu.wait_dma2 semaphore(%run_scoped3A : memref<!tpu.dma_semaphore, #tpu.memory_space<semaphore_mem>>) src(%dma_wait3A_63 : memref<128x128xf32, #tpu.memory_space<vmem_shared>>) dst(%arg8 : memref<128x128xf32, #tpu.memory_space<vmem>>)
      tpu.yield
    }) : () -> ()
    %mul3A_53 = arith.constant 10240 : i32
    %mul3A_54 = arith.muli %arg0, %mul3A_53 : i32
    %add3A_55 = arith.addi %mul3A_54, %mul3A_2 : i32
    %add3A_56 = arith.constant 512 : i32
    %add3A_57 = arith.addi %add3A_55, %add3A_56 : i32
    "tpu.region"() ({
      %run_scoped3A = tpu.sem_alloc : memref<!tpu.dma_semaphore, #tpu.memory_space<semaphore_mem>>
      %dma_start3A = arith.constant 0 : i32
      %dma_start3A_58 = tpu.memref_slice %arg5[%add3A_57, %dma_start3A] : memref<20480x128xf32, #tpu.memory_space<hbm>> -> memref<128x128xf32, #tpu.memory_space<hbm>>
      %dma_start3A_59 = arith.constant 0 : i32
      %dma_start3A_60 = tpu.memref_slice %arg5[%add3A_57, %dma_start3A_59] : memref<20480x128xf32, #tpu.memory_space<hbm>> -> memref<128x128xf32, #tpu.memory_space<hbm>>
      tpu.enqueue_dma source(%arg8 : memref<128x128xf32, #tpu.memory_space<vmem>>) target(%dma_start3A_60 : memref<128x128xf32, #tpu.memory_space<hbm>>) target_semaphore(%run_scoped3A : memref<!tpu.dma_semaphore, #tpu.memory_space<semaphore_mem>>)
      %dma_wait3A = arith.constant 0 : i32
      %dma_wait3A_61 = tpu.memref_slice %arg5[%add3A_57, %dma_wait3A] : memref<20480x128xf32, #tpu.memory_space<hbm>> -> memref<128x128xf32, #tpu.memory_space<hbm>>
      %dma_wait3A_62 = arith.constant 0 : i32
      %dma_wait3A_63 = tpu.memref_slice %arg5[%add3A_57, %dma_wait3A_62] : memref<20480x128xf32, #tpu.memory_space<hbm>> -> memref<128x128xf32, #tpu.memory_space<hbm>>
      tpu.wait_dma2 semaphore(%run_scoped3A : memref<!tpu.dma_semaphore, #tpu.memory_space<semaphore_mem>>) src(%arg8 : memref<128x128xf32, #tpu.memory_space<vmem>>) dst(%dma_wait3A_63 : memref<128x128xf32, #tpu.memory_space<hbm>>)
      tpu.yield
    }) : () -> ()
    return
  }
}

#map = affine_map<(d0, d1) -> (0, 0, 0)>
#map1 = affine_map<(d0, d1) -> (0, 0)>
module attributes {stable_mosaic.version = 14 : i64} {
  func.func @sc_degree_count(%arg0: i32, %arg1: i32, %arg2: memref<32x80x128xi32, #tpu.memory_space<hbm>>, %arg3: memref<20480x128xf32, #tpu.memory_space<hbm>>, %arg4: memref<8x128xi32, #tpu.memory_space<vmem>>, %arg5: memref<128x128xf32, #tpu.memory_space<vmem>>, %arg6: memref<10240x128xf32, #tpu.memory_space<vmem_shared>>) attributes {dimension_semantics = [#tpu.dimension_semantics<core_parallel>, #tpu.dimension_semantics<subcore_parallel>], iteration_bounds = array<i64: 2, 16>, scalar_prefetch = 0 : i64, scratch_operands = 3 : i64, tpu.core_type = #tpu.core_type<sc_vector_subcore>, window_params = [{transform_indices = #map}, {transform_indices = #map1}]} {
    %mul3A = arith.constant 16 : i32
    %mul3A_0 = arith.muli %arg0, %mul3A : i32
    %add3A = arith.addi %mul3A_0, %arg1 : i32
    %mul3A_1 = arith.constant 640 : i32
    %mul3A_2 = arith.muli %arg1, %mul3A_1 : i32
    %scan3A = arith.constant 0 : i32
    %scan3A_3 = arith.constant 128 : i32
    %scan3A_4 = arith.addi %scan3A, %scan3A_3 : i32
    %scan3A_5 = arith.constant 1 : i32
    scf.for %scan3A_63 = %scan3A to %scan3A_4 step %scan3A_5  : i32 {
      %mul3A_64 = arith.constant 1 : i32
      %mul3A_65 = arith.muli %scan3A_63, %mul3A_64 : i32
      %add3A_66 = arith.constant 0 : i32
      %add3A_67 = arith.addi %add3A_66, %mul3A_65 : i32
      %broadcast_in_dim3A = arith.constant 0.000000e+00 : f32
      %broadcast_in_dim3A_68 = vector.broadcast %broadcast_in_dim3A : f32 to vector<16xf32>
      %swap3A = arith.index_cast %add3A_67 : i32 to index
      %swap3A_69 = arith.constant 0 : index
      %swap3A_70 = tpu.vector_load %arg5[%swap3A, %swap3A_69] {strides = array<i32>} : memref<128x128xf32, #tpu.memory_space<vmem>>, vector<1x16xf32>,
      %swap3A_71 = vector.shape_cast %swap3A_70 : vector<1x16xf32> to vector<16xf32>
      %swap3A_72 = vector.shape_cast %broadcast_in_dim3A_68 : vector<16xf32> to vector<1x16xf32>
      tpu.vector_store %arg5[%swap3A, %swap3A_69], %swap3A_72 {strides = array<i32>} : memref<128x128xf32, #tpu.memory_space<vmem>>, vector<1x16xf32>,
      %broadcast_in_dim3A_73 = arith.constant 0.000000e+00 : f32
      %broadcast_in_dim3A_74 = vector.broadcast %broadcast_in_dim3A_73 : f32 to vector<16xf32>
      %swap3A_75 = arith.index_cast %add3A_67 : i32 to index
      %swap3A_76 = arith.constant 16 : index
      %swap3A_77 = tpu.vector_load %arg5[%swap3A_75, %swap3A_76] {strides = array<i32>} : memref<128x128xf32, #tpu.memory_space<vmem>>, vector<1x16xf32>,
      %swap3A_78 = vector.shape_cast %swap3A_77 : vector<1x16xf32> to vector<16xf32>
      %swap3A_79 = vector.shape_cast %broadcast_in_dim3A_74 : vector<16xf32> to vector<1x16xf32>
      tpu.vector_store %arg5[%swap3A_75, %swap3A_76], %swap3A_79 {strides = array<i32>} : memref<128x128xf32, #tpu.memory_space<vmem>>, vector<1x16xf32>,
      %broadcast_in_dim3A_80 = arith.constant 0.000000e+00 : f32
      %broadcast_in_dim3A_81 = vector.broadcast %broadcast_in_dim3A_80 : f32 to vector<16xf32>
      %swap3A_82 = arith.index_cast %add3A_67 : i32 to index
      %swap3A_83 = arith.constant 32 : index
      %swap3A_84 = tpu.vector_load %arg5[%swap3A_82, %swap3A_83] {strides = array<i32>} : memref<128x128xf32, #tpu.memory_space<vmem>>, vector<1x16xf32>,
      %swap3A_85 = vector.shape_cast %swap3A_84 : vector<1x16xf32> to vector<16xf32>
      %swap3A_86 = vector.shape_cast %broadcast_in_dim3A_81 : vector<16xf32> to vector<1x16xf32>
      tpu.vector_store %arg5[%swap3A_82, %swap3A_83], %swap3A_86 {strides = array<i32>} : memref<128x128xf32, #tpu.memory_space<vmem>>, vector<1x16xf32>,
      %broadcast_in_dim3A_87 = arith.constant 0.000000e+00 : f32
      %broadcast_in_dim3A_88 = vector.broadcast %broadcast_in_dim3A_87 : f32 to vector<16xf32>
      %swap3A_89 = arith.index_cast %add3A_67 : i32 to index
      %swap3A_90 = arith.constant 48 : index
      %swap3A_91 = tpu.vector_load %arg5[%swap3A_89, %swap3A_90] {strides = array<i32>} : memref<128x128xf32, #tpu.memory_space<vmem>>, vector<1x16xf32>,
      %swap3A_92 = vector.shape_cast %swap3A_91 : vector<1x16xf32> to vector<16xf32>
      %swap3A_93 = vector.shape_cast %broadcast_in_dim3A_88 : vector<16xf32> to vector<1x16xf32>
      tpu.vector_store %arg5[%swap3A_89, %swap3A_90], %swap3A_93 {strides = array<i32>} : memref<128x128xf32, #tpu.memory_space<vmem>>, vector<1x16xf32>,
      %broadcast_in_dim3A_94 = arith.constant 0.000000e+00 : f32
      %broadcast_in_dim3A_95 = vector.broadcast %broadcast_in_dim3A_94 : f32 to vector<16xf32>
      %swap3A_96 = arith.index_cast %add3A_67 : i32 to index
      %swap3A_97 = arith.constant 64 : index
      %swap3A_98 = tpu.vector_load %arg5[%swap3A_96, %swap3A_97] {strides = array<i32>} : memref<128x128xf32, #tpu.memory_space<vmem>>, vector<1x16xf32>,
      %swap3A_99 = vector.shape_cast %swap3A_98 : vector<1x16xf32> to vector<16xf32>
      %swap3A_100 = vector.shape_cast %broadcast_in_dim3A_95 : vector<16xf32> to vector<1x16xf32>
      tpu.vector_store %arg5[%swap3A_96, %swap3A_97], %swap3A_100 {strides = array<i32>} : memref<128x128xf32, #tpu.memory_space<vmem>>, vector<1x16xf32>,
      %broadcast_in_dim3A_101 = arith.constant 0.000000e+00 : f32
      %broadcast_in_dim3A_102 = vector.broadcast %broadcast_in_dim3A_101 : f32 to vector<16xf32>
      %swap3A_103 = arith.index_cast %add3A_67 : i32 to index
      %swap3A_104 = arith.constant 80 : index
      %swap3A_105 = tpu.vector_load %arg5[%swap3A_103, %swap3A_104] {strides = array<i32>} : memref<128x128xf32, #tpu.memory_space<vmem>>, vector<1x16xf32>,
      %swap3A_106 = vector.shape_cast %swap3A_105 : vector<1x16xf32> to vector<16xf32>
      %swap3A_107 = vector.shape_cast %broadcast_in_dim3A_102 : vector<16xf32> to vector<1x16xf32>
      tpu.vector_store %arg5[%swap3A_103, %swap3A_104], %swap3A_107 {strides = array<i32>} : memref<128x128xf32, #tpu.memory_space<vmem>>, vector<1x16xf32>,
      %broadcast_in_dim3A_108 = arith.constant 0.000000e+00 : f32
      %broadcast_in_dim3A_109 = vector.broadcast %broadcast_in_dim3A_108 : f32 to vector<16xf32>
      %swap3A_110 = arith.index_cast %add3A_67 : i32 to index
      %swap3A_111 = arith.constant 96 : index
      %swap3A_112 = tpu.vector_load %arg5[%swap3A_110, %swap3A_111] {strides = array<i32>} : memref<128x128xf32, #tpu.memory_space<vmem>>, vector<1x16xf32>,
      %swap3A_113 = vector.shape_cast %swap3A_112 : vector<1x16xf32> to vector<16xf32>
      %swap3A_114 = vector.shape_cast %broadcast_in_dim3A_109 : vector<16xf32> to vector<1x16xf32>
      tpu.vector_store %arg5[%swap3A_110, %swap3A_111], %swap3A_114 {strides = array<i32>} : memref<128x128xf32, #tpu.memory_space<vmem>>, vector<1x16xf32>,
      %broadcast_in_dim3A_115 = arith.constant 0.000000e+00 : f32
      %broadcast_in_dim3A_116 = vector.broadcast %broadcast_in_dim3A_115 : f32 to vector<16xf32>
      %swap3A_117 = arith.index_cast %add3A_67 : i32 to index
      %swap3A_118 = arith.constant 112 : index
      %swap3A_119 = tpu.vector_load %arg5[%swap3A_117, %swap3A_118] {strides = array<i32>} : memref<128x128xf32, #tpu.memory_space<vmem>>, vector<1x16xf32>,
      %swap3A_120 = vector.shape_cast %swap3A_119 : vector<1x16xf32> to vector<16xf32>
      %swap3A_121 = vector.shape_cast %broadcast_in_dim3A_116 : vector<16xf32> to vector<1x16xf32>
      tpu.vector_store %arg5[%swap3A_117, %swap3A_118], %swap3A_121 {strides = array<i32>} : memref<128x128xf32, #tpu.memory_space<vmem>>, vector<1x16xf32>,
    }
    %scan3A_6 = arith.constant 128 : i32
    %add3A_7 = arith.constant 0 : i32
    %add3A_8 = arith.addi %mul3A_2, %add3A_7 : i32
    "tpu.region"() ({
      %run_scoped3A = tpu.sem_alloc : memref<!tpu.dma_semaphore, #tpu.memory_space<semaphore_mem>>
      %dma_start3A = arith.constant 0 : i32
      %dma_start3A_63 = tpu.memref_slice %arg6[%add3A_8, %dma_start3A] : memref<10240x128xf32, #tpu.memory_space<vmem_shared>> -> memref<128x128xf32, #tpu.memory_space<vmem_shared>>
      %dma_start3A_64 = arith.constant 0 : i32
      %dma_start3A_65 = tpu.memref_slice %arg6[%add3A_8, %dma_start3A_64] : memref<10240x128xf32, #tpu.memory_space<vmem_shared>> -> memref<128x128xf32, #tpu.memory_space<vmem_shared>>
      tpu.enqueue_dma source(%arg5 : memref<128x128xf32, #tpu.memory_space<vmem>>) target(%dma_start3A_65 : memref<128x128xf32, #tpu.memory_space<vmem_shared>>) target_semaphore(%run_scoped3A : memref<!tpu.dma_semaphore, #tpu.memory_space<semaphore_mem>>)
      %dma_wait3A = arith.constant 0 : i32
      %dma_wait3A_66 = tpu.memref_slice %arg6[%add3A_8, %dma_wait3A] : memref<10240x128xf32, #tpu.memory_space<vmem_shared>> -> memref<128x128xf32, #tpu.memory_space<vmem_shared>>
      %dma_wait3A_67 = arith.constant 0 : i32
      %dma_wait3A_68 = tpu.memref_slice %arg6[%add3A_8, %dma_wait3A_67] : memref<10240x128xf32, #tpu.memory_space<vmem_shared>> -> memref<128x128xf32, #tpu.memory_space<vmem_shared>>
      tpu.wait_dma2 semaphore(%run_scoped3A : memref<!tpu.dma_semaphore, #tpu.memory_space<semaphore_mem>>) src(%arg5 : memref<128x128xf32, #tpu.memory_space<vmem>>) dst(%dma_wait3A_68 : memref<128x128xf32, #tpu.memory_space<vmem_shared>>)
      tpu.yield
    }) : () -> ()
    %add3A_9 = arith.constant 128 : i32
    %add3A_10 = arith.addi %mul3A_2, %add3A_9 : i32
    "tpu.region"() ({
      %run_scoped3A = tpu.sem_alloc : memref<!tpu.dma_semaphore, #tpu.memory_space<semaphore_mem>>
      %dma_start3A = arith.constant 0 : i32
      %dma_start3A_63 = tpu.memref_slice %arg6[%add3A_10, %dma_start3A] : memref<10240x128xf32, #tpu.memory_space<vmem_shared>> -> memref<128x128xf32, #tpu.memory_space<vmem_shared>>
      %dma_start3A_64 = arith.constant 0 : i32
      %dma_start3A_65 = tpu.memref_slice %arg6[%add3A_10, %dma_start3A_64] : memref<10240x128xf32, #tpu.memory_space<vmem_shared>> -> memref<128x128xf32, #tpu.memory_space<vmem_shared>>
      tpu.enqueue_dma source(%arg5 : memref<128x128xf32, #tpu.memory_space<vmem>>) target(%dma_start3A_65 : memref<128x128xf32, #tpu.memory_space<vmem_shared>>) target_semaphore(%run_scoped3A : memref<!tpu.dma_semaphore, #tpu.memory_space<semaphore_mem>>)
      %dma_wait3A = arith.constant 0 : i32
      %dma_wait3A_66 = tpu.memref_slice %arg6[%add3A_10, %dma_wait3A] : memref<10240x128xf32, #tpu.memory_space<vmem_shared>> -> memref<128x128xf32, #tpu.memory_space<vmem_shared>>
      %dma_wait3A_67 = arith.constant 0 : i32
      %dma_wait3A_68 = tpu.memref_slice %arg6[%add3A_10, %dma_wait3A_67] : memref<10240x128xf32, #tpu.memory_space<vmem_shared>> -> memref<128x128xf32, #tpu.memory_space<vmem_shared>>
      tpu.wait_dma2 semaphore(%run_scoped3A : memref<!tpu.dma_semaphore, #tpu.memory_space<semaphore_mem>>) src(%arg5 : memref<128x128xf32, #tpu.memory_space<vmem>>) dst(%dma_wait3A_68 : memref<128x128xf32, #tpu.memory_space<vmem_shared>>)
      tpu.yield
    }) : () -> ()
    %add3A_11 = arith.constant 256 : i32
    %add3A_12 = arith.addi %mul3A_2, %add3A_11 : i32
    "tpu.region"() ({
      %run_scoped3A = tpu.sem_alloc : memref<!tpu.dma_semaphore, #tpu.memory_space<semaphore_mem>>
      %dma_start3A = arith.constant 0 : i32
      %dma_start3A_63 = tpu.memref_slice %arg6[%add3A_12, %dma_start3A] : memref<10240x128xf32, #tpu.memory_space<vmem_shared>> -> memref<128x128xf32, #tpu.memory_space<vmem_shared>>
      %dma_start3A_64 = arith.constant 0 : i32
      %dma_start3A_65 = tpu.memref_slice %arg6[%add3A_12, %dma_start3A_64] : memref<10240x128xf32, #tpu.memory_space<vmem_shared>> -> memref<128x128xf32, #tpu.memory_space<vmem_shared>>
      tpu.enqueue_dma source(%arg5 : memref<128x128xf32, #tpu.memory_space<vmem>>) target(%dma_start3A_65 : memref<128x128xf32, #tpu.memory_space<vmem_shared>>) target_semaphore(%run_scoped3A : memref<!tpu.dma_semaphore, #tpu.memory_space<semaphore_mem>>)
      %dma_wait3A = arith.constant 0 : i32
      %dma_wait3A_66 = tpu.memref_slice %arg6[%add3A_12, %dma_wait3A] : memref<10240x128xf32, #tpu.memory_space<vmem_shared>> -> memref<128x128xf32, #tpu.memory_space<vmem_shared>>
      %dma_wait3A_67 = arith.constant 0 : i32
      %dma_wait3A_68 = tpu.memref_slice %arg6[%add3A_12, %dma_wait3A_67] : memref<10240x128xf32, #tpu.memory_space<vmem_shared>> -> memref<128x128xf32, #tpu.memory_space<vmem_shared>>
      tpu.wait_dma2 semaphore(%run_scoped3A : memref<!tpu.dma_semaphore, #tpu.memory_space<semaphore_mem>>) src(%arg5 : memref<128x128xf32, #tpu.memory_space<vmem>>) dst(%dma_wait3A_68 : memref<128x128xf32, #tpu.memory_space<vmem_shared>>)
      tpu.yield
    }) : () -> ()
    %add3A_13 = arith.constant 384 : i32
    %add3A_14 = arith.addi %mul3A_2, %add3A_13 : i32
    "tpu.region"() ({
      %run_scoped3A = tpu.sem_alloc : memref<!tpu.dma_semaphore, #tpu.memory_space<semaphore_mem>>
      %dma_start3A = arith.constant 0 : i32
      %dma_start3A_63 = tpu.memref_slice %arg6[%add3A_14, %dma_start3A] : memref<10240x128xf32, #tpu.memory_space<vmem_shared>> -> memref<128x128xf32, #tpu.memory_space<vmem_shared>>
      %dma_start3A_64 = arith.constant 0 : i32
      %dma_start3A_65 = tpu.memref_slice %arg6[%add3A_14, %dma_start3A_64] : memref<10240x128xf32, #tpu.memory_space<vmem_shared>> -> memref<128x128xf32, #tpu.memory_space<vmem_shared>>
      tpu.enqueue_dma source(%arg5 : memref<128x128xf32, #tpu.memory_space<vmem>>) target(%dma_start3A_65 : memref<128x128xf32, #tpu.memory_space<vmem_shared>>) target_semaphore(%run_scoped3A : memref<!tpu.dma_semaphore, #tpu.memory_space<semaphore_mem>>)
      %dma_wait3A = arith.constant 0 : i32
      %dma_wait3A_66 = tpu.memref_slice %arg6[%add3A_14, %dma_wait3A] : memref<10240x128xf32, #tpu.memory_space<vmem_shared>> -> memref<128x128xf32, #tpu.memory_space<vmem_shared>>
      %dma_wait3A_67 = arith.constant 0 : i32
      %dma_wait3A_68 = tpu.memref_slice %arg6[%add3A_14, %dma_wait3A_67] : memref<10240x128xf32, #tpu.memory_space<vmem_shared>> -> memref<128x128xf32, #tpu.memory_space<vmem_shared>>
      tpu.wait_dma2 semaphore(%run_scoped3A : memref<!tpu.dma_semaphore, #tpu.memory_space<semaphore_mem>>) src(%arg5 : memref<128x128xf32, #tpu.memory_space<vmem>>) dst(%dma_wait3A_68 : memref<128x128xf32, #tpu.memory_space<vmem_shared>>)
      tpu.yield
    }) : () -> ()
    %add3A_15 = arith.constant 512 : i32
    %add3A_16 = arith.addi %mul3A_2, %add3A_15 : i32
    "tpu.region"() ({
      %run_scoped3A = tpu.sem_alloc : memref<!tpu.dma_semaphore, #tpu.memory_space<semaphore_mem>>
      %dma_start3A = arith.constant 0 : i32
      %dma_start3A_63 = tpu.memref_slice %arg6[%add3A_16, %dma_start3A] : memref<10240x128xf32, #tpu.memory_space<vmem_shared>> -> memref<128x128xf32, #tpu.memory_space<vmem_shared>>
      %dma_start3A_64 = arith.constant 0 : i32
      %dma_start3A_65 = tpu.memref_slice %arg6[%add3A_16, %dma_start3A_64] : memref<10240x128xf32, #tpu.memory_space<vmem_shared>> -> memref<128x128xf32, #tpu.memory_space<vmem_shared>>
      tpu.enqueue_dma source(%arg5 : memref<128x128xf32, #tpu.memory_space<vmem>>) target(%dma_start3A_65 : memref<128x128xf32, #tpu.memory_space<vmem_shared>>) target_semaphore(%run_scoped3A : memref<!tpu.dma_semaphore, #tpu.memory_space<semaphore_mem>>)
      %dma_wait3A = arith.constant 0 : i32
      %dma_wait3A_66 = tpu.memref_slice %arg6[%add3A_16, %dma_wait3A] : memref<10240x128xf32, #tpu.memory_space<vmem_shared>> -> memref<128x128xf32, #tpu.memory_space<vmem_shared>>
      %dma_wait3A_67 = arith.constant 0 : i32
      %dma_wait3A_68 = tpu.memref_slice %arg6[%add3A_16, %dma_wait3A_67] : memref<10240x128xf32, #tpu.memory_space<vmem_shared>> -> memref<128x128xf32, #tpu.memory_space<vmem_shared>>
      tpu.wait_dma2 semaphore(%run_scoped3A : memref<!tpu.dma_semaphore, #tpu.memory_space<semaphore_mem>>) src(%arg5 : memref<128x128xf32, #tpu.memory_space<vmem>>) dst(%dma_wait3A_68 : memref<128x128xf32, #tpu.memory_space<vmem_shared>>)
      tpu.yield
    }) : () -> ()
    %scan3A_17 = arith.constant 0 : i32
    %scan3A_18 = arith.constant 128 : i32
    %scan3A_19 = arith.addi %scan3A_17, %scan3A_18 : i32
    %scan3A_20 = arith.constant 1 : i32
    scf.for %scan3A_63 = %scan3A_17 to %scan3A_19 step %scan3A_20  : i32 {
      %mul3A_64 = arith.constant 1 : i32
      %mul3A_65 = arith.muli %scan3A_63, %mul3A_64 : i32
      %add3A_66 = arith.constant 0 : i32
      %add3A_67 = arith.addi %add3A_66, %mul3A_65 : i32
      %broadcast_in_dim3A = arith.constant 1.000000e+00 : f32
      %broadcast_in_dim3A_68 = vector.broadcast %broadcast_in_dim3A : f32 to vector<16xf32>
      %swap3A = arith.index_cast %add3A_67 : i32 to index
      %swap3A_69 = arith.constant 0 : index
      %swap3A_70 = tpu.vector_load %arg5[%swap3A, %swap3A_69] {strides = array<i32>} : memref<128x128xf32, #tpu.memory_space<vmem>>, vector<1x16xf32>,
      %swap3A_71 = vector.shape_cast %swap3A_70 : vector<1x16xf32> to vector<16xf32>
      %swap3A_72 = vector.shape_cast %broadcast_in_dim3A_68 : vector<16xf32> to vector<1x16xf32>
      tpu.vector_store %arg5[%swap3A, %swap3A_69], %swap3A_72 {strides = array<i32>} : memref<128x128xf32, #tpu.memory_space<vmem>>, vector<1x16xf32>,
      %broadcast_in_dim3A_73 = arith.constant 1.000000e+00 : f32
      %broadcast_in_dim3A_74 = vector.broadcast %broadcast_in_dim3A_73 : f32 to vector<16xf32>
      %swap3A_75 = arith.index_cast %add3A_67 : i32 to index
      %swap3A_76 = arith.constant 16 : index
      %swap3A_77 = tpu.vector_load %arg5[%swap3A_75, %swap3A_76] {strides = array<i32>} : memref<128x128xf32, #tpu.memory_space<vmem>>, vector<1x16xf32>,
      %swap3A_78 = vector.shape_cast %swap3A_77 : vector<1x16xf32> to vector<16xf32>
      %swap3A_79 = vector.shape_cast %broadcast_in_dim3A_74 : vector<16xf32> to vector<1x16xf32>
      tpu.vector_store %arg5[%swap3A_75, %swap3A_76], %swap3A_79 {strides = array<i32>} : memref<128x128xf32, #tpu.memory_space<vmem>>, vector<1x16xf32>,
      %broadcast_in_dim3A_80 = arith.constant 1.000000e+00 : f32
      %broadcast_in_dim3A_81 = vector.broadcast %broadcast_in_dim3A_80 : f32 to vector<16xf32>
      %swap3A_82 = arith.index_cast %add3A_67 : i32 to index
      %swap3A_83 = arith.constant 32 : index
      %swap3A_84 = tpu.vector_load %arg5[%swap3A_82, %swap3A_83] {strides = array<i32>} : memref<128x128xf32, #tpu.memory_space<vmem>>, vector<1x16xf32>,
      %swap3A_85 = vector.shape_cast %swap3A_84 : vector<1x16xf32> to vector<16xf32>
      %swap3A_86 = vector.shape_cast %broadcast_in_dim3A_81 : vector<16xf32> to vector<1x16xf32>
      tpu.vector_store %arg5[%swap3A_82, %swap3A_83], %swap3A_86 {strides = array<i32>} : memref<128x128xf32, #tpu.memory_space<vmem>>, vector<1x16xf32>,
      %broadcast_in_dim3A_87 = arith.constant 1.000000e+00 : f32
      %broadcast_in_dim3A_88 = vector.broadcast %broadcast_in_dim3A_87 : f32 to vector<16xf32>
      %swap3A_89 = arith.index_cast %add3A_67 : i32 to index
      %swap3A_90 = arith.constant 48 : index
      %swap3A_91 = tpu.vector_load %arg5[%swap3A_89, %swap3A_90] {strides = array<i32>} : memref<128x128xf32, #tpu.memory_space<vmem>>, vector<1x16xf32>,
      %swap3A_92 = vector.shape_cast %swap3A_91 : vector<1x16xf32> to vector<16xf32>
      %swap3A_93 = vector.shape_cast %broadcast_in_dim3A_88 : vector<16xf32> to vector<1x16xf32>
      tpu.vector_store %arg5[%swap3A_89, %swap3A_90], %swap3A_93 {strides = array<i32>} : memref<128x128xf32, #tpu.memory_space<vmem>>, vector<1x16xf32>,
      %broadcast_in_dim3A_94 = arith.constant 1.000000e+00 : f32
      %broadcast_in_dim3A_95 = vector.broadcast %broadcast_in_dim3A_94 : f32 to vector<16xf32>
      %swap3A_96 = arith.index_cast %add3A_67 : i32 to index
      %swap3A_97 = arith.constant 64 : index
      %swap3A_98 = tpu.vector_load %arg5[%swap3A_96, %swap3A_97] {strides = array<i32>} : memref<128x128xf32, #tpu.memory_space<vmem>>, vector<1x16xf32>,
      %swap3A_99 = vector.shape_cast %swap3A_98 : vector<1x16xf32> to vector<16xf32>
      %swap3A_100 = vector.shape_cast %broadcast_in_dim3A_95 : vector<16xf32> to vector<1x16xf32>
      tpu.vector_store %arg5[%swap3A_96, %swap3A_97], %swap3A_100 {strides = array<i32>} : memref<128x128xf32, #tpu.memory_space<vmem>>, vector<1x16xf32>,
      %broadcast_in_dim3A_101 = arith.constant 1.000000e+00 : f32
      %broadcast_in_dim3A_102 = vector.broadcast %broadcast_in_dim3A_101 : f32 to vector<16xf32>
      %swap3A_103 = arith.index_cast %add3A_67 : i32 to index
      %swap3A_104 = arith.constant 80 : index
      %swap3A_105 = tpu.vector_load %arg5[%swap3A_103, %swap3A_104] {strides = array<i32>} : memref<128x128xf32, #tpu.memory_space<vmem>>, vector<1x16xf32>,
      %swap3A_106 = vector.shape_cast %swap3A_105 : vector<1x16xf32> to vector<16xf32>
      %swap3A_107 = vector.shape_cast %broadcast_in_dim3A_102 : vector<16xf32> to vector<1x16xf32>
      tpu.vector_store %arg5[%swap3A_103, %swap3A_104], %swap3A_107 {strides = array<i32>} : memref<128x128xf32, #tpu.memory_space<vmem>>, vector<1x16xf32>,
      %broadcast_in_dim3A_108 = arith.constant 1.000000e+00 : f32
      %broadcast_in_dim3A_109 = vector.broadcast %broadcast_in_dim3A_108 : f32 to vector<16xf32>
      %swap3A_110 = arith.index_cast %add3A_67 : i32 to index
      %swap3A_111 = arith.constant 96 : index
      %swap3A_112 = tpu.vector_load %arg5[%swap3A_110, %swap3A_111] {strides = array<i32>} : memref<128x128xf32, #tpu.memory_space<vmem>>, vector<1x16xf32>,
      %swap3A_113 = vector.shape_cast %swap3A_112 : vector<1x16xf32> to vector<16xf32>
      %swap3A_114 = vector.shape_cast %broadcast_in_dim3A_109 : vector<16xf32> to vector<1x16xf32>
      tpu.vector_store %arg5[%swap3A_110, %swap3A_111], %swap3A_114 {strides = array<i32>} : memref<128x128xf32, #tpu.memory_space<vmem>>, vector<1x16xf32>,
      %broadcast_in_dim3A_115 = arith.constant 1.000000e+00 : f32
      %broadcast_in_dim3A_116 = vector.broadcast %broadcast_in_dim3A_115 : f32 to vector<16xf32>
      %swap3A_117 = arith.index_cast %add3A_67 : i32 to index
      %swap3A_118 = arith.constant 112 : index
      %swap3A_119 = tpu.vector_load %arg5[%swap3A_117, %swap3A_118] {strides = array<i32>} : memref<128x128xf32, #tpu.memory_space<vmem>>, vector<1x16xf32>,
      %swap3A_120 = vector.shape_cast %swap3A_119 : vector<1x16xf32> to vector<16xf32>
      %swap3A_121 = vector.shape_cast %broadcast_in_dim3A_116 : vector<16xf32> to vector<1x16xf32>
      tpu.vector_store %arg5[%swap3A_117, %swap3A_118], %swap3A_121 {strides = array<i32>} : memref<128x128xf32, #tpu.memory_space<vmem>>, vector<1x16xf32>,
    }
    %scan3A_21 = arith.constant 128 : i32
    %barrier3A = arith.constant 0 : index
    tpu.barrier barrier_id(%barrier3A)
    %scan3A_22 = arith.constant 0 : i32
    %scan3A_23 = arith.constant 10 : i32
    %scan3A_24 = arith.addi %scan3A_22, %scan3A_23 : i32
    %scan3A_25 = arith.constant 1 : i32
    scf.for %scan3A_63 = %scan3A_22 to %scan3A_24 step %scan3A_25  : i32 {
      %mul3A_64 = arith.constant 1 : i32
      %mul3A_65 = arith.muli %scan3A_63, %mul3A_64 : i32
      %add3A_66 = arith.constant 0 : i32
      %add3A_67 = arith.addi %add3A_66, %mul3A_65 : i32
      %mul3A_68 = arith.constant 8 : i32
      %mul3A_69 = arith.muli %add3A_67, %mul3A_68 : i32
      "tpu.region"() ({
        %run_scoped3A_77 = tpu.sem_alloc : memref<!tpu.dma_semaphore, #tpu.memory_space<semaphore_mem>>
        %dma_start3A = arith.constant 0 : i32
        %dma_start3A_78 = tpu.memref_slice %arg2[%add3A, %mul3A_69, %dma_start3A] : memref<32x80x128xi32, #tpu.memory_space<hbm>> -> memref<1x8x128xi32, #tpu.memory_space<hbm>>
        %dma_start3A_79 = tpu.memref_squeeze %dma_start3A_78 : memref<1x8x128xi32, #tpu.memory_space<hbm>> -> memref<8x128xi32, #tpu.memory_space<hbm>>
        %dma_start3A_80 = arith.constant 0 : i32
        %dma_start3A_81 = tpu.memref_slice %arg2[%add3A, %mul3A_69, %dma_start3A_80] : memref<32x80x128xi32, #tpu.memory_space<hbm>> -> memref<1x8x128xi32, #tpu.memory_space<hbm>>
        %dma_start3A_82 = tpu.memref_squeeze %dma_start3A_81 : memref<1x8x128xi32, #tpu.memory_space<hbm>> -> memref<8x128xi32, #tpu.memory_space<hbm>>
        tpu.enqueue_dma source(%dma_start3A_82 : memref<8x128xi32, #tpu.memory_space<hbm>>) target(%arg4 : memref<8x128xi32, #tpu.memory_space<vmem>>) target_semaphore(%run_scoped3A_77 : memref<!tpu.dma_semaphore, #tpu.memory_space<semaphore_mem>>)
        %dma_wait3A = arith.constant 0 : i32
        %dma_wait3A_83 = tpu.memref_slice %arg2[%add3A, %mul3A_69, %dma_wait3A] : memref<32x80x128xi32, #tpu.memory_space<hbm>> -> memref<1x8x128xi32, #tpu.memory_space<hbm>>
        %dma_wait3A_84 = tpu.memref_squeeze %dma_wait3A_83 : memref<1x8x128xi32, #tpu.memory_space<hbm>> -> memref<8x128xi32, #tpu.memory_space<hbm>>
        %dma_wait3A_85 = arith.constant 0 : i32
        %dma_wait3A_86 = tpu.memref_slice %arg2[%add3A, %mul3A_69, %dma_wait3A_85] : memref<32x80x128xi32, #tpu.memory_space<hbm>> -> memref<1x8x128xi32, #tpu.memory_space<hbm>>
        %dma_wait3A_87 = tpu.memref_squeeze %dma_wait3A_86 : memref<1x8x128xi32, #tpu.memory_space<hbm>> -> memref<8x128xi32, #tpu.memory_space<hbm>>
        tpu.wait_dma2 semaphore(%run_scoped3A_77 : memref<!tpu.dma_semaphore, #tpu.memory_space<semaphore_mem>>) src(%dma_wait3A_87 : memref<8x128xi32, #tpu.memory_space<hbm>>) dst(%arg4 : memref<8x128xi32, #tpu.memory_space<vmem>>)
        tpu.yield
      }) : () -> ()
      %run_scoped3A = arith.constant 0 : i32
      "tpu.region"() ({
        %run_scoped3A_77 = tpu.sem_alloc : memref<!tpu.dma_semaphore, #tpu.memory_space<semaphore_mem>>
        %dma_start3A = arith.constant 0 : i32
        %dma_start3A_78 = tpu.memref_slice %arg4[%run_scoped3A, %dma_start3A] : memref<8x128xi32, #tpu.memory_space<vmem>> -> memref<1x128xi32, #tpu.memory_space<vmem>>
        %dma_start3A_79 = tpu.memref_squeeze %dma_start3A_78 : memref<1x128xi32, #tpu.memory_space<vmem>> -> memref<128xi32, #tpu.memory_space<vmem>>
        %dma_start3A_80 = arith.constant 0 : i32
        %dma_start3A_81 = arith.constant 0 : i32
        %dma_start3A_82 = tpu.memref_slice %arg6[%dma_start3A_80, %dma_start3A_81] : memref<10240x128xf32, #tpu.memory_space<vmem_shared>> -> memref<10240x128xf32, #tpu.memory_space<vmem_shared>>
        tpu.enqueue_indirect_dma source(%arg5 : memref<128x128xf32, #tpu.memory_space<vmem>>) target(%dma_start3A_82 : memref<10240x128xf32, #tpu.memory_space<vmem_shared>>) offsets(%dma_start3A_79 : memref<128xi32, #tpu.memory_space<vmem>>) semaphore(%run_scoped3A_77 : memref<!tpu.dma_semaphore, #tpu.memory_space<semaphore_mem>>) {add = true}
        %dma_wait3A = arith.constant 0 : i32
        %dma_wait3A_83 = tpu.memref_slice %arg4[%run_scoped3A, %dma_wait3A] : memref<8x128xi32, #tpu.memory_space<vmem>> -> memref<1x128xi32, #tpu.memory_space<vmem>>
        %dma_wait3A_84 = tpu.memref_squeeze %dma_wait3A_83 : memref<1x128xi32, #tpu.memory_space<vmem>> -> memref<128xi32, #tpu.memory_space<vmem>>
        %dma_wait3A_85 = arith.constant 0 : i32
        %dma_wait3A_86 = arith.constant 0 : i32
        %dma_wait3A_87 = tpu.memref_slice %arg6[%dma_wait3A_85, %dma_wait3A_86] : memref<10240x128xf32, #tpu.memory_space<vmem_shared>> -> memref<10240x128xf32, #tpu.memory_space<vmem_shared>>
        tpu.wait_indirect_dma semaphore(%run_scoped3A_77 : memref<!tpu.dma_semaphore, #tpu.memory_space<semaphore_mem>>) src(%arg5 : memref<128x128xf32, #tpu.memory_space<vmem>>) dst(%dma_wait3A_87 : memref<10240x128xf32, #tpu.memory_space<vmem_shared>>)
        tpu.yield
      }) : () -> ()
      %run_scoped3A_70 = arith.constant 1 : i32
      "tpu.region"() ({
        %run_scoped3A_77 = tpu.sem_alloc : memref<!tpu.dma_semaphore, #tpu.memory_space<semaphore_mem>>
        %dma_start3A = arith.constant 0 : i32
        %dma_start3A_78 = tpu.memref_slice %arg4[%run_scoped3A_70, %dma_start3A] : memref<8x128xi32, #tpu.memory_space<vmem>> -> memref<1x128xi32, #tpu.memory_space<vmem>>
        %dma_start3A_79 = tpu.memref_squeeze %dma_start3A_78 : memref<1x128xi32, #tpu.memory_space<vmem>> -> memref<128xi32, #tpu.memory_space<vmem>>
        %dma_start3A_80 = arith.constant 0 : i32
        %dma_start3A_81 = arith.constant 0 : i32
        %dma_start3A_82 = tpu.memref_slice %arg6[%dma_start3A_80, %dma_start3A_81] : memref<10240x128xf32, #tpu.memory_space<vmem_shared>> -> memref<10240x128xf32, #tpu.memory_space<vmem_shared>>
        tpu.enqueue_indirect_dma source(%arg5 : memref<128x128xf32, #tpu.memory_space<vmem>>) target(%dma_start3A_82 : memref<10240x128xf32, #tpu.memory_space<vmem_shared>>) offsets(%dma_start3A_79 : memref<128xi32, #tpu.memory_space<vmem>>) semaphore(%run_scoped3A_77 : memref<!tpu.dma_semaphore, #tpu.memory_space<semaphore_mem>>) {add = true}
        %dma_wait3A = arith.constant 0 : i32
        %dma_wait3A_83 = tpu.memref_slice %arg4[%run_scoped3A_70, %dma_wait3A] : memref<8x128xi32, #tpu.memory_space<vmem>> -> memref<1x128xi32, #tpu.memory_space<vmem>>
        %dma_wait3A_84 = tpu.memref_squeeze %dma_wait3A_83 : memref<1x128xi32, #tpu.memory_space<vmem>> -> memref<128xi32, #tpu.memory_space<vmem>>
        %dma_wait3A_85 = arith.constant 0 : i32
        %dma_wait3A_86 = arith.constant 0 : i32
        %dma_wait3A_87 = tpu.memref_slice %arg6[%dma_wait3A_85, %dma_wait3A_86] : memref<10240x128xf32, #tpu.memory_space<vmem_shared>> -> memref<10240x128xf32, #tpu.memory_space<vmem_shared>>
        tpu.wait_indirect_dma semaphore(%run_scoped3A_77 : memref<!tpu.dma_semaphore, #tpu.memory_space<semaphore_mem>>) src(%arg5 : memref<128x128xf32, #tpu.memory_space<vmem>>) dst(%dma_wait3A_87 : memref<10240x128xf32, #tpu.memory_space<vmem_shared>>)
        tpu.yield
      }) : () -> ()
      %run_scoped3A_71 = arith.constant 2 : i32
      "tpu.region"() ({
        %run_scoped3A_77 = tpu.sem_alloc : memref<!tpu.dma_semaphore, #tpu.memory_space<semaphore_mem>>
        %dma_start3A = arith.constant 0 : i32
        %dma_start3A_78 = tpu.memref_slice %arg4[%run_scoped3A_71, %dma_start3A] : memref<8x128xi32, #tpu.memory_space<vmem>> -> memref<1x128xi32, #tpu.memory_space<vmem>>
        %dma_start3A_79 = tpu.memref_squeeze %dma_start3A_78 : memref<1x128xi32, #tpu.memory_space<vmem>> -> memref<128xi32, #tpu.memory_space<vmem>>
        %dma_start3A_80 = arith.constant 0 : i32
        %dma_start3A_81 = arith.constant 0 : i32
        %dma_start3A_82 = tpu.memref_slice %arg6[%dma_start3A_80, %dma_start3A_81] : memref<10240x128xf32, #tpu.memory_space<vmem_shared>> -> memref<10240x128xf32, #tpu.memory_space<vmem_shared>>
        tpu.enqueue_indirect_dma source(%arg5 : memref<128x128xf32, #tpu.memory_space<vmem>>) target(%dma_start3A_82 : memref<10240x128xf32, #tpu.memory_space<vmem_shared>>) offsets(%dma_start3A_79 : memref<128xi32, #tpu.memory_space<vmem>>) semaphore(%run_scoped3A_77 : memref<!tpu.dma_semaphore, #tpu.memory_space<semaphore_mem>>) {add = true}
        %dma_wait3A = arith.constant 0 : i32
        %dma_wait3A_83 = tpu.memref_slice %arg4[%run_scoped3A_71, %dma_wait3A] : memref<8x128xi32, #tpu.memory_space<vmem>> -> memref<1x128xi32, #tpu.memory_space<vmem>>
        %dma_wait3A_84 = tpu.memref_squeeze %dma_wait3A_83 : memref<1x128xi32, #tpu.memory_space<vmem>> -> memref<128xi32, #tpu.memory_space<vmem>>
        %dma_wait3A_85 = arith.constant 0 : i32
        %dma_wait3A_86 = arith.constant 0 : i32
        %dma_wait3A_87 = tpu.memref_slice %arg6[%dma_wait3A_85, %dma_wait3A_86] : memref<10240x128xf32, #tpu.memory_space<vmem_shared>> -> memref<10240x128xf32, #tpu.memory_space<vmem_shared>>
        tpu.wait_indirect_dma semaphore(%run_scoped3A_77 : memref<!tpu.dma_semaphore, #tpu.memory_space<semaphore_mem>>) src(%arg5 : memref<128x128xf32, #tpu.memory_space<vmem>>) dst(%dma_wait3A_87 : memref<10240x128xf32, #tpu.memory_space<vmem_shared>>)
        tpu.yield
      }) : () -> ()
      %run_scoped3A_72 = arith.constant 3 : i32
      "tpu.region"() ({
        %run_scoped3A_77 = tpu.sem_alloc : memref<!tpu.dma_semaphore, #tpu.memory_space<semaphore_mem>>
        %dma_start3A = arith.constant 0 : i32
        %dma_start3A_78 = tpu.memref_slice %arg4[%run_scoped3A_72, %dma_start3A] : memref<8x128xi32, #tpu.memory_space<vmem>> -> memref<1x128xi32, #tpu.memory_space<vmem>>
        %dma_start3A_79 = tpu.memref_squeeze %dma_start3A_78 : memref<1x128xi32, #tpu.memory_space<vmem>> -> memref<128xi32, #tpu.memory_space<vmem>>
        %dma_start3A_80 = arith.constant 0 : i32
        %dma_start3A_81 = arith.constant 0 : i32
        %dma_start3A_82 = tpu.memref_slice %arg6[%dma_start3A_80, %dma_start3A_81] : memref<10240x128xf32, #tpu.memory_space<vmem_shared>> -> memref<10240x128xf32, #tpu.memory_space<vmem_shared>>
        tpu.enqueue_indirect_dma source(%arg5 : memref<128x128xf32, #tpu.memory_space<vmem>>) target(%dma_start3A_82 : memref<10240x128xf32, #tpu.memory_space<vmem_shared>>) offsets(%dma_start3A_79 : memref<128xi32, #tpu.memory_space<vmem>>) semaphore(%run_scoped3A_77 : memref<!tpu.dma_semaphore, #tpu.memory_space<semaphore_mem>>) {add = true}
        %dma_wait3A = arith.constant 0 : i32
        %dma_wait3A_83 = tpu.memref_slice %arg4[%run_scoped3A_72, %dma_wait3A] : memref<8x128xi32, #tpu.memory_space<vmem>> -> memref<1x128xi32, #tpu.memory_space<vmem>>
        %dma_wait3A_84 = tpu.memref_squeeze %dma_wait3A_83 : memref<1x128xi32, #tpu.memory_space<vmem>> -> memref<128xi32, #tpu.memory_space<vmem>>
        %dma_wait3A_85 = arith.constant 0 : i32
        %dma_wait3A_86 = arith.constant 0 : i32
        %dma_wait3A_87 = tpu.memref_slice %arg6[%dma_wait3A_85, %dma_wait3A_86] : memref<10240x128xf32, #tpu.memory_space<vmem_shared>> -> memref<10240x128xf32, #tpu.memory_space<vmem_shared>>
        tpu.wait_indirect_dma semaphore(%run_scoped3A_77 : memref<!tpu.dma_semaphore, #tpu.memory_space<semaphore_mem>>) src(%arg5 : memref<128x128xf32, #tpu.memory_space<vmem>>) dst(%dma_wait3A_87 : memref<10240x128xf32, #tpu.memory_space<vmem_shared>>)
        tpu.yield
      }) : () -> ()
      %run_scoped3A_73 = arith.constant 4 : i32
      "tpu.region"() ({
        %run_scoped3A_77 = tpu.sem_alloc : memref<!tpu.dma_semaphore, #tpu.memory_space<semaphore_mem>>
        %dma_start3A = arith.constant 0 : i32
        %dma_start3A_78 = tpu.memref_slice %arg4[%run_scoped3A_73, %dma_start3A] : memref<8x128xi32, #tpu.memory_space<vmem>> -> memref<1x128xi32, #tpu.memory_space<vmem>>
        %dma_start3A_79 = tpu.memref_squeeze %dma_start3A_78 : memref<1x128xi32, #tpu.memory_space<vmem>> -> memref<128xi32, #tpu.memory_space<vmem>>
        %dma_start3A_80 = arith.constant 0 : i32
        %dma_start3A_81 = arith.constant 0 : i32
        %dma_start3A_82 = tpu.memref_slice %arg6[%dma_start3A_80, %dma_start3A_81] : memref<10240x128xf32, #tpu.memory_space<vmem_shared>> -> memref<10240x128xf32, #tpu.memory_space<vmem_shared>>
        tpu.enqueue_indirect_dma source(%arg5 : memref<128x128xf32, #tpu.memory_space<vmem>>) target(%dma_start3A_82 : memref<10240x128xf32, #tpu.memory_space<vmem_shared>>) offsets(%dma_start3A_79 : memref<128xi32, #tpu.memory_space<vmem>>) semaphore(%run_scoped3A_77 : memref<!tpu.dma_semaphore, #tpu.memory_space<semaphore_mem>>) {add = true}
        %dma_wait3A = arith.constant 0 : i32
        %dma_wait3A_83 = tpu.memref_slice %arg4[%run_scoped3A_73, %dma_wait3A] : memref<8x128xi32, #tpu.memory_space<vmem>> -> memref<1x128xi32, #tpu.memory_space<vmem>>
        %dma_wait3A_84 = tpu.memref_squeeze %dma_wait3A_83 : memref<1x128xi32, #tpu.memory_space<vmem>> -> memref<128xi32, #tpu.memory_space<vmem>>
        %dma_wait3A_85 = arith.constant 0 : i32
        %dma_wait3A_86 = arith.constant 0 : i32
        %dma_wait3A_87 = tpu.memref_slice %arg6[%dma_wait3A_85, %dma_wait3A_86] : memref<10240x128xf32, #tpu.memory_space<vmem_shared>> -> memref<10240x128xf32, #tpu.memory_space<vmem_shared>>
        tpu.wait_indirect_dma semaphore(%run_scoped3A_77 : memref<!tpu.dma_semaphore, #tpu.memory_space<semaphore_mem>>) src(%arg5 : memref<128x128xf32, #tpu.memory_space<vmem>>) dst(%dma_wait3A_87 : memref<10240x128xf32, #tpu.memory_space<vmem_shared>>)
        tpu.yield
      }) : () -> ()
      %run_scoped3A_74 = arith.constant 5 : i32
      "tpu.region"() ({
        %run_scoped3A_77 = tpu.sem_alloc : memref<!tpu.dma_semaphore, #tpu.memory_space<semaphore_mem>>
        %dma_start3A = arith.constant 0 : i32
        %dma_start3A_78 = tpu.memref_slice %arg4[%run_scoped3A_74, %dma_start3A] : memref<8x128xi32, #tpu.memory_space<vmem>> -> memref<1x128xi32, #tpu.memory_space<vmem>>
        %dma_start3A_79 = tpu.memref_squeeze %dma_start3A_78 : memref<1x128xi32, #tpu.memory_space<vmem>> -> memref<128xi32, #tpu.memory_space<vmem>>
        %dma_start3A_80 = arith.constant 0 : i32
        %dma_start3A_81 = arith.constant 0 : i32
        %dma_start3A_82 = tpu.memref_slice %arg6[%dma_start3A_80, %dma_start3A_81] : memref<10240x128xf32, #tpu.memory_space<vmem_shared>> -> memref<10240x128xf32, #tpu.memory_space<vmem_shared>>
        tpu.enqueue_indirect_dma source(%arg5 : memref<128x128xf32, #tpu.memory_space<vmem>>) target(%dma_start3A_82 : memref<10240x128xf32, #tpu.memory_space<vmem_shared>>) offsets(%dma_start3A_79 : memref<128xi32, #tpu.memory_space<vmem>>) semaphore(%run_scoped3A_77 : memref<!tpu.dma_semaphore, #tpu.memory_space<semaphore_mem>>) {add = true}
        %dma_wait3A = arith.constant 0 : i32
        %dma_wait3A_83 = tpu.memref_slice %arg4[%run_scoped3A_74, %dma_wait3A] : memref<8x128xi32, #tpu.memory_space<vmem>> -> memref<1x128xi32, #tpu.memory_space<vmem>>
        %dma_wait3A_84 = tpu.memref_squeeze %dma_wait3A_83 : memref<1x128xi32, #tpu.memory_space<vmem>> -> memref<128xi32, #tpu.memory_space<vmem>>
        %dma_wait3A_85 = arith.constant 0 : i32
        %dma_wait3A_86 = arith.constant 0 : i32
        %dma_wait3A_87 = tpu.memref_slice %arg6[%dma_wait3A_85, %dma_wait3A_86] : memref<10240x128xf32, #tpu.memory_space<vmem_shared>> -> memref<10240x128xf32, #tpu.memory_space<vmem_shared>>
        tpu.wait_indirect_dma semaphore(%run_scoped3A_77 : memref<!tpu.dma_semaphore, #tpu.memory_space<semaphore_mem>>) src(%arg5 : memref<128x128xf32, #tpu.memory_space<vmem>>) dst(%dma_wait3A_87 : memref<10240x128xf32, #tpu.memory_space<vmem_shared>>)
        tpu.yield
      }) : () -> ()
      %run_scoped3A_75 = arith.constant 6 : i32
      "tpu.region"() ({
        %run_scoped3A_77 = tpu.sem_alloc : memref<!tpu.dma_semaphore, #tpu.memory_space<semaphore_mem>>
        %dma_start3A = arith.constant 0 : i32
        %dma_start3A_78 = tpu.memref_slice %arg4[%run_scoped3A_75, %dma_start3A] : memref<8x128xi32, #tpu.memory_space<vmem>> -> memref<1x128xi32, #tpu.memory_space<vmem>>
        %dma_start3A_79 = tpu.memref_squeeze %dma_start3A_78 : memref<1x128xi32, #tpu.memory_space<vmem>> -> memref<128xi32, #tpu.memory_space<vmem>>
        %dma_start3A_80 = arith.constant 0 : i32
        %dma_start3A_81 = arith.constant 0 : i32
        %dma_start3A_82 = tpu.memref_slice %arg6[%dma_start3A_80, %dma_start3A_81] : memref<10240x128xf32, #tpu.memory_space<vmem_shared>> -> memref<10240x128xf32, #tpu.memory_space<vmem_shared>>
        tpu.enqueue_indirect_dma source(%arg5 : memref<128x128xf32, #tpu.memory_space<vmem>>) target(%dma_start3A_82 : memref<10240x128xf32, #tpu.memory_space<vmem_shared>>) offsets(%dma_start3A_79 : memref<128xi32, #tpu.memory_space<vmem>>) semaphore(%run_scoped3A_77 : memref<!tpu.dma_semaphore, #tpu.memory_space<semaphore_mem>>) {add = true}
        %dma_wait3A = arith.constant 0 : i32
        %dma_wait3A_83 = tpu.memref_slice %arg4[%run_scoped3A_75, %dma_wait3A] : memref<8x128xi32, #tpu.memory_space<vmem>> -> memref<1x128xi32, #tpu.memory_space<vmem>>
        %dma_wait3A_84 = tpu.memref_squeeze %dma_wait3A_83 : memref<1x128xi32, #tpu.memory_space<vmem>> -> memref<128xi32, #tpu.memory_space<vmem>>
        %dma_wait3A_85 = arith.constant 0 : i32
        %dma_wait3A_86 = arith.constant 0 : i32
        %dma_wait3A_87 = tpu.memref_slice %arg6[%dma_wait3A_85, %dma_wait3A_86] : memref<10240x128xf32, #tpu.memory_space<vmem_shared>> -> memref<10240x128xf32, #tpu.memory_space<vmem_shared>>
        tpu.wait_indirect_dma semaphore(%run_scoped3A_77 : memref<!tpu.dma_semaphore, #tpu.memory_space<semaphore_mem>>) src(%arg5 : memref<128x128xf32, #tpu.memory_space<vmem>>) dst(%dma_wait3A_87 : memref<10240x128xf32, #tpu.memory_space<vmem_shared>>)
        tpu.yield
      }) : () -> ()
      %run_scoped3A_76 = arith.constant 7 : i32
      "tpu.region"() ({
        %run_scoped3A_77 = tpu.sem_alloc : memref<!tpu.dma_semaphore, #tpu.memory_space<semaphore_mem>>
        %dma_start3A = arith.constant 0 : i32
        %dma_start3A_78 = tpu.memref_slice %arg4[%run_scoped3A_76, %dma_start3A] : memref<8x128xi32, #tpu.memory_space<vmem>> -> memref<1x128xi32, #tpu.memory_space<vmem>>
        %dma_start3A_79 = tpu.memref_squeeze %dma_start3A_78 : memref<1x128xi32, #tpu.memory_space<vmem>> -> memref<128xi32, #tpu.memory_space<vmem>>
        %dma_start3A_80 = arith.constant 0 : i32
        %dma_start3A_81 = arith.constant 0 : i32
        %dma_start3A_82 = tpu.memref_slice %arg6[%dma_start3A_80, %dma_start3A_81] : memref<10240x128xf32, #tpu.memory_space<vmem_shared>> -> memref<10240x128xf32, #tpu.memory_space<vmem_shared>>
        tpu.enqueue_indirect_dma source(%arg5 : memref<128x128xf32, #tpu.memory_space<vmem>>) target(%dma_start3A_82 : memref<10240x128xf32, #tpu.memory_space<vmem_shared>>) offsets(%dma_start3A_79 : memref<128xi32, #tpu.memory_space<vmem>>) semaphore(%run_scoped3A_77 : memref<!tpu.dma_semaphore, #tpu.memory_space<semaphore_mem>>) {add = true}
        %dma_wait3A = arith.constant 0 : i32
        %dma_wait3A_83 = tpu.memref_slice %arg4[%run_scoped3A_76, %dma_wait3A] : memref<8x128xi32, #tpu.memory_space<vmem>> -> memref<1x128xi32, #tpu.memory_space<vmem>>
        %dma_wait3A_84 = tpu.memref_squeeze %dma_wait3A_83 : memref<1x128xi32, #tpu.memory_space<vmem>> -> memref<128xi32, #tpu.memory_space<vmem>>
        %dma_wait3A_85 = arith.constant 0 : i32
        %dma_wait3A_86 = arith.constant 0 : i32
        %dma_wait3A_87 = tpu.memref_slice %arg6[%dma_wait3A_85, %dma_wait3A_86] : memref<10240x128xf32, #tpu.memory_space<vmem_shared>> -> memref<10240x128xf32, #tpu.memory_space<vmem_shared>>
        tpu.wait_indirect_dma semaphore(%run_scoped3A_77 : memref<!tpu.dma_semaphore, #tpu.memory_space<semaphore_mem>>) src(%arg5 : memref<128x128xf32, #tpu.memory_space<vmem>>) dst(%dma_wait3A_87 : memref<10240x128xf32, #tpu.memory_space<vmem_shared>>)
        tpu.yield
      }) : () -> ()
    }
    %scan3A_26 = arith.constant 10 : i32
    %barrier3A_27 = arith.constant 0 : index
    tpu.barrier barrier_id(%barrier3A_27)
    %add3A_28 = arith.constant 0 : i32
    %add3A_29 = arith.addi %mul3A_2, %add3A_28 : i32
    "tpu.region"() ({
      %run_scoped3A = tpu.sem_alloc : memref<!tpu.dma_semaphore, #tpu.memory_space<semaphore_mem>>
      %dma_start3A = arith.constant 0 : i32
      %dma_start3A_63 = tpu.memref_slice %arg6[%add3A_29, %dma_start3A] : memref<10240x128xf32, #tpu.memory_space<vmem_shared>> -> memref<128x128xf32, #tpu.memory_space<vmem_shared>>
      %dma_start3A_64 = arith.constant 0 : i32
      %dma_start3A_65 = tpu.memref_slice %arg6[%add3A_29, %dma_start3A_64] : memref<10240x128xf32, #tpu.memory_space<vmem_shared>> -> memref<128x128xf32, #tpu.memory_space<vmem_shared>>
      tpu.enqueue_dma source(%dma_start3A_65 : memref<128x128xf32, #tpu.memory_space<vmem_shared>>) target(%arg5 : memref<128x128xf32, #tpu.memory_space<vmem>>) target_semaphore(%run_scoped3A : memref<!tpu.dma_semaphore, #tpu.memory_space<semaphore_mem>>)
      %dma_wait3A = arith.constant 0 : i32
      %dma_wait3A_66 = tpu.memref_slice %arg6[%add3A_29, %dma_wait3A] : memref<10240x128xf32, #tpu.memory_space<vmem_shared>> -> memref<128x128xf32, #tpu.memory_space<vmem_shared>>
      %dma_wait3A_67 = arith.constant 0 : i32
      %dma_wait3A_68 = tpu.memref_slice %arg6[%add3A_29, %dma_wait3A_67] : memref<10240x128xf32, #tpu.memory_space<vmem_shared>> -> memref<128x128xf32, #tpu.memory_space<vmem_shared>>
      tpu.wait_dma2 semaphore(%run_scoped3A : memref<!tpu.dma_semaphore, #tpu.memory_space<semaphore_mem>>) src(%dma_wait3A_68 : memref<128x128xf32, #tpu.memory_space<vmem_shared>>) dst(%arg5 : memref<128x128xf32, #tpu.memory_space<vmem>>)
      tpu.yield
    }) : () -> ()
    %mul3A_30 = arith.constant 10240 : i32
    %mul3A_31 = arith.muli %arg0, %mul3A_30 : i32
    %add3A_32 = arith.addi %mul3A_31, %mul3A_2 : i32
    %add3A_33 = arith.constant 0 : i32
    %add3A_34 = arith.addi %add3A_32, %add3A_33 : i32
    "tpu.region"() ({
      %run_scoped3A = tpu.sem_alloc : memref<!tpu.dma_semaphore, #tpu.memory_space<semaphore_mem>>
      %dma_start3A = arith.constant 0 : i32
      %dma_start3A_63 = tpu.memref_slice %arg3[%add3A_34, %dma_start3A] : memref<20480x128xf32, #tpu.memory_space<hbm>> -> memref<128x128xf32, #tpu.memory_space<hbm>>
      %dma_start3A_64 = arith.constant 0 : i32
      %dma_start3A_65 = tpu.memref_slice %arg3[%add3A_34, %dma_start3A_64] : memref<20480x128xf32, #tpu.memory_space<hbm>> -> memref<128x128xf32, #tpu.memory_space<hbm>>
      tpu.enqueue_dma source(%arg5 : memref<128x128xf32, #tpu.memory_space<vmem>>) target(%dma_start3A_65 : memref<128x128xf32, #tpu.memory_space<hbm>>) target_semaphore(%run_scoped3A : memref<!tpu.dma_semaphore, #tpu.memory_space<semaphore_mem>>)
      %dma_wait3A = arith.constant 0 : i32
      %dma_wait3A_66 = tpu.memref_slice %arg3[%add3A_34, %dma_wait3A] : memref<20480x128xf32, #tpu.memory_space<hbm>> -> memref<128x128xf32, #tpu.memory_space<hbm>>
      %dma_wait3A_67 = arith.constant 0 : i32
      %dma_wait3A_68 = tpu.memref_slice %arg3[%add3A_34, %dma_wait3A_67] : memref<20480x128xf32, #tpu.memory_space<hbm>> -> memref<128x128xf32, #tpu.memory_space<hbm>>
      tpu.wait_dma2 semaphore(%run_scoped3A : memref<!tpu.dma_semaphore, #tpu.memory_space<semaphore_mem>>) src(%arg5 : memref<128x128xf32, #tpu.memory_space<vmem>>) dst(%dma_wait3A_68 : memref<128x128xf32, #tpu.memory_space<hbm>>)
      tpu.yield
    }) : () -> ()
    %add3A_35 = arith.constant 128 : i32
    %add3A_36 = arith.addi %mul3A_2, %add3A_35 : i32
    "tpu.region"() ({
      %run_scoped3A = tpu.sem_alloc : memref<!tpu.dma_semaphore, #tpu.memory_space<semaphore_mem>>
      %dma_start3A = arith.constant 0 : i32
      %dma_start3A_63 = tpu.memref_slice %arg6[%add3A_36, %dma_start3A] : memref<10240x128xf32, #tpu.memory_space<vmem_shared>> -> memref<128x128xf32, #tpu.memory_space<vmem_shared>>
      %dma_start3A_64 = arith.constant 0 : i32
      %dma_start3A_65 = tpu.memref_slice %arg6[%add3A_36, %dma_start3A_64] : memref<10240x128xf32, #tpu.memory_space<vmem_shared>> -> memref<128x128xf32, #tpu.memory_space<vmem_shared>>
      tpu.enqueue_dma source(%dma_start3A_65 : memref<128x128xf32, #tpu.memory_space<vmem_shared>>) target(%arg5 : memref<128x128xf32, #tpu.memory_space<vmem>>) target_semaphore(%run_scoped3A : memref<!tpu.dma_semaphore, #tpu.memory_space<semaphore_mem>>)
      %dma_wait3A = arith.constant 0 : i32
      %dma_wait3A_66 = tpu.memref_slice %arg6[%add3A_36, %dma_wait3A] : memref<10240x128xf32, #tpu.memory_space<vmem_shared>> -> memref<128x128xf32, #tpu.memory_space<vmem_shared>>
      %dma_wait3A_67 = arith.constant 0 : i32
      %dma_wait3A_68 = tpu.memref_slice %arg6[%add3A_36, %dma_wait3A_67] : memref<10240x128xf32, #tpu.memory_space<vmem_shared>> -> memref<128x128xf32, #tpu.memory_space<vmem_shared>>
      tpu.wait_dma2 semaphore(%run_scoped3A : memref<!tpu.dma_semaphore, #tpu.memory_space<semaphore_mem>>) src(%dma_wait3A_68 : memref<128x128xf32, #tpu.memory_space<vmem_shared>>) dst(%arg5 : memref<128x128xf32, #tpu.memory_space<vmem>>)
      tpu.yield
    }) : () -> ()
    %mul3A_37 = arith.constant 10240 : i32
    %mul3A_38 = arith.muli %arg0, %mul3A_37 : i32
    %add3A_39 = arith.addi %mul3A_38, %mul3A_2 : i32
    %add3A_40 = arith.constant 128 : i32
    %add3A_41 = arith.addi %add3A_39, %add3A_40 : i32
    "tpu.region"() ({
      %run_scoped3A = tpu.sem_alloc : memref<!tpu.dma_semaphore, #tpu.memory_space<semaphore_mem>>
      %dma_start3A = arith.constant 0 : i32
      %dma_start3A_63 = tpu.memref_slice %arg3[%add3A_41, %dma_start3A] : memref<20480x128xf32, #tpu.memory_space<hbm>> -> memref<128x128xf32, #tpu.memory_space<hbm>>
      %dma_start3A_64 = arith.constant 0 : i32
      %dma_start3A_65 = tpu.memref_slice %arg3[%add3A_41, %dma_start3A_64] : memref<20480x128xf32, #tpu.memory_space<hbm>> -> memref<128x128xf32, #tpu.memory_space<hbm>>
      tpu.enqueue_dma source(%arg5 : memref<128x128xf32, #tpu.memory_space<vmem>>) target(%dma_start3A_65 : memref<128x128xf32, #tpu.memory_space<hbm>>) target_semaphore(%run_scoped3A : memref<!tpu.dma_semaphore, #tpu.memory_space<semaphore_mem>>)
      %dma_wait3A = arith.constant 0 : i32
      %dma_wait3A_66 = tpu.memref_slice %arg3[%add3A_41, %dma_wait3A] : memref<20480x128xf32, #tpu.memory_space<hbm>> -> memref<128x128xf32, #tpu.memory_space<hbm>>
      %dma_wait3A_67 = arith.constant 0 : i32
      %dma_wait3A_68 = tpu.memref_slice %arg3[%add3A_41, %dma_wait3A_67] : memref<20480x128xf32, #tpu.memory_space<hbm>> -> memref<128x128xf32, #tpu.memory_space<hbm>>
      tpu.wait_dma2 semaphore(%run_scoped3A : memref<!tpu.dma_semaphore, #tpu.memory_space<semaphore_mem>>) src(%arg5 : memref<128x128xf32, #tpu.memory_space<vmem>>) dst(%dma_wait3A_68 : memref<128x128xf32, #tpu.memory_space<hbm>>)
      tpu.yield
    }) : () -> ()
    %add3A_42 = arith.constant 256 : i32
    %add3A_43 = arith.addi %mul3A_2, %add3A_42 : i32
    "tpu.region"() ({
      %run_scoped3A = tpu.sem_alloc : memref<!tpu.dma_semaphore, #tpu.memory_space<semaphore_mem>>
      %dma_start3A = arith.constant 0 : i32
      %dma_start3A_63 = tpu.memref_slice %arg6[%add3A_43, %dma_start3A] : memref<10240x128xf32, #tpu.memory_space<vmem_shared>> -> memref<128x128xf32, #tpu.memory_space<vmem_shared>>
      %dma_start3A_64 = arith.constant 0 : i32
      %dma_start3A_65 = tpu.memref_slice %arg6[%add3A_43, %dma_start3A_64] : memref<10240x128xf32, #tpu.memory_space<vmem_shared>> -> memref<128x128xf32, #tpu.memory_space<vmem_shared>>
      tpu.enqueue_dma source(%dma_start3A_65 : memref<128x128xf32, #tpu.memory_space<vmem_shared>>) target(%arg5 : memref<128x128xf32, #tpu.memory_space<vmem>>) target_semaphore(%run_scoped3A : memref<!tpu.dma_semaphore, #tpu.memory_space<semaphore_mem>>)
      %dma_wait3A = arith.constant 0 : i32
      %dma_wait3A_66 = tpu.memref_slice %arg6[%add3A_43, %dma_wait3A] : memref<10240x128xf32, #tpu.memory_space<vmem_shared>> -> memref<128x128xf32, #tpu.memory_space<vmem_shared>>
      %dma_wait3A_67 = arith.constant 0 : i32
      %dma_wait3A_68 = tpu.memref_slice %arg6[%add3A_43, %dma_wait3A_67] : memref<10240x128xf32, #tpu.memory_space<vmem_shared>> -> memref<128x128xf32, #tpu.memory_space<vmem_shared>>
      tpu.wait_dma2 semaphore(%run_scoped3A : memref<!tpu.dma_semaphore, #tpu.memory_space<semaphore_mem>>) src(%dma_wait3A_68 : memref<128x128xf32, #tpu.memory_space<vmem_shared>>) dst(%arg5 : memref<128x128xf32, #tpu.memory_space<vmem>>)
      tpu.yield
    }) : () -> ()
    %mul3A_44 = arith.constant 10240 : i32
    %mul3A_45 = arith.muli %arg0, %mul3A_44 : i32
    %add3A_46 = arith.addi %mul3A_45, %mul3A_2 : i32
    %add3A_47 = arith.constant 256 : i32
    %add3A_48 = arith.addi %add3A_46, %add3A_47 : i32
    "tpu.region"() ({
      %run_scoped3A = tpu.sem_alloc : memref<!tpu.dma_semaphore, #tpu.memory_space<semaphore_mem>>
      %dma_start3A = arith.constant 0 : i32
      %dma_start3A_63 = tpu.memref_slice %arg3[%add3A_48, %dma_start3A] : memref<20480x128xf32, #tpu.memory_space<hbm>> -> memref<128x128xf32, #tpu.memory_space<hbm>>
      %dma_start3A_64 = arith.constant 0 : i32
      %dma_start3A_65 = tpu.memref_slice %arg3[%add3A_48, %dma_start3A_64] : memref<20480x128xf32, #tpu.memory_space<hbm>> -> memref<128x128xf32, #tpu.memory_space<hbm>>
      tpu.enqueue_dma source(%arg5 : memref<128x128xf32, #tpu.memory_space<vmem>>) target(%dma_start3A_65 : memref<128x128xf32, #tpu.memory_space<hbm>>) target_semaphore(%run_scoped3A : memref<!tpu.dma_semaphore, #tpu.memory_space<semaphore_mem>>)
      %dma_wait3A = arith.constant 0 : i32
      %dma_wait3A_66 = tpu.memref_slice %arg3[%add3A_48, %dma_wait3A] : memref<20480x128xf32, #tpu.memory_space<hbm>> -> memref<128x128xf32, #tpu.memory_space<hbm>>
      %dma_wait3A_67 = arith.constant 0 : i32
      %dma_wait3A_68 = tpu.memref_slice %arg3[%add3A_48, %dma_wait3A_67] : memref<20480x128xf32, #tpu.memory_space<hbm>> -> memref<128x128xf32, #tpu.memory_space<hbm>>
      tpu.wait_dma2 semaphore(%run_scoped3A : memref<!tpu.dma_semaphore, #tpu.memory_space<semaphore_mem>>) src(%arg5 : memref<128x128xf32, #tpu.memory_space<vmem>>) dst(%dma_wait3A_68 : memref<128x128xf32, #tpu.memory_space<hbm>>)
      tpu.yield
    }) : () -> ()
    %add3A_49 = arith.constant 384 : i32
    %add3A_50 = arith.addi %mul3A_2, %add3A_49 : i32
    "tpu.region"() ({
      %run_scoped3A = tpu.sem_alloc : memref<!tpu.dma_semaphore, #tpu.memory_space<semaphore_mem>>
      %dma_start3A = arith.constant 0 : i32
      %dma_start3A_63 = tpu.memref_slice %arg6[%add3A_50, %dma_start3A] : memref<10240x128xf32, #tpu.memory_space<vmem_shared>> -> memref<128x128xf32, #tpu.memory_space<vmem_shared>>
      %dma_start3A_64 = arith.constant 0 : i32
      %dma_start3A_65 = tpu.memref_slice %arg6[%add3A_50, %dma_start3A_64] : memref<10240x128xf32, #tpu.memory_space<vmem_shared>> -> memref<128x128xf32, #tpu.memory_space<vmem_shared>>
      tpu.enqueue_dma source(%dma_start3A_65 : memref<128x128xf32, #tpu.memory_space<vmem_shared>>) target(%arg5 : memref<128x128xf32, #tpu.memory_space<vmem>>) target_semaphore(%run_scoped3A : memref<!tpu.dma_semaphore, #tpu.memory_space<semaphore_mem>>)
      %dma_wait3A = arith.constant 0 : i32
      %dma_wait3A_66 = tpu.memref_slice %arg6[%add3A_50, %dma_wait3A] : memref<10240x128xf32, #tpu.memory_space<vmem_shared>> -> memref<128x128xf32, #tpu.memory_space<vmem_shared>>
      %dma_wait3A_67 = arith.constant 0 : i32
      %dma_wait3A_68 = tpu.memref_slice %arg6[%add3A_50, %dma_wait3A_67] : memref<10240x128xf32, #tpu.memory_space<vmem_shared>> -> memref<128x128xf32, #tpu.memory_space<vmem_shared>>
      tpu.wait_dma2 semaphore(%run_scoped3A : memref<!tpu.dma_semaphore, #tpu.memory_space<semaphore_mem>>) src(%dma_wait3A_68 : memref<128x128xf32, #tpu.memory_space<vmem_shared>>) dst(%arg5 : memref<128x128xf32, #tpu.memory_space<vmem>>)
      tpu.yield
    }) : () -> ()
    %mul3A_51 = arith.constant 10240 : i32
    %mul3A_52 = arith.muli %arg0, %mul3A_51 : i32
    %add3A_53 = arith.addi %mul3A_52, %mul3A_2 : i32
    %add3A_54 = arith.constant 384 : i32
    %add3A_55 = arith.addi %add3A_53, %add3A_54 : i32
    "tpu.region"() ({
      %run_scoped3A = tpu.sem_alloc : memref<!tpu.dma_semaphore, #tpu.memory_space<semaphore_mem>>
      %dma_start3A = arith.constant 0 : i32
      %dma_start3A_63 = tpu.memref_slice %arg3[%add3A_55, %dma_start3A] : memref<20480x128xf32, #tpu.memory_space<hbm>> -> memref<128x128xf32, #tpu.memory_space<hbm>>
      %dma_start3A_64 = arith.constant 0 : i32
      %dma_start3A_65 = tpu.memref_slice %arg3[%add3A_55, %dma_start3A_64] : memref<20480x128xf32, #tpu.memory_space<hbm>> -> memref<128x128xf32, #tpu.memory_space<hbm>>
      tpu.enqueue_dma source(%arg5 : memref<128x128xf32, #tpu.memory_space<vmem>>) target(%dma_start3A_65 : memref<128x128xf32, #tpu.memory_space<hbm>>) target_semaphore(%run_scoped3A : memref<!tpu.dma_semaphore, #tpu.memory_space<semaphore_mem>>)
      %dma_wait3A = arith.constant 0 : i32
      %dma_wait3A_66 = tpu.memref_slice %arg3[%add3A_55, %dma_wait3A] : memref<20480x128xf32, #tpu.memory_space<hbm>> -> memref<128x128xf32, #tpu.memory_space<hbm>>
      %dma_wait3A_67 = arith.constant 0 : i32
      %dma_wait3A_68 = tpu.memref_slice %arg3[%add3A_55, %dma_wait3A_67] : memref<20480x128xf32, #tpu.memory_space<hbm>> -> memref<128x128xf32, #tpu.memory_space<hbm>>
      tpu.wait_dma2 semaphore(%run_scoped3A : memref<!tpu.dma_semaphore, #tpu.memory_space<semaphore_mem>>) src(%arg5 : memref<128x128xf32, #tpu.memory_space<vmem>>) dst(%dma_wait3A_68 : memref<128x128xf32, #tpu.memory_space<hbm>>)
      tpu.yield
    }) : () -> ()
    %add3A_56 = arith.constant 512 : i32
    %add3A_57 = arith.addi %mul3A_2, %add3A_56 : i32
    "tpu.region"() ({
      %run_scoped3A = tpu.sem_alloc : memref<!tpu.dma_semaphore, #tpu.memory_space<semaphore_mem>>
      %dma_start3A = arith.constant 0 : i32
      %dma_start3A_63 = tpu.memref_slice %arg6[%add3A_57, %dma_start3A] : memref<10240x128xf32, #tpu.memory_space<vmem_shared>> -> memref<128x128xf32, #tpu.memory_space<vmem_shared>>
      %dma_start3A_64 = arith.constant 0 : i32
      %dma_start3A_65 = tpu.memref_slice %arg6[%add3A_57, %dma_start3A_64] : memref<10240x128xf32, #tpu.memory_space<vmem_shared>> -> memref<128x128xf32, #tpu.memory_space<vmem_shared>>
      tpu.enqueue_dma source(%dma_start3A_65 : memref<128x128xf32, #tpu.memory_space<vmem_shared>>) target(%arg5 : memref<128x128xf32, #tpu.memory_space<vmem>>) target_semaphore(%run_scoped3A : memref<!tpu.dma_semaphore, #tpu.memory_space<semaphore_mem>>)
      %dma_wait3A = arith.constant 0 : i32
      %dma_wait3A_66 = tpu.memref_slice %arg6[%add3A_57, %dma_wait3A] : memref<10240x128xf32, #tpu.memory_space<vmem_shared>> -> memref<128x128xf32, #tpu.memory_space<vmem_shared>>
      %dma_wait3A_67 = arith.constant 0 : i32
      %dma_wait3A_68 = tpu.memref_slice %arg6[%add3A_57, %dma_wait3A_67] : memref<10240x128xf32, #tpu.memory_space<vmem_shared>> -> memref<128x128xf32, #tpu.memory_space<vmem_shared>>
      tpu.wait_dma2 semaphore(%run_scoped3A : memref<!tpu.dma_semaphore, #tpu.memory_space<semaphore_mem>>) src(%dma_wait3A_68 : memref<128x128xf32, #tpu.memory_space<vmem_shared>>) dst(%arg5 : memref<128x128xf32, #tpu.memory_space<vmem>>)
      tpu.yield
    }) : () -> ()
    %mul3A_58 = arith.constant 10240 : i32
    %mul3A_59 = arith.muli %arg0, %mul3A_58 : i32
    %add3A_60 = arith.addi %mul3A_59, %mul3A_2 : i32
    %add3A_61 = arith.constant 512 : i32
    %add3A_62 = arith.addi %add3A_60, %add3A_61 : i32
    "tpu.region"() ({
      %run_scoped3A = tpu.sem_alloc : memref<!tpu.dma_semaphore, #tpu.memory_space<semaphore_mem>>
      %dma_start3A = arith.constant 0 : i32
      %dma_start3A_63 = tpu.memref_slice %arg3[%add3A_62, %dma_start3A] : memref<20480x128xf32, #tpu.memory_space<hbm>> -> memref<128x128xf32, #tpu.memory_space<hbm>>
      %dma_start3A_64 = arith.constant 0 : i32
      %dma_start3A_65 = tpu.memref_slice %arg3[%add3A_62, %dma_start3A_64] : memref<20480x128xf32, #tpu.memory_space<hbm>> -> memref<128x128xf32, #tpu.memory_space<hbm>>
      tpu.enqueue_dma source(%arg5 : memref<128x128xf32, #tpu.memory_space<vmem>>) target(%dma_start3A_65 : memref<128x128xf32, #tpu.memory_space<hbm>>) target_semaphore(%run_scoped3A : memref<!tpu.dma_semaphore, #tpu.memory_space<semaphore_mem>>)
      %dma_wait3A = arith.constant 0 : i32
      %dma_wait3A_66 = tpu.memref_slice %arg3[%add3A_62, %dma_wait3A] : memref<20480x128xf32, #tpu.memory_space<hbm>> -> memref<128x128xf32, #tpu.memory_space<hbm>>
      %dma_wait3A_67 = arith.constant 0 : i32
      %dma_wait3A_68 = tpu.memref_slice %arg3[%add3A_62, %dma_wait3A_67] : memref<20480x128xf32, #tpu.memory_space<hbm>> -> memref<128x128xf32, #tpu.memory_space<hbm>>
      tpu.wait_dma2 semaphore(%run_scoped3A : memref<!tpu.dma_semaphore, #tpu.memory_space<semaphore_mem>>) src(%arg5 : memref<128x128xf32, #tpu.memory_space<vmem>>) dst(%dma_wait3A_68 : memref<128x128xf32, #tpu.memory_space<hbm>>)
      tpu.yield
    }) : () -> ()
    return
  }
}

module attributes {stable_mosaic.version = 14 : i64} {
  func.func @_transform_body(%arg0: i32, %arg1: memref<2000x128xf32, #tpu.memory_space<vmem>>, %arg2: memref<128x128xf32, #tpu.memory_space<vmem>>, %arg3: memref<128x128xf32, #tpu.memory_space<vmem>>, %arg4: memref<1x128xf32, #tpu.memory_space<vmem>>, %arg5: memref<2000x128xf32, #tpu.memory_space<vmem>>, %arg6: memref<2000x128xf32, #tpu.memory_space<vmem>>) attributes {dimension_semantics = [#tpu.dimension_semantics<arbitrary>], iteration_bounds = array<i64: 5>, scalar_prefetch = 0 : i64, scratch_operands = 0 : i64, tpu.core_type = #tpu.core_type<tc>, window_params = [{transform_indices = @transform_0, window_bounds = array<i64: 2000, 128>}, {pipeline_mode = #tpu.pipeline_mode<synchronous>, transform_indices = @transform_1, window_bounds = array<i64: 128, 128>}, {pipeline_mode = #tpu.pipeline_mode<synchronous>, transform_indices = @transform_2, window_bounds = array<i64: 128, 128>}, {pipeline_mode = #tpu.pipeline_mode<synchronous>, transform_indices = @transform_3, window_bounds = array<i64: 1, 128>}, {transform_indices = @transform_4, window_bounds = array<i64: 2000, 128>}, {transform_indices = @transform_5, window_bounds = array<i64: 2000, 128>}]} {
    %get3A = arith.constant 0 : index
    %get3A_0 = arith.constant 0 : index
    %get3A_1 = vector.load %arg1[%get3A, %get3A_0] : memref<2000x128xf32, #tpu.memory_space<vmem>>, vector<2000x128xf32>
    %get3A_2 = arith.constant 0 : index
    %get3A_3 = arith.constant 0 : index
    %get3A_4 = vector.load %arg2[%get3A_2, %get3A_3] : memref<128x128xf32, #tpu.memory_space<vmem>>, vector<128x128xf32>
    %dot_general3A = arith.constant dense<0.000000e+00> : vector<2000x128xf32>
    %dot_general3A_5 = tpu.matmul %get3A_1, %get3A_4, %dot_general3A {dimension_numbers = #tpu.dot_dimension_numbers<[1], [0], [0], [1], [0, 0, 1, 1], [], []>, transpose_lhs_hint = false} : vector<2000x128xf32>, vector<128x128xf32>, vector<2000x128xf32> -> vector<2000x128xf32>
    %swap3A = arith.constant 0 : index
    %swap3A_6 = arith.constant 0 : index
    %swap3A_7 = vector.load %arg5[%swap3A, %swap3A_6] : memref<2000x128xf32, #tpu.memory_space<vmem>>, vector<2000x128xf32>
    tpu.vector_store %arg5[%swap3A, %swap3A_6], %dot_general3A_5 {strides = array<i32>} : memref<2000x128xf32, #tpu.memory_space<vmem>>, vector<2000x128xf32>,
    %get3A_8 = arith.constant 0 : index
    %get3A_9 = arith.constant 0 : index
    %get3A_10 = vector.load %arg3[%get3A_8, %get3A_9] : memref<128x128xf32, #tpu.memory_space<vmem>>, vector<128x128xf32>
    %dot_general3A_11 = arith.constant dense<0.000000e+00> : vector<2000x128xf32>
    %dot_general3A_12 = tpu.matmul %get3A_1, %get3A_10, %dot_general3A_11 {dimension_numbers = #tpu.dot_dimension_numbers<[1], [0], [0], [1], [0, 0, 1, 1], [], []>, transpose_lhs_hint = false} : vector<2000x128xf32>, vector<128x128xf32>, vector<2000x128xf32> -> vector<2000x128xf32>
    %get3A_13 = arith.constant 0 : index
    %get3A_14 = arith.constant 0 : index
    %get3A_15 = vector.load %arg4[%get3A_13, %get3A_14] : memref<1x128xf32, #tpu.memory_space<vmem>>, vector<1x128xf32>
    %add3A = vector.broadcast %get3A_15 : vector<1x128xf32> to vector<2000x128xf32>
    %add3A_16 = arith.addf %dot_general3A_12, %add3A : vector<2000x128xf32>
    %swap3A_17 = arith.constant 0 : index
    %swap3A_18 = arith.constant 0 : index
    %swap3A_19 = vector.load %arg6[%swap3A_17, %swap3A_18] : memref<2000x128xf32, #tpu.memory_space<vmem>>, vector<2000x128xf32>
    tpu.vector_store %arg6[%swap3A_17, %swap3A_18], %add3A_16 {strides = array<i32>} : memref<2000x128xf32, #tpu.memory_space<vmem>>, vector<2000x128xf32>,
    return
  }
  func.func @transform_0(%arg0: i32) -> (i32, i32) {
    %c0_i32 = arith.constant 0 : i32
    %c0_i32_0 = arith.constant 0 : i32
    return %arg0, %c0_i32 : i32, i32
  }
  func.func @transform_1(%arg0: i32) -> (i32, i32) {
    %c0_i32 = arith.constant 0 : i32
    %c0_i32_0 = arith.constant 0 : i32
    %c0_i32_1 = arith.constant 0 : i32
    return %c0_i32, %c0_i32_0 : i32, i32
  }
  func.func @transform_2(%arg0: i32) -> (i32, i32) {
    %c0_i32 = arith.constant 0 : i32
    %c0_i32_0 = arith.constant 0 : i32
    %c0_i32_1 = arith.constant 0 : i32
    return %c0_i32, %c0_i32_0 : i32, i32
  }
  func.func @transform_3(%arg0: i32) -> (i32, i32) {
    %c0_i32 = arith.constant 0 : i32
    %c0_i32_0 = arith.constant 0 : i32
    %c0_i32_1 = arith.constant 0 : i32
    return %c0_i32, %c0_i32_0 : i32, i32
  }
  func.func @transform_4(%arg0: i32) -> (i32, i32) {
    %c0_i32 = arith.constant 0 : i32
    %c0_i32_0 = arith.constant 0 : i32
    return %arg0, %c0_i32 : i32, i32
  }
  func.func @transform_5(%arg0: i32) -> (i32, i32) {
    %c0_i32 = arith.constant 0 : i32
    %c0_i32_0 = arith.constant 0 : i32
    return %arg0, %c0_i32 : i32, i32
  }
}

module attributes {stable_mosaic.version = 14 : i64} {
  func.func @_combine_body(%arg0: i32, %arg1: memref<2x1000x128xf32, #tpu.memory_space<vmem>>, %arg2: memref<2x1000x128xf32, #tpu.memory_space<vmem>>, %arg3: memref<1000x128xf32, #tpu.memory_space<vmem>>, %arg4: memref<1000x128xf32, #tpu.memory_space<vmem>>) attributes {dimension_semantics = [#tpu.dimension_semantics<arbitrary>], iteration_bounds = array<i64: 10>, scalar_prefetch = 0 : i64, scratch_operands = 0 : i64, tpu.core_type = #tpu.core_type<tc>, window_params = [{transform_indices = @transform_0, window_bounds = array<i64: 2, 1000, 128>}, {transform_indices = @transform_1, window_bounds = array<i64: 2, 1000, 128>}, {transform_indices = @transform_2, window_bounds = array<i64: 1000, 128>}, {transform_indices = @transform_3, window_bounds = array<i64: 1000, 128>}]} {
    %get3A = arith.constant 0 : index
    %get3A_0 = arith.constant 0 : index
    %get3A_1 = arith.constant 0 : index
    %get3A_2 = vector.load %arg2[%get3A, %get3A_0, %get3A_1] : memref<2x1000x128xf32, #tpu.memory_space<vmem>>, vector<1x1000x1xf32>
    %get3A_3 = vector.shape_cast %get3A_2 : vector<1x1000x1xf32> to vector<1000x1xf32>
    %get3A_4 = arith.constant 1 : index
    %get3A_5 = arith.constant 0 : index
    %get3A_6 = arith.constant 0 : index
    %get3A_7 = vector.load %arg2[%get3A_4, %get3A_5, %get3A_6] : memref<2x1000x128xf32, #tpu.memory_space<vmem>>, vector<1x1000x1xf32>
    %get3A_8 = vector.shape_cast %get3A_7 : vector<1x1000x1xf32> to vector<1000x1xf32>
    %add3A = arith.addf %get3A_3, %get3A_8 : vector<1000x1xf32>
    %max3A = arith.constant 1.000000e+00 : f32
    %max3A_9 = vector.broadcast %max3A : f32 to vector<1000x1xf32>
    %max3A_10 = arith.maximumf %add3A, %max3A_9 : vector<1000x1xf32>
    %div3A = arith.constant 1.000000e+00 : f32
    %div3A_11 = vector.broadcast %div3A : f32 to vector<1000x1xf32>
    %div3A_12 = arith.divf %div3A_11, %max3A_10 : vector<1000x1xf32>
    %get3A_13 = arith.constant 0 : index
    %get3A_14 = arith.constant 0 : index
    %get3A_15 = arith.constant 0 : index
    %get3A_16 = vector.load %arg1[%get3A_13, %get3A_14, %get3A_15] : memref<2x1000x128xf32, #tpu.memory_space<vmem>>, vector<1x1000x128xf32>
    %get3A_17 = vector.shape_cast %get3A_16 : vector<1x1000x128xf32> to vector<1000x128xf32>
    %get3A_18 = arith.constant 1 : index
    %get3A_19 = arith.constant 0 : index
    %get3A_20 = arith.constant 0 : index
    %get3A_21 = vector.load %arg1[%get3A_18, %get3A_19, %get3A_20] : memref<2x1000x128xf32, #tpu.memory_space<vmem>>, vector<1x1000x128xf32>
    %get3A_22 = vector.shape_cast %get3A_21 : vector<1x1000x128xf32> to vector<1000x128xf32>
    %add3A_23 = arith.addf %get3A_17, %get3A_22 : vector<1000x128xf32>
    %mul3A = vector.broadcast %div3A_12 : vector<1000x1xf32> to vector<1000x128xf32>
    %mul3A_24 = arith.mulf %add3A_23, %mul3A : vector<1000x128xf32>
    %get3A_25 = arith.constant 0 : index
    %get3A_26 = arith.constant 0 : index
    %get3A_27 = vector.load %arg3[%get3A_25, %get3A_26] : memref<1000x128xf32, #tpu.memory_space<vmem>>, vector<1000x128xf32>
    %add3A_28 = arith.addf %mul3A_24, %get3A_27 : vector<1000x128xf32>
    %max3A_29 = arith.constant 0.000000e+00 : f32
    %max3A_30 = vector.broadcast %max3A_29 : f32 to vector<1000x128xf32>
    %max3A_31 = arith.maximumf %add3A_28, %max3A_30 : vector<1000x128xf32>
    %swap3A = arith.constant 0 : index
    %swap3A_32 = arith.constant 0 : index
    %swap3A_33 = vector.load %arg4[%swap3A, %swap3A_32] : memref<1000x128xf32, #tpu.memory_space<vmem>>, vector<1000x128xf32>
    tpu.vector_store %arg4[%swap3A, %swap3A_32], %max3A_31 {strides = array<i32>} : memref<1000x128xf32, #tpu.memory_space<vmem>>, vector<1000x128xf32>,
    return
  }
  func.func @transform_0(%arg0: i32) -> (i32, i32, i32) {
    %c0_i32 = arith.constant 0 : i32
    %c0_i32_0 = arith.constant 0 : i32
    %c0_i32_1 = arith.constant 0 : i32
    return %c0_i32, %arg0, %c0_i32_0 : i32, i32, i32
  }
  func.func @transform_1(%arg0: i32) -> (i32, i32, i32) {
    %c0_i32 = arith.constant 0 : i32
    %c0_i32_0 = arith.constant 0 : i32
    %c0_i32_1 = arith.constant 0 : i32
    return %c0_i32, %arg0, %c0_i32_0 : i32, i32, i32
  }
  func.func @transform_2(%arg0: i32) -> (i32, i32) {
    %c0_i32 = arith.constant 0 : i32
    %c0_i32_0 = arith.constant 0 : i32
    return %arg0, %c0_i32 : i32, i32
  }
  func.func @transform_3(%arg0: i32) -> (i32, i32) {
    %c0_i32 = arith.constant 0 : i32
    %c0_i32_0 = arith.constant 0 : i32
    return %arg0, %c0_i32 : i32, i32
  }
}

module attributes {stable_mosaic.version = 14 : i64} {
  func.func @_combine_body(%arg0: i32, %arg1: memref<2x1000x128xf32, #tpu.memory_space<vmem>>, %arg2: memref<2x1000x128xf32, #tpu.memory_space<vmem>>, %arg3: memref<1000x128xf32, #tpu.memory_space<vmem>>, %arg4: memref<1000x128xf32, #tpu.memory_space<vmem>>) attributes {dimension_semantics = [#tpu.dimension_semantics<arbitrary>], iteration_bounds = array<i64: 10>, scalar_prefetch = 0 : i64, scratch_operands = 0 : i64, tpu.core_type = #tpu.core_type<tc>, window_params = [{transform_indices = @transform_0, window_bounds = array<i64: 2, 1000, 128>}, {transform_indices = @transform_1, window_bounds = array<i64: 2, 1000, 128>}, {transform_indices = @transform_2, window_bounds = array<i64: 1000, 128>}, {transform_indices = @transform_3, window_bounds = array<i64: 1000, 128>}]} {
    %get3A = arith.constant 0 : index
    %get3A_0 = arith.constant 0 : index
    %get3A_1 = arith.constant 0 : index
    %get3A_2 = vector.load %arg2[%get3A, %get3A_0, %get3A_1] : memref<2x1000x128xf32, #tpu.memory_space<vmem>>, vector<1x1000x1xf32>
    %get3A_3 = vector.shape_cast %get3A_2 : vector<1x1000x1xf32> to vector<1000x1xf32>
    %get3A_4 = arith.constant 1 : index
    %get3A_5 = arith.constant 0 : index
    %get3A_6 = arith.constant 0 : index
    %get3A_7 = vector.load %arg2[%get3A_4, %get3A_5, %get3A_6] : memref<2x1000x128xf32, #tpu.memory_space<vmem>>, vector<1x1000x1xf32>
    %get3A_8 = vector.shape_cast %get3A_7 : vector<1x1000x1xf32> to vector<1000x1xf32>
    %add3A = arith.addf %get3A_3, %get3A_8 : vector<1000x1xf32>
    %max3A = arith.constant 1.000000e+00 : f32
    %max3A_9 = vector.broadcast %max3A : f32 to vector<1000x1xf32>
    %max3A_10 = arith.maximumf %add3A, %max3A_9 : vector<1000x1xf32>
    %div3A = arith.constant 1.000000e+00 : f32
    %div3A_11 = vector.broadcast %div3A : f32 to vector<1000x1xf32>
    %div3A_12 = arith.divf %div3A_11, %max3A_10 : vector<1000x1xf32>
    %get3A_13 = arith.constant 0 : index
    %get3A_14 = arith.constant 0 : index
    %get3A_15 = arith.constant 0 : index
    %get3A_16 = vector.load %arg1[%get3A_13, %get3A_14, %get3A_15] : memref<2x1000x128xf32, #tpu.memory_space<vmem>>, vector<1x1000x128xf32>
    %get3A_17 = vector.shape_cast %get3A_16 : vector<1x1000x128xf32> to vector<1000x128xf32>
    %get3A_18 = arith.constant 1 : index
    %get3A_19 = arith.constant 0 : index
    %get3A_20 = arith.constant 0 : index
    %get3A_21 = vector.load %arg1[%get3A_18, %get3A_19, %get3A_20] : memref<2x1000x128xf32, #tpu.memory_space<vmem>>, vector<1x1000x128xf32>
    %get3A_22 = vector.shape_cast %get3A_21 : vector<1x1000x128xf32> to vector<1000x128xf32>
    %add3A_23 = arith.addf %get3A_17, %get3A_22 : vector<1000x128xf32>
    %mul3A = vector.broadcast %div3A_12 : vector<1000x1xf32> to vector<1000x128xf32>
    %mul3A_24 = arith.mulf %add3A_23, %mul3A : vector<1000x128xf32>
    %get3A_25 = arith.constant 0 : index
    %get3A_26 = arith.constant 0 : index
    %get3A_27 = vector.load %arg3[%get3A_25, %get3A_26] : memref<1000x128xf32, #tpu.memory_space<vmem>>, vector<1000x128xf32>
    %add3A_28 = arith.addf %mul3A_24, %get3A_27 : vector<1000x128xf32>
    %swap3A = arith.constant 0 : index
    %swap3A_29 = arith.constant 0 : index
    %swap3A_30 = vector.load %arg4[%swap3A, %swap3A_29] : memref<1000x128xf32, #tpu.memory_space<vmem>>, vector<1000x128xf32>
    tpu.vector_store %arg4[%swap3A, %swap3A_29], %add3A_28 {strides = array<i32>} : memref<1000x128xf32, #tpu.memory_space<vmem>>, vector<1000x128xf32>,
    return
  }
  func.func @transform_0(%arg0: i32) -> (i32, i32, i32) {
    %c0_i32 = arith.constant 0 : i32
    %c0_i32_0 = arith.constant 0 : i32
    %c0_i32_1 = arith.constant 0 : i32
    return %c0_i32, %arg0, %c0_i32_0 : i32, i32, i32
  }
  func.func @transform_1(%arg0: i32) -> (i32, i32, i32) {
    %c0_i32 = arith.constant 0 : i32
    %c0_i32_0 = arith.constant 0 : i32
    %c0_i32_1 = arith.constant 0 : i32
    return %c0_i32, %arg0, %c0_i32_0 : i32, i32, i32
  }
  func.func @transform_2(%arg0: i32) -> (i32, i32) {
    %c0_i32 = arith.constant 0 : i32
    %c0_i32_0 = arith.constant 0 : i32
    return %arg0, %c0_i32 : i32, i32
  }
  func.func @transform_3(%arg0: i32) -> (i32, i32) {
    %c0_i32 = arith.constant 0 : i32
    %c0_i32_0 = arith.constant 0 : i32
    return %arg0, %c0_i32 : i32, i32
  }
}

</mosaic_0001>

<sc_bundles>
// kernel: sc_degree_count.3.cloned.1.call-start
scs
__scs_entry_jumppad:
0x0: {  	(pc) =	sbr.rel $0x88, $3  }
0x1: {  	(tag) =	ssettag $0x0;
	lr =	simm.s32 $0x1  }
0x2: {  	[smem:$0x3F96] =	sst lr;
	_ =	strace $0xD0000000  }
0x3: {  	_ = 	snop  }
0x4: {  	_ = 	snop  }
0x5: {  	_ = 	snop  }
0x6: {  	_ = 	snop  }
0x7: {  	_ = 	snop  }
__scs_overlays_trampoline_lowered:
0x8: {  	[smem:$0x3FA5] =	sst s0  }
0x9: {  	[smem:$0x3FA6] =	sst s1  }
0xa: {  	[smem:$0x3FA7] =	sst s2  }
0xb: {  	[smem:$0x3FA8] =	sst s3  }
0xc: {  	[smem:$0x3FA9] =	sst s4  }
0xd: {  	[smem:$0x3FAA] =	sst s5  }
0xe: {  	[smem:$0x3FAB] =	sst s6  }
0xf: {  	[smem:$0x3FAC] =	sst s7  }
0x10: {  	[smem:$0x3FAD] =	sst s8  }
0x11: {  	[smem:$0x3FAE] =	sst s9;
	s0 =	simm.s32 @!p0 $0x0  }
0x12: {  	s1 =	sld [smem:$0x3F94];
	s0 =	simm.s32 @p0 $0x1  }
0x13: {  	[smem:$0x3FAF] =	sst s0;
	s0 =	simm.s32 @!p1 $0x0  }
0x14: {  	s2 =	sld [smem:$0x3F93];
	s0 =	simm.s32 @p1 $0x1  }
0x15: {  	[smem:$0x3FB0] =	sst s0;
	s0 =	simm.s32 @!p2 $0x0  }
0x16: {  	s3 =	sld [smem:$0x3FDB];
	s0 =	simm.s32 @p2 $0x1  }
0x17: {  	s4 =	simm.s32 $0x1BF5;
	[smem:$0x3FB2] =	sst s0  }
0x18: {  	s0 =	sld [smem:$0x3F95];
	_ =	swait.ge [sflag:s4], $0x0  }
0x19: {  	s7 =	sld [smem:$0x3F96]  }
0x1a: {  	s8 =	sadd.s32 $0xFFFFE003, lr  }
0x1b: {  	s9 =	sadd.s32 $0xFFFFFEF7, lr;
	s5 =	simm.s32 $0xFFFFFFFF;
	p2 =	slt.u32 s8, $0xFFFFF086  }
0x1c: {  	p1 =	slt.u32 s9, $0xF7A;
	s5 =	simm.s32 @!p2 $0x0  }
0x1d: {  	s5 =	simm.s32 @p1 $0x1;
	p0 =	seq.s32 s7, s2  }
0x1e: {  	s7 =	smul.u32 @!p0 $0xF7A, s2;
	p2 =	seq.s32 @!p0 s5, $0x0  }
0x1f: {  	s9 =	smul.u32 $0xF7A, s1;
	s8 =	simm.s32 @!p0 $0x1BF5;
	p2 =	por !p2, p0  }
0x20: {  	[sflag:s8] =	ssyncset.s32 @!p0 $0xFFFFF086;
	s6 =	sadd.s32 @!p0 s3, s7;
	s7 =	simm.s32 @!p0 $0x108  }
0x21: {  	s3 =	sadd.s32 s3, s9;
	s6 =	sadd.s32 @!p0 $0x88, s6;
	s7 =	simm.s32 @p2 $0x1082  }
0x22: {  	[simem:s7], [sflag:s8] =	dma.local @!p0 [hbm:s6], $0xF7A  }
0x23: {  	s9 =	sor.u32 $0xD0000000, s2;
	s6 =	simm.s32 $0x108;
	_ =	swait.ge @!p0 [sflag:s8], $0x0  }
0x24: {  	s3 =	sadd.s32 $0x88, s3;
	s6 =	simm.s32 @!p1 $0x1082;
	[sflag:s4] =	ssyncset.s32 $0xFFFFF086  }
0x25: {  	[simem:s6], [sflag:s4] =	dma.local [hbm:s3], $0xF7A  }
0x26: {  	[smem:$0x3F96] =	sst s1;
	(tag) =	ssettag s2;
	_ =	strace s9  }
0x27: {  	s1 =	sld [smem:$0x3FA6]  }
0x28: {  	s2 =	sld [smem:$0x3FA7]  }
0x29: {  	s4 =	sld [smem:$0x3FA9]  }
0x2a: {  	p0 =	seq.s32 s5, $0x0;
	s5 =	sld [smem:$0x3FAA]  }
0x2b: {  	s6 =	sld [smem:$0x3FAB]  }
0x2c: {  	s7 =	sld [smem:$0x3FAC]  }
0x2d: {  	s3 =	simm.s32 $0x108;
	s8 =	sld [smem:$0x3FAD]  }
0x2e: {  	s3 =	simm.s32 @!p0 $0x1082;
	s9 =	sld [smem:$0x3FAE]  }
0x2f: {  	lr =	sadd.s32 s0, s3;
	s0 =	sld [smem:$0x3FA5]  }
0x30: {  	s3 =	sld [smem:$0x3FA8]  }
0x31: {  	[smem:$0x3FB1] =	sst s10  }
0x32: {  	s10 =	sld [smem:$0x3FAF];
	_ =	sdelay $0x3  }
0x33: {  	p0 =	seq.s32 s10, $0x1;
	s10 =	sld [smem:$0x3FB1];
	_ =	sdelay $0x3  }
0x34: {  	[smem:$0x3FB1] =	sst s10  }
0x35: {  	s10 =	sld [smem:$0x3FB0];
	_ =	sdelay $0x3  }
0x36: {  	p1 =	seq.s32 s10, $0x1;
	s10 =	sld [smem:$0x3FB1];
	_ =	sdelay $0x3  }
0x37: {  	[smem:$0x3FB1] =	sst s10  }
0x38: {  	s10 =	sld [smem:$0x3FB2]  }
0x39: {  	_ = 	snop;
	(pc) =	sbr.ind lr, $3  }
0x3a: {  	_ = 	snop  }
0x3b: {  	_ = 	snop  }
0x3c: {  	p2 =	seq.s32 s10, $0x1;
	s10 =	sld [smem:$0x3FB1]  }
0x3d: {  	_ =	shalt  }
0x3e: {  	_ =	shalt  }
0x3f: {  	_ =	shalt  }
0x40: {  	_ =	shalt  }
0x41: {  	_ =	shalt  }
0x42: {  	_ =	shalt  }
0x43: {  	_ =	shalt  }
0x44: {  	_ =	shalt  }
0x45: {  	_ =	shalt  }
0x46: {  	_ =	shalt  }
0x47: {  	_ =	shalt  }
0x48: {  	_ =	shalt  }
0x49: {  	_ =	shalt  }
0x4a: {  	_ =	shalt  }
0x4b: {  	_ =	shalt  }
0x4c: {  	_ =	shalt  }
0x4d: {  	_ =	shalt  }
0x4e: {  	_ =	shalt  }
0x4f: {  	_ =	shalt  }
0x50: {  	_ =	shalt  }
0x51: {  	_ =	shalt  }
0x52: {  	_ =	shalt  }
0x53: {  	_ =	shalt  }
0x54: {  	_ =	shalt  }
0x55: {  	_ =	shalt  }
0x56: {  	_ =	shalt  }
0x57: {  	_ =	shalt  }
0x58: {  	_ =	shalt  }
0x59: {  	_ =	shalt  }
0x5a: {  	_ =	shalt  }
0x5b: {  	_ =	shalt  }
0x5c: {  	_ =	shalt  }
0x5d: {  	_ =	shalt  }
0x5e: {  	_ =	shalt  }
0x5f: {  	_ =	shalt  }
0x60: {  	_ =	shalt  }
0x61: {  	_ =	shalt  }
0x62: {  	_ =	shalt  }
0x63: {  	_ =	shalt  }
0x64: {  	_ =	shalt  }
0x65: {  	_ =	shalt  }
0x66: {  	_ =	shalt  }
0x67: {  	_ =	shalt  }
0x68: {  	_ =	shalt  }
0x69: {  	_ =	shalt  }
0x6a: {  	_ =	shalt  }
0x6b: {  	_ =	shalt  }
0x6c: {  	_ =	shalt  }
0x6d: {  	_ =	shalt  }
0x6e: {  	_ =	shalt  }
0x6f: {  	_ =	shalt  }
0x70: {  	_ =	shalt  }
0x71: {  	_ =	shalt  }
0x72: {  	_ =	shalt  }
0x73: {  	_ =	shalt  }
0x74: {  	_ =	shalt  }
0x75: {  	_ =	shalt  }
0x76: {  	_ =	shalt  }
0x77: {  	_ =	shalt  }
0x78: {  	_ =	shalt  }
0x79: {  	_ =	shalt  }
0x7a: {  	_ =	shalt  }
0x7b: {  	_ =	shalt  }
0x7c: {  	_ =	shalt  }
0x7d: {  	_ =	shalt  }
0x7e: {  	_ =	shalt  }
0x7f: {  	_ =	shalt  }
0x80: {  	_ =	shalt  }
0x81: {  	_ =	shalt  }
0x82: {  	_ =	shalt  }
0x83: {  	_ =	shalt  }
0x84: {  	_ =	shalt  }
0x85: {  	_ =	shalt  }
0x86: {  	_ =	shalt  }
0x87: {  	_ =	shalt  }
.Lfunc_end0:
.L_simem_size_0:
called_computation_lowered:
.L_overlay_start_0:
0x88: {  	s2 =	sld [smem:$0x3FD9]  }
0x89: {  	s3 =	sld [smem:$0x3FFE];
	_ =	sdelay $0x1  }
0x8a: {  	s1 =	srdreg.scid  }
0x8b: {  	s0 =	sand.u32 $0x1, s1  }
0x8c: {  	s17 =	sshll.u32 s0, $0xA;
	s2 =	sadd.s32 s3, s2  }
0x8d: {  	s2 =	sadd.s32 s2, s17  }
0x8e: {  	[smem:$0x3FBD] =	sst s2  }
0x8f: {  	_ = 	snop  }
0x90: {  	(tm) =	ssettm $0x1  }
0x91: {  	s18 =	sld [smem:$0x3FFB];
	_ =	sdelay $0x3  }
0x92: {  	_ =	strace s18  }
0x93: {  	s2 =	sld [smem:$0x3FFC];
	_ =	sdelay $0x3  }
0x94: {  	_ =	strace s2  }
0x95: {  	s2 =	sld [smem:$0x3FFD];
	_ =	sdelay $0x3  }
0x96: {  	_ =	strace s2  }
0x97: {  	_ =	strace $0x8FFFFFFF  }
0x98: {  	s19 =	sld [smem:$0x3FDB];
	_ =	sdelay $0x1  }
0x99: {  	s20 =	simm.s32 $_scs_section_size  }
0x9a: {  	s4 =	simm.s32 $_size__tile_overlayer_lowered;
	s5 =	simm.s32 $_tile_overlayer_lowered  }
0x9b: {  	s6 =	simm.s32 $0x1BFF;
	s21 =	sshll.u32 s5, $0x1;
	s3 =	sadd.s32 s20, s19  }
0x9c: {  	s22 =	simm.s32 $0x0;
	s4 =	sshll.u32 s4, $0x1;
	s5 =	sadd.s32 s21, s3  }
0x9d: {  	[timem:s22], [sflag:s6] =	dma.local [hbm:s5], s4  }
0x9e: {  	_ =	swait.ge [sflag:s6], s4  }
0x9f: {  	s4 =	ssub.s32 $0x0, s4;
	[sflag:s6] =	ssyncset.done $0x0  }
0xa0: {  	[sflag:s6] =	ssyncadd.s32 s4;
	_ =	sdelay $0x1  }
0xa1: {  	s23 =	simm.s32 $0x1B8B  }
0xa2: {  	_ =	swait.ge [sflag:s23], $0x1  }
0xa3: {  	[sflag:s23] =	ssyncset.done $0x0  }
0xa4: {  	[sflag:s23] =	ssyncadd.s32 $0xFFFFFFFF  }
0xa5: {  	s4 =	sld [smem:$0x0]  }
0xa6: {  	s5 =	sand.u32 $0xFFFFFFFE, s1  }
0xa7: {  	p0 =	sne.s32 s1, s5  }
0xa8: {  	s5 =	sshll.u32 @p0 s5, $0xE  }
0xa9: {  	s5 =	sadd.s32 @p0 $0x11B8D, s5;
	s6 =	sshll.u32 @p0 s4, $0x11  }
0xaa: {  	s5 =	sor.u32 @p0 s6, s5  }
0xab: {  	[sflag:s5] =	ssyncadd.remote.s32 @p0 $0x1;
	_ =	sdelay $0x1  }
0xac: {  	s5 =	simm.s32 @p0 $0x1B8D  }
0xad: {  	_ =	swait.eq @p0 [sflag:s5], $0x1  }
0xae: {  	[sflag:s5] =	ssyncadd.s32 @p0 $0xFFFFFFFF  }
0xaf: {  	s6 =	sshll.u32 @!p0 s1, $0xE  }
0xb0: {  	s6 =	sor.u32 @!p0 $0x4000, s6;
	s5 =	simm.s32 @!p0 $0x1B8D  }
0xb1: {  	s4 =	sshll.u32 @!p0 s4, $0x11;
	s6 =	sadd.s32 @!p0 $0x11B8D, s6;
	_ =	swait.eq @!p0 [sflag:s5], $0x1  }
0xb2: {  	s4 =	sor.u32 @!p0 s4, s6;
	[sflag:s5] =	ssyncadd.s32 @!p0 $0xFFFFFFFF  }
0xb3: {  	s25 =	simm.s32 $0x1B8E;
	s24 =	sld [smem:$0x3FFE];
	[sflag:s4] =	ssyncadd.remote.s32 @!p0 $0x1  }
0xb4: {  	s26 =	simm.s32 $execute0_lowered;
	[smem:$0x3FD2] =	sst s25  }
0xb5: {  	s5 =	sshll.u32 s26, $0x1;
	_ =	strace $0x80000049;
	[dreg:$0x1] =	wrdreg $0xFFFFFFFF  }
0xb6: {  	s28 =	simm.s32 $_size_execute0_lowered;
	s3 =	sadd.s32 s3, s5;
	[dreg:$0x0] =	wrdreg $0x0  }
0xb7: {  	s5 =	sshll.u32 s28, $0x1;
	[dreg:$0x2] =	wrdreg s3  }
0xb8: {  	[dreg:$0x3] =	wrdreg s5  }
0xb9: {  	[dreg:$0x4] =	wrdreg $0xC0  }
0xba: {  	_ =	task [dreg:s22], $0x5FFFF  }
0xbb: {  	[dreg:$0x1] =	wrdreg $0xFFFFFFFF  }
0xbc: {  	[dreg:$0x0] =	wrdreg $0x60  }
0xbd: {  	[dreg:$0x2] =	wrdreg s24  }
0xbe: {  	[dreg:$0x3] =	wrdreg $0x44000  }
0xbf: {  	[dreg:$0x4] =	wrdreg $0x9  }
0xc0: {  	_ =	task.clear_ibuf [dreg:s22], $0x5FFFF;
	_ =	strace $0x90000049  }
0xc1: {  	s29 =	simm.s32 $0x9;
	_ =	strace $0x8000004B  }
0xc2: {  	_ =	swait.ge [sflag:s29], $0x1  }
0xc3: {  	[sflag:s29] =	ssyncadd.s32 $0xFFFFFFFF  }
0xc4: {  	_ =	strace $0x9000004B  }
0xc5: {  	_ =	sfence  }
0xc6: {  	s30 =	sld [smem:$0x0];
	_ =	sdelay $0x2  }
0xc7: {  	s31 =	sshll.u32 s1, $0xD;
	s1 =	sshrl.u32 s1, $0x2  }
0xc8: {  	s4 =	sand.u32 $0x4000, s31;
	s1 =	sadd.s32 s1, s30  }
0xc9: {  	s0 =	sor.u32 s4, s0;
	s1 =	sshll.u32 s1, $0x11  }
0xca: {  	s0 =	sor.u32 s1, s0  }
0xcb: {  	s0 =	sadd.s32 $0x8F2B, s0  }
0xcc: {  	[sflag:s0] =	ssyncadd.remote.s32 $0x1  }
0xcd: {  	_ =	sfence.sel $0xFFFF  }
0xce: {  	[dreg:$0x0] =	wrdreg $0xFFFFFFFF;
	(pc) =	sbr.abs _section_cstart, $3  }
0xcf: {  	[dreg:$0x1] =	wrdreg $0xFFFFFFFF  }
0xd0: {  	_ =	task.clear_ibuf [dreg:s22], $0x2FFFF;
	_ =	strace $0x9FFFFFFF  }
0xd1: {  	(tm) =	ssettm $0x7FFFFFFF  }
tec
execute0_lowered:
.L_overlay_start_1:
0x0: {  	(tag) =	ssettag $0x1  }
0x1: {  	s4 =	rddreg [dreg:$0x0]  }
0x2: {  	s2 =	rddreg [dreg:$0x1]  }
0x3: {  	s0 =	srdreg.scid;
	s1 =	rddreg [dreg:$0x2]  }
0x4: {  	s3 =	simm.s32 $0x0;
	s16 =	simm.s32 $0x400;
	s17 =	simm.s32 $0x1  }
0x5: {  	s18 =	simm.s32 $0x80;
	s19 =	simm.s32 $0x100;
	s5 =	sand.u32 $0x1, s0  }
0x6: {  	s20 =	simm.s32 $0x180;
	s0 =	stileid.u32;
	s6 =	smul.u32 $0x28000, s5  }
0x7: {  	s21 =	simm.s32 $0x200;
	s22 =	simm.s32 $0x280;
	s7 =	smul.u32 $0x2800, s0  }
0x8: {  	s23 =	simm.s32 $0x300;
	s24 =	simm.s32 $0x380;
	s8 =	smul.u32 $0x280, s0  }
0x9: {  	s25 =	simm.s32 $0x0;
	[smem:$0x7FF] =	sst s3;
	s28 =	smul.u32 $0x2800, s5  }
0xa: {  	_ =	strace $0x8000004A;
	s9 =	smul.u32 $0x50000, s0;
	s5 =	ssub.s32 $0x2, s5  }
0xb: {  	s30 =	sshrl.u32 s5, $0x1;
	s6 =	sadd.s32 s7, s6;
	s29 =	sadd.s32 s8, s28  }
0xc: {  	s31 =	sshrl.u32 s9, $0x2;
	s14 =	ssub.s32 s5, s30;
	s6 =	sshrl.u32 s6, $0x3  }
0xd: {  	s14 =	smax.u32 s14, $0x1;
	s15 =	sadd.s32 s6, s4;
	s6 =	sshll.u32 s29, $0x4  }
0xe: {  	s13 =	sadd.s32 s6, s4;
	s4 =	sadd.s32 s31, s2;
	s15 =	sadd.s32 $0xD000, s15  }
0xf: {  	s5 =	sadd.s32 $0x4000, s4;
	s6 =	sadd.s32 $0x8000, s4;
	s7 =	sadd.s32 $0xC000, s4  }
0x10: {  	s8 =	sadd.s32 $0x10000, s4;
	s9 =	sadd.s32 $0x67000, s13;
	s10 =	sadd.s32 $0x67800, s13  }
0x11: {  	v0 =	vimm.f32 $0.0e+00;
	v1 =	vimm.f32 $1.000000000e+00;
	s11 =	sadd.s32 $0x68000, s13;
	s12 =	sadd.s32 $0x68800, s13;
	s13 =	sadd.s32 $0x69000, s13  }
.LBB2_1:
0x12: {  	s26 =	simm.s32 $0x0;
	s28 =	simm.s32 $0x200  }
.LBB2_2:
0x13: {  	p0 =	sne.s32 s28, $0xFE00;
	[tilespmem:s26+$0x470] =	vst v0  }
0x14: {  	[tilespmem:s26+$0x400] =	vst v0  }
0x15: {  	[tilespmem:s26+$0x410] =	vst v0  }
.Ltmp0:
0x16: {  	[tilespmem:s26+$0x420] =	vst v0;
	(pc) =	sbr.rel @p0 .LBB2_2-.Ltmp0, $4  }
0x17: {  	[tilespmem:s26+$0x430] =	vst v0  }
0x18: {  	[tilespmem:s26+$0x440] =	vst v0  }
0x19: {  	[tilespmem:s26+$0x450] =	vst v0  }
0x1a: {  	[tilespmem:s26+$0x460] =	vst v0;
	s26 =	sshra.s32 s28, $0x2;
	s28 =	sadd.s32 $0x200, s28  }
0x1b: {  	[tilespmem:s26+$0x470] =	vst v0  }
0x1c: {  	[tilespmem:s26+$0x400] =	vst v0  }
0x1d: {  	[tilespmem:s26+$0x410] =	vst v0  }
0x1e: {  	[tilespmem:s26+$0x420] =	vst v0  }
0x1f: {  	[tilespmem:s26+$0x430] =	vst v0  }
0x20: {  	[tilespmem:s26+$0x440] =	vst v0  }
0x21: {  	[tilespmem:s26+$0x450] =	vst v0  }
0x22: {  	[tilespmem:s26+$0x460] =	vst v0  }
0x23: {  	[spmem:s4] =	stream.linear.scatter [tilespmem:s16], [sflag:$0x1], $0x4000, $0x38;
	[tilespmem:$0x18400] =	vst v63  }
0x24: {  	_ =	swait.ge [sflag:s17], $0x4000  }
0x25: {  	[sflag:s17] =	ssyncset.done $0x0  }
0x26: {  	[sflag:s17] =	ssyncadd.s32 $0xFFFFC000  }
0x27: {  	[spmem:s5] =	stream.linear.scatter [tilespmem:s16], [sflag:$0x1], $0x4000, $0x38;
	[tilespmem:$0x18400] =	vst v63  }
0x28: {  	_ =	swait.ge [sflag:s17], $0x4000  }
0x29: {  	[sflag:s17] =	ssyncset.done $0x0  }
0x2a: {  	[sflag:s17] =	ssyncadd.s32 $0xFFFFC000  }
0x2b: {  	[spmem:s6] =	stream.linear.scatter [tilespmem:s16], [sflag:$0x1], $0x4000, $0x38;
	[tilespmem:$0x18400] =	vst v63  }
0x2c: {  	_ =	swait.ge [sflag:s17], $0x4000  }
0x2d: {  	[sflag:s17] =	ssyncset.done $0x0  }
0x2e: {  	[sflag:s17] =	ssyncadd.s32 $0xFFFFC000  }
0x2f: {  	[spmem:s7] =	stream.linear.scatter [tilespmem:s16], [sflag:$0x1], $0x4000, $0x38;
	[tilespmem:$0x18400] =	vst v63  }
0x30: {  	_ =	swait.ge [sflag:s17], $0x4000  }
0x31: {  	[sflag:s17] =	ssyncset.done $0x0  }
0x32: {  	[sflag:s17] =	ssyncadd.s32 $0xFFFFC000  }
0x33: {  	[spmem:s8] =	stream.linear.scatter [tilespmem:s16], [sflag:$0x1], $0x4000, $0x38;
	[tilespmem:$0x18400] =	vst v63  }
0x34: {  	_ =	swait.ge [sflag:s17], $0x4000  }
0x35: {  	[sflag:s17] =	ssyncset.done $0x0  }
0x36: {  	s26 =	simm.s32 $0x0;
	s28 =	simm.s32 $0x200;
	[sflag:s17] =	ssyncadd.s32 $0xFFFFC000  }
.LBB2_4:
0x37: {  	p0 =	sne.s32 s28, $0xFE00;
	[tilespmem:s26+$0x470] =	vst v1  }
0x38: {  	[tilespmem:s26+$0x400] =	vst v1  }
0x39: {  	[tilespmem:s26+$0x410] =	vst v1  }
.Ltmp1:
0x3a: {  	[tilespmem:s26+$0x420] =	vst v1;
	(pc) =	sbr.rel @p0 .LBB2_4-.Ltmp1, $4  }
0x3b: {  	[tilespmem:s26+$0x430] =	vst v1  }
0x3c: {  	[tilespmem:s26+$0x440] =	vst v1  }
0x3d: {  	[tilespmem:s26+$0x450] =	vst v1  }
0x3e: {  	[tilespmem:s26+$0x460] =	vst v1;
	s26 =	sshra.s32 s28, $0x2;
	s28 =	sadd.s32 $0x200, s28  }
0x3f: {  	[tilespmem:s26+$0x470] =	vst v1  }
0x40: {  	[tilespmem:s26+$0x400] =	vst v1  }
0x41: {  	[tilespmem:s26+$0x410] =	vst v1  }
0x42: {  	[tilespmem:s26+$0x420] =	vst v1  }
0x43: {  	[tilespmem:s26+$0x430] =	vst v1  }
0x44: {  	[tilespmem:s26+$0x440] =	vst v1  }
0x45: {  	[tilespmem:s26+$0x450] =	vst v1  }
0x46: {  	[tilespmem:s26+$0x460] =	vst v1  }
0x47: {  	s31 =	sadd.s32 $0x0, s15;
	[bflag:$0x0] =	sbarrier.arrive $0xFFFF  }
0x48: {  	[tilespmem:s3], [sflag:$0x1] =	stream.linear.gather [hbm4b:s31+s3], $0x400, $0x38;
	[tilespmem:$0x18400] =	vst v63  }
0x49: {  	_ =	swait.ge [sflag:s17], $0x400  }
0x4a: {  	[sflag:s17] =	ssyncset.done $0x0  }
0x4b: {  	[sflag:s17] =	ssyncadd.s32 $0xFFFFFC00  }
0x4c: {  	[spmem:s2] =	stream.indirect.scatter.add.f32 [tilespmem:s16], [sflag:$0x1], $0x80, s3, s18, $0xb8;
	[tilespmem:$0x18400] =	vst v63  }
0x4d: {  	_ =	swait.ge [sflag:s17], $0x4000  }
0x4e: {  	[sflag:s17] =	ssyncset.done $0x0  }
0x4f: {  	[sflag:s17] =	ssyncadd.s32 $0xFFFFC000  }
0x50: {  	[spmem:s2] =	stream.indirect.scatter.add.f32 [tilespmem:s16], [sflag:$0x1], $0x80, s18, s18, $0xb8;
	[tilespmem:$0x18400] =	vst v63  }
0x51: {  	_ =	swait.ge [sflag:s17], $0x4000  }
0x52: {  	[sflag:s17] =	ssyncset.done $0x0  }
0x53: {  	[sflag:s17] =	ssyncadd.s32 $0xFFFFC000  }
0x54: {  	[spmem:s2] =	stream.indirect.scatter.add.f32 [tilespmem:s16], [sflag:$0x1], $0x80, s19, s18, $0xb8;
	[tilespmem:$0x18400] =	vst v63  }
0x55: {  	_ =	swait.ge [sflag:s17], $0x4000  }
0x56: {  	[sflag:s17] =	ssyncset.done $0x0  }
0x57: {  	[sflag:s17] =	ssyncadd.s32 $0xFFFFC000  }
0x58: {  	[spmem:s2] =	stream.indirect.scatter.add.f32 [tilespmem:s16], [sflag:$0x1], $0x80, s20, s18, $0xb8;
	[tilespmem:$0x18400] =	vst v63  }
0x59: {  	_ =	swait.ge [sflag:s17], $0x4000  }
0x5a: {  	[sflag:s17] =	ssyncset.done $0x0  }
0x5b: {  	[sflag:s17] =	ssyncadd.s32 $0xFFFFC000  }
0x5c: {  	[spmem:s2] =	stream.indirect.scatter.add.f32 [tilespmem:s16], [sflag:$0x1], $0x80, s21, s18, $0xb8;
	[tilespmem:$0x18400] =	vst v63  }
0x5d: {  	_ =	swait.ge [sflag:s17], $0x4000  }
0x5e: {  	[sflag:s17] =	ssyncset.done $0x0  }
0x5f: {  	[sflag:s17] =	ssyncadd.s32 $0xFFFFC000  }
0x60: {  	[spmem:s2] =	stream.indirect.scatter.add.f32 [tilespmem:s16], [sflag:$0x1], $0x80, s22, s18, $0xb8;
	[tilespmem:$0x18400] =	vst v63  }
0x61: {  	_ =	swait.ge [sflag:s17], $0x4000  }
0x62: {  	[sflag:s17] =	ssyncset.done $0x0  }
0x63: {  	[sflag:s17] =	ssyncadd.s32 $0xFFFFC000  }
0x64: {  	[spmem:s2] =	stream.indirect.scatter.add.f32 [tilespmem:s16], [sflag:$0x1], $0x80, s23, s18, $0xb8;
	[tilespmem:$0x18400] =	vst v63  }
0x65: {  	_ =	swait.ge [sflag:s17], $0x4000  }
0x66: {  	[sflag:s17] =	ssyncset.done $0x0  }
0x67: {  	[sflag:s17] =	ssyncadd.s32 $0xFFFFC000  }
0x68: {  	[spmem:s2] =	stream.indirect.scatter.add.f32 [tilespmem:s16], [sflag:$0x1], $0x80, s24, s18, $0xb8;
	[tilespmem:$0x18400] =	vst v63  }
0x69: {  	_ =	swait.ge [sflag:s17], $0x4000  }
0x6a: {  	s26 =	simm.s32 $0x80;
	s29 =	simm.s32 $0x100;
	[sflag:s17] =	ssyncset.done $0x0  }
.LBB2_6:
0x6b: {  	s30 =	sadd.s32 s26, s15  }
0x6c: {  	[sflag:s17] =	ssyncadd.s32 $0xFFFFC000;
	s26 =	smov.u32 s29;
	s28 =	sadd.s32 $0x80, s29  }
0x6d: {  	[tilespmem:s3], [sflag:$0x1] =	stream.linear.gather [hbm4b:s30+s3], $0x400, $0x38;
	[tilespmem:$0x18400] =	vst v63  }
0x6e: {  	p0 =	sne.s32 s29, $0x480;
	_ =	swait.ge [sflag:s17], $0x400  }
0x6f: {  	[sflag:s17] =	ssyncset.done $0x0  }
0x70: {  	[sflag:s17] =	ssyncadd.s32 $0xFFFFFC00  }
0x71: {  	[spmem:s2] =	stream.indirect.scatter.add.f32 [tilespmem:s16], [sflag:$0x1], $0x80, s3, s18, $0xb8;
	[tilespmem:$0x18400] =	vst v63  }
0x72: {  	_ =	swait.ge [sflag:s17], $0x4000  }
0x73: {  	[sflag:s17] =	ssyncset.done $0x0  }
0x74: {  	[sflag:s17] =	ssyncadd.s32 $0xFFFFC000  }
0x75: {  	[spmem:s2] =	stream.indirect.scatter.add.f32 [tilespmem:s16], [sflag:$0x1], $0x80, s18, s18, $0xb8;
	[tilespmem:$0x18400] =	vst v63  }
0x76: {  	_ =	swait.ge [sflag:s17], $0x4000  }
0x77: {  	[sflag:s17] =	ssyncset.done $0x0  }
0x78: {  	[sflag:s17] =	ssyncadd.s32 $0xFFFFC000  }
0x79: {  	[spmem:s2] =	stream.indirect.scatter.add.f32 [tilespmem:s16], [sflag:$0x1], $0x80, s19, s18, $0xb8;
	[tilespmem:$0x18400] =	vst v63  }
0x7a: {  	_ =	swait.ge [sflag:s17], $0x4000  }
0x7b: {  	[sflag:s17] =	ssyncset.done $0x0  }
0x7c: {  	[sflag:s17] =	ssyncadd.s32 $0xFFFFC000  }
0x7d: {  	[spmem:s2] =	stream.indirect.scatter.add.f32 [tilespmem:s16], [sflag:$0x1], $0x80, s20, s18, $0xb8;
	[tilespmem:$0x18400] =	vst v63  }
0x7e: {  	_ =	swait.ge [sflag:s17], $0x4000  }
0x7f: {  	[sflag:s17] =	ssyncset.done $0x0  }
0x80: {  	[sflag:s17] =	ssyncadd.s32 $0xFFFFC000  }
0x81: {  	[spmem:s2] =	stream.indirect.scatter.add.f32 [tilespmem:s16], [sflag:$0x1], $0x80, s21, s18, $0xb8;
	[tilespmem:$0x18400] =	vst v63  }
0x82: {  	_ =	swait.ge [sflag:s17], $0x4000  }
0x83: {  	[sflag:s17] =	ssyncset.done $0x0  }
0x84: {  	[sflag:s17] =	ssyncadd.s32 $0xFFFFC000  }
0x85: {  	[spmem:s2] =	stream.indirect.scatter.add.f32 [tilespmem:s16], [sflag:$0x1], $0x80, s22, s18, $0xb8;
	[tilespmem:$0x18400] =	vst v63  }
0x86: {  	_ =	swait.ge [sflag:s17], $0x4000  }
0x87: {  	[sflag:s17] =	ssyncset.done $0x0  }
0x88: {  	[sflag:s17] =	ssyncadd.s32 $0xFFFFC000  }
0x89: {  	[spmem:s2] =	stream.indirect.scatter.add.f32 [tilespmem:s16], [sflag:$0x1], $0x80, s23, s18, $0xb8;
	[tilespmem:$0x18400] =	vst v63  }
0x8a: {  	_ =	swait.ge [sflag:s17], $0x4000  }
.Ltmp2:
0x8b: {  	[sflag:s17] =	ssyncset.done $0x0;
	(pc) =	sbr.rel @p0 .LBB2_6-.Ltmp2, $4  }
0x8c: {  	[sflag:s17] =	ssyncadd.s32 $0xFFFFC000  }
0x8d: {  	[spmem:s2] =	stream.indirect.scatter.add.f32 [tilespmem:s16], [sflag:$0x1], $0x80, s24, s18, $0xb8;
	[tilespmem:$0x18400] =	vst v63  }
0x8e: {  	_ =	swait.ge [sflag:s17], $0x4000  }
0x8f: {  	s29 =	smov.u32 s28;
	[sflag:s17] =	ssyncset.done $0x0  }
0x90: {  	s26 =	sadd.s32 s26, s15;
	[sflag:s17] =	ssyncadd.s32 $0xFFFFC000  }
0x91: {  	[tilespmem:s3], [sflag:$0x1] =	stream.linear.gather [hbm4b:s26+s3], $0x400, $0x38;
	[tilespmem:$0x18400] =	vst v63  }
0x92: {  	_ =	swait.ge [sflag:s17], $0x400  }
0x93: {  	[sflag:s17] =	ssyncset.done $0x0  }
0x94: {  	[sflag:s17] =	ssyncadd.s32 $0xFFFFFC00  }
0x95: {  	[spmem:s2] =	stream.indirect.scatter.add.f32 [tilespmem:s16], [sflag:$0x1], $0x80, s3, s18, $0xb8;
	[tilespmem:$0x18400] =	vst v63  }
0x96: {  	_ =	swait.ge [sflag:s17], $0x4000  }
0x97: {  	[sflag:s17] =	ssyncset.done $0x0  }
0x98: {  	[sflag:s17] =	ssyncadd.s32 $0xFFFFC000  }
0x99: {  	[spmem:s2] =	stream.indirect.scatter.add.f32 [tilespmem:s16], [sflag:$0x1], $0x80, s18, s18, $0xb8;
	[tilespmem:$0x18400] =	vst v63  }
0x9a: {  	_ =	swait.ge [sflag:s17], $0x4000  }
0x9b: {  	[sflag:s17] =	ssyncset.done $0x0  }
0x9c: {  	[sflag:s17] =	ssyncadd.s32 $0xFFFFC000  }
0x9d: {  	[spmem:s2] =	stream.indirect.scatter.add.f32 [tilespmem:s16], [sflag:$0x1], $0x80, s19, s18, $0xb8;
	[tilespmem:$0x18400] =	vst v63  }
0x9e: {  	_ =	swait.ge [sflag:s17], $0x4000  }
0x9f: {  	[sflag:s17] =	ssyncset.done $0x0  }
0xa0: {  	[sflag:s17] =	ssyncadd.s32 $0xFFFFC000  }
0xa1: {  	[spmem:s2] =	stream.indirect.scatter.add.f32 [tilespmem:s16], [sflag:$0x1], $0x80, s20, s18, $0xb8;
	[tilespmem:$0x18400] =	vst v63  }
0xa2: {  	_ =	swait.ge [sflag:s17], $0x4000  }
0xa3: {  	[sflag:s17] =	ssyncset.done $0x0  }
0xa4: {  	[sflag:s17] =	ssyncadd.s32 $0xFFFFC000  }
0xa5: {  	[spmem:s2] =	stream.indirect.scatter.add.f32 [tilespmem:s16], [sflag:$0x1], $0x80, s21, s18, $0xb8;
	[tilespmem:$0x18400] =	vst v63  }
0xa6: {  	_ =	swait.ge [sflag:s17], $0x4000  }
0xa7: {  	[sflag:s17] =	ssyncset.done $0x0  }
0xa8: {  	[sflag:s17] =	ssyncadd.s32 $0xFFFFC000  }
0xa9: {  	[spmem:s2] =	stream.indirect.scatter.add.f32 [tilespmem:s16], [sflag:$0x1], $0x80, s22, s18, $0xb8;
	[tilespmem:$0x18400] =	vst v63  }
0xaa: {  	_ =	swait.ge [sflag:s17], $0x4000  }
0xab: {  	[sflag:s17] =	ssyncset.done $0x0  }
0xac: {  	[sflag:s17] =	ssyncadd.s32 $0xFFFFC000  }
0xad: {  	[spmem:s2] =	stream.indirect.scatter.add.f32 [tilespmem:s16], [sflag:$0x1], $0x80, s23, s18, $0xb8;
	[tilespmem:$0x18400] =	vst v63  }
0xae: {  	_ =	swait.ge [sflag:s17], $0x4000  }
0xaf: {  	[sflag:s17] =	ssyncset.done $0x0  }
0xb0: {  	[sflag:s17] =	ssyncadd.s32 $0xFFFFC000  }
0xb1: {  	[spmem:s2] =	stream.indirect.scatter.add.f32 [tilespmem:s16], [sflag:$0x1], $0x80, s24, s18, $0xb8;
	[tilespmem:$0x18400] =	vst v63  }
0xb2: {  	_ =	swait.ge [sflag:s17], $0x4000  }
0xb3: {  	[sflag:s17] =	ssyncset.done $0x0  }
0xb4: {  	[sflag:s17] =	ssyncadd.s32 $0xFFFFC000  }
0xb5: {  	[bflag:$0x0] =	sbarrier.arrive $0xFFFF  }
0xb6: {  	[tilespmem:s16], [sflag:$0x1] =	stream.linear.gather [spmem:s4], $0x4000, $0x38;
	[tilespmem:$0x18400] =	vst v63  }
0xb7: {  	_ =	swait.ge [sflag:s17], $0x4000  }
0xb8: {  	[sflag:s17] =	ssyncset.done $0x0  }
0xb9: {  	[sflag:s17] =	ssyncadd.s32 $0xFFFFC000  }
0xba: {  	[hbm4b:s9+s3] =	stream.linear.scatter [tilespmem:s16], [sflag:$0x1], $0x4000, $0x38;
	[tilespmem:$0x18400] =	vst v63  }
0xbb: {  	_ =	swait.ge [sflag:s17], $0x4000  }
0xbc: {  	[sflag:s17] =	ssyncset.done $0x0  }
0xbd: {  	[sflag:s17] =	ssyncadd.s32 $0xFFFFC000  }
0xbe: {  	[tilespmem:s16], [sflag:$0x1] =	stream.linear.gather [spmem:s5], $0x4000, $0x38;
	[tilespmem:$0x18400] =	vst v63  }
0xbf: {  	_ =	swait.ge [sflag:s17], $0x4000  }
0xc0: {  	[sflag:s17] =	ssyncset.done $0x0  }
0xc1: {  	[sflag:s17] =	ssyncadd.s32 $0xFFFFC000  }
0xc2: {  	[hbm4b:s10+s3] =	stream.linear.scatter [tilespmem:s16], [sflag:$0x1], $0x4000, $0x38;
	[tilespmem:$0x18400] =	vst v63  }
0xc3: {  	_ =	swait.ge [sflag:s17], $0x4000  }
0xc4: {  	[sflag:s17] =	ssyncset.done $0x0  }
0xc5: {  	[sflag:s17] =	ssyncadd.s32 $0xFFFFC000  }
0xc6: {  	[tilespmem:s16], [sflag:$0x1] =	stream.linear.gather [spmem:s6], $0x4000, $0x38;
	[tilespmem:$0x18400] =	vst v63  }
0xc7: {  	_ =	swait.ge [sflag:s17], $0x4000  }
0xc8: {  	[sflag:s17] =	ssyncset.done $0x0  }
0xc9: {  	[sflag:s17] =	ssyncadd.s32 $0xFFFFC000  }
0xca: {  	[hbm4b:s11+s3] =	stream.linear.scatter [tilespmem:s16], [sflag:$0x1], $0x4000, $0x38;
	[tilespmem:$0x18400] =	vst v63  }
0xcb: {  	_ =	swait.ge [sflag:s17], $0x4000  }
0xcc: {  	[sflag:s17] =	ssyncset.done $0x0  }
0xcd: {  	[sflag:s17] =	ssyncadd.s32 $0xFFFFC000  }
0xce: {  	[tilespmem:s16], [sflag:$0x1] =	stream.linear.gather [spmem:s7], $0x4000, $0x38;
	[tilespmem:$0x18400] =	vst v63  }
0xcf: {  	_ =	swait.ge [sflag:s17], $0x4000  }
0xd0: {  	[sflag:s17] =	ssyncset.done $0x0  }
0xd1: {  	[sflag:s17] =	ssyncadd.s32 $0xFFFFC000  }
0xd2: {  	[hbm4b:s12+s3] =	stream.linear.scatter [tilespmem:s16], [sflag:$0x1], $0x4000, $0x38;
	[tilespmem:$0x18400] =	vst v63  }
0xd3: {  	_ =	swait.ge [sflag:s17], $0x4000  }
0xd4: {  	[sflag:s17] =	ssyncset.done $0x0  }
0xd5: {  	[sflag:s17] =	ssyncadd.s32 $0xFFFFC000  }
0xd6: {  	[tilespmem:s16], [sflag:$0x1] =	stream.linear.gather [spmem:s8], $0x4000, $0x38;
	[tilespmem:$0x18400] =	vst v63  }
0xd7: {  	s25 =	sadd.s32 $0x1, s25;
	_ =	swait.ge [sflag:s17], $0x4000  }
0xd8: {  	p0 =	sne.s32 s25, s14;
	[sflag:s17] =	ssyncset.done $0x0  }
.Ltmp3:
0xd9: {  	[sflag:s17] =	ssyncadd.s32 $0xFFFFC000;
	(pc) =	sbr.rel @p0 .LBB2_1-.Ltmp3, $4  }
0xda: {  	[hbm4b:s13+s3] =	stream.linear.scatter [tilespmem:s16], [sflag:$0x1], $0x4000, $0x38;
	[tilespmem:$0x18400] =	vst v63  }
0xdb: {  	_ =	swait.ge [sflag:s17], $0x4000  }
0xdc: {  	[sflag:s17] =	ssyncset.done $0x0  }
0xdd: {  	[sflag:s17] =	ssyncadd.s32 $0xFFFFC000  }
0xde: {  	_ =	sfence.sel $0x180000  }
0xdf: {  	[bflag:$0x0] =	sbarrier.arrive $0xFFFF  }
0xe0: {  	p0 =	sne.s32 s0, $0x0;
	_ =	strace $0x9000004A  }
0xe1: {  	s0 =	sadd.s32 @!p0 $0x100000, s1;
	[bflag:$0x2] =	sbarrier.arrive $0xFFFF  }
0xe2: {  	[sflag:s0] =	ssyncadd.tile.s32 @!p0 $0x1;
	_ =	shalt  }
.Lfunc_end2:
_tile_overlayer_lowered:
.L_overlay_start_2:
0xe3: {  	(tag) =	ssettag $0x2  }
0xe4: {  	s0 =	rddreg [dreg:$0x0];
	s2 =	stileid.u32  }
0xe5: {  	s1 =	rddreg [dreg:$0x1];
	p0 =	sne.s32 s2, $0x0  }
0xe6: {  	s3 =	rddreg [dreg:$0x2];
	[bflag:$0x3] =	sbarrier.arrive $0xFFFF;
	s2 =	simm.s32 @!p0 $0x1C01  }
0xe7: {  	[timem:s3], [sflag:s2] =	dma.local @!p0 [hbm:s0], s1  }
0xe8: {  	s0 =	simm.s32 @!p0 $0x1  }
0xe9: {  	_ =	swait.ge @!p0 [sflag:s0], s1  }
0xea: {  	s1 =	ssub.s32 @!p0 $0x0, s1;
	[sflag:s0] =	ssyncset.done @!p0 $0x0  }
0xeb: {  	[sflag:s0] =	ssyncadd.s32 @!p0 s1  }
0xec: {  	[bflag:$0x3] =	sbarrier.arrive $0xFFFF  }
0xed: {  	_ =	shalt  }

// kernel: sc_segment_sum.11.cloned.1.call-start
scs
__scs_entry_jumppad:
0x0: {  	(pc) =	sbr.rel $0x88, $3  }
0x1: {  	(tag) =	ssettag $0x0;
	lr =	simm.s32 $0x1  }
0x2: {  	[smem:$0x3F96] =	sst lr;
	_ =	strace $0xD0000000  }
0x3: {  	_ = 	snop  }
0x4: {  	_ = 	snop  }
0x5: {  	_ = 	snop  }
0x6: {  	_ = 	snop  }
0x7: {  	_ = 	snop  }
__scs_overlays_trampoline_lowered:
0x8: {  	[smem:$0x3FA5] =	sst s0  }
0x9: {  	[smem:$0x3FA6] =	sst s1  }
0xa: {  	[smem:$0x3FA7] =	sst s2  }
0xb: {  	[smem:$0x3FA8] =	sst s3  }
0xc: {  	[smem:$0x3FA9] =	sst s4  }
0xd: {  	[smem:$0x3FAA] =	sst s5  }
0xe: {  	[smem:$0x3FAB] =	sst s6  }
0xf: {  	[smem:$0x3FAC] =	sst s7  }
0x10: {  	[smem:$0x3FAD] =	sst s8  }
0x11: {  	[smem:$0x3FAE] =	sst s9;
	s0 =	simm.s32 @!p0 $0x0  }
0x12: {  	s1 =	sld [smem:$0x3F94];
	s0 =	simm.s32 @p0 $0x1  }
0x13: {  	[smem:$0x3FAF] =	sst s0;
	s0 =	simm.s32 @!p1 $0x0  }
0x14: {  	s2 =	sld [smem:$0x3F93];
	s0 =	simm.s32 @p1 $0x1  }
0x15: {  	[smem:$0x3FB0] =	sst s0;
	s0 =	simm.s32 @!p2 $0x0  }
0x16: {  	s3 =	sld [smem:$0x3FDB];
	s0 =	simm.s32 @p2 $0x1  }
0x17: {  	s4 =	simm.s32 $0x1BF5;
	[smem:$0x3FB2] =	sst s0  }
0x18: {  	s0 =	sld [smem:$0x3F95];
	_ =	swait.ge [sflag:s4], $0x0  }
0x19: {  	s7 =	sld [smem:$0x3F96]  }
0x1a: {  	s8 =	sadd.s32 $0xFFFFE003, lr  }
0x1b: {  	s9 =	sadd.s32 $0xFFFFFEF7, lr;
	s5 =	simm.s32 $0xFFFFFFFF;
	p2 =	slt.u32 s8, $0xFFFFF086  }
0x1c: {  	p1 =	slt.u32 s9, $0xF7A;
	s5 =	simm.s32 @!p2 $0x0  }
0x1d: {  	s5 =	simm.s32 @p1 $0x1;
	p0 =	seq.s32 s7, s2  }
0x1e: {  	s7 =	smul.u32 @!p0 $0xF7A, s2;
	p2 =	seq.s32 @!p0 s5, $0x0  }
0x1f: {  	s9 =	smul.u32 $0xF7A, s1;
	s8 =	simm.s32 @!p0 $0x1BF5;
	p2 =	por !p2, p0  }
0x20: {  	[sflag:s8] =	ssyncset.s32 @!p0 $0xFFFFF086;
	s6 =	sadd.s32 @!p0 s3, s7;
	s7 =	simm.s32 @!p0 $0x108  }
0x21: {  	s3 =	sadd.s32 s3, s9;
	s6 =	sadd.s32 @!p0 $0x88, s6;
	s7 =	simm.s32 @p2 $0x1082  }
0x22: {  	[simem:s7], [sflag:s8] =	dma.local @!p0 [hbm:s6], $0xF7A  }
0x23: {  	s9 =	sor.u32 $0xD0000000, s2;
	s6 =	simm.s32 $0x108;
	_ =	swait.ge @!p0 [sflag:s8], $0x0  }
0x24: {  	s3 =	sadd.s32 $0x88, s3;
	s6 =	simm.s32 @!p1 $0x1082;
	[sflag:s4] =	ssyncset.s32 $0xFFFFF086  }
0x25: {  	[simem:s6], [sflag:s4] =	dma.local [hbm:s3], $0xF7A  }
0x26: {  	[smem:$0x3F96] =	sst s1;
	(tag) =	ssettag s2;
	_ =	strace s9  }
0x27: {  	s1 =	sld [smem:$0x3FA6]  }
0x28: {  	s2 =	sld [smem:$0x3FA7]  }
0x29: {  	s4 =	sld [smem:$0x3FA9]  }
0x2a: {  	p0 =	seq.s32 s5, $0x0;
	s5 =	sld [smem:$0x3FAA]  }
0x2b: {  	s6 =	sld [smem:$0x3FAB]  }
0x2c: {  	s7 =	sld [smem:$0x3FAC]  }
0x2d: {  	s3 =	simm.s32 $0x108;
	s8 =	sld [smem:$0x3FAD]  }
0x2e: {  	s3 =	simm.s32 @!p0 $0x1082;
	s9 =	sld [smem:$0x3FAE]  }
0x2f: {  	lr =	sadd.s32 s0, s3;
	s0 =	sld [smem:$0x3FA5]  }
0x30: {  	s3 =	sld [smem:$0x3FA8]  }
0x31: {  	[smem:$0x3FB1] =	sst s10  }
0x32: {  	s10 =	sld [smem:$0x3FAF];
	_ =	sdelay $0x3  }
0x33: {  	p0 =	seq.s32 s10, $0x1;
	s10 =	sld [smem:$0x3FB1];
	_ =	sdelay $0x3  }
0x34: {  	[smem:$0x3FB1] =	sst s10  }
0x35: {  	s10 =	sld [smem:$0x3FB0];
	_ =	sdelay $0x3  }
0x36: {  	p1 =	seq.s32 s10, $0x1;
	s10 =	sld [smem:$0x3FB1];
	_ =	sdelay $0x3  }
0x37: {  	[smem:$0x3FB1] =	sst s10  }
0x38: {  	s10 =	sld [smem:$0x3FB2]  }
0x39: {  	_ = 	snop;
	(pc) =	sbr.ind lr, $3  }
0x3a: {  	_ = 	snop  }
0x3b: {  	_ = 	snop  }
0x3c: {  	p2 =	seq.s32 s10, $0x1;
	s10 =	sld [smem:$0x3FB1]  }
0x3d: {  	_ =	shalt  }
0x3e: {  	_ =	shalt  }
0x3f: {  	_ =	shalt  }
0x40: {  	_ =	shalt  }
0x41: {  	_ =	shalt  }
0x42: {  	_ =	shalt  }
0x43: {  	_ =	shalt  }
0x44: {  	_ =	shalt  }
0x45: {  	_ =	shalt  }
0x46: {  	_ =	shalt  }
0x47: {  	_ =	shalt  }
0x48: {  	_ =	shalt  }
0x49: {  	_ =	shalt  }
0x4a: {  	_ =	shalt  }
0x4b: {  	_ =	shalt  }
0x4c: {  	_ =	shalt  }
0x4d: {  	_ =	shalt  }
0x4e: {  	_ =	shalt  }
0x4f: {  	_ =	shalt  }
0x50: {  	_ =	shalt  }
0x51: {  	_ =	shalt  }
0x52: {  	_ =	shalt  }
0x53: {  	_ =	shalt  }
0x54: {  	_ =	shalt  }
0x55: {  	_ =	shalt  }
0x56: {  	_ =	shalt  }
0x57: {  	_ =	shalt  }
0x58: {  	_ =	shalt  }
0x59: {  	_ =	shalt  }
0x5a: {  	_ =	shalt  }
0x5b: {  	_ =	shalt  }
0x5c: {  	_ =	shalt  }
0x5d: {  	_ =	shalt  }
0x5e: {  	_ =	shalt  }
0x5f: {  	_ =	shalt  }
0x60: {  	_ =	shalt  }
0x61: {  	_ =	shalt  }
0x62: {  	_ =	shalt  }
0x63: {  	_ =	shalt  }
0x64: {  	_ =	shalt  }
0x65: {  	_ =	shalt  }
0x66: {  	_ =	shalt  }
0x67: {  	_ =	shalt  }
0x68: {  	_ =	shalt  }
0x69: {  	_ =	shalt  }
0x6a: {  	_ =	shalt  }
0x6b: {  	_ =	shalt  }
0x6c: {  	_ =	shalt  }
0x6d: {  	_ =	shalt  }
0x6e: {  	_ =	shalt  }
0x6f: {  	_ =	shalt  }
0x70: {  	_ =	shalt  }
0x71: {  	_ =	shalt  }
0x72: {  	_ =	shalt  }
0x73: {  	_ =	shalt  }
0x74: {  	_ =	shalt  }
0x75: {  	_ =	shalt  }
0x76: {  	_ =	shalt  }
0x77: {  	_ =	shalt  }
0x78: {  	_ =	shalt  }
0x79: {  	_ =	shalt  }
0x7a: {  	_ =	shalt  }
0x7b: {  	_ =	shalt  }
0x7c: {  	_ =	shalt  }
0x7d: {  	_ =	shalt  }
0x7e: {  	_ =	shalt  }
0x7f: {  	_ =	shalt  }
0x80: {  	_ =	shalt  }
0x81: {  	_ =	shalt  }
0x82: {  	_ =	shalt  }
0x83: {  	_ =	shalt  }
0x84: {  	_ =	shalt  }
0x85: {  	_ =	shalt  }
0x86: {  	_ =	shalt  }
0x87: {  	_ =	shalt  }
.Lfunc_end0:
.L_simem_size_0:
called_computation.3_lowered:
.L_overlay_start_0:
0x88: {  	s2 =	sld [smem:$0x3FD9]  }
0x89: {  	s3 =	sld [smem:$0x3FFE];
	_ =	sdelay $0x1  }
0x8a: {  	s1 =	srdreg.scid  }
0x8b: {  	s0 =	sand.u32 $0x1, s1  }
0x8c: {  	s17 =	sshll.u32 s0, $0xA;
	s2 =	sadd.s32 s3, s2  }
0x8d: {  	s2 =	sadd.s32 s2, s17  }
0x8e: {  	[smem:$0x3FBD] =	sst s2  }
0x8f: {  	_ = 	snop  }
0x90: {  	s2 =	sld [smem:$0x3FD0];
	(tm) =	ssettm $0x1  }
0x91: {  	s18 =	sld [smem:$0x3FFB];
	_ =	sdelay $0x3  }
0x92: {  	_ =	strace s18  }
0x93: {  	s3 =	sld [smem:$0x3FFC];
	_ =	sdelay $0x3  }
0x94: {  	_ =	strace s3  }
0x95: {  	s3 =	sld [smem:$0x3FFD];
	_ =	sdelay $0x3  }
0x96: {  	_ =	strace s3  }
0x97: {  	_ =	strace $0x8FFFFFFF  }
0x98: {  	s19 =	sld [smem:$0x3FDB];
	_ =	sdelay $0x1  }
0x99: {  	s4 =	simm.s32 $_scs_section_size  }
0x9a: {  	s5 =	simm.s32 $_size__tile_overlayer_lowered;
	s6 =	simm.s32 $_tile_overlayer_lowered  }
0x9b: {  	s22 =	simm.s32 $0x1BFF;
	s21 =	sshll.u32 s6, $0x1;
	s3 =	sadd.s32 s4, s19  }
0x9c: {  	s7 =	simm.s32 $0x0;
	s20 =	sshll.u32 s5, $0x1;
	s5 =	sadd.s32 s21, s3  }
0x9d: {  	[timem:s7], [sflag:s22] =	dma.local [hbm:s5], s20  }
0x9e: {  	_ =	swait.ge [sflag:s22], s20  }
0x9f: {  	s4 =	ssub.s32 $0x0, s20;
	[sflag:s22] =	ssyncset.done $0x0  }
0xa0: {  	[sflag:s22] =	ssyncadd.s32 s4;
	_ =	sdelay $0x1  }
0xa1: {  	s23 =	simm.s32 $0x1B8B  }
0xa2: {  	_ =	swait.ge [sflag:s23], $0x1  }
0xa3: {  	[sflag:s23] =	ssyncset.done $0x0  }
0xa4: {  	s25 =	simm.s32 $0x1B8E;
	s24 =	sld [smem:$0x3FFE];
	[sflag:s23] =	ssyncadd.s32 $0xFFFFFFFF  }
0xa5: {  	s26 =	simm.s32 $execute0_lowered;
	[smem:$0x3FD2] =	sst s25  }
0xa6: {  	s5 =	sshll.u32 s26, $0x1;
	_ =	strace $0x8000004F;
	[dreg:$0x1] =	wrdreg $0xFFFFFFFF  }
0xa7: {  	s28 =	simm.s32 $_size_execute0_lowered;
	s3 =	sadd.s32 s3, s5;
	[dreg:$0x0] =	wrdreg $0x0  }
0xa8: {  	s5 =	sshll.u32 s28, $0x1;
	[dreg:$0x2] =	wrdreg s3  }
0xa9: {  	[dreg:$0x3] =	wrdreg s5  }
0xaa: {  	[dreg:$0x4] =	wrdreg $0xC0  }
0xab: {  	_ =	task [dreg:s7], $0x5FFFF  }
0xac: {  	[dreg:$0x1] =	wrdreg $0xFFFFFFFF  }
0xad: {  	[dreg:$0x0] =	wrdreg $0x60  }
0xae: {  	[dreg:$0x2] =	wrdreg s2  }
0xaf: {  	[dreg:$0x3] =	wrdreg s24  }
0xb0: {  	[dreg:$0x4] =	wrdreg $0x88000  }
0xb1: {  	[dreg:$0x5] =	wrdreg $0x9  }
0xb2: {  	_ =	task.clear_ibuf [dreg:s7], $0x6FFFF;
	_ =	strace $0x9000004F  }
0xb3: {  	s29 =	simm.s32 $0x9;
	_ =	strace $0x80000051  }
0xb4: {  	_ =	swait.ge [sflag:s29], $0x1  }
0xb5: {  	[sflag:s29] =	ssyncadd.s32 $0xFFFFFFFF  }
0xb6: {  	_ =	strace $0x90000051  }
0xb7: {  	_ =	sfence  }
0xb8: {  	s30 =	sld [smem:$0x0];
	_ =	sdelay $0x2  }
0xb9: {  	s31 =	sshll.u32 s1, $0xD;
	s1 =	sshrl.u32 s1, $0x2  }
0xba: {  	s3 =	sand.u32 $0x4000, s31;
	s1 =	sadd.s32 s1, s30  }
0xbb: {  	s0 =	sor.u32 s3, s0;
	s1 =	sshll.u32 s1, $0x11  }
0xbc: {  	s0 =	sor.u32 s1, s0  }
0xbd: {  	s0 =	sadd.s32 $0x8F2B, s0  }
0xbe: {  	[sflag:s0] =	ssyncadd.remote.s32 $0x1  }
0xbf: {  	_ =	sfence.sel $0xFFFF  }
0xc0: {  	[dreg:$0x0] =	wrdreg $0xFFFFFFFF;
	(pc) =	sbr.abs _section_cstart, $3  }
0xc1: {  	[dreg:$0x1] =	wrdreg $0xFFFFFFFF  }
0xc2: {  	_ =	task.clear_ibuf [dreg:s7], $0x2FFFF;
	_ =	strace $0x9FFFFFFF  }
0xc3: {  	(tm) =	ssettm $0x7FFFFFFF  }
tec
execute0_lowered:
.L_overlay_start_1:
0x0: {  	(tag) =	ssettag $0x1  }
0x1: {  	s1 =	rddreg [dreg:$0x0]  }
0x2: {  	s0 =	srdreg.scid;
	s2 =	rddreg [dreg:$0x1]  }
0x3: {  	s8 =	stileid.u32;
	s3 =	rddreg [dreg:$0x2];
	s4 =	simm.s32 $0x0  }
0x4: {  	s28 =	simm.s32 $0x180;
	s29 =	simm.s32 $0x500;
	s30 =	simm.s32 $0x200  }
0x5: {  	s31 =	simm.s32 $0x580;
	s11 =	simm.s32 $0x680;
	s6 =	smul.u32 $0x2800, s8  }
0x6: {  	s12 =	simm.s32 $0x380;
	s13 =	simm.s32 $0x700;
	s7 =	smul.u32 $0x280, s8  }
0x7: {  	s14 =	simm.s32 $0x780;
	s0 =	sand.u32 $0x1, s0;
	s8 =	smul.u32 $0x50000, s8  }
0x8: {  	s15 =	simm.s32 $0x0;
	[smem:$0x7FF] =	sst s4;
	s5 =	smul.u32 $0x28000, s0  }
0x9: {  	s17 =	smul.u32 $0x2800, s0;
	_ =	strace $0x80000050;
	s0 =	ssub.s32 $0x2, s0  }
0xa: {  	s19 =	sshrl.u32 s0, $0x1;
	s20 =	sshrl.u32 s8, $0x2;
	s5 =	sadd.s32 s6, s5  }
0xb: {  	s18 =	sadd.s32 s7, s17;
	s0 =	ssub.s32 s0, s19;
	s5 =	sshrl.u32 s5, $0x3  }
0xc: {  	s0 =	smax.u32 s0, $0x1;
	s10 =	sadd.s32 s5, s2;
	s5 =	sshll.u32 s18, $0x4  }
0xd: {  	[dreg:$0xe] =	wrdreg s0;
	s2 =	sadd.s32 s5, s2;
	s5 =	sadd.s32 s20, s3  }
0xe: {  	s19 =	simm.s32 $0x3;
	s21 =	sadd.s32 $0xC000, s5;
	[dreg:$0x4] =	wrdreg s5  }
0xf: {  	s18 =	simm.s32 $0x800;
	s22 =	sadd.s32 $0x10000, s5;
	[dreg:$0x7] =	wrdreg s21  }
0x10: {  	s0 =	simm.s32 $0x600;
	s23 =	sadd.s32 $0x17000, s2;
	[dreg:$0x8] =	wrdreg s22  }
0x11: {  	s16 =	sadd.s32 $0xD000, s10;
	s24 =	sadd.s32 $0x17800, s2;
	[dreg:$0x9] =	wrdreg s23  }
0x12: {  	s17 =	sadd.s32 $0x3000, s10;
	s25 =	sadd.s32 $0x18000, s2;
	[dreg:$0xa] =	wrdreg s24  }
0x13: {  	s20 =	simm.s32 $0x400;
	s26 =	sadd.s32 $0x18800, s2;
	[dreg:$0xb] =	wrdreg s25  }
0x14: {  	s10 =	simm.s32 $0x300;
	s2 =	sadd.s32 $0x19000, s2;
	[dreg:$0xc] =	wrdreg s26  }
0x15: {  	s8 =	sadd.s32 $0x4000, s5;
	s9 =	sadd.s32 $0x8000, s5;
	[dreg:$0xd] =	wrdreg s2  }
0x16: {  	s21 =	simm.s32 $0x80;
	s22 =	simm.s32 $0x4800;
	s23 =	simm.s32 $0x1  }
0x17: {  	s24 =	simm.s32 $0x100;
	s25 =	simm.s32 $0x2;
	[dreg:$0x5] =	wrdreg s8  }
0x18: {  	v0 =	vimm.f32 $0.0e+00;
	s26 =	simm.s32 $0x480;
	s2 =	simm.s32 $0x280;
	[dreg:$0x6] =	wrdreg s9  }
.LBB2_1:
0x19: {  	s6 =	simm.s32 $0x0;
	s7 =	simm.s32 $0x200  }
.LBB2_2:
0x1a: {  	p0 =	sne.s32 s7, $0xFE00;
	[tilespmem:s6+$0x870] =	vst v0  }
0x1b: {  	[tilespmem:s6+$0x800] =	vst v0  }
0x1c: {  	[tilespmem:s6+$0x810] =	vst v0  }
.Ltmp0:
0x1d: {  	[tilespmem:s6+$0x820] =	vst v0;
	(pc) =	sbr.rel @p0 .LBB2_2-.Ltmp0, $4  }
0x1e: {  	[tilespmem:s6+$0x830] =	vst v0  }
0x1f: {  	[tilespmem:s6+$0x840] =	vst v0  }
0x20: {  	[tilespmem:s6+$0x850] =	vst v0  }
0x21: {  	[tilespmem:s6+$0x860] =	vst v0;
	s6 =	sshra.s32 s7, $0x2;
	s7 =	sadd.s32 $0x200, s7  }
0x22: {  	[tilespmem:s6+$0x870] =	vst v0  }
0x23: {  	[tilespmem:s6+$0x800] =	vst v0  }
0x24: {  	[tilespmem:s6+$0x810] =	vst v0  }
0x25: {  	[tilespmem:s6+$0x820] =	vst v0  }
0x26: {  	[tilespmem:s6+$0x830] =	vst v0  }
0x27: {  	[tilespmem:s6+$0x840] =	vst v0  }
0x28: {  	[tilespmem:s6+$0x850] =	vst v0  }
0x29: {  	[tilespmem:s6+$0x860] =	vst v0  }
0x2a: {  	[spmem:s5] =	stream.linear.scatter [tilespmem:s18], [sflag:$0x3], $0x4000, $0x38;
	[tilespmem:$0x1C800] =	vst v63  }
0x2b: {  	_ =	swait.ge [sflag:s19], $0x4000  }
0x2c: {  	[sflag:s19] =	ssyncset.done $0x0  }
0x2d: {  	[sflag:s19] =	ssyncadd.s32 $0xFFFFC000  }
0x2e: {  	[spmem:s8] =	stream.linear.scatter [tilespmem:s18], [sflag:$0x3], $0x4000, $0x38;
	[tilespmem:$0x1C800] =	vst v63  }
0x2f: {  	_ =	swait.ge [sflag:s19], $0x4000  }
0x30: {  	[sflag:s19] =	ssyncset.done $0x0  }
0x31: {  	[sflag:s19] =	ssyncadd.s32 $0xFFFFC000  }
0x32: {  	[spmem:s9] =	stream.linear.scatter [tilespmem:s18], [sflag:$0x3], $0x4000, $0x38;
	[tilespmem:$0x1C800] =	vst v63  }
0x33: {  	_ =	swait.ge [sflag:s19], $0x4000  }
0x34: {  	[sflag:s19] =	ssyncset.done $0x0  }
0x35: {  	s6 =	rddreg [dreg:$0x7];
	[sflag:s19] =	ssyncadd.s32 $0xFFFFC000  }
0x36: {  	[spmem:s6] =	stream.linear.scatter [tilespmem:s18], [sflag:$0x3], $0x4000, $0x38;
	[tilespmem:$0x1C800] =	vst v63  }
0x37: {  	_ =	swait.ge [sflag:s19], $0x4000  }
0x38: {  	[sflag:s19] =	ssyncset.done $0x0  }
0x39: {  	s7 =	rddreg [dreg:$0x8];
	[sflag:s19] =	ssyncadd.s32 $0xFFFFC000  }
0x3a: {  	[spmem:s7] =	stream.linear.scatter [tilespmem:s18], [sflag:$0x3], $0x4000, $0x38;
	[tilespmem:$0x1C800] =	vst v63  }
0x3b: {  	_ =	swait.ge [sflag:s19], $0x4000  }
0x3c: {  	[sflag:s19] =	ssyncset.done $0x0  }
0x3d: {  	[sflag:s19] =	ssyncadd.s32 $0xFFFFC000  }
0x3e: {  	s8 =	sadd.s32 $0x0, s17;
	[bflag:$0x0] =	sbarrier.arrive $0xFFFF  }
0x3f: {  	[tilespmem:s4], [sflag:$0x3] =	stream.linear.gather [hbm4b:s8+s4], $0x400, $0x38;
	[tilespmem:$0x1C800] =	vst v63  }
0x40: {  	_ =	swait.ge [sflag:s19], $0x400  }
0x41: {  	[sflag:s19] =	ssyncset.done $0x0  }
0x42: {  	s9 =	sadd.s32 $0x0, s16;
	[sflag:s19] =	ssyncadd.s32 $0xFFFFFC00  }
0x43: {  	[tilespmem:s20], [sflag:$0x3] =	stream.linear.gather [hbm4b:s9+s4], $0x400, $0x38;
	[tilespmem:$0x1C800] =	vst v63  }
0x44: {  	_ =	swait.ge [sflag:s19], $0x400  }
0x45: {  	[sflag:s19] =	ssyncset.done $0x0  }
0x46: {  	[sflag:s19] =	ssyncadd.s32 $0xFFFFFC00  }
0x47: {  	[tilespmem:s18], [sflag:$0x1] =	stream.indirect.gather [hbm4b:s1+s21], $0x80, s4, s21, $0xb8;
	[tilespmem:$0x1C800] =	vst v63  }
0x48: {  	_ = 	snop  }
0x49: {  	[tilespmem:s22], [sflag:$0x2] =	stream.indirect.gather [hbm4b:s1+s21], $0x80, s21, s21, $0xb8;
	[tilespmem:$0x1C800] =	vst v63  }
0x4a: {  	_ =	swait.ge [sflag:s23], $0x4000  }
0x4b: {  	[sflag:s23] =	ssyncset.done $0x0  }
0x4c: {  	[sflag:s23] =	ssyncadd.s32 $0xFFFFC000  }
0x4d: {  	[spmem:s3] =	stream.indirect.scatter.add.f32 [tilespmem:s18], [sflag:$0x3], $0x80, s20, s21, $0xb8;
	[tilespmem:$0x1C800] =	vst v63  }
0x4e: {  	_ =	swait.ge [sflag:s19], $0x4000  }
0x4f: {  	[sflag:s19] =	ssyncset.done $0x0  }
0x50: {  	[sflag:s19] =	ssyncadd.s32 $0xFFFFC000  }
0x51: {  	[tilespmem:s18], [sflag:$0x1] =	stream.indirect.gather [hbm4b:s1+s21], $0x80, s24, s21, $0xb8;
	[tilespmem:$0x1C800] =	vst v63  }
0x52: {  	_ =	swait.ge [sflag:s25], $0x4000  }
0x53: {  	[sflag:s25] =	ssyncset.done $0x0  }
0x54: {  	[sflag:s25] =	ssyncadd.s32 $0xFFFFC000  }
0x55: {  	[spmem:s3] =	stream.indirect.scatter.add.f32 [tilespmem:s22], [sflag:$0x3], $0x80, s26, s21, $0xb8;
	[tilespmem:$0x1C800] =	vst v63  }
0x56: {  	_ =	swait.ge [sflag:s19], $0x4000  }
0x57: {  	[sflag:s19] =	ssyncset.done $0x0  }
0x58: {  	[sflag:s19] =	ssyncadd.s32 $0xFFFFC000  }
0x59: {  	[tilespmem:s22], [sflag:$0x2] =	stream.indirect.gather [hbm4b:s1+s21], $0x80, s28, s21, $0xb8;
	[tilespmem:$0x1C800] =	vst v63  }
0x5a: {  	_ =	swait.ge [sflag:s23], $0x4000  }
0x5b: {  	[sflag:s23] =	ssyncset.done $0x0  }
0x5c: {  	[sflag:s23] =	ssyncadd.s32 $0xFFFFC000  }
0x5d: {  	[spmem:s3] =	stream.indirect.scatter.add.f32 [tilespmem:s18], [sflag:$0x3], $0x80, s29, s21, $0xb8;
	[tilespmem:$0x1C800] =	vst v63  }
0x5e: {  	_ =	swait.ge [sflag:s19], $0x4000  }
0x5f: {  	[sflag:s19] =	ssyncset.done $0x0  }
0x60: {  	[sflag:s19] =	ssyncadd.s32 $0xFFFFC000  }
0x61: {  	[tilespmem:s18], [sflag:$0x1] =	stream.indirect.gather [hbm4b:s1+s21], $0x80, s30, s21, $0xb8;
	[tilespmem:$0x1C800] =	vst v63  }
0x62: {  	_ =	swait.ge [sflag:s25], $0x4000  }
0x63: {  	[sflag:s25] =	ssyncset.done $0x0  }
0x64: {  	[sflag:s25] =	ssyncadd.s32 $0xFFFFC000  }
0x65: {  	[spmem:s3] =	stream.indirect.scatter.add.f32 [tilespmem:s22], [sflag:$0x3], $0x80, s31, s21, $0xb8;
	[tilespmem:$0x1C800] =	vst v63  }
0x66: {  	_ =	swait.ge [sflag:s19], $0x4000  }
0x67: {  	[sflag:s19] =	ssyncset.done $0x0  }
0x68: {  	[sflag:s19] =	ssyncadd.s32 $0xFFFFC000  }
0x69: {  	[tilespmem:s22], [sflag:$0x2] =	stream.indirect.gather [hbm4b:s1+s21], $0x80, s2, s21, $0xb8;
	[tilespmem:$0x1C800] =	vst v63  }
0x6a: {  	_ =	swait.ge [sflag:s23], $0x4000  }
0x6b: {  	[sflag:s23] =	ssyncset.done $0x0  }
0x6c: {  	[sflag:s23] =	ssyncadd.s32 $0xFFFFC000  }
0x6d: {  	[spmem:s3] =	stream.indirect.scatter.add.f32 [tilespmem:s18], [sflag:$0x3], $0x80, s0, s21, $0xb8;
	[tilespmem:$0x1C800] =	vst v63  }
0x6e: {  	_ =	swait.ge [sflag:s19], $0x4000  }
0x6f: {  	[sflag:s19] =	ssyncset.done $0x0  }
0x70: {  	[sflag:s19] =	ssyncadd.s32 $0xFFFFC000  }
0x71: {  	[tilespmem:s18], [sflag:$0x1] =	stream.indirect.gather [hbm4b:s1+s21], $0x80, s10, s21, $0xb8;
	[tilespmem:$0x1C800] =	vst v63  }
0x72: {  	_ =	swait.ge [sflag:s25], $0x4000  }
0x73: {  	[sflag:s25] =	ssyncset.done $0x0  }
0x74: {  	[sflag:s25] =	ssyncadd.s32 $0xFFFFC000  }
0x75: {  	[spmem:s3] =	stream.indirect.scatter.add.f32 [tilespmem:s22], [sflag:$0x3], $0x80, s11, s21, $0xb8;
	[tilespmem:$0x1C800] =	vst v63  }
0x76: {  	_ =	swait.ge [sflag:s19], $0x4000  }
0x77: {  	[sflag:s19] =	ssyncset.done $0x0  }
0x78: {  	[sflag:s19] =	ssyncadd.s32 $0xFFFFC000  }
0x79: {  	[tilespmem:s22], [sflag:$0x2] =	stream.indirect.gather [hbm4b:s1+s21], $0x80, s12, s21, $0xb8;
	[tilespmem:$0x1C800] =	vst v63  }
0x7a: {  	_ =	swait.ge [sflag:s23], $0x4000  }
0x7b: {  	[sflag:s23] =	ssyncset.done $0x0  }
0x7c: {  	[sflag:s23] =	ssyncadd.s32 $0xFFFFC000  }
0x7d: {  	[spmem:s3] =	stream.indirect.scatter.add.f32 [tilespmem:s18], [sflag:$0x3], $0x80, s13, s21, $0xb8;
	[tilespmem:$0x1C800] =	vst v63  }
0x7e: {  	_ =	swait.ge [sflag:s19], $0x4000  }
0x7f: {  	[sflag:s19] =	ssyncset.done $0x0  }
0x80: {  	[sflag:s19] =	ssyncadd.s32 $0xFFFFC000  }
0x81: {  	_ =	swait.ge [sflag:s25], $0x4000  }
0x82: {  	[sflag:s25] =	ssyncset.done $0x0  }
0x83: {  	[sflag:s25] =	ssyncadd.s32 $0xFFFFC000  }
0x84: {  	[spmem:s3] =	stream.indirect.scatter.add.f32 [tilespmem:s22], [sflag:$0x3], $0x80, s14, s21, $0xb8;
	[tilespmem:$0x1C800] =	vst v63  }
0x85: {  	_ =	swait.ge [sflag:s19], $0x4000  }
0x86: {  	s6 =	simm.s32 $0x80;
	s7 =	simm.s32 $0x100;
	[sflag:s19] =	ssyncset.done $0x0  }
.LBB2_4:
0x87: {  	s9 =	sadd.s32 s6, s17  }
0x88: {  	[sflag:s19] =	ssyncadd.s32 $0xFFFFC000;
	s5 =	smov.u32 s7;
	s8 =	sadd.s32 $0x80, s7  }
0x89: {  	[tilespmem:s4], [sflag:$0x3] =	stream.linear.gather [hbm4b:s9+s4], $0x400, $0x38;
	[tilespmem:$0x1C800] =	vst v63  }
0x8a: {  	p0 =	sne.s32 s7, $0x480;
	_ =	swait.ge [sflag:s19], $0x400  }
0x8b: {  	[sflag:s19] =	ssyncset.done $0x0  }
0x8c: {  	s7 =	sadd.s32 s6, s16;
	s6 =	smov.u32 s5;
	[sflag:s19] =	ssyncadd.s32 $0xFFFFFC00  }
0x8d: {  	[tilespmem:s20], [sflag:$0x3] =	stream.linear.gather [hbm4b:s7+s4], $0x400, $0x38;
	[tilespmem:$0x1C800] =	vst v63  }
0x8e: {  	_ =	swait.ge [sflag:s19], $0x400  }
0x8f: {  	[sflag:s19] =	ssyncset.done $0x0  }
0x90: {  	[sflag:s19] =	ssyncadd.s32 $0xFFFFFC00  }
0x91: {  	[tilespmem:s18], [sflag:$0x1] =	stream.indirect.gather [hbm4b:s1+s21], $0x80, s4, s21, $0xb8;
	[tilespmem:$0x1C800] =	vst v63  }
0x92: {  	_ = 	snop  }
0x93: {  	[tilespmem:s22], [sflag:$0x2] =	stream.indirect.gather [hbm4b:s1+s21], $0x80, s21, s21, $0xb8;
	[tilespmem:$0x1C800] =	vst v63  }
0x94: {  	_ =	swait.ge [sflag:s23], $0x4000  }
0x95: {  	[sflag:s23] =	ssyncset.done $0x0  }
0x96: {  	[sflag:s23] =	ssyncadd.s32 $0xFFFFC000  }
0x97: {  	[spmem:s3] =	stream.indirect.scatter.add.f32 [tilespmem:s18], [sflag:$0x3], $0x80, s20, s21, $0xb8;
	[tilespmem:$0x1C800] =	vst v63  }
0x98: {  	_ =	swait.ge [sflag:s19], $0x4000  }
0x99: {  	[sflag:s19] =	ssyncset.done $0x0  }
0x9a: {  	[sflag:s19] =	ssyncadd.s32 $0xFFFFC000  }
0x9b: {  	[tilespmem:s18], [sflag:$0x1] =	stream.indirect.gather [hbm4b:s1+s21], $0x80, s24, s21, $0xb8;
	[tilespmem:$0x1C800] =	vst v63  }
0x9c: {  	_ =	swait.ge [sflag:s25], $0x4000  }
0x9d: {  	[sflag:s25] =	ssyncset.done $0x0  }
0x9e: {  	[sflag:s25] =	ssyncadd.s32 $0xFFFFC000  }
0x9f: {  	[spmem:s3] =	stream.indirect.scatter.add.f32 [tilespmem:s22], [sflag:$0x3], $0x80, s26, s21, $0xb8;
	[tilespmem:$0x1C800] =	vst v63  }
0xa0: {  	_ =	swait.ge [sflag:s19], $0x4000  }
0xa1: {  	[sflag:s19] =	ssyncset.done $0x0  }
0xa2: {  	[sflag:s19] =	ssyncadd.s32 $0xFFFFC000  }
0xa3: {  	[tilespmem:s22], [sflag:$0x2] =	stream.indirect.gather [hbm4b:s1+s21], $0x80, s28, s21, $0xb8;
	[tilespmem:$0x1C800] =	vst v63  }
0xa4: {  	_ =	swait.ge [sflag:s23], $0x4000  }
0xa5: {  	[sflag:s23] =	ssyncset.done $0x0  }
0xa6: {  	[sflag:s23] =	ssyncadd.s32 $0xFFFFC000  }
0xa7: {  	[spmem:s3] =	stream.indirect.scatter.add.f32 [tilespmem:s18], [sflag:$0x3], $0x80, s29, s21, $0xb8;
	[tilespmem:$0x1C800] =	vst v63  }
0xa8: {  	_ =	swait.ge [sflag:s19], $0x4000  }
0xa9: {  	[sflag:s19] =	ssyncset.done $0x0  }
0xaa: {  	[sflag:s19] =	ssyncadd.s32 $0xFFFFC000  }
0xab: {  	[tilespmem:s18], [sflag:$0x1] =	stream.indirect.gather [hbm4b:s1+s21], $0x80, s30, s21, $0xb8;
	[tilespmem:$0x1C800] =	vst v63  }
0xac: {  	_ =	swait.ge [sflag:s25], $0x4000  }
0xad: {  	[sflag:s25] =	ssyncset.done $0x0  }
0xae: {  	[sflag:s25] =	ssyncadd.s32 $0xFFFFC000  }
0xaf: {  	[spmem:s3] =	stream.indirect.scatter.add.f32 [tilespmem:s22], [sflag:$0x3], $0x80, s31, s21, $0xb8;
	[tilespmem:$0x1C800] =	vst v63  }
0xb0: {  	_ =	swait.ge [sflag:s19], $0x4000  }
0xb1: {  	[sflag:s19] =	ssyncset.done $0x0  }
0xb2: {  	[sflag:s19] =	ssyncadd.s32 $0xFFFFC000  }
0xb3: {  	[tilespmem:s22], [sflag:$0x2] =	stream.indirect.gather [hbm4b:s1+s21], $0x80, s2, s21, $0xb8;
	[tilespmem:$0x1C800] =	vst v63  }
0xb4: {  	_ =	swait.ge [sflag:s23], $0x4000  }
0xb5: {  	[sflag:s23] =	ssyncset.done $0x0  }
0xb6: {  	[sflag:s23] =	ssyncadd.s32 $0xFFFFC000  }
0xb7: {  	[spmem:s3] =	stream.indirect.scatter.add.f32 [tilespmem:s18], [sflag:$0x3], $0x80, s0, s21, $0xb8;
	[tilespmem:$0x1C800] =	vst v63  }
0xb8: {  	_ =	swait.ge [sflag:s19], $0x4000  }
0xb9: {  	[sflag:s19] =	ssyncset.done $0x0  }
0xba: {  	[sflag:s19] =	ssyncadd.s32 $0xFFFFC000  }
0xbb: {  	[tilespmem:s18], [sflag:$0x1] =	stream.indirect.gather [hbm4b:s1+s21], $0x80, s10, s21, $0xb8;
	[tilespmem:$0x1C800] =	vst v63  }
0xbc: {  	_ =	swait.ge [sflag:s25], $0x4000  }
0xbd: {  	[sflag:s25] =	ssyncset.done $0x0  }
0xbe: {  	[sflag:s25] =	ssyncadd.s32 $0xFFFFC000  }
0xbf: {  	[spmem:s3] =	stream.indirect.scatter.add.f32 [tilespmem:s22], [sflag:$0x3], $0x80, s11, s21, $0xb8;
	[tilespmem:$0x1C800] =	vst v63  }
0xc0: {  	_ =	swait.ge [sflag:s19], $0x4000  }
0xc1: {  	[sflag:s19] =	ssyncset.done $0x0  }
0xc2: {  	[sflag:s19] =	ssyncadd.s32 $0xFFFFC000  }
0xc3: {  	[tilespmem:s22], [sflag:$0x2] =	stream.indirect.gather [hbm4b:s1+s21], $0x80, s12, s21, $0xb8;
	[tilespmem:$0x1C800] =	vst v63  }
0xc4: {  	_ =	swait.ge [sflag:s23], $0x4000  }
0xc5: {  	[sflag:s23] =	ssyncset.done $0x0  }
0xc6: {  	[sflag:s23] =	ssyncadd.s32 $0xFFFFC000  }
0xc7: {  	[spmem:s3] =	stream.indirect.scatter.add.f32 [tilespmem:s18], [sflag:$0x3], $0x80, s13, s21, $0xb8;
	[tilespmem:$0x1C800] =	vst v63  }
0xc8: {  	_ =	swait.ge [sflag:s19], $0x4000  }
0xc9: {  	[sflag:s19] =	ssyncset.done $0x0  }
0xca: {  	[sflag:s19] =	ssyncadd.s32 $0xFFFFC000  }
0xcb: {  	_ =	swait.ge [sflag:s25], $0x4000  }
.Ltmp1:
0xcc: {  	[sflag:s25] =	ssyncset.done $0x0;
	(pc) =	sbr.rel @p0 .LBB2_4-.Ltmp1, $4  }
0xcd: {  	[sflag:s25] =	ssyncadd.s32 $0xFFFFC000  }
0xce: {  	[spmem:s3] =	stream.indirect.scatter.add.f32 [tilespmem:s22], [sflag:$0x3], $0x80, s14, s21, $0xb8;
	[tilespmem:$0x1C800] =	vst v63  }
0xcf: {  	_ =	swait.ge [sflag:s19], $0x4000  }
0xd0: {  	s7 =	smov.u32 s8;
	[sflag:s19] =	ssyncset.done $0x0  }
0xd1: {  	s5 =	sadd.s32 s6, s17;
	[sflag:s19] =	ssyncadd.s32 $0xFFFFC000  }
0xd2: {  	[tilespmem:s4], [sflag:$0x3] =	stream.linear.gather [hbm4b:s5+s4], $0x400, $0x38;
	[tilespmem:$0x1C800] =	vst v63  }
0xd3: {  	_ =	swait.ge [sflag:s19], $0x400  }
0xd4: {  	[sflag:s19] =	ssyncset.done $0x0  }
0xd5: {  	s7 =	sadd.s32 s6, s16;
	[sflag:s19] =	ssyncadd.s32 $0xFFFFFC00  }
0xd6: {  	[tilespmem:s20], [sflag:$0x3] =	stream.linear.gather [hbm4b:s7+s4], $0x400, $0x38;
	[tilespmem:$0x1C800] =	vst v63  }
0xd7: {  	_ =	swait.ge [sflag:s19], $0x400  }
0xd8: {  	[sflag:s19] =	ssyncset.done $0x0  }
0xd9: {  	[sflag:s19] =	ssyncadd.s32 $0xFFFFFC00  }
0xda: {  	[tilespmem:s18], [sflag:$0x1] =	stream.indirect.gather [hbm4b:s1+s21], $0x80, s4, s21, $0xb8;
	[tilespmem:$0x1C800] =	vst v63  }
0xdb: {  	_ = 	snop  }
0xdc: {  	[tilespmem:s22], [sflag:$0x2] =	stream.indirect.gather [hbm4b:s1+s21], $0x80, s21, s21, $0xb8;
	[tilespmem:$0x1C800] =	vst v63  }
0xdd: {  	_ =	swait.ge [sflag:s23], $0x4000  }
0xde: {  	[sflag:s23] =	ssyncset.done $0x0  }
0xdf: {  	[sflag:s23] =	ssyncadd.s32 $0xFFFFC000  }
0xe0: {  	[spmem:s3] =	stream.indirect.scatter.add.f32 [tilespmem:s18], [sflag:$0x3], $0x80, s20, s21, $0xb8;
	[tilespmem:$0x1C800] =	vst v63  }
0xe1: {  	_ =	swait.ge [sflag:s19], $0x4000  }
0xe2: {  	[sflag:s19] =	ssyncset.done $0x0  }
0xe3: {  	[sflag:s19] =	ssyncadd.s32 $0xFFFFC000  }
0xe4: {  	[tilespmem:s18], [sflag:$0x1] =	stream.indirect.gather [hbm4b:s1+s21], $0x80, s24, s21, $0xb8;
	[tilespmem:$0x1C800] =	vst v63  }
0xe5: {  	_ =	swait.ge [sflag:s25], $0x4000  }
0xe6: {  	[sflag:s25] =	ssyncset.done $0x0  }
0xe7: {  	[sflag:s25] =	ssyncadd.s32 $0xFFFFC000  }
0xe8: {  	[spmem:s3] =	stream.indirect.scatter.add.f32 [tilespmem:s22], [sflag:$0x3], $0x80, s26, s21, $0xb8;
	[tilespmem:$0x1C800] =	vst v63  }
0xe9: {  	_ =	swait.ge [sflag:s19], $0x4000  }
0xea: {  	[sflag:s19] =	ssyncset.done $0x0  }
0xeb: {  	[sflag:s19] =	ssyncadd.s32 $0xFFFFC000  }
0xec: {  	[tilespmem:s22], [sflag:$0x2] =	stream.indirect.gather [hbm4b:s1+s21], $0x80, s28, s21, $0xb8;
	[tilespmem:$0x1C800] =	vst v63  }
0xed: {  	_ =	swait.ge [sflag:s23], $0x4000  }
0xee: {  	[sflag:s23] =	ssyncset.done $0x0  }
0xef: {  	[sflag:s23] =	ssyncadd.s32 $0xFFFFC000  }
0xf0: {  	[spmem:s3] =	stream.indirect.scatter.add.f32 [tilespmem:s18], [sflag:$0x3], $0x80, s29, s21, $0xb8;
	[tilespmem:$0x1C800] =	vst v63  }
0xf1: {  	_ =	swait.ge [sflag:s19], $0x4000  }
0xf2: {  	[sflag:s19] =	ssyncset.done $0x0  }
0xf3: {  	[sflag:s19] =	ssyncadd.s32 $0xFFFFC000  }
0xf4: {  	[tilespmem:s18], [sflag:$0x1] =	stream.indirect.gather [hbm4b:s1+s21], $0x80, s30, s21, $0xb8;
	[tilespmem:$0x1C800] =	vst v63  }
0xf5: {  	_ =	swait.ge [sflag:s25], $0x4000  }
0xf6: {  	[sflag:s25] =	ssyncset.done $0x0  }
0xf7: {  	[sflag:s25] =	ssyncadd.s32 $0xFFFFC000  }
0xf8: {  	[spmem:s3] =	stream.indirect.scatter.add.f32 [tilespmem:s22], [sflag:$0x3], $0x80, s31, s21, $0xb8;
	[tilespmem:$0x1C800] =	vst v63  }
0xf9: {  	_ =	swait.ge [sflag:s19], $0x4000  }
0xfa: {  	[sflag:s19] =	ssyncset.done $0x0  }
0xfb: {  	[sflag:s19] =	ssyncadd.s32 $0xFFFFC000  }
0xfc: {  	[tilespmem:s22], [sflag:$0x2] =	stream.indirect.gather [hbm4b:s1+s21], $0x80, s2, s21, $0xb8;
	[tilespmem:$0x1C800] =	vst v63  }
0xfd: {  	_ =	swait.ge [sflag:s23], $0x4000  }
0xfe: {  	[sflag:s23] =	ssyncset.done $0x0  }
0xff: {  	[sflag:s23] =	ssyncadd.s32 $0xFFFFC000  }
0x100: {  	[spmem:s3] =	stream.indirect.scatter.add.f32 [tilespmem:s18], [sflag:$0x3], $0x80, s0, s21, $0xb8;
	[tilespmem:$0x1C800] =	vst v63  }
0x101: {  	_ =	swait.ge [sflag:s19], $0x4000  }
0x102: {  	[sflag:s19] =	ssyncset.done $0x0  }
0x103: {  	[sflag:s19] =	ssyncadd.s32 $0xFFFFC000  }
0x104: {  	[tilespmem:s18], [sflag:$0x1] =	stream.indirect.gather [hbm4b:s1+s21], $0x80, s10, s21, $0xb8;
	[tilespmem:$0x1C800] =	vst v63  }
0x105: {  	_ =	swait.ge [sflag:s25], $0x4000  }
0x106: {  	[sflag:s25] =	ssyncset.done $0x0  }
0x107: {  	[sflag:s25] =	ssyncadd.s32 $0xFFFFC000  }
0x108: {  	[spmem:s3] =	stream.indirect.scatter.add.f32 [tilespmem:s22], [sflag:$0x3], $0x80, s11, s21, $0xb8;
	[tilespmem:$0x1C800] =	vst v63  }
0x109: {  	_ =	swait.ge [sflag:s19], $0x4000  }
0x10a: {  	[sflag:s19] =	ssyncset.done $0x0  }
0x10b: {  	[sflag:s19] =	ssyncadd.s32 $0xFFFFC000  }
0x10c: {  	[tilespmem:s22], [sflag:$0x2] =	stream.indirect.gather [hbm4b:s1+s21], $0x80, s12, s21, $0xb8;
	[tilespmem:$0x1C800] =	vst v63  }
0x10d: {  	_ =	swait.ge [sflag:s23], $0x4000  }
0x10e: {  	[sflag:s23] =	ssyncset.done $0x0  }
0x10f: {  	[sflag:s23] =	ssyncadd.s32 $0xFFFFC000  }
0x110: {  	[spmem:s3] =	stream.indirect.scatter.add.f32 [tilespmem:s18], [sflag:$0x3], $0x80, s13, s21, $0xb8;
	[tilespmem:$0x1C800] =	vst v63  }
0x111: {  	_ =	swait.ge [sflag:s19], $0x4000  }
0x112: {  	[sflag:s19] =	ssyncset.done $0x0  }
0x113: {  	[sflag:s19] =	ssyncadd.s32 $0xFFFFC000  }
0x114: {  	_ =	swait.ge [sflag:s25], $0x4000  }
0x115: {  	[sflag:s25] =	ssyncset.done $0x0  }
0x116: {  	[sflag:s25] =	ssyncadd.s32 $0xFFFFC000  }
0x117: {  	[spmem:s3] =	stream.indirect.scatter.add.f32 [tilespmem:s22], [sflag:$0x3], $0x80, s14, s21, $0xb8;
	[tilespmem:$0x1C800] =	vst v63  }
0x118: {  	_ =	swait.ge [sflag:s19], $0x4000  }
0x119: {  	[sflag:s19] =	ssyncset.done $0x0  }
0x11a: {  	[sflag:s19] =	ssyncadd.s32 $0xFFFFC000  }
0x11b: {  	[bflag:$0x0] =	sbarrier.arrive $0xFFFF  }
0x11c: {  	s5 =	rddreg [dreg:$0x4]  }
0x11d: {  	[tilespmem:s18], [sflag:$0x3] =	stream.linear.gather [spmem:s5], $0x4000, $0x38;
	[tilespmem:$0x1C800] =	vst v63  }
0x11e: {  	_ =	swait.ge [sflag:s19], $0x4000  }
0x11f: {  	[sflag:s19] =	ssyncset.done $0x0  }
0x120: {  	s8 =	rddreg [dreg:$0x9];
	[sflag:s19] =	ssyncadd.s32 $0xFFFFC000  }
0x121: {  	[hbm4b:s8+s4] =	stream.linear.scatter [tilespmem:s18], [sflag:$0x3], $0x4000, $0x38;
	[tilespmem:$0x1C800] =	vst v63  }
0x122: {  	_ =	swait.ge [sflag:s19], $0x4000  }
0x123: {  	[sflag:s19] =	ssyncset.done $0x0  }
0x124: {  	s8 =	rddreg [dreg:$0x5];
	[sflag:s19] =	ssyncadd.s32 $0xFFFFC000  }
0x125: {  	[tilespmem:s18], [sflag:$0x3] =	stream.linear.gather [spmem:s8], $0x4000, $0x38;
	[tilespmem:$0x1C800] =	vst v63  }
0x126: {  	_ =	swait.ge [sflag:s19], $0x4000  }
0x127: {  	[sflag:s19] =	ssyncset.done $0x0  }
0x128: {  	s9 =	rddreg [dreg:$0xa];
	[sflag:s19] =	ssyncadd.s32 $0xFFFFC000  }
0x129: {  	[hbm4b:s9+s4] =	stream.linear.scatter [tilespmem:s18], [sflag:$0x3], $0x4000, $0x38;
	[tilespmem:$0x1C800] =	vst v63  }
0x12a: {  	_ =	swait.ge [sflag:s19], $0x4000  }
0x12b: {  	[sflag:s19] =	ssyncset.done $0x0  }
0x12c: {  	s9 =	rddreg [dreg:$0x6];
	[sflag:s19] =	ssyncadd.s32 $0xFFFFC000  }
0x12d: {  	[tilespmem:s18], [sflag:$0x3] =	stream.linear.gather [spmem:s9], $0x4000, $0x38;
	[tilespmem:$0x1C800] =	vst v63  }
0x12e: {  	_ =	swait.ge [sflag:s19], $0x4000  }
0x12f: {  	[sflag:s19] =	ssyncset.done $0x0  }
0x130: {  	s7 =	rddreg [dreg:$0xb];
	[sflag:s19] =	ssyncadd.s32 $0xFFFFC000  }
0x131: {  	[hbm4b:s7+s4] =	stream.linear.scatter [tilespmem:s18], [sflag:$0x3], $0x4000, $0x38;
	[tilespmem:$0x1C800] =	vst v63  }
0x132: {  	_ =	swait.ge [sflag:s19], $0x4000  }
0x133: {  	[sflag:s19] =	ssyncset.done $0x0  }
0x134: {  	s7 =	rddreg [dreg:$0x7];
	[sflag:s19] =	ssyncadd.s32 $0xFFFFC000  }
0x135: {  	[tilespmem:s18], [sflag:$0x3] =	stream.linear.gather [spmem:s7], $0x4000, $0x38;
	[tilespmem:$0x1C800] =	vst v63  }
0x136: {  	_ =	swait.ge [sflag:s19], $0x4000  }
0x137: {  	[sflag:s19] =	ssyncset.done $0x0  }
0x138: {  	s7 =	rddreg [dreg:$0xc];
	[sflag:s19] =	ssyncadd.s32 $0xFFFFC000  }
0x139: {  	[hbm4b:s7+s4] =	stream.linear.scatter [tilespmem:s18], [sflag:$0x3], $0x4000, $0x38;
	[tilespmem:$0x1C800] =	vst v63  }
0x13a: {  	_ =	swait.ge [sflag:s19], $0x4000  }
0x13b: {  	[sflag:s19] =	ssyncset.done $0x0  }
0x13c: {  	s7 =	rddreg [dreg:$0x8];
	[sflag:s19] =	ssyncadd.s32 $0xFFFFC000  }
0x13d: {  	[tilespmem:s18], [sflag:$0x3] =	stream.linear.gather [spmem:s7], $0x4000, $0x38;
	[tilespmem:$0x1C800] =	vst v63  }
0x13e: {  	_ =	swait.ge [sflag:s19], $0x4000  }
0x13f: {  	[sflag:s19] =	ssyncset.done $0x0  }
0x140: {  	s7 =	rddreg [dreg:$0xd];
	[sflag:s19] =	ssyncadd.s32 $0xFFFFC000  }
0x141: {  	[hbm4b:s7+s4] =	stream.linear.scatter [tilespmem:s18], [sflag:$0x3], $0x4000, $0x38;
	[tilespmem:$0x1C800] =	vst v63  }
0x142: {  	_ =	swait.ge [sflag:s19], $0x4000  }
0x143: {  	s15 =	sadd.s32 $0x1, s15;
	s7 =	rddreg [dreg:$0xe]  }
0x144: {  	p0 =	sne.s32 s15, s7  }
.Ltmp2:
0x145: {  	_ = 	snop;
	(pc) =	sbr.rel @p0 .LBB2_1-.Ltmp2, $3  }
0x146: {  	_ =	sdelay $0x1  }
0x147: {  	[sflag:s19] =	ssyncset.done $0x0  }
0x148: {  	[sflag:s19] =	ssyncadd.s32 $0xFFFFC000  }
0x149: {  	_ =	sfence.sel $0x180000  }
0x14a: {  	[bflag:$0x0] =	sbarrier.arrive $0xFFFF  }
0x14b: {  	_ =	strace $0x90000050  }
0x14c: {  	s0 =	stileid.u32;
	[bflag:$0x2] =	sbarrier.arrive $0xFFFF  }
0x14d: {  	p0 =	sne.s32 s0, $0x0;
	s0 =	rddreg [dreg:$0x3]  }
0x14e: {  	s0 =	sadd.s32 @!p0 $0x100000, s0  }
0x14f: {  	[sflag:s0] =	ssyncadd.tile.s32 @!p0 $0x1;
	_ =	shalt  }
.Lfunc_end2:
_tile_overlayer_lowered:
.L_overlay_start_2:
0x150: {  	(tag) =	ssettag $0x2  }
0x151: {  	s0 =	rddreg [dreg:$0x0];
	s2 =	stileid.u32  }
0x152: {  	s1 =	rddreg [dreg:$0x1];
	p0 =	sne.s32 s2, $0x0  }
0x153: {  	s3 =	rddreg [dreg:$0x2];
	[bflag:$0x3] =	sbarrier.arrive $0xFFFF;
	s2 =	simm.s32 @!p0 $0x1C03  }
0x154: {  	[timem:s3], [sflag:s2] =	dma.local @!p0 [hbm:s0], s1  }
0x155: {  	s0 =	simm.s32 @!p0 $0x3  }
0x156: {  	_ =	swait.ge @!p0 [sflag:s0], s1  }
0x157: {  	s1 =	ssub.s32 @!p0 $0x0, s1;
	[sflag:s0] =	ssyncset.done @!p0 $0x0  }
0x158: {  	[sflag:s0] =	ssyncadd.s32 @!p0 s1  }
0x159: {  	[bflag:$0x3] =	sbarrier.arrive $0xFFFF  }
0x15a: {  	_ =	shalt  }

// kernel: sc_segment_sum.5.cloned.1.call-start
scs
__scs_entry_jumppad:
0x0: {  	(pc) =	sbr.rel $0x88, $3  }
0x1: {  	(tag) =	ssettag $0x0;
	lr =	simm.s32 $0x1  }
0x2: {  	[smem:$0x3F96] =	sst lr;
	_ =	strace $0xD0000000  }
0x3: {  	_ = 	snop  }
0x4: {  	_ = 	snop  }
0x5: {  	_ = 	snop  }
0x6: {  	_ = 	snop  }
0x7: {  	_ = 	snop  }
__scs_overlays_trampoline_lowered:
0x8: {  	[smem:$0x3FA5] =	sst s0  }
0x9: {  	[smem:$0x3FA6] =	sst s1  }
0xa: {  	[smem:$0x3FA7] =	sst s2  }
0xb: {  	[smem:$0x3FA8] =	sst s3  }
0xc: {  	[smem:$0x3FA9] =	sst s4  }
0xd: {  	[smem:$0x3FAA] =	sst s5  }
0xe: {  	[smem:$0x3FAB] =	sst s6  }
0xf: {  	[smem:$0x3FAC] =	sst s7  }
0x10: {  	[smem:$0x3FAD] =	sst s8  }
0x11: {  	[smem:$0x3FAE] =	sst s9;
	s0 =	simm.s32 @!p0 $0x0  }
0x12: {  	s1 =	sld [smem:$0x3F94];
	s0 =	simm.s32 @p0 $0x1  }
0x13: {  	[smem:$0x3FAF] =	sst s0;
	s0 =	simm.s32 @!p1 $0x0  }
0x14: {  	s2 =	sld [smem:$0x3F93];
	s0 =	simm.s32 @p1 $0x1  }
0x15: {  	[smem:$0x3FB0] =	sst s0;
	s0 =	simm.s32 @!p2 $0x0  }
0x16: {  	s3 =	sld [smem:$0x3FDB];
	s0 =	simm.s32 @p2 $0x1  }
0x17: {  	s4 =	simm.s32 $0x1BF5;
	[smem:$0x3FB2] =	sst s0  }
0x18: {  	s0 =	sld [smem:$0x3F95];
	_ =	swait.ge [sflag:s4], $0x0  }
0x19: {  	s7 =	sld [smem:$0x3F96]  }
0x1a: {  	s8 =	sadd.s32 $0xFFFFE003, lr  }
0x1b: {  	s9 =	sadd.s32 $0xFFFFFEF7, lr;
	s5 =	simm.s32 $0xFFFFFFFF;
	p2 =	slt.u32 s8, $0xFFFFF086  }
0x1c: {  	p1 =	slt.u32 s9, $0xF7A;
	s5 =	simm.s32 @!p2 $0x0  }
0x1d: {  	s5 =	simm.s32 @p1 $0x1;
	p0 =	seq.s32 s7, s2  }
0x1e: {  	s7 =	smul.u32 @!p0 $0xF7A, s2;
	p2 =	seq.s32 @!p0 s5, $0x0  }
0x1f: {  	s9 =	smul.u32 $0xF7A, s1;
	s8 =	simm.s32 @!p0 $0x1BF5;
	p2 =	por !p2, p0  }
0x20: {  	[sflag:s8] =	ssyncset.s32 @!p0 $0xFFFFF086;
	s6 =	sadd.s32 @!p0 s3, s7;
	s7 =	simm.s32 @!p0 $0x108  }
0x21: {  	s3 =	sadd.s32 s3, s9;
	s6 =	sadd.s32 @!p0 $0x88, s6;
	s7 =	simm.s32 @p2 $0x1082  }
0x22: {  	[simem:s7], [sflag:s8] =	dma.local @!p0 [hbm:s6], $0xF7A  }
0x23: {  	s9 =	sor.u32 $0xD0000000, s2;
	s6 =	simm.s32 $0x108;
	_ =	swait.ge @!p0 [sflag:s8], $0x0  }
0x24: {  	s3 =	sadd.s32 $0x88, s3;
	s6 =	simm.s32 @!p1 $0x1082;
	[sflag:s4] =	ssyncset.s32 $0xFFFFF086  }
0x25: {  	[simem:s6], [sflag:s4] =	dma.local [hbm:s3], $0xF7A  }
0x26: {  	[smem:$0x3F96] =	sst s1;
	(tag) =	ssettag s2;
	_ =	strace s9  }
0x27: {  	s1 =	sld [smem:$0x3FA6]  }
0x28: {  	s2 =	sld [smem:$0x3FA7]  }
0x29: {  	s4 =	sld [smem:$0x3FA9]  }
0x2a: {  	p0 =	seq.s32 s5, $0x0;
	s5 =	sld [smem:$0x3FAA]  }
0x2b: {  	s6 =	sld [smem:$0x3FAB]  }
0x2c: {  	s7 =	sld [smem:$0x3FAC]  }
0x2d: {  	s3 =	simm.s32 $0x108;
	s8 =	sld [smem:$0x3FAD]  }
0x2e: {  	s3 =	simm.s32 @!p0 $0x1082;
	s9 =	sld [smem:$0x3FAE]  }
0x2f: {  	lr =	sadd.s32 s0, s3;
	s0 =	sld [smem:$0x3FA5]  }
0x30: {  	s3 =	sld [smem:$0x3FA8]  }
0x31: {  	[smem:$0x3FB1] =	sst s10  }
0x32: {  	s10 =	sld [smem:$0x3FAF];
	_ =	sdelay $0x3  }
0x33: {  	p0 =	seq.s32 s10, $0x1;
	s10 =	sld [smem:$0x3FB1];
	_ =	sdelay $0x3  }
0x34: {  	[smem:$0x3FB1] =	sst s10  }
0x35: {  	s10 =	sld [smem:$0x3FB0];
	_ =	sdelay $0x3  }
0x36: {  	p1 =	seq.s32 s10, $0x1;
	s10 =	sld [smem:$0x3FB1];
	_ =	sdelay $0x3  }
0x37: {  	[smem:$0x3FB1] =	sst s10  }
0x38: {  	s10 =	sld [smem:$0x3FB2]  }
0x39: {  	_ = 	snop;
	(pc) =	sbr.ind lr, $3  }
0x3a: {  	_ = 	snop  }
0x3b: {  	_ = 	snop  }
0x3c: {  	p2 =	seq.s32 s10, $0x1;
	s10 =	sld [smem:$0x3FB1]  }
0x3d: {  	_ =	shalt  }
0x3e: {  	_ =	shalt  }
0x3f: {  	_ =	shalt  }
0x40: {  	_ =	shalt  }
0x41: {  	_ =	shalt  }
0x42: {  	_ =	shalt  }
0x43: {  	_ =	shalt  }
0x44: {  	_ =	shalt  }
0x45: {  	_ =	shalt  }
0x46: {  	_ =	shalt  }
0x47: {  	_ =	shalt  }
0x48: {  	_ =	shalt  }
0x49: {  	_ =	shalt  }
0x4a: {  	_ =	shalt  }
0x4b: {  	_ =	shalt  }
0x4c: {  	_ =	shalt  }
0x4d: {  	_ =	shalt  }
0x4e: {  	_ =	shalt  }
0x4f: {  	_ =	shalt  }
0x50: {  	_ =	shalt  }
0x51: {  	_ =	shalt  }
0x52: {  	_ =	shalt  }
0x53: {  	_ =	shalt  }
0x54: {  	_ =	shalt  }
0x55: {  	_ =	shalt  }
0x56: {  	_ =	shalt  }
0x57: {  	_ =	shalt  }
0x58: {  	_ =	shalt  }
0x59: {  	_ =	shalt  }
0x5a: {  	_ =	shalt  }
0x5b: {  	_ =	shalt  }
0x5c: {  	_ =	shalt  }
0x5d: {  	_ =	shalt  }
0x5e: {  	_ =	shalt  }
0x5f: {  	_ =	shalt  }
0x60: {  	_ =	shalt  }
0x61: {  	_ =	shalt  }
0x62: {  	_ =	shalt  }
0x63: {  	_ =	shalt  }
0x64: {  	_ =	shalt  }
0x65: {  	_ =	shalt  }
0x66: {  	_ =	shalt  }
0x67: {  	_ =	shalt  }
0x68: {  	_ =	shalt  }
0x69: {  	_ =	shalt  }
0x6a: {  	_ =	shalt  }
0x6b: {  	_ =	shalt  }
0x6c: {  	_ =	shalt  }
0x6d: {  	_ =	shalt  }
0x6e: {  	_ =	shalt  }
0x6f: {  	_ =	shalt  }
0x70: {  	_ =	shalt  }
0x71: {  	_ =	shalt  }
0x72: {  	_ =	shalt  }
0x73: {  	_ =	shalt  }
0x74: {  	_ =	shalt  }
0x75: {  	_ =	shalt  }
0x76: {  	_ =	shalt  }
0x77: {  	_ =	shalt  }
0x78: {  	_ =	shalt  }
0x79: {  	_ =	shalt  }
0x7a: {  	_ =	shalt  }
0x7b: {  	_ =	shalt  }
0x7c: {  	_ =	shalt  }
0x7d: {  	_ =	shalt  }
0x7e: {  	_ =	shalt  }
0x7f: {  	_ =	shalt  }
0x80: {  	_ =	shalt  }
0x81: {  	_ =	shalt  }
0x82: {  	_ =	shalt  }
0x83: {  	_ =	shalt  }
0x84: {  	_ =	shalt  }
0x85: {  	_ =	shalt  }
0x86: {  	_ =	shalt  }
0x87: {  	_ =	shalt  }
.Lfunc_end0:
.L_simem_size_0:
called_computation.1_lowered:
.L_overlay_start_0:
0x88: {  	s2 =	sld [smem:$0x3FD9]  }
0x89: {  	s3 =	sld [smem:$0x3FFE];
	_ =	sdelay $0x1  }
0x8a: {  	s1 =	srdreg.scid  }
0x8b: {  	s0 =	sand.u32 $0x1, s1  }
0x8c: {  	s17 =	sshll.u32 s0, $0xA;
	s2 =	sadd.s32 s3, s2  }
0x8d: {  	s2 =	sadd.s32 s2, s17  }
0x8e: {  	[smem:$0x3FBD] =	sst s2  }
0x8f: {  	_ = 	snop  }
0x90: {  	s2 =	sld [smem:$0x3FD0];
	(tm) =	ssettm $0x1  }
0x91: {  	s18 =	sld [smem:$0x3FFB];
	_ =	sdelay $0x3  }
0x92: {  	_ =	strace s18  }
0x93: {  	s3 =	sld [smem:$0x3FFC];
	_ =	sdelay $0x3  }
0x94: {  	_ =	strace s3  }
0x95: {  	s3 =	sld [smem:$0x3FFD];
	_ =	sdelay $0x3  }
0x96: {  	_ =	strace s3  }
0x97: {  	_ =	strace $0x8FFFFFFF  }
0x98: {  	s19 =	sld [smem:$0x3FDB];
	_ =	sdelay $0x1  }
0x99: {  	s4 =	simm.s32 $_scs_section_size  }
0x9a: {  	s5 =	simm.s32 $_size__tile_overlayer_lowered;
	s6 =	simm.s32 $_tile_overlayer_lowered  }
0x9b: {  	s22 =	simm.s32 $0x1BFF;
	s21 =	sshll.u32 s6, $0x1;
	s3 =	sadd.s32 s4, s19  }
0x9c: {  	s7 =	simm.s32 $0x0;
	s20 =	sshll.u32 s5, $0x1;
	s5 =	sadd.s32 s21, s3  }
0x9d: {  	[timem:s7], [sflag:s22] =	dma.local [hbm:s5], s20  }
0x9e: {  	_ =	swait.ge [sflag:s22], s20  }
0x9f: {  	s4 =	ssub.s32 $0x0, s20;
	[sflag:s22] =	ssyncset.done $0x0  }
0xa0: {  	[sflag:s22] =	ssyncadd.s32 s4;
	_ =	sdelay $0x1  }
0xa1: {  	s23 =	simm.s32 $0x1B8B  }
0xa2: {  	_ =	swait.ge [sflag:s23], $0x1  }
0xa3: {  	[sflag:s23] =	ssyncset.done $0x0  }
0xa4: {  	s25 =	simm.s32 $0x1B8E;
	s24 =	sld [smem:$0x3FFE];
	[sflag:s23] =	ssyncadd.s32 $0xFFFFFFFF  }
0xa5: {  	s26 =	simm.s32 $execute0_lowered;
	[smem:$0x3FD2] =	sst s25  }
0xa6: {  	s5 =	sshll.u32 s26, $0x1;
	_ =	strace $0x80000046;
	[dreg:$0x1] =	wrdreg $0xFFFFFFFF  }
0xa7: {  	s28 =	simm.s32 $_size_execute0_lowered;
	s3 =	sadd.s32 s3, s5;
	[dreg:$0x0] =	wrdreg $0x0  }
0xa8: {  	s5 =	sshll.u32 s28, $0x1;
	[dreg:$0x2] =	wrdreg s3  }
0xa9: {  	[dreg:$0x3] =	wrdreg s5  }
0xaa: {  	[dreg:$0x4] =	wrdreg $0xC0  }
0xab: {  	_ =	task [dreg:s7], $0x5FFFF  }
0xac: {  	[dreg:$0x1] =	wrdreg $0xFFFFFFFF  }
0xad: {  	[dreg:$0x0] =	wrdreg $0x60  }
0xae: {  	[dreg:$0x2] =	wrdreg s2  }
0xaf: {  	[dreg:$0x3] =	wrdreg s24  }
0xb0: {  	[dreg:$0x4] =	wrdreg $0x88000  }
0xb1: {  	[dreg:$0x5] =	wrdreg $0xA  }
0xb2: {  	_ =	task.clear_ibuf [dreg:s7], $0x6FFFF;
	_ =	strace $0x90000046  }
0xb3: {  	s29 =	simm.s32 $0xA;
	_ =	strace $0x80000048  }
0xb4: {  	_ =	swait.ge [sflag:s29], $0x1  }
0xb5: {  	[sflag:s29] =	ssyncadd.s32 $0xFFFFFFFF  }
0xb6: {  	_ =	strace $0x90000048  }
0xb7: {  	_ =	sfence  }
0xb8: {  	s30 =	sld [smem:$0x0];
	_ =	sdelay $0x2  }
0xb9: {  	s31 =	sshll.u32 s1, $0xD;
	s1 =	sshrl.u32 s1, $0x2  }
0xba: {  	s3 =	sand.u32 $0x4000, s31;
	s1 =	sadd.s32 s1, s30  }
0xbb: {  	s0 =	sor.u32 s3, s0;
	s1 =	sshll.u32 s1, $0x11  }
0xbc: {  	s0 =	sor.u32 s1, s0  }
0xbd: {  	s0 =	sadd.s32 $0x8F2B, s0  }
0xbe: {  	[sflag:s0] =	ssyncadd.remote.s32 $0x1  }
0xbf: {  	_ =	sfence.sel $0xFFFF  }
0xc0: {  	[dreg:$0x0] =	wrdreg $0xFFFFFFFF;
	(pc) =	sbr.abs _section_cstart, $3  }
0xc1: {  	[dreg:$0x1] =	wrdreg $0xFFFFFFFF  }
0xc2: {  	_ =	task.clear_ibuf [dreg:s7], $0x2FFFF;
	_ =	strace $0x9FFFFFFF  }
0xc3: {  	(tm) =	ssettm $0x7FFFFFFF  }
tec
execute0_lowered:
.L_overlay_start_1:
0x0: {  	(tag) =	ssettag $0x1  }
0x1: {  	s1 =	rddreg [dreg:$0x0]  }
0x2: {  	s0 =	srdreg.scid;
	s2 =	rddreg [dreg:$0x1]  }
0x3: {  	s8 =	stileid.u32;
	s3 =	rddreg [dreg:$0x2];
	s4 =	simm.s32 $0x0  }
0x4: {  	s28 =	simm.s32 $0x180;
	s29 =	simm.s32 $0x500;
	s30 =	simm.s32 $0x200  }
0x5: {  	s31 =	simm.s32 $0x580;
	s11 =	simm.s32 $0x680;
	s6 =	smul.u32 $0x2800, s8  }
0x6: {  	s12 =	simm.s32 $0x380;
	s13 =	simm.s32 $0x700;
	s7 =	smul.u32 $0x280, s8  }
0x7: {  	s14 =	simm.s32 $0x780;
	s0 =	sand.u32 $0x1, s0;
	s8 =	smul.u32 $0x50000, s8  }
0x8: {  	s15 =	simm.s32 $0x0;
	[smem:$0x7FF] =	sst s4;
	s5 =	smul.u32 $0x28000, s0  }
0x9: {  	s17 =	smul.u32 $0x2800, s0;
	_ =	strace $0x80000047;
	s0 =	ssub.s32 $0x2, s0  }
0xa: {  	s19 =	sshrl.u32 s0, $0x1;
	s20 =	sshrl.u32 s8, $0x2;
	s5 =	sadd.s32 s6, s5  }
0xb: {  	s18 =	sadd.s32 s7, s17;
	s0 =	ssub.s32 s0, s19;
	s5 =	sshrl.u32 s5, $0x3  }
0xc: {  	s0 =	smax.u32 s0, $0x1;
	s10 =	sadd.s32 s5, s2;
	s5 =	sshll.u32 s18, $0x4  }
0xd: {  	[dreg:$0xe] =	wrdreg s0;
	s2 =	sadd.s32 s5, s2;
	s5 =	sadd.s32 s20, s3  }
0xe: {  	s19 =	simm.s32 $0x3;
	s21 =	sadd.s32 $0xC000, s5;
	[dreg:$0x4] =	wrdreg s5  }
0xf: {  	s18 =	simm.s32 $0x800;
	s22 =	sadd.s32 $0x10000, s5;
	[dreg:$0x7] =	wrdreg s21  }
0x10: {  	s0 =	simm.s32 $0x600;
	s23 =	sadd.s32 $0x17000, s2;
	[dreg:$0x8] =	wrdreg s22  }
0x11: {  	s16 =	sadd.s32 $0xD000, s10;
	s24 =	sadd.s32 $0x17800, s2;
	[dreg:$0x9] =	wrdreg s23  }
0x12: {  	s17 =	sadd.s32 $0x3000, s10;
	s25 =	sadd.s32 $0x18000, s2;
	[dreg:$0xa] =	wrdreg s24  }
0x13: {  	s20 =	simm.s32 $0x400;
	s26 =	sadd.s32 $0x18800, s2;
	[dreg:$0xb] =	wrdreg s25  }
0x14: {  	s10 =	simm.s32 $0x300;
	s2 =	sadd.s32 $0x19000, s2;
	[dreg:$0xc] =	wrdreg s26  }
0x15: {  	s8 =	sadd.s32 $0x4000, s5;
	s9 =	sadd.s32 $0x8000, s5;
	[dreg:$0xd] =	wrdreg s2  }
0x16: {  	s21 =	simm.s32 $0x80;
	s22 =	simm.s32 $0x4800;
	s23 =	simm.s32 $0x1  }
0x17: {  	s24 =	simm.s32 $0x100;
	s25 =	simm.s32 $0x2;
	[dreg:$0x5] =	wrdreg s8  }
0x18: {  	v0 =	vimm.f32 $0.0e+00;
	s26 =	simm.s32 $0x480;
	s2 =	simm.s32 $0x280;
	[dreg:$0x6] =	wrdreg s9  }
.LBB2_1:
0x19: {  	s6 =	simm.s32 $0x0;
	s7 =	simm.s32 $0x200  }
.LBB2_2:
0x1a: {  	p0 =	sne.s32 s7, $0xFE00;
	[tilespmem:s6+$0x870] =	vst v0  }
0x1b: {  	[tilespmem:s6+$0x800] =	vst v0  }
0x1c: {  	[tilespmem:s6+$0x810] =	vst v0  }
.Ltmp0:
0x1d: {  	[tilespmem:s6+$0x820] =	vst v0;
	(pc) =	sbr.rel @p0 .LBB2_2-.Ltmp0, $4  }
0x1e: {  	[tilespmem:s6+$0x830] =	vst v0  }
0x1f: {  	[tilespmem:s6+$0x840] =	vst v0  }
0x20: {  	[tilespmem:s6+$0x850] =	vst v0  }
0x21: {  	[tilespmem:s6+$0x860] =	vst v0;
	s6 =	sshra.s32 s7, $0x2;
	s7 =	sadd.s32 $0x200, s7  }
0x22: {  	[tilespmem:s6+$0x870] =	vst v0  }
0x23: {  	[tilespmem:s6+$0x800] =	vst v0  }
0x24: {  	[tilespmem:s6+$0x810] =	vst v0  }
0x25: {  	[tilespmem:s6+$0x820] =	vst v0  }
0x26: {  	[tilespmem:s6+$0x830] =	vst v0  }
0x27: {  	[tilespmem:s6+$0x840] =	vst v0  }
0x28: {  	[tilespmem:s6+$0x850] =	vst v0  }
0x29: {  	[tilespmem:s6+$0x860] =	vst v0  }
0x2a: {  	[spmem:s5] =	stream.linear.scatter [tilespmem:s18], [sflag:$0x3], $0x4000, $0x38;
	[tilespmem:$0x1C800] =	vst v63  }
0x2b: {  	_ =	swait.ge [sflag:s19], $0x4000  }
0x2c: {  	[sflag:s19] =	ssyncset.done $0x0  }
0x2d: {  	[sflag:s19] =	ssyncadd.s32 $0xFFFFC000  }
0x2e: {  	[spmem:s8] =	stream.linear.scatter [tilespmem:s18], [sflag:$0x3], $0x4000, $0x38;
	[tilespmem:$0x1C800] =	vst v63  }
0x2f: {  	_ =	swait.ge [sflag:s19], $0x4000  }
0x30: {  	[sflag:s19] =	ssyncset.done $0x0  }
0x31: {  	[sflag:s19] =	ssyncadd.s32 $0xFFFFC000  }
0x32: {  	[spmem:s9] =	stream.linear.scatter [tilespmem:s18], [sflag:$0x3], $0x4000, $0x38;
	[tilespmem:$0x1C800] =	vst v63  }
0x33: {  	_ =	swait.ge [sflag:s19], $0x4000  }
0x34: {  	[sflag:s19] =	ssyncset.done $0x0  }
0x35: {  	s6 =	rddreg [dreg:$0x7];
	[sflag:s19] =	ssyncadd.s32 $0xFFFFC000  }
0x36: {  	[spmem:s6] =	stream.linear.scatter [tilespmem:s18], [sflag:$0x3], $0x4000, $0x38;
	[tilespmem:$0x1C800] =	vst v63  }
0x37: {  	_ =	swait.ge [sflag:s19], $0x4000  }
0x38: {  	[sflag:s19] =	ssyncset.done $0x0  }
0x39: {  	s7 =	rddreg [dreg:$0x8];
	[sflag:s19] =	ssyncadd.s32 $0xFFFFC000  }
0x3a: {  	[spmem:s7] =	stream.linear.scatter [tilespmem:s18], [sflag:$0x3], $0x4000, $0x38;
	[tilespmem:$0x1C800] =	vst v63  }
0x3b: {  	_ =	swait.ge [sflag:s19], $0x4000  }
0x3c: {  	[sflag:s19] =	ssyncset.done $0x0  }
0x3d: {  	[sflag:s19] =	ssyncadd.s32 $0xFFFFC000  }
0x3e: {  	s8 =	sadd.s32 $0x0, s17;
	[bflag:$0x0] =	sbarrier.arrive $0xFFFF  }
0x3f: {  	[tilespmem:s4], [sflag:$0x3] =	stream.linear.gather [hbm4b:s8+s4], $0x400, $0x38;
	[tilespmem:$0x1C800] =	vst v63  }
0x40: {  	_ =	swait.ge [sflag:s19], $0x400  }
0x41: {  	[sflag:s19] =	ssyncset.done $0x0  }
0x42: {  	s9 =	sadd.s32 $0x0, s16;
	[sflag:s19] =	ssyncadd.s32 $0xFFFFFC00  }
0x43: {  	[tilespmem:s20], [sflag:$0x3] =	stream.linear.gather [hbm4b:s9+s4], $0x400, $0x38;
	[tilespmem:$0x1C800] =	vst v63  }
0x44: {  	_ =	swait.ge [sflag:s19], $0x400  }
0x45: {  	[sflag:s19] =	ssyncset.done $0x0  }
0x46: {  	[sflag:s19] =	ssyncadd.s32 $0xFFFFFC00  }
0x47: {  	[tilespmem:s18], [sflag:$0x1] =	stream.indirect.gather [hbm4b:s1+s21], $0x80, s4, s21, $0xb8;
	[tilespmem:$0x1C800] =	vst v63  }
0x48: {  	_ = 	snop  }
0x49: {  	[tilespmem:s22], [sflag:$0x2] =	stream.indirect.gather [hbm4b:s1+s21], $0x80, s21, s21, $0xb8;
	[tilespmem:$0x1C800] =	vst v63  }
0x4a: {  	_ =	swait.ge [sflag:s23], $0x4000  }
0x4b: {  	[sflag:s23] =	ssyncset.done $0x0  }
0x4c: {  	[sflag:s23] =	ssyncadd.s32 $0xFFFFC000  }
0x4d: {  	[spmem:s3] =	stream.indirect.scatter.add.f32 [tilespmem:s18], [sflag:$0x3], $0x80, s20, s21, $0xb8;
	[tilespmem:$0x1C800] =	vst v63  }
0x4e: {  	_ =	swait.ge [sflag:s19], $0x4000  }
0x4f: {  	[sflag:s19] =	ssyncset.done $0x0  }
0x50: {  	[sflag:s19] =	ssyncadd.s32 $0xFFFFC000  }
0x51: {  	[tilespmem:s18], [sflag:$0x1] =	stream.indirect.gather [hbm4b:s1+s21], $0x80, s24, s21, $0xb8;
	[tilespmem:$0x1C800] =	vst v63  }
0x52: {  	_ =	swait.ge [sflag:s25], $0x4000  }
0x53: {  	[sflag:s25] =	ssyncset.done $0x0  }
0x54: {  	[sflag:s25] =	ssyncadd.s32 $0xFFFFC000  }
0x55: {  	[spmem:s3] =	stream.indirect.scatter.add.f32 [tilespmem:s22], [sflag:$0x3], $0x80, s26, s21, $0xb8;
	[tilespmem:$0x1C800] =	vst v63  }
0x56: {  	_ =	swait.ge [sflag:s19], $0x4000  }
0x57: {  	[sflag:s19] =	ssyncset.done $0x0  }
0x58: {  	[sflag:s19] =	ssyncadd.s32 $0xFFFFC000  }
0x59: {  	[tilespmem:s22], [sflag:$0x2] =	stream.indirect.gather [hbm4b:s1+s21], $0x80, s28, s21, $0xb8;
	[tilespmem:$0x1C800] =	vst v63  }
0x5a: {  	_ =	swait.ge [sflag:s23], $0x4000  }
0x5b: {  	[sflag:s23] =	ssyncset.done $0x0  }
0x5c: {  	[sflag:s23] =	ssyncadd.s32 $0xFFFFC000  }
0x5d: {  	[spmem:s3] =	stream.indirect.scatter.add.f32 [tilespmem:s18], [sflag:$0x3], $0x80, s29, s21, $0xb8;
	[tilespmem:$0x1C800] =	vst v63  }
0x5e: {  	_ =	swait.ge [sflag:s19], $0x4000  }
0x5f: {  	[sflag:s19] =	ssyncset.done $0x0  }
0x60: {  	[sflag:s19] =	ssyncadd.s32 $0xFFFFC000  }
0x61: {  	[tilespmem:s18], [sflag:$0x1] =	stream.indirect.gather [hbm4b:s1+s21], $0x80, s30, s21, $0xb8;
	[tilespmem:$0x1C800] =	vst v63  }
0x62: {  	_ =	swait.ge [sflag:s25], $0x4000  }
0x63: {  	[sflag:s25] =	ssyncset.done $0x0  }
0x64: {  	[sflag:s25] =	ssyncadd.s32 $0xFFFFC000  }
0x65: {  	[spmem:s3] =	stream.indirect.scatter.add.f32 [tilespmem:s22], [sflag:$0x3], $0x80, s31, s21, $0xb8;
	[tilespmem:$0x1C800] =	vst v63  }
0x66: {  	_ =	swait.ge [sflag:s19], $0x4000  }
0x67: {  	[sflag:s19] =	ssyncset.done $0x0  }
0x68: {  	[sflag:s19] =	ssyncadd.s32 $0xFFFFC000  }
0x69: {  	[tilespmem:s22], [sflag:$0x2] =	stream.indirect.gather [hbm4b:s1+s21], $0x80, s2, s21, $0xb8;
	[tilespmem:$0x1C800] =	vst v63  }
0x6a: {  	_ =	swait.ge [sflag:s23], $0x4000  }
0x6b: {  	[sflag:s23] =	ssyncset.done $0x0  }
0x6c: {  	[sflag:s23] =	ssyncadd.s32 $0xFFFFC000  }
0x6d: {  	[spmem:s3] =	stream.indirect.scatter.add.f32 [tilespmem:s18], [sflag:$0x3], $0x80, s0, s21, $0xb8;
	[tilespmem:$0x1C800] =	vst v63  }
0x6e: {  	_ =	swait.ge [sflag:s19], $0x4000  }
0x6f: {  	[sflag:s19] =	ssyncset.done $0x0  }
0x70: {  	[sflag:s19] =	ssyncadd.s32 $0xFFFFC000  }
0x71: {  	[tilespmem:s18], [sflag:$0x1] =	stream.indirect.gather [hbm4b:s1+s21], $0x80, s10, s21, $0xb8;
	[tilespmem:$0x1C800] =	vst v63  }
0x72: {  	_ =	swait.ge [sflag:s25], $0x4000  }
0x73: {  	[sflag:s25] =	ssyncset.done $0x0  }
0x74: {  	[sflag:s25] =	ssyncadd.s32 $0xFFFFC000  }
0x75: {  	[spmem:s3] =	stream.indirect.scatter.add.f32 [tilespmem:s22], [sflag:$0x3], $0x80, s11, s21, $0xb8;
	[tilespmem:$0x1C800] =	vst v63  }
0x76: {  	_ =	swait.ge [sflag:s19], $0x4000  }
0x77: {  	[sflag:s19] =	ssyncset.done $0x0  }
0x78: {  	[sflag:s19] =	ssyncadd.s32 $0xFFFFC000  }
0x79: {  	[tilespmem:s22], [sflag:$0x2] =	stream.indirect.gather [hbm4b:s1+s21], $0x80, s12, s21, $0xb8;
	[tilespmem:$0x1C800] =	vst v63  }
0x7a: {  	_ =	swait.ge [sflag:s23], $0x4000  }
0x7b: {  	[sflag:s23] =	ssyncset.done $0x0  }
0x7c: {  	[sflag:s23] =	ssyncadd.s32 $0xFFFFC000  }
0x7d: {  	[spmem:s3] =	stream.indirect.scatter.add.f32 [tilespmem:s18], [sflag:$0x3], $0x80, s13, s21, $0xb8;
	[tilespmem:$0x1C800] =	vst v63  }
0x7e: {  	_ =	swait.ge [sflag:s19], $0x4000  }
0x7f: {  	[sflag:s19] =	ssyncset.done $0x0  }
0x80: {  	[sflag:s19] =	ssyncadd.s32 $0xFFFFC000  }
0x81: {  	_ =	swait.ge [sflag:s25], $0x4000  }
0x82: {  	[sflag:s25] =	ssyncset.done $0x0  }
0x83: {  	[sflag:s25] =	ssyncadd.s32 $0xFFFFC000  }
0x84: {  	[spmem:s3] =	stream.indirect.scatter.add.f32 [tilespmem:s22], [sflag:$0x3], $0x80, s14, s21, $0xb8;
	[tilespmem:$0x1C800] =	vst v63  }
0x85: {  	_ =	swait.ge [sflag:s19], $0x4000  }
0x86: {  	s6 =	simm.s32 $0x80;
	s7 =	simm.s32 $0x100;
	[sflag:s19] =	ssyncset.done $0x0  }
.LBB2_4:
0x87: {  	s9 =	sadd.s32 s6, s17  }
0x88: {  	[sflag:s19] =	ssyncadd.s32 $0xFFFFC000;
	s5 =	smov.u32 s7;
	s8 =	sadd.s32 $0x80, s7  }
0x89: {  	[tilespmem:s4], [sflag:$0x3] =	stream.linear.gather [hbm4b:s9+s4], $0x400, $0x38;
	[tilespmem:$0x1C800] =	vst v63  }
0x8a: {  	p0 =	sne.s32 s7, $0x480;
	_ =	swait.ge [sflag:s19], $0x400  }
0x8b: {  	[sflag:s19] =	ssyncset.done $0x0  }
0x8c: {  	s7 =	sadd.s32 s6, s16;
	s6 =	smov.u32 s5;
	[sflag:s19] =	ssyncadd.s32 $0xFFFFFC00  }
0x8d: {  	[tilespmem:s20], [sflag:$0x3] =	stream.linear.gather [hbm4b:s7+s4], $0x400, $0x38;
	[tilespmem:$0x1C800] =	vst v63  }
0x8e: {  	_ =	swait.ge [sflag:s19], $0x400  }
0x8f: {  	[sflag:s19] =	ssyncset.done $0x0  }
0x90: {  	[sflag:s19] =	ssyncadd.s32 $0xFFFFFC00  }
0x91: {  	[tilespmem:s18], [sflag:$0x1] =	stream.indirect.gather [hbm4b:s1+s21], $0x80, s4, s21, $0xb8;
	[tilespmem:$0x1C800] =	vst v63  }
0x92: {  	_ = 	snop  }
0x93: {  	[tilespmem:s22], [sflag:$0x2] =	stream.indirect.gather [hbm4b:s1+s21], $0x80, s21, s21, $0xb8;
	[tilespmem:$0x1C800] =	vst v63  }
0x94: {  	_ =	swait.ge [sflag:s23], $0x4000  }
0x95: {  	[sflag:s23] =	ssyncset.done $0x0  }
0x96: {  	[sflag:s23] =	ssyncadd.s32 $0xFFFFC000  }
0x97: {  	[spmem:s3] =	stream.indirect.scatter.add.f32 [tilespmem:s18], [sflag:$0x3], $0x80, s20, s21, $0xb8;
	[tilespmem:$0x1C800] =	vst v63  }
0x98: {  	_ =	swait.ge [sflag:s19], $0x4000  }
0x99: {  	[sflag:s19] =	ssyncset.done $0x0  }
0x9a: {  	[sflag:s19] =	ssyncadd.s32 $0xFFFFC000  }
0x9b: {  	[tilespmem:s18], [sflag:$0x1] =	stream.indirect.gather [hbm4b:s1+s21], $0x80, s24, s21, $0xb8;
	[tilespmem:$0x1C800] =	vst v63  }
0x9c: {  	_ =	swait.ge [sflag:s25], $0x4000  }
0x9d: {  	[sflag:s25] =	ssyncset.done $0x0  }
0x9e: {  	[sflag:s25] =	ssyncadd.s32 $0xFFFFC000  }
0x9f: {  	[spmem:s3] =	stream.indirect.scatter.add.f32 [tilespmem:s22], [sflag:$0x3], $0x80, s26, s21, $0xb8;
	[tilespmem:$0x1C800] =	vst v63  }
0xa0: {  	_ =	swait.ge [sflag:s19], $0x4000  }
0xa1: {  	[sflag:s19] =	ssyncset.done $0x0  }
0xa2: {  	[sflag:s19] =	ssyncadd.s32 $0xFFFFC000  }
0xa3: {  	[tilespmem:s22], [sflag:$0x2] =	stream.indirect.gather [hbm4b:s1+s21], $0x80, s28, s21, $0xb8;
	[tilespmem:$0x1C800] =	vst v63  }
0xa4: {  	_ =	swait.ge [sflag:s23], $0x4000  }
0xa5: {  	[sflag:s23] =	ssyncset.done $0x0  }
0xa6: {  	[sflag:s23] =	ssyncadd.s32 $0xFFFFC000  }
0xa7: {  	[spmem:s3] =	stream.indirect.scatter.add.f32 [tilespmem:s18], [sflag:$0x3], $0x80, s29, s21, $0xb8;
	[tilespmem:$0x1C800] =	vst v63  }
0xa8: {  	_ =	swait.ge [sflag:s19], $0x4000  }
0xa9: {  	[sflag:s19] =	ssyncset.done $0x0  }
0xaa: {  	[sflag:s19] =	ssyncadd.s32 $0xFFFFC000  }
0xab: {  	[tilespmem:s18], [sflag:$0x1] =	stream.indirect.gather [hbm4b:s1+s21], $0x80, s30, s21, $0xb8;
	[tilespmem:$0x1C800] =	vst v63  }
0xac: {  	_ =	swait.ge [sflag:s25], $0x4000  }
0xad: {  	[sflag:s25] =	ssyncset.done $0x0  }
0xae: {  	[sflag:s25] =	ssyncadd.s32 $0xFFFFC000  }
0xaf: {  	[spmem:s3] =	stream.indirect.scatter.add.f32 [tilespmem:s22], [sflag:$0x3], $0x80, s31, s21, $0xb8;
	[tilespmem:$0x1C800] =	vst v63  }
0xb0: {  	_ =	swait.ge [sflag:s19], $0x4000  }
0xb1: {  	[sflag:s19] =	ssyncset.done $0x0  }
0xb2: {  	[sflag:s19] =	ssyncadd.s32 $0xFFFFC000  }
0xb3: {  	[tilespmem:s22], [sflag:$0x2] =	stream.indirect.gather [hbm4b:s1+s21], $0x80, s2, s21, $0xb8;
	[tilespmem:$0x1C800] =	vst v63  }
0xb4: {  	_ =	swait.ge [sflag:s23], $0x4000  }
0xb5: {  	[sflag:s23] =	ssyncset.done $0x0  }
0xb6: {  	[sflag:s23] =	ssyncadd.s32 $0xFFFFC000  }
0xb7: {  	[spmem:s3] =	stream.indirect.scatter.add.f32 [tilespmem:s18], [sflag:$0x3], $0x80, s0, s21, $0xb8;
	[tilespmem:$0x1C800] =	vst v63  }
0xb8: {  	_ =	swait.ge [sflag:s19], $0x4000  }
0xb9: {  	[sflag:s19] =	ssyncset.done $0x0  }
0xba: {  	[sflag:s19] =	ssyncadd.s32 $0xFFFFC000  }
0xbb: {  	[tilespmem:s18], [sflag:$0x1] =	stream.indirect.gather [hbm4b:s1+s21], $0x80, s10, s21, $0xb8;
	[tilespmem:$0x1C800] =	vst v63  }
0xbc: {  	_ =	swait.ge [sflag:s25], $0x4000  }
0xbd: {  	[sflag:s25] =	ssyncset.done $0x0  }
0xbe: {  	[sflag:s25] =	ssyncadd.s32 $0xFFFFC000  }
0xbf: {  	[spmem:s3] =	stream.indirect.scatter.add.f32 [tilespmem:s22], [sflag:$0x3], $0x80, s11, s21, $0xb8;
	[tilespmem:$0x1C800] =	vst v63  }
0xc0: {  	_ =	swait.ge [sflag:s19], $0x4000  }
0xc1: {  	[sflag:s19] =	ssyncset.done $0x0  }
0xc2: {  	[sflag:s19] =	ssyncadd.s32 $0xFFFFC000  }
0xc3: {  	[tilespmem:s22], [sflag:$0x2] =	stream.indirect.gather [hbm4b:s1+s21], $0x80, s12, s21, $0xb8;
	[tilespmem:$0x1C800] =	vst v63  }
0xc4: {  	_ =	swait.ge [sflag:s23], $0x4000  }
0xc5: {  	[sflag:s23] =	ssyncset.done $0x0  }
0xc6: {  	[sflag:s23] =	ssyncadd.s32 $0xFFFFC000  }
0xc7: {  	[spmem:s3] =	stream.indirect.scatter.add.f32 [tilespmem:s18], [sflag:$0x3], $0x80, s13, s21, $0xb8;
	[tilespmem:$0x1C800] =	vst v63  }
0xc8: {  	_ =	swait.ge [sflag:s19], $0x4000  }
0xc9: {  	[sflag:s19] =	ssyncset.done $0x0  }
0xca: {  	[sflag:s19] =	ssyncadd.s32 $0xFFFFC000  }
0xcb: {  	_ =	swait.ge [sflag:s25], $0x4000  }
.Ltmp1:
0xcc: {  	[sflag:s25] =	ssyncset.done $0x0;
	(pc) =	sbr.rel @p0 .LBB2_4-.Ltmp1, $4  }
0xcd: {  	[sflag:s25] =	ssyncadd.s32 $0xFFFFC000  }
0xce: {  	[spmem:s3] =	stream.indirect.scatter.add.f32 [tilespmem:s22], [sflag:$0x3], $0x80, s14, s21, $0xb8;
	[tilespmem:$0x1C800] =	vst v63  }
0xcf: {  	_ =	swait.ge [sflag:s19], $0x4000  }
0xd0: {  	s7 =	smov.u32 s8;
	[sflag:s19] =	ssyncset.done $0x0  }
0xd1: {  	s5 =	sadd.s32 s6, s17;
	[sflag:s19] =	ssyncadd.s32 $0xFFFFC000  }
0xd2: {  	[tilespmem:s4], [sflag:$0x3] =	stream.linear.gather [hbm4b:s5+s4], $0x400, $0x38;
	[tilespmem:$0x1C800] =	vst v63  }
0xd3: {  	_ =	swait.ge [sflag:s19], $0x400  }
0xd4: {  	[sflag:s19] =	ssyncset.done $0x0  }
0xd5: {  	s7 =	sadd.s32 s6, s16;
	[sflag:s19] =	ssyncadd.s32 $0xFFFFFC00  }
0xd6: {  	[tilespmem:s20], [sflag:$0x3] =	stream.linear.gather [hbm4b:s7+s4], $0x400, $0x38;
	[tilespmem:$0x1C800] =	vst v63  }
0xd7: {  	_ =	swait.ge [sflag:s19], $0x400  }
0xd8: {  	[sflag:s19] =	ssyncset.done $0x0  }
0xd9: {  	[sflag:s19] =	ssyncadd.s32 $0xFFFFFC00  }
0xda: {  	[tilespmem:s18], [sflag:$0x1] =	stream.indirect.gather [hbm4b:s1+s21], $0x80, s4, s21, $0xb8;
	[tilespmem:$0x1C800] =	vst v63  }
0xdb: {  	_ = 	snop  }
0xdc: {  	[tilespmem:s22], [sflag:$0x2] =	stream.indirect.gather [hbm4b:s1+s21], $0x80, s21, s21, $0xb8;
	[tilespmem:$0x1C800] =	vst v63  }
0xdd: {  	_ =	swait.ge [sflag:s23], $0x4000  }
0xde: {  	[sflag:s23] =	ssyncset.done $0x0  }
0xdf: {  	[sflag:s23] =	ssyncadd.s32 $0xFFFFC000  }
0xe0: {  	[spmem:s3] =	stream.indirect.scatter.add.f32 [tilespmem:s18], [sflag:$0x3], $0x80, s20, s21, $0xb8;
	[tilespmem:$0x1C800] =	vst v63  }
0xe1: {  	_ =	swait.ge [sflag:s19], $0x4000  }
0xe2: {  	[sflag:s19] =	ssyncset.done $0x0  }
0xe3: {  	[sflag:s19] =	ssyncadd.s32 $0xFFFFC000  }
0xe4: {  	[tilespmem:s18], [sflag:$0x1] =	stream.indirect.gather [hbm4b:s1+s21], $0x80, s24, s21, $0xb8;
	[tilespmem:$0x1C800] =	vst v63  }
0xe5: {  	_ =	swait.ge [sflag:s25], $0x4000  }
0xe6: {  	[sflag:s25] =	ssyncset.done $0x0  }
0xe7: {  	[sflag:s25] =	ssyncadd.s32 $0xFFFFC000  }
0xe8: {  	[spmem:s3] =	stream.indirect.scatter.add.f32 [tilespmem:s22], [sflag:$0x3], $0x80, s26, s21, $0xb8;
	[tilespmem:$0x1C800] =	vst v63  }
0xe9: {  	_ =	swait.ge [sflag:s19], $0x4000  }
0xea: {  	[sflag:s19] =	ssyncset.done $0x0  }
0xeb: {  	[sflag:s19] =	ssyncadd.s32 $0xFFFFC000  }
0xec: {  	[tilespmem:s22], [sflag:$0x2] =	stream.indirect.gather [hbm4b:s1+s21], $0x80, s28, s21, $0xb8;
	[tilespmem:$0x1C800] =	vst v63  }
0xed: {  	_ =	swait.ge [sflag:s23], $0x4000  }
0xee: {  	[sflag:s23] =	ssyncset.done $0x0  }
0xef: {  	[sflag:s23] =	ssyncadd.s32 $0xFFFFC000  }
0xf0: {  	[spmem:s3] =	stream.indirect.scatter.add.f32 [tilespmem:s18], [sflag:$0x3], $0x80, s29, s21, $0xb8;
	[tilespmem:$0x1C800] =	vst v63  }
0xf1: {  	_ =	swait.ge [sflag:s19], $0x4000  }
0xf2: {  	[sflag:s19] =	ssyncset.done $0x0  }
0xf3: {  	[sflag:s19] =	ssyncadd.s32 $0xFFFFC000  }
0xf4: {  	[tilespmem:s18], [sflag:$0x1] =	stream.indirect.gather [hbm4b:s1+s21], $0x80, s30, s21, $0xb8;
	[tilespmem:$0x1C800] =	vst v63  }
0xf5: {  	_ =	swait.ge [sflag:s25], $0x4000  }
0xf6: {  	[sflag:s25] =	ssyncset.done $0x0  }
0xf7: {  	[sflag:s25] =	ssyncadd.s32 $0xFFFFC000  }
0xf8: {  	[spmem:s3] =	stream.indirect.scatter.add.f32 [tilespmem:s22], [sflag:$0x3], $0x80, s31, s21, $0xb8;
	[tilespmem:$0x1C800] =	vst v63  }
0xf9: {  	_ =	swait.ge [sflag:s19], $0x4000  }
0xfa: {  	[sflag:s19] =	ssyncset.done $0x0  }
0xfb: {  	[sflag:s19] =	ssyncadd.s32 $0xFFFFC000  }
0xfc: {  	[tilespmem:s22], [sflag:$0x2] =	stream.indirect.gather [hbm4b:s1+s21], $0x80, s2, s21, $0xb8;
	[tilespmem:$0x1C800] =	vst v63  }
0xfd: {  	_ =	swait.ge [sflag:s23], $0x4000  }
0xfe: {  	[sflag:s23] =	ssyncset.done $0x0  }
0xff: {  	[sflag:s23] =	ssyncadd.s32 $0xFFFFC000  }
0x100: {  	[spmem:s3] =	stream.indirect.scatter.add.f32 [tilespmem:s18], [sflag:$0x3], $0x80, s0, s21, $0xb8;
	[tilespmem:$0x1C800] =	vst v63  }
0x101: {  	_ =	swait.ge [sflag:s19], $0x4000  }
0x102: {  	[sflag:s19] =	ssyncset.done $0x0  }
0x103: {  	[sflag:s19] =	ssyncadd.s32 $0xFFFFC000  }
0x104: {  	[tilespmem:s18], [sflag:$0x1] =	stream.indirect.gather [hbm4b:s1+s21], $0x80, s10, s21, $0xb8;
	[tilespmem:$0x1C800] =	vst v63  }
0x105: {  	_ =	swait.ge [sflag:s25], $0x4000  }
0x106: {  	[sflag:s25] =	ssyncset.done $0x0  }
0x107: {  	[sflag:s25] =	ssyncadd.s32 $0xFFFFC000  }
0x108: {  	[spmem:s3] =	stream.indirect.scatter.add.f32 [tilespmem:s22], [sflag:$0x3], $0x80, s11, s21, $0xb8;
	[tilespmem:$0x1C800] =	vst v63  }
0x109: {  	_ =	swait.ge [sflag:s19], $0x4000  }
0x10a: {  	[sflag:s19] =	ssyncset.done $0x0  }
0x10b: {  	[sflag:s19] =	ssyncadd.s32 $0xFFFFC000  }
0x10c: {  	[tilespmem:s22], [sflag:$0x2] =	stream.indirect.gather [hbm4b:s1+s21], $0x80, s12, s21, $0xb8;
	[tilespmem:$0x1C800] =	vst v63  }
0x10d: {  	_ =	swait.ge [sflag:s23], $0x4000  }
0x10e: {  	[sflag:s23] =	ssyncset.done $0x0  }
0x10f: {  	[sflag:s23] =	ssyncadd.s32 $0xFFFFC000  }
0x110: {  	[spmem:s3] =	stream.indirect.scatter.add.f32 [tilespmem:s18], [sflag:$0x3], $0x80, s13, s21, $0xb8;
	[tilespmem:$0x1C800] =	vst v63  }
0x111: {  	_ =	swait.ge [sflag:s19], $0x4000  }
0x112: {  	[sflag:s19] =	ssyncset.done $0x0  }
0x113: {  	[sflag:s19] =	ssyncadd.s32 $0xFFFFC000  }
0x114: {  	_ =	swait.ge [sflag:s25], $0x4000  }
0x115: {  	[sflag:s25] =	ssyncset.done $0x0  }
0x116: {  	[sflag:s25] =	ssyncadd.s32 $0xFFFFC000  }
0x117: {  	[spmem:s3] =	stream.indirect.scatter.add.f32 [tilespmem:s22], [sflag:$0x3], $0x80, s14, s21, $0xb8;
	[tilespmem:$0x1C800] =	vst v63  }
0x118: {  	_ =	swait.ge [sflag:s19], $0x4000  }
0x119: {  	[sflag:s19] =	ssyncset.done $0x0  }
0x11a: {  	[sflag:s19] =	ssyncadd.s32 $0xFFFFC000  }
0x11b: {  	[bflag:$0x0] =	sbarrier.arrive $0xFFFF  }
0x11c: {  	s5 =	rddreg [dreg:$0x4]  }
0x11d: {  	[tilespmem:s18], [sflag:$0x3] =	stream.linear.gather [spmem:s5], $0x4000, $0x38;
	[tilespmem:$0x1C800] =	vst v63  }
0x11e: {  	_ =	swait.ge [sflag:s19], $0x4000  }
0x11f: {  	[sflag:s19] =	ssyncset.done $0x0  }
0x120: {  	s8 =	rddreg [dreg:$0x9];
	[sflag:s19] =	ssyncadd.s32 $0xFFFFC000  }
0x121: {  	[hbm4b:s8+s4] =	stream.linear.scatter [tilespmem:s18], [sflag:$0x3], $0x4000, $0x38;
	[tilespmem:$0x1C800] =	vst v63  }
0x122: {  	_ =	swait.ge [sflag:s19], $0x4000  }
0x123: {  	[sflag:s19] =	ssyncset.done $0x0  }
0x124: {  	s8 =	rddreg [dreg:$0x5];
	[sflag:s19] =	ssyncadd.s32 $0xFFFFC000  }
0x125: {  	[tilespmem:s18], [sflag:$0x3] =	stream.linear.gather [spmem:s8], $0x4000, $0x38;
	[tilespmem:$0x1C800] =	vst v63  }
0x126: {  	_ =	swait.ge [sflag:s19], $0x4000  }
0x127: {  	[sflag:s19] =	ssyncset.done $0x0  }
0x128: {  	s9 =	rddreg [dreg:$0xa];
	[sflag:s19] =	ssyncadd.s32 $0xFFFFC000  }
0x129: {  	[hbm4b:s9+s4] =	stream.linear.scatter [tilespmem:s18], [sflag:$0x3], $0x4000, $0x38;
	[tilespmem:$0x1C800] =	vst v63  }
0x12a: {  	_ =	swait.ge [sflag:s19], $0x4000  }
0x12b: {  	[sflag:s19] =	ssyncset.done $0x0  }
0x12c: {  	s9 =	rddreg [dreg:$0x6];
	[sflag:s19] =	ssyncadd.s32 $0xFFFFC000  }
0x12d: {  	[tilespmem:s18], [sflag:$0x3] =	stream.linear.gather [spmem:s9], $0x4000, $0x38;
	[tilespmem:$0x1C800] =	vst v63  }
0x12e: {  	_ =	swait.ge [sflag:s19], $0x4000  }
0x12f: {  	[sflag:s19] =	ssyncset.done $0x0  }
0x130: {  	s7 =	rddreg [dreg:$0xb];
	[sflag:s19] =	ssyncadd.s32 $0xFFFFC000  }
0x131: {  	[hbm4b:s7+s4] =	stream.linear.scatter [tilespmem:s18], [sflag:$0x3], $0x4000, $0x38;
	[tilespmem:$0x1C800] =	vst v63  }
0x132: {  	_ =	swait.ge [sflag:s19], $0x4000  }
0x133: {  	[sflag:s19] =	ssyncset.done $0x0  }
0x134: {  	s7 =	rddreg [dreg:$0x7];
	[sflag:s19] =	ssyncadd.s32 $0xFFFFC000  }
0x135: {  	[tilespmem:s18], [sflag:$0x3] =	stream.linear.gather [spmem:s7], $0x4000, $0x38;
	[tilespmem:$0x1C800] =	vst v63  }
0x136: {  	_ =	swait.ge [sflag:s19], $0x4000  }
0x137: {  	[sflag:s19] =	ssyncset.done $0x0  }
0x138: {  	s7 =	rddreg [dreg:$0xc];
	[sflag:s19] =	ssyncadd.s32 $0xFFFFC000  }
0x139: {  	[hbm4b:s7+s4] =	stream.linear.scatter [tilespmem:s18], [sflag:$0x3], $0x4000, $0x38;
	[tilespmem:$0x1C800] =	vst v63  }
0x13a: {  	_ =	swait.ge [sflag:s19], $0x4000  }
0x13b: {  	[sflag:s19] =	ssyncset.done $0x0  }
0x13c: {  	s7 =	rddreg [dreg:$0x8];
	[sflag:s19] =	ssyncadd.s32 $0xFFFFC000  }
0x13d: {  	[tilespmem:s18], [sflag:$0x3] =	stream.linear.gather [spmem:s7], $0x4000, $0x38;
	[tilespmem:$0x1C800] =	vst v63  }
0x13e: {  	_ =	swait.ge [sflag:s19], $0x4000  }
0x13f: {  	[sflag:s19] =	ssyncset.done $0x0  }
0x140: {  	s7 =	rddreg [dreg:$0xd];
	[sflag:s19] =	ssyncadd.s32 $0xFFFFC000  }
0x141: {  	[hbm4b:s7+s4] =	stream.linear.scatter [tilespmem:s18], [sflag:$0x3], $0x4000, $0x38;
	[tilespmem:$0x1C800] =	vst v63  }
0x142: {  	_ =	swait.ge [sflag:s19], $0x4000  }
0x143: {  	s15 =	sadd.s32 $0x1, s15;
	s7 =	rddreg [dreg:$0xe]  }
0x144: {  	p0 =	sne.s32 s15, s7  }
.Ltmp2:
0x145: {  	_ = 	snop;
	(pc) =	sbr.rel @p0 .LBB2_1-.Ltmp2, $3  }
0x146: {  	_ =	sdelay $0x1  }
0x147: {  	[sflag:s19] =	ssyncset.done $0x0  }
0x148: {  	[sflag:s19] =	ssyncadd.s32 $0xFFFFC000  }
0x149: {  	_ =	sfence.sel $0x180000  }
0x14a: {  	[bflag:$0x0] =	sbarrier.arrive $0xFFFF  }
0x14b: {  	_ =	strace $0x90000047  }
0x14c: {  	s0 =	stileid.u32;
	[bflag:$0x2] =	sbarrier.arrive $0xFFFF  }
0x14d: {  	p0 =	sne.s32 s0, $0x0;
	s0 =	rddreg [dreg:$0x3]  }
0x14e: {  	s0 =	sadd.s32 @!p0 $0x100000, s0  }
0x14f: {  	[sflag:s0] =	ssyncadd.tile.s32 @!p0 $0x1;
	_ =	shalt  }
.Lfunc_end2:
_tile_overlayer_lowered:
.L_overlay_start_2:
0x150: {  	(tag) =	ssettag $0x2  }
0x151: {  	s0 =	rddreg [dreg:$0x0];
	s2 =	stileid.u32  }
0x152: {  	s1 =	rddreg [dreg:$0x1];
	p0 =	sne.s32 s2, $0x0  }
0x153: {  	s3 =	rddreg [dreg:$0x2];
	[bflag:$0x3] =	sbarrier.arrive $0xFFFF;
	s2 =	simm.s32 @!p0 $0x1C03  }
0x154: {  	[timem:s3], [sflag:s2] =	dma.local @!p0 [hbm:s0], s1  }
0x155: {  	s0 =	simm.s32 @!p0 $0x3  }
0x156: {  	_ =	swait.ge @!p0 [sflag:s0], s1  }
0x157: {  	s1 =	ssub.s32 @!p0 $0x0, s1;
	[sflag:s0] =	ssyncset.done @!p0 $0x0  }
0x158: {  	[sflag:s0] =	ssyncadd.s32 @!p0 s1  }
0x159: {  	[bflag:$0x3] =	sbarrier.arrive $0xFFFF  }
0x15a: {  	_ =	shalt  }

// kernel: sc_segment_sum.8.cloned.1.call-start
scs
__scs_entry_jumppad:
0x0: {  	(pc) =	sbr.rel $0x88, $3  }
0x1: {  	(tag) =	ssettag $0x0;
	lr =	simm.s32 $0x1  }
0x2: {  	[smem:$0x3F96] =	sst lr;
	_ =	strace $0xD0000000  }
0x3: {  	_ = 	snop  }
0x4: {  	_ = 	snop  }
0x5: {  	_ = 	snop  }
0x6: {  	_ = 	snop  }
0x7: {  	_ = 	snop  }
__scs_overlays_trampoline_lowered:
0x8: {  	[smem:$0x3FA5] =	sst s0  }
0x9: {  	[smem:$0x3FA6] =	sst s1  }
0xa: {  	[smem:$0x3FA7] =	sst s2  }
0xb: {  	[smem:$0x3FA8] =	sst s3  }
0xc: {  	[smem:$0x3FA9] =	sst s4  }
0xd: {  	[smem:$0x3FAA] =	sst s5  }
0xe: {  	[smem:$0x3FAB] =	sst s6  }
0xf: {  	[smem:$0x3FAC] =	sst s7  }
0x10: {  	[smem:$0x3FAD] =	sst s8  }
0x11: {  	[smem:$0x3FAE] =	sst s9;
	s0 =	simm.s32 @!p0 $0x0  }
0x12: {  	s1 =	sld [smem:$0x3F94];
	s0 =	simm.s32 @p0 $0x1  }
0x13: {  	[smem:$0x3FAF] =	sst s0;
	s0 =	simm.s32 @!p1 $0x0  }
0x14: {  	s2 =	sld [smem:$0x3F93];
	s0 =	simm.s32 @p1 $0x1  }
0x15: {  	[smem:$0x3FB0] =	sst s0;
	s0 =	simm.s32 @!p2 $0x0  }
0x16: {  	s3 =	sld [smem:$0x3FDB];
	s0 =	simm.s32 @p2 $0x1  }
0x17: {  	s4 =	simm.s32 $0x1BF5;
	[smem:$0x3FB2] =	sst s0  }
0x18: {  	s0 =	sld [smem:$0x3F95];
	_ =	swait.ge [sflag:s4], $0x0  }
0x19: {  	s7 =	sld [smem:$0x3F96]  }
0x1a: {  	s8 =	sadd.s32 $0xFFFFE003, lr  }
0x1b: {  	s9 =	sadd.s32 $0xFFFFFEF7, lr;
	s5 =	simm.s32 $0xFFFFFFFF;
	p2 =	slt.u32 s8, $0xFFFFF086  }
0x1c: {  	p1 =	slt.u32 s9, $0xF7A;
	s5 =	simm.s32 @!p2 $0x0  }
0x1d: {  	s5 =	simm.s32 @p1 $0x1;
	p0 =	seq.s32 s7, s2  }
0x1e: {  	s7 =	smul.u32 @!p0 $0xF7A, s2;
	p2 =	seq.s32 @!p0 s5, $0x0  }
0x1f: {  	s9 =	smul.u32 $0xF7A, s1;
	s8 =	simm.s32 @!p0 $0x1BF5;
	p2 =	por !p2, p0  }
0x20: {  	[sflag:s8] =	ssyncset.s32 @!p0 $0xFFFFF086;
	s6 =	sadd.s32 @!p0 s3, s7;
	s7 =	simm.s32 @!p0 $0x108  }
0x21: {  	s3 =	sadd.s32 s3, s9;
	s6 =	sadd.s32 @!p0 $0x88, s6;
	s7 =	simm.s32 @p2 $0x1082  }
0x22: {  	[simem:s7], [sflag:s8] =	dma.local @!p0 [hbm:s6], $0xF7A  }
0x23: {  	s9 =	sor.u32 $0xD0000000, s2;
	s6 =	simm.s32 $0x108;
	_ =	swait.ge @!p0 [sflag:s8], $0x0  }
0x24: {  	s3 =	sadd.s32 $0x88, s3;
	s6 =	simm.s32 @!p1 $0x1082;
	[sflag:s4] =	ssyncset.s32 $0xFFFFF086  }
0x25: {  	[simem:s6], [sflag:s4] =	dma.local [hbm:s3], $0xF7A  }
0x26: {  	[smem:$0x3F96] =	sst s1;
	(tag) =	ssettag s2;
	_ =	strace s9  }
0x27: {  	s1 =	sld [smem:$0x3FA6]  }
0x28: {  	s2 =	sld [smem:$0x3FA7]  }
0x29: {  	s4 =	sld [smem:$0x3FA9]  }
0x2a: {  	p0 =	seq.s32 s5, $0x0;
	s5 =	sld [smem:$0x3FAA]  }
0x2b: {  	s6 =	sld [smem:$0x3FAB]  }
0x2c: {  	s7 =	sld [smem:$0x3FAC]  }
0x2d: {  	s3 =	simm.s32 $0x108;
	s8 =	sld [smem:$0x3FAD]  }
0x2e: {  	s3 =	simm.s32 @!p0 $0x1082;
	s9 =	sld [smem:$0x3FAE]  }
0x2f: {  	lr =	sadd.s32 s0, s3;
	s0 =	sld [smem:$0x3FA5]  }
0x30: {  	s3 =	sld [smem:$0x3FA8]  }
0x31: {  	[smem:$0x3FB1] =	sst s10  }
0x32: {  	s10 =	sld [smem:$0x3FAF];
	_ =	sdelay $0x3  }
0x33: {  	p0 =	seq.s32 s10, $0x1;
	s10 =	sld [smem:$0x3FB1];
	_ =	sdelay $0x3  }
0x34: {  	[smem:$0x3FB1] =	sst s10  }
0x35: {  	s10 =	sld [smem:$0x3FB0];
	_ =	sdelay $0x3  }
0x36: {  	p1 =	seq.s32 s10, $0x1;
	s10 =	sld [smem:$0x3FB1];
	_ =	sdelay $0x3  }
0x37: {  	[smem:$0x3FB1] =	sst s10  }
0x38: {  	s10 =	sld [smem:$0x3FB2]  }
0x39: {  	_ = 	snop;
	(pc) =	sbr.ind lr, $3  }
0x3a: {  	_ = 	snop  }
0x3b: {  	_ = 	snop  }
0x3c: {  	p2 =	seq.s32 s10, $0x1;
	s10 =	sld [smem:$0x3FB1]  }
0x3d: {  	_ =	shalt  }
0x3e: {  	_ =	shalt  }
0x3f: {  	_ =	shalt  }
0x40: {  	_ =	shalt  }
0x41: {  	_ =	shalt  }
0x42: {  	_ =	shalt  }
0x43: {  	_ =	shalt  }
0x44: {  	_ =	shalt  }
0x45: {  	_ =	shalt  }
0x46: {  	_ =	shalt  }
0x47: {  	_ =	shalt  }
0x48: {  	_ =	shalt  }
0x49: {  	_ =	shalt  }
0x4a: {  	_ =	shalt  }
0x4b: {  	_ =	shalt  }
0x4c: {  	_ =	shalt  }
0x4d: {  	_ =	shalt  }
0x4e: {  	_ =	shalt  }
0x4f: {  	_ =	shalt  }
0x50: {  	_ =	shalt  }
0x51: {  	_ =	shalt  }
0x52: {  	_ =	shalt  }
0x53: {  	_ =	shalt  }
0x54: {  	_ =	shalt  }
0x55: {  	_ =	shalt  }
0x56: {  	_ =	shalt  }
0x57: {  	_ =	shalt  }
0x58: {  	_ =	shalt  }
0x59: {  	_ =	shalt  }
0x5a: {  	_ =	shalt  }
0x5b: {  	_ =	shalt  }
0x5c: {  	_ =	shalt  }
0x5d: {  	_ =	shalt  }
0x5e: {  	_ =	shalt  }
0x5f: {  	_ =	shalt  }
0x60: {  	_ =	shalt  }
0x61: {  	_ =	shalt  }
0x62: {  	_ =	shalt  }
0x63: {  	_ =	shalt  }
0x64: {  	_ =	shalt  }
0x65: {  	_ =	shalt  }
0x66: {  	_ =	shalt  }
0x67: {  	_ =	shalt  }
0x68: {  	_ =	shalt  }
0x69: {  	_ =	shalt  }
0x6a: {  	_ =	shalt  }
0x6b: {  	_ =	shalt  }
0x6c: {  	_ =	shalt  }
0x6d: {  	_ =	shalt  }
0x6e: {  	_ =	shalt  }
0x6f: {  	_ =	shalt  }
0x70: {  	_ =	shalt  }
0x71: {  	_ =	shalt  }
0x72: {  	_ =	shalt  }
0x73: {  	_ =	shalt  }
0x74: {  	_ =	shalt  }
0x75: {  	_ =	shalt  }
0x76: {  	_ =	shalt  }
0x77: {  	_ =	shalt  }
0x78: {  	_ =	shalt  }
0x79: {  	_ =	shalt  }
0x7a: {  	_ =	shalt  }
0x7b: {  	_ =	shalt  }
0x7c: {  	_ =	shalt  }
0x7d: {  	_ =	shalt  }
0x7e: {  	_ =	shalt  }
0x7f: {  	_ =	shalt  }
0x80: {  	_ =	shalt  }
0x81: {  	_ =	shalt  }
0x82: {  	_ =	shalt  }
0x83: {  	_ =	shalt  }
0x84: {  	_ =	shalt  }
0x85: {  	_ =	shalt  }
0x86: {  	_ =	shalt  }
0x87: {  	_ =	shalt  }
.Lfunc_end0:
.L_simem_size_0:
called_computation.2_lowered:
.L_overlay_start_0:
0x88: {  	s2 =	sld [smem:$0x3FD9]  }
0x89: {  	s3 =	sld [smem:$0x3FFE];
	_ =	sdelay $0x1  }
0x8a: {  	s1 =	srdreg.scid  }
0x8b: {  	s0 =	sand.u32 $0x1, s1  }
0x8c: {  	s17 =	sshll.u32 s0, $0xA;
	s2 =	sadd.s32 s3, s2  }
0x8d: {  	s2 =	sadd.s32 s2, s17  }
0x8e: {  	[smem:$0x3FBD] =	sst s2  }
0x8f: {  	_ = 	snop  }
0x90: {  	s2 =	sld [smem:$0x3FD0];
	(tm) =	ssettm $0x1  }
0x91: {  	s18 =	sld [smem:$0x3FFB];
	_ =	sdelay $0x3  }
0x92: {  	_ =	strace s18  }
0x93: {  	s3 =	sld [smem:$0x3FFC];
	_ =	sdelay $0x3  }
0x94: {  	_ =	strace s3  }
0x95: {  	s3 =	sld [smem:$0x3FFD];
	_ =	sdelay $0x3  }
0x96: {  	_ =	strace s3  }
0x97: {  	_ =	strace $0x8FFFFFFF  }
0x98: {  	s19 =	sld [smem:$0x3FDB];
	_ =	sdelay $0x1  }
0x99: {  	s4 =	simm.s32 $_scs_section_size  }
0x9a: {  	s5 =	simm.s32 $_size__tile_overlayer_lowered;
	s6 =	simm.s32 $_tile_overlayer_lowered  }
0x9b: {  	s22 =	simm.s32 $0x1BFF;
	s21 =	sshll.u32 s6, $0x1;
	s3 =	sadd.s32 s4, s19  }
0x9c: {  	s7 =	simm.s32 $0x0;
	s20 =	sshll.u32 s5, $0x1;
	s5 =	sadd.s32 s21, s3  }
0x9d: {  	[timem:s7], [sflag:s22] =	dma.local [hbm:s5], s20  }
0x9e: {  	_ =	swait.ge [sflag:s22], s20  }
0x9f: {  	s4 =	ssub.s32 $0x0, s20;
	[sflag:s22] =	ssyncset.done $0x0  }
0xa0: {  	[sflag:s22] =	ssyncadd.s32 s4;
	_ =	sdelay $0x1  }
0xa1: {  	s23 =	simm.s32 $0x1B8B  }
0xa2: {  	_ =	swait.ge [sflag:s23], $0x1  }
0xa3: {  	[sflag:s23] =	ssyncset.done $0x0  }
0xa4: {  	s25 =	simm.s32 $0x1B8E;
	s24 =	sld [smem:$0x3FFE];
	[sflag:s23] =	ssyncadd.s32 $0xFFFFFFFF  }
0xa5: {  	s26 =	simm.s32 $execute0_lowered;
	[smem:$0x3FD2] =	sst s25  }
0xa6: {  	s5 =	sshll.u32 s26, $0x1;
	_ =	strace $0x8000004C;
	[dreg:$0x1] =	wrdreg $0xFFFFFFFF  }
0xa7: {  	s28 =	simm.s32 $_size_execute0_lowered;
	s3 =	sadd.s32 s3, s5;
	[dreg:$0x0] =	wrdreg $0x0  }
0xa8: {  	s5 =	sshll.u32 s28, $0x1;
	[dreg:$0x2] =	wrdreg s3  }
0xa9: {  	[dreg:$0x3] =	wrdreg s5  }
0xaa: {  	[dreg:$0x4] =	wrdreg $0xC0  }
0xab: {  	_ =	task [dreg:s7], $0x5FFFF  }
0xac: {  	[dreg:$0x1] =	wrdreg $0xFFFFFFFF  }
0xad: {  	[dreg:$0x0] =	wrdreg $0x60  }
0xae: {  	[dreg:$0x2] =	wrdreg s2  }
0xaf: {  	[dreg:$0x3] =	wrdreg s24  }
0xb0: {  	[dreg:$0x4] =	wrdreg $0x88000  }
0xb1: {  	[dreg:$0x5] =	wrdreg $0x9  }
0xb2: {  	_ =	task.clear_ibuf [dreg:s7], $0x6FFFF;
	_ =	strace $0x9000004C  }
0xb3: {  	s29 =	simm.s32 $0x9;
	_ =	strace $0x8000004E  }
0xb4: {  	_ =	swait.ge [sflag:s29], $0x1  }
0xb5: {  	[sflag:s29] =	ssyncadd.s32 $0xFFFFFFFF  }
0xb6: {  	_ =	strace $0x9000004E  }
0xb7: {  	_ =	sfence  }
0xb8: {  	s30 =	sld [smem:$0x0];
	_ =	sdelay $0x2  }
0xb9: {  	s31 =	sshll.u32 s1, $0xD;
	s1 =	sshrl.u32 s1, $0x2  }
0xba: {  	s3 =	sand.u32 $0x4000, s31;
	s1 =	sadd.s32 s1, s30  }
0xbb: {  	s0 =	sor.u32 s3, s0;
	s1 =	sshll.u32 s1, $0x11  }
0xbc: {  	s0 =	sor.u32 s1, s0  }
0xbd: {  	s0 =	sadd.s32 $0x8F2B, s0  }
0xbe: {  	[sflag:s0] =	ssyncadd.remote.s32 $0x1  }
0xbf: {  	_ =	sfence.sel $0xFFFF  }
0xc0: {  	[dreg:$0x0] =	wrdreg $0xFFFFFFFF;
	(pc) =	sbr.abs _section_cstart, $3  }
0xc1: {  	[dreg:$0x1] =	wrdreg $0xFFFFFFFF  }
0xc2: {  	_ =	task.clear_ibuf [dreg:s7], $0x2FFFF;
	_ =	strace $0x9FFFFFFF  }
0xc3: {  	(tm) =	ssettm $0x7FFFFFFF  }
tec
execute0_lowered:
.L_overlay_start_1:
0x0: {  	(tag) =	ssettag $0x1  }
0x1: {  	s1 =	rddreg [dreg:$0x0]  }
0x2: {  	s0 =	srdreg.scid;
	s2 =	rddreg [dreg:$0x1]  }
0x3: {  	s8 =	stileid.u32;
	s3 =	rddreg [dreg:$0x2];
	s4 =	simm.s32 $0x0  }
0x4: {  	s28 =	simm.s32 $0x180;
	s29 =	simm.s32 $0x500;
	s30 =	simm.s32 $0x200  }
0x5: {  	s31 =	simm.s32 $0x580;
	s11 =	simm.s32 $0x680;
	s6 =	smul.u32 $0x2800, s8  }
0x6: {  	s12 =	simm.s32 $0x380;
	s13 =	simm.s32 $0x700;
	s7 =	smul.u32 $0x280, s8  }
0x7: {  	s14 =	simm.s32 $0x780;
	s0 =	sand.u32 $0x1, s0;
	s8 =	smul.u32 $0x50000, s8  }
0x8: {  	s15 =	simm.s32 $0x0;
	[smem:$0x7FF] =	sst s4;
	s5 =	smul.u32 $0x28000, s0  }
0x9: {  	s17 =	smul.u32 $0x2800, s0;
	_ =	strace $0x8000004D;
	s0 =	ssub.s32 $0x2, s0  }
0xa: {  	s19 =	sshrl.u32 s0, $0x1;
	s20 =	sshrl.u32 s8, $0x2;
	s5 =	sadd.s32 s6, s5  }
0xb: {  	s18 =	sadd.s32 s7, s17;
	s0 =	ssub.s32 s0, s19;
	s5 =	sshrl.u32 s5, $0x3  }
0xc: {  	s0 =	smax.u32 s0, $0x1;
	s10 =	sadd.s32 s5, s2;
	s5 =	sshll.u32 s18, $0x4  }
0xd: {  	[dreg:$0xe] =	wrdreg s0;
	s2 =	sadd.s32 s5, s2;
	s5 =	sadd.s32 s20, s3  }
0xe: {  	s19 =	simm.s32 $0x3;
	s21 =	sadd.s32 $0xC000, s5;
	[dreg:$0x4] =	wrdreg s5  }
0xf: {  	s18 =	simm.s32 $0x800;
	s22 =	sadd.s32 $0x10000, s5;
	[dreg:$0x7] =	wrdreg s21  }
0x10: {  	s0 =	simm.s32 $0x600;
	s23 =	sadd.s32 $0x17000, s2;
	[dreg:$0x8] =	wrdreg s22  }
0x11: {  	s16 =	sadd.s32 $0xD000, s10;
	s24 =	sadd.s32 $0x17800, s2;
	[dreg:$0x9] =	wrdreg s23  }
0x12: {  	s17 =	sadd.s32 $0x3000, s10;
	s25 =	sadd.s32 $0x18000, s2;
	[dreg:$0xa] =	wrdreg s24  }
0x13: {  	s20 =	simm.s32 $0x400;
	s26 =	sadd.s32 $0x18800, s2;
	[dreg:$0xb] =	wrdreg s25  }
0x14: {  	s10 =	simm.s32 $0x300;
	s2 =	sadd.s32 $0x19000, s2;
	[dreg:$0xc] =	wrdreg s26  }
0x15: {  	s8 =	sadd.s32 $0x4000, s5;
	s9 =	sadd.s32 $0x8000, s5;
	[dreg:$0xd] =	wrdreg s2  }
0x16: {  	s21 =	simm.s32 $0x80;
	s22 =	simm.s32 $0x4800;
	s23 =	simm.s32 $0x1  }
0x17: {  	s24 =	simm.s32 $0x100;
	s25 =	simm.s32 $0x2;
	[dreg:$0x5] =	wrdreg s8  }
0x18: {  	v0 =	vimm.f32 $0.0e+00;
	s26 =	simm.s32 $0x480;
	s2 =	simm.s32 $0x280;
	[dreg:$0x6] =	wrdreg s9  }
.LBB2_1:
0x19: {  	s6 =	simm.s32 $0x0;
	s7 =	simm.s32 $0x200  }
.LBB2_2:
0x1a: {  	p0 =	sne.s32 s7, $0xFE00;
	[tilespmem:s6+$0x870] =	vst v0  }
0x1b: {  	[tilespmem:s6+$0x800] =	vst v0  }
0x1c: {  	[tilespmem:s6+$0x810] =	vst v0  }
.Ltmp0:
0x1d: {  	[tilespmem:s6+$0x820] =	vst v0;
	(pc) =	sbr.rel @p0 .LBB2_2-.Ltmp0, $4  }
0x1e: {  	[tilespmem:s6+$0x830] =	vst v0  }
0x1f: {  	[tilespmem:s6+$0x840] =	vst v0  }
0x20: {  	[tilespmem:s6+$0x850] =	vst v0  }
0x21: {  	[tilespmem:s6+$0x860] =	vst v0;
	s6 =	sshra.s32 s7, $0x2;
	s7 =	sadd.s32 $0x200, s7  }
0x22: {  	[tilespmem:s6+$0x870] =	vst v0  }
0x23: {  	[tilespmem:s6+$0x800] =	vst v0  }
0x24: {  	[tilespmem:s6+$0x810] =	vst v0  }
0x25: {  	[tilespmem:s6+$0x820] =	vst v0  }
0x26: {  	[tilespmem:s6+$0x830] =	vst v0  }
0x27: {  	[tilespmem:s6+$0x840] =	vst v0  }
0x28: {  	[tilespmem:s6+$0x850] =	vst v0  }
0x29: {  	[tilespmem:s6+$0x860] =	vst v0  }
0x2a: {  	[spmem:s5] =	stream.linear.scatter [tilespmem:s18], [sflag:$0x3], $0x4000, $0x38;
	[tilespmem:$0x1C800] =	vst v63  }
0x2b: {  	_ =	swait.ge [sflag:s19], $0x4000  }
0x2c: {  	[sflag:s19] =	ssyncset.done $0x0  }
0x2d: {  	[sflag:s19] =	ssyncadd.s32 $0xFFFFC000  }
0x2e: {  	[spmem:s8] =	stream.linear.scatter [tilespmem:s18], [sflag:$0x3], $0x4000, $0x38;
	[tilespmem:$0x1C800] =	vst v63  }
0x2f: {  	_ =	swait.ge [sflag:s19], $0x4000  }
0x30: {  	[sflag:s19] =	ssyncset.done $0x0  }
0x31: {  	[sflag:s19] =	ssyncadd.s32 $0xFFFFC000  }
0x32: {  	[spmem:s9] =	stream.linear.scatter [tilespmem:s18], [sflag:$0x3], $0x4000, $0x38;
	[tilespmem:$0x1C800] =	vst v63  }
0x33: {  	_ =	swait.ge [sflag:s19], $0x4000  }
0x34: {  	[sflag:s19] =	ssyncset.done $0x0  }
0x35: {  	s6 =	rddreg [dreg:$0x7];
	[sflag:s19] =	ssyncadd.s32 $0xFFFFC000  }
0x36: {  	[spmem:s6] =	stream.linear.scatter [tilespmem:s18], [sflag:$0x3], $0x4000, $0x38;
	[tilespmem:$0x1C800] =	vst v63  }
0x37: {  	_ =	swait.ge [sflag:s19], $0x4000  }
0x38: {  	[sflag:s19] =	ssyncset.done $0x0  }
0x39: {  	s7 =	rddreg [dreg:$0x8];
	[sflag:s19] =	ssyncadd.s32 $0xFFFFC000  }
0x3a: {  	[spmem:s7] =	stream.linear.scatter [tilespmem:s18], [sflag:$0x3], $0x4000, $0x38;
	[tilespmem:$0x1C800] =	vst v63  }
0x3b: {  	_ =	swait.ge [sflag:s19], $0x4000  }
0x3c: {  	[sflag:s19] =	ssyncset.done $0x0  }
0x3d: {  	[sflag:s19] =	ssyncadd.s32 $0xFFFFC000  }
0x3e: {  	s8 =	sadd.s32 $0x0, s17;
	[bflag:$0x0] =	sbarrier.arrive $0xFFFF  }
0x3f: {  	[tilespmem:s4], [sflag:$0x3] =	stream.linear.gather [hbm4b:s8+s4], $0x400, $0x38;
	[tilespmem:$0x1C800] =	vst v63  }
0x40: {  	_ =	swait.ge [sflag:s19], $0x400  }
0x41: {  	[sflag:s19] =	ssyncset.done $0x0  }
0x42: {  	s9 =	sadd.s32 $0x0, s16;
	[sflag:s19] =	ssyncadd.s32 $0xFFFFFC00  }
0x43: {  	[tilespmem:s20], [sflag:$0x3] =	stream.linear.gather [hbm4b:s9+s4], $0x400, $0x38;
	[tilespmem:$0x1C800] =	vst v63  }
0x44: {  	_ =	swait.ge [sflag:s19], $0x400  }
0x45: {  	[sflag:s19] =	ssyncset.done $0x0  }
0x46: {  	[sflag:s19] =	ssyncadd.s32 $0xFFFFFC00  }
0x47: {  	[tilespmem:s18], [sflag:$0x1] =	stream.indirect.gather [hbm4b:s1+s21], $0x80, s4, s21, $0xb8;
	[tilespmem:$0x1C800] =	vst v63  }
0x48: {  	_ = 	snop  }
0x49: {  	[tilespmem:s22], [sflag:$0x2] =	stream.indirect.gather [hbm4b:s1+s21], $0x80, s21, s21, $0xb8;
	[tilespmem:$0x1C800] =	vst v63  }
0x4a: {  	_ =	swait.ge [sflag:s23], $0x4000  }
0x4b: {  	[sflag:s23] =	ssyncset.done $0x0  }
0x4c: {  	[sflag:s23] =	ssyncadd.s32 $0xFFFFC000  }
0x4d: {  	[spmem:s3] =	stream.indirect.scatter.add.f32 [tilespmem:s18], [sflag:$0x3], $0x80, s20, s21, $0xb8;
	[tilespmem:$0x1C800] =	vst v63  }
0x4e: {  	_ =	swait.ge [sflag:s19], $0x4000  }
0x4f: {  	[sflag:s19] =	ssyncset.done $0x0  }
0x50: {  	[sflag:s19] =	ssyncadd.s32 $0xFFFFC000  }
0x51: {  	[tilespmem:s18], [sflag:$0x1] =	stream.indirect.gather [hbm4b:s1+s21], $0x80, s24, s21, $0xb8;
	[tilespmem:$0x1C800] =	vst v63  }
0x52: {  	_ =	swait.ge [sflag:s25], $0x4000  }
0x53: {  	[sflag:s25] =	ssyncset.done $0x0  }
0x54: {  	[sflag:s25] =	ssyncadd.s32 $0xFFFFC000  }
0x55: {  	[spmem:s3] =	stream.indirect.scatter.add.f32 [tilespmem:s22], [sflag:$0x3], $0x80, s26, s21, $0xb8;
	[tilespmem:$0x1C800] =	vst v63  }
0x56: {  	_ =	swait.ge [sflag:s19], $0x4000  }
0x57: {  	[sflag:s19] =	ssyncset.done $0x0  }
0x58: {  	[sflag:s19] =	ssyncadd.s32 $0xFFFFC000  }
0x59: {  	[tilespmem:s22], [sflag:$0x2] =	stream.indirect.gather [hbm4b:s1+s21], $0x80, s28, s21, $0xb8;
	[tilespmem:$0x1C800] =	vst v63  }
0x5a: {  	_ =	swait.ge [sflag:s23], $0x4000  }
0x5b: {  	[sflag:s23] =	ssyncset.done $0x0  }
0x5c: {  	[sflag:s23] =	ssyncadd.s32 $0xFFFFC000  }
0x5d: {  	[spmem:s3] =	stream.indirect.scatter.add.f32 [tilespmem:s18], [sflag:$0x3], $0x80, s29, s21, $0xb8;
	[tilespmem:$0x1C800] =	vst v63  }
0x5e: {  	_ =	swait.ge [sflag:s19], $0x4000  }
0x5f: {  	[sflag:s19] =	ssyncset.done $0x0  }
0x60: {  	[sflag:s19] =	ssyncadd.s32 $0xFFFFC000  }
0x61: {  	[tilespmem:s18], [sflag:$0x1] =	stream.indirect.gather [hbm4b:s1+s21], $0x80, s30, s21, $0xb8;
	[tilespmem:$0x1C800] =	vst v63  }
0x62: {  	_ =	swait.ge [sflag:s25], $0x4000  }
0x63: {  	[sflag:s25] =	ssyncset.done $0x0  }
0x64: {  	[sflag:s25] =	ssyncadd.s32 $0xFFFFC000  }
0x65: {  	[spmem:s3] =	stream.indirect.scatter.add.f32 [tilespmem:s22], [sflag:$0x3], $0x80, s31, s21, $0xb8;
	[tilespmem:$0x1C800] =	vst v63  }
0x66: {  	_ =	swait.ge [sflag:s19], $0x4000  }
0x67: {  	[sflag:s19] =	ssyncset.done $0x0  }
0x68: {  	[sflag:s19] =	ssyncadd.s32 $0xFFFFC000  }
0x69: {  	[tilespmem:s22], [sflag:$0x2] =	stream.indirect.gather [hbm4b:s1+s21], $0x80, s2, s21, $0xb8;
	[tilespmem:$0x1C800] =	vst v63  }
0x6a: {  	_ =	swait.ge [sflag:s23], $0x4000  }
0x6b: {  	[sflag:s23] =	ssyncset.done $0x0  }
0x6c: {  	[sflag:s23] =	ssyncadd.s32 $0xFFFFC000  }
0x6d: {  	[spmem:s3] =	stream.indirect.scatter.add.f32 [tilespmem:s18], [sflag:$0x3], $0x80, s0, s21, $0xb8;
	[tilespmem:$0x1C800] =	vst v63  }
0x6e: {  	_ =	swait.ge [sflag:s19], $0x4000  }
0x6f: {  	[sflag:s19] =	ssyncset.done $0x0  }
0x70: {  	[sflag:s19] =	ssyncadd.s32 $0xFFFFC000  }
0x71: {  	[tilespmem:s18], [sflag:$0x1] =	stream.indirect.gather [hbm4b:s1+s21], $0x80, s10, s21, $0xb8;
	[tilespmem:$0x1C800] =	vst v63  }
0x72: {  	_ =	swait.ge [sflag:s25], $0x4000  }
0x73: {  	[sflag:s25] =	ssyncset.done $0x0  }
0x74: {  	[sflag:s25] =	ssyncadd.s32 $0xFFFFC000  }
0x75: {  	[spmem:s3] =	stream.indirect.scatter.add.f32 [tilespmem:s22], [sflag:$0x3], $0x80, s11, s21, $0xb8;
	[tilespmem:$0x1C800] =	vst v63  }
0x76: {  	_ =	swait.ge [sflag:s19], $0x4000  }
0x77: {  	[sflag:s19] =	ssyncset.done $0x0  }
0x78: {  	[sflag:s19] =	ssyncadd.s32 $0xFFFFC000  }
0x79: {  	[tilespmem:s22], [sflag:$0x2] =	stream.indirect.gather [hbm4b:s1+s21], $0x80, s12, s21, $0xb8;
	[tilespmem:$0x1C800] =	vst v63  }
0x7a: {  	_ =	swait.ge [sflag:s23], $0x4000  }
0x7b: {  	[sflag:s23] =	ssyncset.done $0x0  }
0x7c: {  	[sflag:s23] =	ssyncadd.s32 $0xFFFFC000  }
0x7d: {  	[spmem:s3] =	stream.indirect.scatter.add.f32 [tilespmem:s18], [sflag:$0x3], $0x80, s13, s21, $0xb8;
	[tilespmem:$0x1C800] =	vst v63  }
0x7e: {  	_ =	swait.ge [sflag:s19], $0x4000  }
0x7f: {  	[sflag:s19] =	ssyncset.done $0x0  }
0x80: {  	[sflag:s19] =	ssyncadd.s32 $0xFFFFC000  }
0x81: {  	_ =	swait.ge [sflag:s25], $0x4000  }
0x82: {  	[sflag:s25] =	ssyncset.done $0x0  }
0x83: {  	[sflag:s25] =	ssyncadd.s32 $0xFFFFC000  }
0x84: {  	[spmem:s3] =	stream.indirect.scatter.add.f32 [tilespmem:s22], [sflag:$0x3], $0x80, s14, s21, $0xb8;
	[tilespmem:$0x1C800] =	vst v63  }
0x85: {  	_ =	swait.ge [sflag:s19], $0x4000  }
0x86: {  	s6 =	simm.s32 $0x80;
	s7 =	simm.s32 $0x100;
	[sflag:s19] =	ssyncset.done $0x0  }
.LBB2_4:
0x87: {  	s9 =	sadd.s32 s6, s17  }
0x88: {  	[sflag:s19] =	ssyncadd.s32 $0xFFFFC000;
	s5 =	smov.u32 s7;
	s8 =	sadd.s32 $0x80, s7  }
0x89: {  	[tilespmem:s4], [sflag:$0x3] =	stream.linear.gather [hbm4b:s9+s4], $0x400, $0x38;
	[tilespmem:$0x1C800] =	vst v63  }
0x8a: {  	p0 =	sne.s32 s7, $0x480;
	_ =	swait.ge [sflag:s19], $0x400  }
0x8b: {  	[sflag:s19] =	ssyncset.done $0x0  }
0x8c: {  	s7 =	sadd.s32 s6, s16;
	s6 =	smov.u32 s5;
	[sflag:s19] =	ssyncadd.s32 $0xFFFFFC00  }
0x8d: {  	[tilespmem:s20], [sflag:$0x3] =	stream.linear.gather [hbm4b:s7+s4], $0x400, $0x38;
	[tilespmem:$0x1C800] =	vst v63  }
0x8e: {  	_ =	swait.ge [sflag:s19], $0x400  }
0x8f: {  	[sflag:s19] =	ssyncset.done $0x0  }
0x90: {  	[sflag:s19] =	ssyncadd.s32 $0xFFFFFC00  }
0x91: {  	[tilespmem:s18], [sflag:$0x1] =	stream.indirect.gather [hbm4b:s1+s21], $0x80, s4, s21, $0xb8;
	[tilespmem:$0x1C800] =	vst v63  }
0x92: {  	_ = 	snop  }
0x93: {  	[tilespmem:s22], [sflag:$0x2] =	stream.indirect.gather [hbm4b:s1+s21], $0x80, s21, s21, $0xb8;
	[tilespmem:$0x1C800] =	vst v63  }
0x94: {  	_ =	swait.ge [sflag:s23], $0x4000  }
0x95: {  	[sflag:s23] =	ssyncset.done $0x0  }
0x96: {  	[sflag:s23] =	ssyncadd.s32 $0xFFFFC000  }
0x97: {  	[spmem:s3] =	stream.indirect.scatter.add.f32 [tilespmem:s18], [sflag:$0x3], $0x80, s20, s21, $0xb8;
	[tilespmem:$0x1C800] =	vst v63  }
0x98: {  	_ =	swait.ge [sflag:s19], $0x4000  }
0x99: {  	[sflag:s19] =	ssyncset.done $0x0  }
0x9a: {  	[sflag:s19] =	ssyncadd.s32 $0xFFFFC000  }
0x9b: {  	[tilespmem:s18], [sflag:$0x1] =	stream.indirect.gather [hbm4b:s1+s21], $0x80, s24, s21, $0xb8;
	[tilespmem:$0x1C800] =	vst v63  }
0x9c: {  	_ =	swait.ge [sflag:s25], $0x4000  }
0x9d: {  	[sflag:s25] =	ssyncset.done $0x0  }
0x9e: {  	[sflag:s25] =	ssyncadd.s32 $0xFFFFC000  }
0x9f: {  	[spmem:s3] =	stream.indirect.scatter.add.f32 [tilespmem:s22], [sflag:$0x3], $0x80, s26, s21, $0xb8;
	[tilespmem:$0x1C800] =	vst v63  }
0xa0: {  	_ =	swait.ge [sflag:s19], $0x4000  }
0xa1: {  	[sflag:s19] =	ssyncset.done $0x0  }
0xa2: {  	[sflag:s19] =	ssyncadd.s32 $0xFFFFC000  }
0xa3: {  	[tilespmem:s22], [sflag:$0x2] =	stream.indirect.gather [hbm4b:s1+s21], $0x80, s28, s21, $0xb8;
	[tilespmem:$0x1C800] =	vst v63  }
0xa4: {  	_ =	swait.ge [sflag:s23], $0x4000  }
0xa5: {  	[sflag:s23] =	ssyncset.done $0x0  }
0xa6: {  	[sflag:s23] =	ssyncadd.s32 $0xFFFFC000  }
0xa7: {  	[spmem:s3] =	stream.indirect.scatter.add.f32 [tilespmem:s18], [sflag:$0x3], $0x80, s29, s21, $0xb8;
	[tilespmem:$0x1C800] =	vst v63  }
0xa8: {  	_ =	swait.ge [sflag:s19], $0x4000  }
0xa9: {  	[sflag:s19] =	ssyncset.done $0x0  }
0xaa: {  	[sflag:s19] =	ssyncadd.s32 $0xFFFFC000  }
0xab: {  	[tilespmem:s18], [sflag:$0x1] =	stream.indirect.gather [hbm4b:s1+s21], $0x80, s30, s21, $0xb8;
	[tilespmem:$0x1C800] =	vst v63  }
0xac: {  	_ =	swait.ge [sflag:s25], $0x4000  }
0xad: {  	[sflag:s25] =	ssyncset.done $0x0  }
0xae: {  	[sflag:s25] =	ssyncadd.s32 $0xFFFFC000  }
0xaf: {  	[spmem:s3] =	stream.indirect.scatter.add.f32 [tilespmem:s22], [sflag:$0x3], $0x80, s31, s21, $0xb8;
	[tilespmem:$0x1C800] =	vst v63  }
0xb0: {  	_ =	swait.ge [sflag:s19], $0x4000  }
0xb1: {  	[sflag:s19] =	ssyncset.done $0x0  }
0xb2: {  	[sflag:s19] =	ssyncadd.s32 $0xFFFFC000  }
0xb3: {  	[tilespmem:s22], [sflag:$0x2] =	stream.indirect.gather [hbm4b:s1+s21], $0x80, s2, s21, $0xb8;
	[tilespmem:$0x1C800] =	vst v63  }
0xb4: {  	_ =	swait.ge [sflag:s23], $0x4000  }
0xb5: {  	[sflag:s23] =	ssyncset.done $0x0  }
0xb6: {  	[sflag:s23] =	ssyncadd.s32 $0xFFFFC000  }
0xb7: {  	[spmem:s3] =	stream.indirect.scatter.add.f32 [tilespmem:s18], [sflag:$0x3], $0x80, s0, s21, $0xb8;
	[tilespmem:$0x1C800] =	vst v63  }
0xb8: {  	_ =	swait.ge [sflag:s19], $0x4000  }
0xb9: {  	[sflag:s19] =	ssyncset.done $0x0  }
0xba: {  	[sflag:s19] =	ssyncadd.s32 $0xFFFFC000  }
0xbb: {  	[tilespmem:s18], [sflag:$0x1] =	stream.indirect.gather [hbm4b:s1+s21], $0x80, s10, s21, $0xb8;
	[tilespmem:$0x1C800] =	vst v63  }
0xbc: {  	_ =	swait.ge [sflag:s25], $0x4000  }
0xbd: {  	[sflag:s25] =	ssyncset.done $0x0  }
0xbe: {  	[sflag:s25] =	ssyncadd.s32 $0xFFFFC000  }
0xbf: {  	[spmem:s3] =	stream.indirect.scatter.add.f32 [tilespmem:s22], [sflag:$0x3], $0x80, s11, s21, $0xb8;
	[tilespmem:$0x1C800] =	vst v63  }
0xc0: {  	_ =	swait.ge [sflag:s19], $0x4000  }
0xc1: {  	[sflag:s19] =	ssyncset.done $0x0  }
0xc2: {  	[sflag:s19] =	ssyncadd.s32 $0xFFFFC000  }
0xc3: {  	[tilespmem:s22], [sflag:$0x2] =	stream.indirect.gather [hbm4b:s1+s21], $0x80, s12, s21, $0xb8;
	[tilespmem:$0x1C800] =	vst v63  }
0xc4: {  	_ =	swait.ge [sflag:s23], $0x4000  }
0xc5: {  	[sflag:s23] =	ssyncset.done $0x0  }
0xc6: {  	[sflag:s23] =	ssyncadd.s32 $0xFFFFC000  }
0xc7: {  	[spmem:s3] =	stream.indirect.scatter.add.f32 [tilespmem:s18], [sflag:$0x3], $0x80, s13, s21, $0xb8;
	[tilespmem:$0x1C800] =	vst v63  }
0xc8: {  	_ =	swait.ge [sflag:s19], $0x4000  }
0xc9: {  	[sflag:s19] =	ssyncset.done $0x0  }
0xca: {  	[sflag:s19] =	ssyncadd.s32 $0xFFFFC000  }
0xcb: {  	_ =	swait.ge [sflag:s25], $0x4000  }
.Ltmp1:
0xcc: {  	[sflag:s25] =	ssyncset.done $0x0;
	(pc) =	sbr.rel @p0 .LBB2_4-.Ltmp1, $4  }
0xcd: {  	[sflag:s25] =	ssyncadd.s32 $0xFFFFC000  }
0xce: {  	[spmem:s3] =	stream.indirect.scatter.add.f32 [tilespmem:s22], [sflag:$0x3], $0x80, s14, s21, $0xb8;
	[tilespmem:$0x1C800] =	vst v63  }
0xcf: {  	_ =	swait.ge [sflag:s19], $0x4000  }
0xd0: {  	s7 =	smov.u32 s8;
	[sflag:s19] =	ssyncset.done $0x0  }
0xd1: {  	s5 =	sadd.s32 s6, s17;
	[sflag:s19] =	ssyncadd.s32 $0xFFFFC000  }
0xd2: {  	[tilespmem:s4], [sflag:$0x3] =	stream.linear.gather [hbm4b:s5+s4], $0x400, $0x38;
	[tilespmem:$0x1C800] =	vst v63  }
0xd3: {  	_ =	swait.ge [sflag:s19], $0x400  }
0xd4: {  	[sflag:s19] =	ssyncset.done $0x0  }
0xd5: {  	s7 =	sadd.s32 s6, s16;
	[sflag:s19] =	ssyncadd.s32 $0xFFFFFC00  }
0xd6: {  	[tilespmem:s20], [sflag:$0x3] =	stream.linear.gather [hbm4b:s7+s4], $0x400, $0x38;
	[tilespmem:$0x1C800] =	vst v63  }
0xd7: {  	_ =	swait.ge [sflag:s19], $0x400  }
0xd8: {  	[sflag:s19] =	ssyncset.done $0x0  }
0xd9: {  	[sflag:s19] =	ssyncadd.s32 $0xFFFFFC00  }
0xda: {  	[tilespmem:s18], [sflag:$0x1] =	stream.indirect.gather [hbm4b:s1+s21], $0x80, s4, s21, $0xb8;
	[tilespmem:$0x1C800] =	vst v63  }
0xdb: {  	_ = 	snop  }
0xdc: {  	[tilespmem:s22], [sflag:$0x2] =	stream.indirect.gather [hbm4b:s1+s21], $0x80, s21, s21, $0xb8;
	[tilespmem:$0x1C800] =	vst v63  }
0xdd: {  	_ =	swait.ge [sflag:s23], $0x4000  }
0xde: {  	[sflag:s23] =	ssyncset.done $0x0  }
0xdf: {  	[sflag:s23] =	ssyncadd.s32 $0xFFFFC000  }
0xe0: {  	[spmem:s3] =	stream.indirect.scatter.add.f32 [tilespmem:s18], [sflag:$0x3], $0x80, s20, s21, $0xb8;
	[tilespmem:$0x1C800] =	vst v63  }
0xe1: {  	_ =	swait.ge [sflag:s19], $0x4000  }
0xe2: {  	[sflag:s19] =	ssyncset.done $0x0  }
0xe3: {  	[sflag:s19] =	ssyncadd.s32 $0xFFFFC000  }
0xe4: {  	[tilespmem:s18], [sflag:$0x1] =	stream.indirect.gather [hbm4b:s1+s21], $0x80, s24, s21, $0xb8;
	[tilespmem:$0x1C800] =	vst v63  }
0xe5: {  	_ =	swait.ge [sflag:s25], $0x4000  }
0xe6: {  	[sflag:s25] =	ssyncset.done $0x0  }
0xe7: {  	[sflag:s25] =	ssyncadd.s32 $0xFFFFC000  }
0xe8: {  	[spmem:s3] =	stream.indirect.scatter.add.f32 [tilespmem:s22], [sflag:$0x3], $0x80, s26, s21, $0xb8;
	[tilespmem:$0x1C800] =	vst v63  }
0xe9: {  	_ =	swait.ge [sflag:s19], $0x4000  }
0xea: {  	[sflag:s19] =	ssyncset.done $0x0  }
0xeb: {  	[sflag:s19] =	ssyncadd.s32 $0xFFFFC000  }
0xec: {  	[tilespmem:s22], [sflag:$0x2] =	stream.indirect.gather [hbm4b:s1+s21], $0x80, s28, s21, $0xb8;
	[tilespmem:$0x1C800] =	vst v63  }
0xed: {  	_ =	swait.ge [sflag:s23], $0x4000  }
0xee: {  	[sflag:s23] =	ssyncset.done $0x0  }
0xef: {  	[sflag:s23] =	ssyncadd.s32 $0xFFFFC000  }
0xf0: {  	[spmem:s3] =	stream.indirect.scatter.add.f32 [tilespmem:s18], [sflag:$0x3], $0x80, s29, s21, $0xb8;
	[tilespmem:$0x1C800] =	vst v63  }
0xf1: {  	_ =	swait.ge [sflag:s19], $0x4000  }
0xf2: {  	[sflag:s19] =	ssyncset.done $0x0  }
0xf3: {  	[sflag:s19] =	ssyncadd.s32 $0xFFFFC000  }
0xf4: {  	[tilespmem:s18], [sflag:$0x1] =	stream.indirect.gather [hbm4b:s1+s21], $0x80, s30, s21, $0xb8;
	[tilespmem:$0x1C800] =	vst v63  }
0xf5: {  	_ =	swait.ge [sflag:s25], $0x4000  }
0xf6: {  	[sflag:s25] =	ssyncset.done $0x0  }
0xf7: {  	[sflag:s25] =	ssyncadd.s32 $0xFFFFC000  }
0xf8: {  	[spmem:s3] =	stream.indirect.scatter.add.f32 [tilespmem:s22], [sflag:$0x3], $0x80, s31, s21, $0xb8;
	[tilespmem:$0x1C800] =	vst v63  }
0xf9: {  	_ =	swait.ge [sflag:s19], $0x4000  }
0xfa: {  	[sflag:s19] =	ssyncset.done $0x0  }
0xfb: {  	[sflag:s19] =	ssyncadd.s32 $0xFFFFC000  }
0xfc: {  	[tilespmem:s22], [sflag:$0x2] =	stream.indirect.gather [hbm4b:s1+s21], $0x80, s2, s21, $0xb8;
	[tilespmem:$0x1C800] =	vst v63  }
0xfd: {  	_ =	swait.ge [sflag:s23], $0x4000  }
0xfe: {  	[sflag:s23] =	ssyncset.done $0x0  }
0xff: {  	[sflag:s23] =	ssyncadd.s32 $0xFFFFC000  }
0x100: {  	[spmem:s3] =	stream.indirect.scatter.add.f32 [tilespmem:s18], [sflag:$0x3], $0x80, s0, s21, $0xb8;
	[tilespmem:$0x1C800] =	vst v63  }
0x101: {  	_ =	swait.ge [sflag:s19], $0x4000  }
0x102: {  	[sflag:s19] =	ssyncset.done $0x0  }
0x103: {  	[sflag:s19] =	ssyncadd.s32 $0xFFFFC000  }
0x104: {  	[tilespmem:s18], [sflag:$0x1] =	stream.indirect.gather [hbm4b:s1+s21], $0x80, s10, s21, $0xb8;
	[tilespmem:$0x1C800] =	vst v63  }
0x105: {  	_ =	swait.ge [sflag:s25], $0x4000  }
0x106: {  	[sflag:s25] =	ssyncset.done $0x0  }
0x107: {  	[sflag:s25] =	ssyncadd.s32 $0xFFFFC000  }
0x108: {  	[spmem:s3] =	stream.indirect.scatter.add.f32 [tilespmem:s22], [sflag:$0x3], $0x80, s11, s21, $0xb8;
	[tilespmem:$0x1C800] =	vst v63  }
0x109: {  	_ =	swait.ge [sflag:s19], $0x4000  }
0x10a: {  	[sflag:s19] =	ssyncset.done $0x0  }
0x10b: {  	[sflag:s19] =	ssyncadd.s32 $0xFFFFC000  }
0x10c: {  	[tilespmem:s22], [sflag:$0x2] =	stream.indirect.gather [hbm4b:s1+s21], $0x80, s12, s21, $0xb8;
	[tilespmem:$0x1C800] =	vst v63  }
0x10d: {  	_ =	swait.ge [sflag:s23], $0x4000  }
0x10e: {  	[sflag:s23] =	ssyncset.done $0x0  }
0x10f: {  	[sflag:s23] =	ssyncadd.s32 $0xFFFFC000  }
0x110: {  	[spmem:s3] =	stream.indirect.scatter.add.f32 [tilespmem:s18], [sflag:$0x3], $0x80, s13, s21, $0xb8;
	[tilespmem:$0x1C800] =	vst v63  }
0x111: {  	_ =	swait.ge [sflag:s19], $0x4000  }
0x112: {  	[sflag:s19] =	ssyncset.done $0x0  }
0x113: {  	[sflag:s19] =	ssyncadd.s32 $0xFFFFC000  }
0x114: {  	_ =	swait.ge [sflag:s25], $0x4000  }
0x115: {  	[sflag:s25] =	ssyncset.done $0x0  }
0x116: {  	[sflag:s25] =	ssyncadd.s32 $0xFFFFC000  }
0x117: {  	[spmem:s3] =	stream.indirect.scatter.add.f32 [tilespmem:s22], [sflag:$0x3], $0x80, s14, s21, $0xb8;
	[tilespmem:$0x1C800] =	vst v63  }
0x118: {  	_ =	swait.ge [sflag:s19], $0x4000  }
0x119: {  	[sflag:s19] =	ssyncset.done $0x0  }
0x11a: {  	[sflag:s19] =	ssyncadd.s32 $0xFFFFC000  }
0x11b: {  	[bflag:$0x0] =	sbarrier.arrive $0xFFFF  }
0x11c: {  	s5 =	rddreg [dreg:$0x4]  }
0x11d: {  	[tilespmem:s18], [sflag:$0x3] =	stream.linear.gather [spmem:s5], $0x4000, $0x38;
	[tilespmem:$0x1C800] =	vst v63  }
0x11e: {  	_ =	swait.ge [sflag:s19], $0x4000  }
0x11f: {  	[sflag:s19] =	ssyncset.done $0x0  }
0x120: {  	s8 =	rddreg [dreg:$0x9];
	[sflag:s19] =	ssyncadd.s32 $0xFFFFC000  }
0x121: {  	[hbm4b:s8+s4] =	stream.linear.scatter [tilespmem:s18], [sflag:$0x3], $0x4000, $0x38;
	[tilespmem:$0x1C800] =	vst v63  }
0x122: {  	_ =	swait.ge [sflag:s19], $0x4000  }
0x123: {  	[sflag:s19] =	ssyncset.done $0x0  }
0x124: {  	s8 =	rddreg [dreg:$0x5];
	[sflag:s19] =	ssyncadd.s32 $0xFFFFC000  }
0x125: {  	[tilespmem:s18], [sflag:$0x3] =	stream.linear.gather [spmem:s8], $0x4000, $0x38;
	[tilespmem:$0x1C800] =	vst v63  }
0x126: {  	_ =	swait.ge [sflag:s19], $0x4000  }
0x127: {  	[sflag:s19] =	ssyncset.done $0x0  }
0x128: {  	s9 =	rddreg [dreg:$0xa];
	[sflag:s19] =	ssyncadd.s32 $0xFFFFC000  }
0x129: {  	[hbm4b:s9+s4] =	stream.linear.scatter [tilespmem:s18], [sflag:$0x3], $0x4000, $0x38;
	[tilespmem:$0x1C800] =	vst v63  }
0x12a: {  	_ =	swait.ge [sflag:s19], $0x4000  }
0x12b: {  	[sflag:s19] =	ssyncset.done $0x0  }
0x12c: {  	s9 =	rddreg [dreg:$0x6];
	[sflag:s19] =	ssyncadd.s32 $0xFFFFC000  }
0x12d: {  	[tilespmem:s18], [sflag:$0x3] =	stream.linear.gather [spmem:s9], $0x4000, $0x38;
	[tilespmem:$0x1C800] =	vst v63  }
0x12e: {  	_ =	swait.ge [sflag:s19], $0x4000  }
0x12f: {  	[sflag:s19] =	ssyncset.done $0x0  }
0x130: {  	s7 =	rddreg [dreg:$0xb];
	[sflag:s19] =	ssyncadd.s32 $0xFFFFC000  }
0x131: {  	[hbm4b:s7+s4] =	stream.linear.scatter [tilespmem:s18], [sflag:$0x3], $0x4000, $0x38;
	[tilespmem:$0x1C800] =	vst v63  }
0x132: {  	_ =	swait.ge [sflag:s19], $0x4000  }
0x133: {  	[sflag:s19] =	ssyncset.done $0x0  }
0x134: {  	s7 =	rddreg [dreg:$0x7];
	[sflag:s19] =	ssyncadd.s32 $0xFFFFC000  }
0x135: {  	[tilespmem:s18], [sflag:$0x3] =	stream.linear.gather [spmem:s7], $0x4000, $0x38;
	[tilespmem:$0x1C800] =	vst v63  }
0x136: {  	_ =	swait.ge [sflag:s19], $0x4000  }
0x137: {  	[sflag:s19] =	ssyncset.done $0x0  }
0x138: {  	s7 =	rddreg [dreg:$0xc];
	[sflag:s19] =	ssyncadd.s32 $0xFFFFC000  }
0x139: {  	[hbm4b:s7+s4] =	stream.linear.scatter [tilespmem:s18], [sflag:$0x3], $0x4000, $0x38;
	[tilespmem:$0x1C800] =	vst v63  }
0x13a: {  	_ =	swait.ge [sflag:s19], $0x4000  }
0x13b: {  	[sflag:s19] =	ssyncset.done $0x0  }
0x13c: {  	s7 =	rddreg [dreg:$0x8];
	[sflag:s19] =	ssyncadd.s32 $0xFFFFC000  }
0x13d: {  	[tilespmem:s18], [sflag:$0x3] =	stream.linear.gather [spmem:s7], $0x4000, $0x38;
	[tilespmem:$0x1C800] =	vst v63  }
0x13e: {  	_ =	swait.ge [sflag:s19], $0x4000  }
0x13f: {  	[sflag:s19] =	ssyncset.done $0x0  }
0x140: {  	s7 =	rddreg [dreg:$0xd];
	[sflag:s19] =	ssyncadd.s32 $0xFFFFC000  }
0x141: {  	[hbm4b:s7+s4] =	stream.linear.scatter [tilespmem:s18], [sflag:$0x3], $0x4000, $0x38;
	[tilespmem:$0x1C800] =	vst v63  }
0x142: {  	_ =	swait.ge [sflag:s19], $0x4000  }
0x143: {  	s15 =	sadd.s32 $0x1, s15;
	s7 =	rddreg [dreg:$0xe]  }
0x144: {  	p0 =	sne.s32 s15, s7  }
.Ltmp2:
0x145: {  	_ = 	snop;
	(pc) =	sbr.rel @p0 .LBB2_1-.Ltmp2, $3  }
0x146: {  	_ =	sdelay $0x1  }
0x147: {  	[sflag:s19] =	ssyncset.done $0x0  }
0x148: {  	[sflag:s19] =	ssyncadd.s32 $0xFFFFC000  }
0x149: {  	_ =	sfence.sel $0x180000  }
0x14a: {  	[bflag:$0x0] =	sbarrier.arrive $0xFFFF  }
0x14b: {  	_ =	strace $0x9000004D  }
0x14c: {  	s0 =	stileid.u32;
	[bflag:$0x2] =	sbarrier.arrive $0xFFFF  }
0x14d: {  	p0 =	sne.s32 s0, $0x0;
	s0 =	rddreg [dreg:$0x3]  }
0x14e: {  	s0 =	sadd.s32 @!p0 $0x100000, s0  }
0x14f: {  	[sflag:s0] =	ssyncadd.tile.s32 @!p0 $0x1;
	_ =	shalt  }
.Lfunc_end2:
_tile_overlayer_lowered:
.L_overlay_start_2:
0x150: {  	(tag) =	ssettag $0x2  }
0x151: {  	s0 =	rddreg [dreg:$0x0];
	s2 =	stileid.u32  }
0x152: {  	s1 =	rddreg [dreg:$0x1];
	p0 =	sne.s32 s2, $0x0  }
0x153: {  	s3 =	rddreg [dreg:$0x2];
	[bflag:$0x3] =	sbarrier.arrive $0xFFFF;
	s2 =	simm.s32 @!p0 $0x1C03  }
0x154: {  	[timem:s3], [sflag:s2] =	dma.local @!p0 [hbm:s0], s1  }
0x155: {  	s0 =	simm.s32 @!p0 $0x3  }
0x156: {  	_ =	swait.ge @!p0 [sflag:s0], s1  }
0x157: {  	s1 =	ssub.s32 @!p0 $0x0, s1;
	[sflag:s0] =	ssyncset.done @!p0 $0x0  }
0x158: {  	[sflag:s0] =	ssyncadd.s32 @!p0 s1  }
0x159: {  	[bflag:$0x3] =	sbarrier.arrive $0xFFFF  }
0x15a: {  	_ =	shalt  }

</sc_bundles>
